<compile_context>
chip_gen: v7x
topology: tpu7x:2x2x1
jax: 0.10.2.dev20260603
libtpu: 0.0.44.dev20260713+nightly
codegen_flags: <defaults>
</compile_context>

<pallas_src>
import functools

import jax
import jax.numpy as jnp
from jax import lax
from jax.experimental import pallas as pl
from jax.experimental.pallas import tpu as pltpu
from jax.experimental.pallas import tpu_sc as plsc

N = 10000
D = 128
E = 160000

NC = 2
NS = 16
L = 16
NW = NC * NS

ROWS_PAD = 10240
RPT = ROWS_PAD // NS
CHUNK = 80
EDGES_PER_TILE = 5120
NCH = EDGES_PER_TILE // CHUNK
EPAD = NW * EDGES_PER_TILE
CW = 16

BM = 1000
G4 = 4 * D
G3 = 3 * D



def _make_seg_kernel():
    mesh = plsc.VectorSubcoreMesh(
        core_axis_name="c", subcore_axis_name="s", num_cores=NC, num_subcores=NS
    )
    NB = 2
    scratch = (
        [
            pltpu.VMEM((NCH, CHUNK), jnp.int32),
            pltpu.VMEM((NCH, CHUNK), jnp.int32),
        ]
        + [pltpu.VMEM((CHUNK, D), jnp.float32) for _ in range(NB)]
        + [pltpu.VMEM_SHARED((ROWS_PAD, D), jnp.float32)]
        + [pltpu.SemaphoreType.DMA for _ in range(2 * NB)]
    )

    def body(table, srcg, dstg, out, src_v, dst_v, *rest):
        bufs = rest[:NB]
        acc = rest[NB]
        gsem = rest[NB + 1:NB + 1 + NB]
        ssem = rest[NB + 1 + NB:]
        cid = lax.axis_index("c")
        sid = lax.axis_index("s")
        wid = sid * NC + cid
        base = sid * RPT

        def _zrow(i, _):
            def _zcol(j, _):
                bufs[0][i, pl.ds(j * L, L)] = jnp.zeros((L,), jnp.float32)
                return 0
            lax.fori_loop(0, D // L, _zcol, 0)
            return 0
        lax.fori_loop(0, CHUNK, _zrow, 0)

        def _zacc(k, _):
            pltpu.sync_copy(bufs[0], acc.at[pl.ds(base + k * CHUNK, CHUNK)])
            return 0
        lax.fori_loop(0, RPT // CHUNK, _zacc, 0)

        pltpu.sync_copy(srcg.at[wid], src_v)
        pltpu.sync_copy(dstg.at[wid], dst_v)

        plsc.subcore_barrier()

        pltpu.async_copy(table.at[src_v.at[0]], bufs[0], gsem[0])

        def _pair(k, _):
            j0 = 2 * k
            pltpu.async_copy(table.at[src_v.at[j0 + 1]], bufs[1], gsem[1])
            pltpu.make_async_copy(table.at[src_v.at[j0]], bufs[0], gsem[0]).wait()
            pltpu.sync_copy(bufs[0], acc.at[dst_v.at[j0]], add=True)

            @pl.when(j0 + 2 < NCH)
            def _():
                pltpu.async_copy(table.at[src_v.at[j0 + 2]], bufs[0], gsem[0])

            pltpu.make_async_copy(table.at[src_v.at[j0 + 1]], bufs[1], gsem[1]).wait()
            pltpu.sync_copy(bufs[1], acc.at[dst_v.at[j0 + 1]], add=True)
            return 0
        lax.fori_loop(0, NCH // 2, _pair, 0)

        plsc.subcore_barrier()

        pltpu.sync_copy(acc.at[pl.ds(base, RPT)], out.at[cid, pl.ds(base, RPT)])

    return pl.kernel(
        body,
        out_type=jax.ShapeDtypeStruct((NC, ROWS_PAD, D), jnp.float32),
        mesh=mesh,
        scratch_types=scratch,
    )


def _make_cnt_kernel():
    mesh = plsc.VectorSubcoreMesh(
        core_axis_name="c", subcore_axis_name="s", num_cores=NC, num_subcores=NS
    )
    scratch = [
        pltpu.VMEM((NCH, CHUNK), jnp.int32),
        pltpu.VMEM((CHUNK, D), jnp.float32),
        pltpu.VMEM((CHUNK, D), jnp.float32),
        pltpu.VMEM_SHARED((ROWS_PAD, D), jnp.float32),
        pltpu.SemaphoreType.DMA,
    ]

    def body(d0, d1, d2, o0, o1, o2, dst_v, zero_v, ones_v, acc, sem):
        cid = lax.axis_index("c")
        sid = lax.axis_index("s")
        wid = sid * NC + cid
        base = sid * RPT

        def _fill(ref, val):
            def _r(i, _):
                def _c(j, _):
                    ref[i, pl.ds(j * L, L)] = jnp.full((L,), val, jnp.float32)
                    return 0
                lax.fori_loop(0, D // L, _c, 0)
                return 0
            lax.fori_loop(0, CHUNK, _r, 0)

        _fill(zero_v, 0.0)
        _fill(ones_v, 1.0)

        for dstg, out in ((d0, o0), (d1, o1), (d2, o2)):
            def _zacc(k, _):
                pltpu.sync_copy(zero_v, acc.at[pl.ds(base + k * CHUNK, CHUNK)])
                return 0
            lax.fori_loop(0, RPT // CHUNK, _zacc, 0)
            pltpu.sync_copy(dstg.at[wid], dst_v)

            plsc.subcore_barrier()

            GRP = 8

            def _grp(g, _):
                for b in range(GRP):
                    pltpu.async_copy(
                        ones_v, acc.at[dst_v.at[GRP * g + b]], sem, add=True
                    )
                for b in range(GRP):
                    pltpu.make_async_copy(
                        ones_v, acc.at[dst_v.at[GRP * g + b]], sem
                    ).wait()
                return 0
            lax.fori_loop(0, NCH // GRP, _grp, 0)

            plsc.subcore_barrier()

            pltpu.sync_copy(acc.at[pl.ds(base, RPT)], out.at[cid, pl.ds(base, RPT)])

    return pl.kernel(
        body,
        out_type=tuple(
            jax.ShapeDtypeStruct((NC, ROWS_PAD, D), jnp.float32) for _ in range(3)
        ),
        mesh=mesh,
        scratch_types=scratch,
    )


@functools.lru_cache(maxsize=None)
def _seg_kernel():
    return _make_seg_kernel()


@functools.lru_cache(maxsize=None)
def _cnt_kernel():
    return _make_cnt_kernel()


def _seg_sum(table, srcg, dstg):
    return _seg_kernel()(table, srcg, dstg)


def _deg_counts(d0, d1, d2):
    return _cnt_kernel()(d0, d1, d2)


def _prep_edges(ei):
    src = ei[0]
    dst = ei[1]
    pad = EPAD - E
    src_p = jnp.concatenate([src, jnp.zeros((pad,), jnp.int32)])
    dst_p = jnp.concatenate([dst, jnp.full((pad,), N, jnp.int32)])
    return src_p.reshape(NW, NCH, CHUNK), dst_p.reshape(NW, NCH, CHUNK)



_BS_ROW = pl.BlockSpec((BM, D), lambda i: (i, 0))
_BS_SUM = pl.BlockSpec((NC, BM, D), lambda i: (0, i, 0))
_BS_CNT = pl.BlockSpec((NC, BM, D), lambda i: (0, i, 0))


def _bs_w(cols):
    return pl.BlockSpec((D, cols), lambda i: (0, 0))


def _bs_b(cols):
    return pl.BlockSpec((1, cols), lambda i: (0, 0))


def _enc_body(x_ref, w0_ref, b0_ref, w1_ref, b1_ref, h0_o, c0_o, h1_o, c1_o):
    x = x_ref[...]
    pre = jnp.dot(x, w0_ref[...], preferred_element_type=jnp.float32) + b0_ref[...]
    i = jax.nn.sigmoid(pre[:, 0:D])
    t = jnp.tanh(pre[:, D:2 * D])
    o = jax.nn.sigmoid(pre[:, 2 * D:3 * D])
    c0 = i * t
    h0 = o * jnp.tanh(c0)
    pre = jnp.dot(h0, w1_ref[...], preferred_element_type=jnp.float32) + b1_ref[...]
    i = jax.nn.sigmoid(pre[:, 0:D])
    t = jnp.tanh(pre[:, D:2 * D])
    o = jax.nn.sigmoid(pre[:, 2 * D:3 * D])
    c1 = i * t
    h1 = o * jnp.tanh(c1)
    h0_o[...] = h0
    c0_o[...] = c0
    h1_o[...] = h1
    c1_o[...] = c1


def _enc_call(x, w0, b0, w1, b1):
    return pl.pallas_call(
        _enc_body,
        grid=(N // BM,),
        in_specs=[_BS_ROW, _bs_w(G3), _bs_b(G3), _bs_w(G3), _bs_b(G3)],
        out_specs=[_BS_ROW] * 4,
        out_shape=[jax.ShapeDtypeStruct((N, D), jnp.float32)] * 4,
    )(x, w0, b0, w1, b1)


def _make_lstm_body(specs):
    def body(*refs):
        it = iter(refs)
        pre = None
        for sp in specs:
            if sp == "p":
                a = next(it)[...]
            else:
                s_ref = next(it)
                c_ref = next(it)
                s = s_ref[0] + s_ref[1]
                cv = c_ref[0, :, 0:1] + c_ref[1, :, 0:1]
                a = s / jnp.maximum(cv, 1.0)
            w = next(it)[...]
            t = jnp.dot(a, w, preferred_element_type=jnp.float32)
            pre = t if pre is None else pre + t
        pre = pre + next(it)[...]
        cp = next(it)[...]
        i = jax.nn.sigmoid(pre[:, 0:D])
        f = jax.nn.sigmoid(pre[:, D:2 * D])
        t = jnp.tanh(pre[:, 2 * D:3 * D])
        o = jax.nn.sigmoid(pre[:, 3 * D:4 * D])
        c2 = f * cp + i * t
        h2 = o * jnp.tanh(c2)
        next(it)[...] = h2
        rest = list(it)
        if rest:
            rest[0][...] = c2
    return body


def _make_lstm_call(specs, want_c):
    in_specs = []
    for sp in specs:
        if sp == "p":
            in_specs.append(_BS_ROW)
        else:
            in_specs.extend([_BS_SUM, _BS_CNT])
        in_specs.append(_bs_w(G4))
    in_specs.append(_bs_b(G4))
    in_specs.append(_BS_ROW)
    n_out = 2 if want_c else 1
    f = pl.pallas_call(
        _make_lstm_body(specs),
        grid=(N // BM,),
        in_specs=in_specs,
        out_specs=[_BS_ROW] * n_out,
        out_shape=[jax.ShapeDtypeStruct((N, D), jnp.float32)] * n_out,
    )
    return f


_lstm_grain_c = _make_lstm_call(("p", "m", "p"), True)
_lstm_grain = _make_lstm_call(("p", "m", "p"), False)
_lstm_joint_c = _make_lstm_call(("p", "m", "m", "p"), True)
_lstm_joint = _make_lstm_call(("p", "m", "m", "p"), False)


def _ghead_body(h_ref, x1_ref, w_ref, b_ref, out_ref):
    y = jnp.dot(h_ref[...], w_ref[...], preferred_element_type=jnp.float32)
    y = y + b_ref[...]
    x1 = x1_ref[...]
    y1 = jnp.maximum(y[:, 1:2], 0.0)
    area = jnp.maximum(y[:, 0:1] + x1, 0.0)
    s = jnp.sum(area)
    out0 = area / jnp.maximum(s, 1e-12) - x1
    out_ref[...] = jnp.concatenate([out0, y1], axis=1)


def _jhead_body(h_ref, w_ref, b_ref, out_ref):
    y = jnp.dot(h_ref[...], w_ref[...], preferred_element_type=jnp.float32)
    y = y + b_ref[...]
    out_ref[...] = jnp.tanh(y[:, 0:2])


def _grain_head(h, x1, w, b):
    return pl.pallas_call(
        _ghead_body,
        out_shape=jax.ShapeDtypeStruct((N, 2), jnp.float32),
    )(h, x1, w, b)


def _joint_head(h, w, b):
    return pl.pallas_call(
        _jhead_body,
        out_shape=jax.ShapeDtypeStruct((N, 2), jnp.float32),
    )(h, w, b)



_EK_G2J = "grain__g2j__joint"
_EK_J2G = "joint__j2g__grain"
_EK_J2J = "joint__j2j__joint"
_INTO = {"grain": [_EK_J2G], "joint": [_EK_G2J, _EK_J2J]}
_GATES = ("i", "f", "c", "o")


def _enc_weights(cell, nt):
    w = jnp.concatenate([cell["W"][g][nt] for g in ("i", "c", "o")], axis=1)
    bs = []
    for g in ("i", "c", "o"):
        cb = sum(cell["conv"][g][ek]["bias"] for ek in _INTO[nt])
        bs.append(cell["b"][g][nt] + cb[None, :])
    return w, jnp.concatenate(bs, axis=1)


def _dec_weights(cell, nt):
    wx = jnp.concatenate([cell["W"][g][nt] for g in _GATES], axis=1)
    wls = [
        jnp.concatenate([cell["conv"][g][ek]["Wl"] for g in _GATES], axis=1)
        for ek in _INTO[nt]
    ]
    wr = jnp.concatenate(
        [sum(cell["conv"][g][ek]["Wr"] for ek in _INTO[nt]) for g in _GATES], axis=1
    )
    bs = [
        cell["b"][g][nt] + sum(cell["conv"][g][ek]["bias"] for ek in _INTO[nt])[None, :]
        for g in _GATES
    ]
    return wx, wls, wr, jnp.concatenate(bs, axis=1)


def _head_weights(lin):
    w = jnp.pad(lin["W"], ((0, 0), (0, D - lin["W"].shape[1])))
    b = jnp.pad(lin["b"], (0, D - lin["b"].shape[0]))[None, :]
    return w, b



def kernel(x_grain, x_joint, edge_index_g2j, edge_index_j2g, edge_index_j2j, params):
    enc0, enc1 = params["enc"][0], params["enc"][1]
    dec0, dec1 = params["dec"][0], params["dec"][1]

    w0g, b0g = _enc_weights(enc0, "grain")
    w1g, b1g = _enc_weights(enc1, "grain")
    h0g, c0g, h1g, c1g = _enc_call(x_grain, w0g, b0g, w1g, b1g)
    w0j, b0j = _enc_weights(enc0, "joint")
    w1j, b1j = _enc_weights(enc1, "joint")
    h0j, c0j, h1j, c1j = _enc_call(x_joint, w0j, b0j, w1j, b1j)

    sg = _prep_edges(edge_index_g2j)
    sj = _prep_edges(edge_index_j2g)
    sjj = _prep_edges(edge_index_j2j)
    cnt_g2j, cnt_j2g, cnt_j2j = _deg_counts(sg[1], sj[1], sjj[1])
    s0_g2j = _seg_sum(h0g, sg[0], sg[1])
    s0_j2g = _seg_sum(h0j, sj[0], sj[1])
    s0_j2j = _seg_sum(h0j, sjj[0], sjj[1])
    s1_g2j = _seg_sum(h1g, sg[0], sg[1])
    s1_j2g = _seg_sum(h1j, sj[0], sj[1])
    s1_j2j = _seg_sum(h1j, sjj[0], sjj[1])

    wx, wls, wr, bb = _dec_weights(dec0, "grain")
    hd0g, cd0g = _lstm_grain_c(
        x_grain, wx, s0_j2g, cnt_j2g, wls[0], h0g, wr, bb, c0g
    )
    wx, wls, wr, bb = _dec_weights(dec0, "joint")
    hd0j, cd0j = _lstm_joint_c(
        x_joint, wx, s0_g2j, cnt_g2j, wls[0], s0_j2j, cnt_j2j, wls[1],
        h0j, wr, bb, c0j,
    )

    wx, wls, wr, bb = _dec_weights(dec1, "grain")
    (hd1g,) = _lstm_grain(hd0g, wx, s1_j2g, cnt_j2g, wls[0], h1g, wr, bb, c1g)
    wx, wls, wr, bb = _dec_weights(dec1, "joint")
    (hd1j,) = _lstm_joint(
        hd0j, wx, s1_g2j, cnt_g2j, wls[0], s1_j2j, cnt_j2j, wls[1],
        h1j, wr, bb, c1j,
    )

    wg, bg = _head_weights(params["lin"]["grain"])
    wj, bj = _head_weights(params["lin"]["joint"])
    y_grain = _grain_head(hd1g, x_grain[:, 1:2], wg, bg)
    y_joint = _joint_head(hd1j, wj, bj)
    return y_grain, y_joint

# --- scband reference (transcript-rebuilt; emitter-appended) ---
"""Pipeline reference for scband-grain-nn2-35244501631593 (READ-ONLY COPY).

The authoritative reference and input builder live on the scoring server;
editing this copy changes nothing except your own understanding.
"""

import jax, jax.numpy as jnp
import numpy as np

NODE_TYPES = ["grain", "joint"]
EDGE_TYPES = [("grain", "g2j", "joint"), ("joint", "j2g", "grain"), ("joint", "j2j", "joint")]
N_NODES = {"grain": 10000, "joint": 10000}
D_IN = 128
D_H = 128
NUM_LAYERS = 2
OUT_WIN = 1
TARGETS = {"grain": 2, "joint": 2}
GATES = ["i", "f", "c", "o"]
E_PER_TYPE = 160000


def _ek(et):
    return et[0] + "__" + et[1] + "__" + et[2]


def _make_cell(key, in_dims):
    p = {"W": {}, "b": {}, "conv": {}}
    for g in GATES:
        p["W"][g] = {}
        p["b"][g] = {}
        p["conv"][g] = {}
        for nt in NODE_TYPES:
            key, k1 = jax.random.split(key)
            p["W"][g][nt] = jax.random.normal(k1, (in_dims[nt], D_H), jnp.float32) * 0.05
            p["b"][g][nt] = jnp.zeros((1, D_H), jnp.float32)
        for et in EDGE_TYPES:
            key, k1, k2 = jax.random.split(key, 3)
            p["conv"][g][_ek(et)] = {
                "Wl": jax.random.normal(k1, (D_H, D_H), jnp.float32) * 0.05,
                "Wr": jax.random.normal(k2, (D_H, D_H), jnp.float32) * 0.05,
                "bias": jnp.zeros((D_H,), jnp.float32),
            }
    return p, key


def setup_inputs(seed: int = 0):
    key = jax.random.key(seed)
    key, kx1, kx2 = jax.random.split(key, 3)
    inp = {
        "x_grain": jax.random.normal(kx1, (N_NODES["grain"], D_IN), jnp.float32),
        "x_joint": jax.random.normal(kx2, (N_NODES["joint"], D_IN), jnp.float32),
    }
    for et in EDGE_TYPES:
        key, ks, kd = jax.random.split(key, 3)
        src = jax.random.randint(ks, (E_PER_TYPE,), 0, N_NODES[et[0]], dtype=jnp.int32)
        dst = jax.random.randint(kd, (E_PER_TYPE,), 0, N_NODES[et[2]], dtype=jnp.int32)
        inp["edge_index_" + et[1]] = jnp.stack([src, dst])
    params = {"enc": [], "dec": []}
    in0 = {nt: D_IN for nt in NODE_TYPES}
    in1 = {nt: D_H for nt in NODE_TYPES}
    for name in ["enc", "dec"]:
        for li in range(NUM_LAYERS):
            c, key = _make_cell(key, in0 if li == 0 else in1)
            params[name].append(c)
    params["lin"] = {}
    for nt in NODE_TYPES:
        key, k1 = jax.random.split(key)
        params["lin"][nt] = {
            "W": jax.random.normal(k1, (D_H, TARGETS[nt]), jnp.float32) * 0.05,
            "b": jnp.zeros((TARGETS[nt],), jnp.float32),
        }
    inp["params"] = params
    return inp


def _sage(h_src, h_dst, ei, p):
    src = ei[0]
    dst = ei[1]
    msg = jnp.take(h_src, src, axis=0)
    nd = h_dst.shape[0]
    s = jax.ops.segment_sum(msg, dst, num_segments=nd)
    cnt = jax.ops.segment_sum(jnp.ones((ei.shape[1],), h_src.dtype), dst, num_segments=nd)
    mean = s / jnp.clip(cnt, 1.0, None)[:, None]
    return mean @ p["Wl"] + h_dst @ p["Wr"] + p["bias"]


def _hetero_conv(cp, h, ei):
    out = {nt: jnp.zeros((h[nt].shape[0], D_H), jnp.float32) for nt in NODE_TYPES}
    for et in EDGE_TYPES:
        out[et[2]] = out[et[2]] + _sage(h[et[0]], h[et[2]], ei["edge_index_" + et[1]], cp[_ek(et)])
    return out


def _cell_fwd(p, x, ei, h, c):
    def gate(g):
        conv = _hetero_conv(p["conv"][g], h, ei)
        return {nt: x[nt] @ p["W"][g][nt] + conv[nt] + p["b"][g][nt] for nt in NODE_TYPES}
    i = {nt: jax.nn.sigmoid(v) for nt, v in gate("i").items()}
    f = {nt: jax.nn.sigmoid(v) for nt, v in gate("f").items()}
    t = {nt: jnp.tanh(v) for nt, v in gate("c").items()}
    c2 = {nt: f[nt] * c[nt] + i[nt] * t[nt] for nt in NODE_TYPES}
    o = {nt: jax.nn.sigmoid(v) for nt, v in gate("o").items()}
    h2 = {nt: o[nt] * jnp.tanh(c2[nt]) for nt in NODE_TYPES}
    return h2, c2


def _seq(cells, x, ei, hidden):
    if hidden is None:
        z = {nt: jnp.zeros((x[nt].shape[0], D_H), jnp.float32) for nt in NODE_TYPES}
        hidden = [[z, z] for _ in range(NUM_LAYERS)]
    cur = x
    out = []
    for li in range(NUM_LAYERS):
        h, c = hidden[li]
        h, c = _cell_fwd(cells[li], cur, ei, h, c)
        cur = h
        out.append([h, c])
    return out


def _grainnn(params, x, ei):
    hidden = _seq(params["enc"], x, ei, None)
    y = None
    for _ in range(OUT_WIN):
        hidden = _seq(params["dec"], x, ei, hidden)
        h, c = hidden[-1]
        y = {nt: h[nt] @ params["lin"][nt]["W"] + params["lin"][nt]["b"] for nt in NODE_TYPES}
        y["joint"] = jnp.tanh(y["joint"])
        yg = y["grain"]
        yg = yg.at[:, 1].set(jax.nn.relu(yg[:, 1]))
        area = jax.nn.relu(yg[:, 0] + x["grain"][:, 1])
        area = area / jnp.maximum(jnp.sum(jnp.abs(area), axis=-1), 1e-12)
        yg = yg.at[:, 0].set(area - x["grain"][:, 1])
        y["grain"] = yg
    return y["grain"], y["joint"]


def reference(x_grain, x_joint, edge_index_g2j, edge_index_j2g, edge_index_j2j, params):
    x = {"grain": x_grain, "joint": x_joint}
    ei = {
        "edge_index_g2j": edge_index_g2j,
        "edge_index_j2g": edge_index_j2g,
        "edge_index_j2j": edge_index_j2j,
    }
    return _grainnn(params, x, ei)

if __name__ == "__main__":
    import jax
    _d = setup_inputs()
    print(jax.jit(kernel)(*tuple(_d.values())))

</pallas_src>

<mosaic_0001>
#map = affine_map<(d0, d1) -> (0, 0)>
#map1 = affine_map<(d0, d1) -> (0, 0, 0)>
module attributes {stable_mosaic.version = 14 : i64} {
  func.func @body(%arg0: i32, %arg1: i32, %arg2: memref<10000x128xf32, #tpu.memory_space<hbm>>, %arg3: memref<32x64x80xi32, #tpu.memory_space<hbm>>, %arg4: memref<32x64x80xi32, #tpu.memory_space<hbm>>, %arg5: memref<2x10240x128xf32, #tpu.memory_space<hbm>>, %arg6: memref<64x80xi32, #tpu.memory_space<vmem>>, %arg7: memref<64x80xi32, #tpu.memory_space<vmem>>, %arg8: memref<80x128xf32, #tpu.memory_space<vmem>>, %arg9: memref<80x128xf32, #tpu.memory_space<vmem>>, %arg10: memref<10240x128xf32, #tpu.memory_space<vmem_shared>>, %arg11: memref<!tpu.dma_semaphore, #tpu.memory_space<semaphore_mem>>, %arg12: memref<!tpu.dma_semaphore, #tpu.memory_space<semaphore_mem>>, %arg13: memref<!tpu.dma_semaphore, #tpu.memory_space<semaphore_mem>>, %arg14: memref<!tpu.dma_semaphore, #tpu.memory_space<semaphore_mem>>) attributes {dimension_semantics = [#tpu.dimension_semantics<core_parallel>, #tpu.dimension_semantics<subcore_parallel>], iteration_bounds = array<i64: 2, 16>, scalar_prefetch = 0 : i64, scratch_operands = 9 : i64, tpu.core_type = #tpu.core_type<sc_vector_subcore>, window_params = [{transform_indices = #map}, {transform_indices = #map1}, {transform_indices = #map1}, {transform_indices = #map1}]} {
    %mul3A = arith.constant 2 : i32
    %mul3A_0 = arith.muli %arg1, %mul3A : i32
    %add3A = arith.addi %mul3A_0, %arg0 : i32
    %mul3A_1 = arith.constant 640 : i32
    %mul3A_2 = arith.muli %arg1, %mul3A_1 : i32
    %scan3A = arith.constant 0 : i32
    %scan3A_3 = arith.constant 0 : i32
    %scan3A_4 = arith.constant 80 : i32
    %scan3A_5 = arith.addi %scan3A_3, %scan3A_4 : i32
    %scan3A_6 = arith.constant 1 : i32
    %scan3A_7 = scf.for %scan3A_30 = %scan3A_3 to %scan3A_5 step %scan3A_6 iter_args(%scan3A_31 = %scan3A) -> (i32)  : i32 {
      %scan3A_32 = arith.constant 0 : i32
      %scan3A_33 = arith.constant 0 : i32
      %scan3A_34 = arith.constant 8 : i32
      %scan3A_35 = arith.addi %scan3A_33, %scan3A_34 : i32
      %scan3A_36 = arith.constant 1 : i32
      %scan3A_37 = scf.for %scan3A_40 = %scan3A_33 to %scan3A_35 step %scan3A_36 iter_args(%scan3A_41 = %scan3A_32) -> (i32)  : i32 {
        %broadcast_in_dim3A = arith.constant 0.000000e+00 : f32
        %broadcast_in_dim3A_42 = vector.broadcast %broadcast_in_dim3A : f32 to vector<16xf32>
        %mul3A_43 = arith.constant 16 : i32
        %mul3A_44 = arith.muli %scan3A_40, %mul3A_43 : i32
        %swap3A = arith.index_cast %scan3A_30 : i32 to index
        %swap3A_45 = arith.index_cast %mul3A_44 : i32 to index
        %swap3A_46 = tpu.vector_load %arg8[%swap3A, %swap3A_45] {strides = array<i32>} : memref<80x128xf32, #tpu.memory_space<vmem>>, vector<1x16xf32>,
        %swap3A_47 = vector.shape_cast %swap3A_46 : vector<1x16xf32> to vector<16xf32>
        %swap3A_48 = vector.shape_cast %broadcast_in_dim3A_42 : vector<16xf32> to vector<1x16xf32>
        tpu.vector_store %arg8[%swap3A, %swap3A_45], %swap3A_48 {strides = array<i32>} : memref<80x128xf32, #tpu.memory_space<vmem>>, vector<1x16xf32>,
        %scan3A_49 = arith.constant 0 : i32
        scf.yield %scan3A_49 : i32
      }
      %scan3A_38 = arith.constant 8 : i32
      %scan3A_39 = arith.constant 0 : i32
      scf.yield %scan3A_39 : i32
    }
    %scan3A_8 = arith.constant 80 : i32
    %scan3A_9 = arith.constant 0 : i32
    %scan3A_10 = arith.constant 0 : i32
    %scan3A_11 = arith.constant 8 : i32
    %scan3A_12 = arith.addi %scan3A_10, %scan3A_11 : i32
    %scan3A_13 = arith.constant 1 : i32
    %scan3A_14 = scf.for %scan3A_30 = %scan3A_10 to %scan3A_12 step %scan3A_13 iter_args(%scan3A_31 = %scan3A_9) -> (i32)  : i32 {
      %mul3A_32 = arith.constant 80 : i32
      %mul3A_33 = arith.muli %scan3A_30, %mul3A_32 : i32
      %add3A_34 = arith.addi %mul3A_2, %mul3A_33 : i32
      "tpu.region"() ({
        %run_scoped3A = tpu.sem_alloc : memref<!tpu.dma_semaphore, #tpu.memory_space<semaphore_mem>>
        %dma_start3A_36 = arith.constant 0 : i32
        %dma_start3A_37 = tpu.memref_slice %arg10[%add3A_34, %dma_start3A_36] : memref<10240x128xf32, #tpu.memory_space<vmem_shared>> -> memref<80x128xf32, #tpu.memory_space<vmem_shared>>
        %dma_start3A_38 = arith.constant 0 : i32
        %dma_start3A_39 = tpu.memref_slice %arg10[%add3A_34, %dma_start3A_38] : memref<10240x128xf32, #tpu.memory_space<vmem_shared>> -> memref<80x128xf32, #tpu.memory_space<vmem_shared>>
        tpu.enqueue_dma source(%arg8 : memref<80x128xf32, #tpu.memory_space<vmem>>) target(%dma_start3A_39 : memref<80x128xf32, #tpu.memory_space<vmem_shared>>) target_semaphore(%run_scoped3A : memref<!tpu.dma_semaphore, #tpu.memory_space<semaphore_mem>>)
        %dma_wait3A = arith.constant 0 : i32
        %dma_wait3A_40 = tpu.memref_slice %arg10[%add3A_34, %dma_wait3A] : memref<10240x128xf32, #tpu.memory_space<vmem_shared>> -> memref<80x128xf32, #tpu.memory_space<vmem_shared>>
        %dma_wait3A_41 = arith.constant 0 : i32
        %dma_wait3A_42 = tpu.memref_slice %arg10[%add3A_34, %dma_wait3A_41] : memref<10240x128xf32, #tpu.memory_space<vmem_shared>> -> memref<80x128xf32, #tpu.memory_space<vmem_shared>>
        tpu.wait_dma2 semaphore(%run_scoped3A : memref<!tpu.dma_semaphore, #tpu.memory_space<semaphore_mem>>) src(%arg8 : memref<80x128xf32, #tpu.memory_space<vmem>>) dst(%dma_wait3A_42 : memref<80x128xf32, #tpu.memory_space<vmem_shared>>)
        tpu.yield
      }) : () -> ()
      %scan3A_35 = arith.constant 0 : i32
      scf.yield %scan3A_35 : i32
    }
    %scan3A_15 = arith.constant 8 : i32
    "tpu.region"() ({
      %run_scoped3A = tpu.sem_alloc : memref<!tpu.dma_semaphore, #tpu.memory_space<semaphore_mem>>
      %dma_start3A_30 = arith.constant 0 : i32
      %dma_start3A_31 = arith.constant 0 : i32
      %dma_start3A_32 = tpu.memref_slice %arg3[%add3A, %dma_start3A_30, %dma_start3A_31] : memref<32x64x80xi32, #tpu.memory_space<hbm>> -> memref<1x64x80xi32, #tpu.memory_space<hbm>>
      %dma_start3A_33 = tpu.memref_squeeze %dma_start3A_32 : memref<1x64x80xi32, #tpu.memory_space<hbm>> -> memref<64x80xi32, #tpu.memory_space<hbm>>
      %dma_start3A_34 = arith.constant 0 : i32
      %dma_start3A_35 = arith.constant 0 : i32
      %dma_start3A_36 = tpu.memref_slice %arg3[%add3A, %dma_start3A_34, %dma_start3A_35] : memref<32x64x80xi32, #tpu.memory_space<hbm>> -> memref<1x64x80xi32, #tpu.memory_space<hbm>>
      %dma_start3A_37 = tpu.memref_squeeze %dma_start3A_36 : memref<1x64x80xi32, #tpu.memory_space<hbm>> -> memref<64x80xi32, #tpu.memory_space<hbm>>
      tpu.enqueue_dma source(%dma_start3A_37 : memref<64x80xi32, #tpu.memory_space<hbm>>) target(%arg6 : memref<64x80xi32, #tpu.memory_space<vmem>>) target_semaphore(%run_scoped3A : memref<!tpu.dma_semaphore, #tpu.memory_space<semaphore_mem>>)
      %dma_wait3A = arith.constant 0 : i32
      %dma_wait3A_38 = arith.constant 0 : i32
      %dma_wait3A_39 = tpu.memref_slice %arg3[%add3A, %dma_wait3A, %dma_wait3A_38] : memref<32x64x80xi32, #tpu.memory_space<hbm>> -> memref<1x64x80xi32, #tpu.memory_space<hbm>>
      %dma_wait3A_40 = tpu.memref_squeeze %dma_wait3A_39 : memref<1x64x80xi32, #tpu.memory_space<hbm>> -> memref<64x80xi32, #tpu.memory_space<hbm>>
      %dma_wait3A_41 = arith.constant 0 : i32
      %dma_wait3A_42 = arith.constant 0 : i32
      %dma_wait3A_43 = tpu.memref_slice %arg3[%add3A, %dma_wait3A_41, %dma_wait3A_42] : memref<32x64x80xi32, #tpu.memory_space<hbm>> -> memref<1x64x80xi32, #tpu.memory_space<hbm>>
      %dma_wait3A_44 = tpu.memref_squeeze %dma_wait3A_43 : memref<1x64x80xi32, #tpu.memory_space<hbm>> -> memref<64x80xi32, #tpu.memory_space<hbm>>
      tpu.wait_dma2 semaphore(%run_scoped3A : memref<!tpu.dma_semaphore, #tpu.memory_space<semaphore_mem>>) src(%dma_wait3A_44 : memref<64x80xi32, #tpu.memory_space<hbm>>) dst(%arg6 : memref<64x80xi32, #tpu.memory_space<vmem>>)
      tpu.yield
    }) : () -> ()
    "tpu.region"() ({
      %run_scoped3A = tpu.sem_alloc : memref<!tpu.dma_semaphore, #tpu.memory_space<semaphore_mem>>
      %dma_start3A_30 = arith.constant 0 : i32
      %dma_start3A_31 = arith.constant 0 : i32
      %dma_start3A_32 = tpu.memref_slice %arg4[%add3A, %dma_start3A_30, %dma_start3A_31] : memref<32x64x80xi32, #tpu.memory_space<hbm>> -> memref<1x64x80xi32, #tpu.memory_space<hbm>>
      %dma_start3A_33 = tpu.memref_squeeze %dma_start3A_32 : memref<1x64x80xi32, #tpu.memory_space<hbm>> -> memref<64x80xi32, #tpu.memory_space<hbm>>
      %dma_start3A_34 = arith.constant 0 : i32
      %dma_start3A_35 = arith.constant 0 : i32
      %dma_start3A_36 = tpu.memref_slice %arg4[%add3A, %dma_start3A_34, %dma_start3A_35] : memref<32x64x80xi32, #tpu.memory_space<hbm>> -> memref<1x64x80xi32, #tpu.memory_space<hbm>>
      %dma_start3A_37 = tpu.memref_squeeze %dma_start3A_36 : memref<1x64x80xi32, #tpu.memory_space<hbm>> -> memref<64x80xi32, #tpu.memory_space<hbm>>
      tpu.enqueue_dma source(%dma_start3A_37 : memref<64x80xi32, #tpu.memory_space<hbm>>) target(%arg7 : memref<64x80xi32, #tpu.memory_space<vmem>>) target_semaphore(%run_scoped3A : memref<!tpu.dma_semaphore, #tpu.memory_space<semaphore_mem>>)
      %dma_wait3A = arith.constant 0 : i32
      %dma_wait3A_38 = arith.constant 0 : i32
      %dma_wait3A_39 = tpu.memref_slice %arg4[%add3A, %dma_wait3A, %dma_wait3A_38] : memref<32x64x80xi32, #tpu.memory_space<hbm>> -> memref<1x64x80xi32, #tpu.memory_space<hbm>>
      %dma_wait3A_40 = tpu.memref_squeeze %dma_wait3A_39 : memref<1x64x80xi32, #tpu.memory_space<hbm>> -> memref<64x80xi32, #tpu.memory_space<hbm>>
      %dma_wait3A_41 = arith.constant 0 : i32
      %dma_wait3A_42 = arith.constant 0 : i32
      %dma_wait3A_43 = tpu.memref_slice %arg4[%add3A, %dma_wait3A_41, %dma_wait3A_42] : memref<32x64x80xi32, #tpu.memory_space<hbm>> -> memref<1x64x80xi32, #tpu.memory_space<hbm>>
      %dma_wait3A_44 = tpu.memref_squeeze %dma_wait3A_43 : memref<1x64x80xi32, #tpu.memory_space<hbm>> -> memref<64x80xi32, #tpu.memory_space<hbm>>
      tpu.wait_dma2 semaphore(%run_scoped3A : memref<!tpu.dma_semaphore, #tpu.memory_space<semaphore_mem>>) src(%dma_wait3A_44 : memref<64x80xi32, #tpu.memory_space<hbm>>) dst(%arg7 : memref<64x80xi32, #tpu.memory_space<vmem>>)
      tpu.yield
    }) : () -> ()
    %barrier3A = arith.constant 0 : index
    tpu.barrier barrier_id(%barrier3A)
    %dma_start3A = arith.constant 0 : i32
    %dma_start3A_16 = arith.constant 0 : i32
    %dma_start3A_17 = tpu.memref_slice %arg6[%dma_start3A, %dma_start3A_16] : memref<64x80xi32, #tpu.memory_space<vmem>> -> memref<1x80xi32, #tpu.memory_space<vmem>>
    %dma_start3A_18 = tpu.memref_squeeze %dma_start3A_17 : memref<1x80xi32, #tpu.memory_space<vmem>> -> memref<80xi32, #tpu.memory_space<vmem>>
    %dma_start3A_19 = arith.constant 0 : i32
    %dma_start3A_20 = arith.constant 0 : i32
    %dma_start3A_21 = tpu.memref_slice %arg2[%dma_start3A_19, %dma_start3A_20] : memref<10000x128xf32, #tpu.memory_space<hbm>> -> memref<10000x128xf32, #tpu.memory_space<hbm>>
    tpu.enqueue_indirect_dma source(%dma_start3A_21 : memref<10000x128xf32, #tpu.memory_space<hbm>>) target(%arg8 : memref<80x128xf32, #tpu.memory_space<vmem>>) offsets(%dma_start3A_18 : memref<80xi32, #tpu.memory_space<vmem>>) semaphore(%arg11 : memref<!tpu.dma_semaphore, #tpu.memory_space<semaphore_mem>>)
    %scan3A_22 = arith.constant 0 : i32
    %scan3A_23 = arith.constant 0 : i32
    %scan3A_24 = arith.constant 32 : i32
    %scan3A_25 = arith.addi %scan3A_23, %scan3A_24 : i32
    %scan3A_26 = arith.constant 1 : i32
    %scan3A_27 = scf.for %scan3A_30 = %scan3A_23 to %scan3A_25 step %scan3A_26 iter_args(%scan3A_31 = %scan3A_22) -> (i32)  : i32 {
      %mul3A_32 = arith.constant 2 : i32
      %mul3A_33 = arith.muli %mul3A_32, %scan3A_30 : i32
      %add3A_34 = arith.constant 1 : i32
      %add3A_35 = arith.addi %mul3A_33, %add3A_34 : i32
      %dma_start3A_36 = arith.constant 0 : i32
      %dma_start3A_37 = tpu.memref_slice %arg6[%add3A_35, %dma_start3A_36] : memref<64x80xi32, #tpu.memory_space<vmem>> -> memref<1x80xi32, #tpu.memory_space<vmem>>
      %dma_start3A_38 = tpu.memref_squeeze %dma_start3A_37 : memref<1x80xi32, #tpu.memory_space<vmem>> -> memref<80xi32, #tpu.memory_space<vmem>>
      %dma_start3A_39 = arith.constant 0 : i32
      %dma_start3A_40 = arith.constant 0 : i32
      %dma_start3A_41 = tpu.memref_slice %arg2[%dma_start3A_39, %dma_start3A_40] : memref<10000x128xf32, #tpu.memory_space<hbm>> -> memref<10000x128xf32, #tpu.memory_space<hbm>>
      tpu.enqueue_indirect_dma source(%dma_start3A_41 : memref<10000x128xf32, #tpu.memory_space<hbm>>) target(%arg9 : memref<80x128xf32, #tpu.memory_space<vmem>>) offsets(%dma_start3A_38 : memref<80xi32, #tpu.memory_space<vmem>>) semaphore(%arg12 : memref<!tpu.dma_semaphore, #tpu.memory_space<semaphore_mem>>)
      %dma_wait3A = arith.constant 0 : i32
      %dma_wait3A_42 = tpu.memref_slice %arg6[%mul3A_33, %dma_wait3A] : memref<64x80xi32, #tpu.memory_space<vmem>> -> memref<1x80xi32, #tpu.memory_space<vmem>>
      %dma_wait3A_43 = tpu.memref_squeeze %dma_wait3A_42 : memref<1x80xi32, #tpu.memory_space<vmem>> -> memref<80xi32, #tpu.memory_space<vmem>>
      %dma_wait3A_44 = arith.constant 0 : i32
      %dma_wait3A_45 = arith.constant 0 : i32
      %dma_wait3A_46 = tpu.memref_slice %arg2[%dma_wait3A_44, %dma_wait3A_45] : memref<10000x128xf32, #tpu.memory_space<hbm>> -> memref<10000x128xf32, #tpu.memory_space<hbm>>
      tpu.wait_indirect_dma semaphore(%arg11 : memref<!tpu.dma_semaphore, #tpu.memory_space<semaphore_mem>>) src(%dma_wait3A_46 : memref<10000x128xf32, #tpu.memory_space<hbm>>) dst(%arg8 : memref<80x128xf32, #tpu.memory_space<vmem>>)
      "tpu.region"() ({
        %run_scoped3A = tpu.sem_alloc : memref<!tpu.dma_semaphore, #tpu.memory_space<semaphore_mem>>
        %dma_start3A_62 = arith.constant 0 : i32
        %dma_start3A_63 = tpu.memref_slice %arg7[%mul3A_33, %dma_start3A_62] : memref<64x80xi32, #tpu.memory_space<vmem>> -> memref<1x80xi32, #tpu.memory_space<vmem>>
        %dma_start3A_64 = tpu.memref_squeeze %dma_start3A_63 : memref<1x80xi32, #tpu.memory_space<vmem>> -> memref<80xi32, #tpu.memory_space<vmem>>
        %dma_start3A_65 = arith.constant 0 : i32
        %dma_start3A_66 = arith.constant 0 : i32
        %dma_start3A_67 = tpu.memref_slice %arg10[%dma_start3A_65, %dma_start3A_66] : memref<10240x128xf32, #tpu.memory_space<vmem_shared>> -> memref<10240x128xf32, #tpu.memory_space<vmem_shared>>
        tpu.enqueue_indirect_dma source(%arg8 : memref<80x128xf32, #tpu.memory_space<vmem>>) target(%dma_start3A_67 : memref<10240x128xf32, #tpu.memory_space<vmem_shared>>) offsets(%dma_start3A_64 : memref<80xi32, #tpu.memory_space<vmem>>) semaphore(%run_scoped3A : memref<!tpu.dma_semaphore, #tpu.memory_space<semaphore_mem>>) {add = true}
        %dma_wait3A_68 = arith.constant 0 : i32
        %dma_wait3A_69 = tpu.memref_slice %arg7[%mul3A_33, %dma_wait3A_68] : memref<64x80xi32, #tpu.memory_space<vmem>> -> memref<1x80xi32, #tpu.memory_space<vmem>>
        %dma_wait3A_70 = tpu.memref_squeeze %dma_wait3A_69 : memref<1x80xi32, #tpu.memory_space<vmem>> -> memref<80xi32, #tpu.memory_space<vmem>>
        %dma_wait3A_71 = arith.constant 0 : i32
        %dma_wait3A_72 = arith.constant 0 : i32
        %dma_wait3A_73 = tpu.memref_slice %arg10[%dma_wait3A_71, %dma_wait3A_72] : memref<10240x128xf32, #tpu.memory_space<vmem_shared>> -> memref<10240x128xf32, #tpu.memory_space<vmem_shared>>
        tpu.wait_indirect_dma semaphore(%run_scoped3A : memref<!tpu.dma_semaphore, #tpu.memory_space<semaphore_mem>>) src(%arg8 : memref<80x128xf32, #tpu.memory_space<vmem>>) dst(%dma_wait3A_73 : memref<10240x128xf32, #tpu.memory_space<vmem_shared>>)
        tpu.yield
      }) : () -> ()
      %add3A_47 = arith.constant 2 : i32
      %add3A_48 = arith.addi %mul3A_33, %add3A_47 : i32
      %lt3A = arith.constant 64 : i32
      %lt3A_49 = arith.cmpi slt, %add3A_48, %lt3A : i32
      %convert_element_type3A = arith.extui %lt3A_49 : i1 to i32
      %cond3A = arith.constant 0 : i32
      %cond3A_50 = arith.cmpi ne, %convert_element_type3A, %cond3A : i32
      scf.if %cond3A_50 {
        %add3A_62 = arith.constant 2 : i32
        %add3A_63 = arith.addi %mul3A_33, %add3A_62 : i32
        %dma_start3A_64 = arith.constant 0 : i32
        %dma_start3A_65 = tpu.memref_slice %arg6[%add3A_63, %dma_start3A_64] : memref<64x80xi32, #tpu.memory_space<vmem>> -> memref<1x80xi32, #tpu.memory_space<vmem>>
        %dma_start3A_66 = tpu.memref_squeeze %dma_start3A_65 : memref<1x80xi32, #tpu.memory_space<vmem>> -> memref<80xi32, #tpu.memory_space<vmem>>
        %dma_start3A_67 = arith.constant 0 : i32
        %dma_start3A_68 = arith.constant 0 : i32
        %dma_start3A_69 = tpu.memref_slice %arg2[%dma_start3A_67, %dma_start3A_68] : memref<10000x128xf32, #tpu.memory_space<hbm>> -> memref<10000x128xf32, #tpu.memory_space<hbm>>
        tpu.enqueue_indirect_dma source(%dma_start3A_69 : memref<10000x128xf32, #tpu.memory_space<hbm>>) target(%arg8 : memref<80x128xf32, #tpu.memory_space<vmem>>) offsets(%dma_start3A_66 : memref<80xi32, #tpu.memory_space<vmem>>) semaphore(%arg11 : memref<!tpu.dma_semaphore, #tpu.memory_space<semaphore_mem>>)
      } else {
      }
      %add3A_51 = arith.constant 1 : i32
      %add3A_52 = arith.addi %mul3A_33, %add3A_51 : i32
      %dma_wait3A_53 = arith.constant 0 : i32
      %dma_wait3A_54 = tpu.memref_slice %arg6[%add3A_52, %dma_wait3A_53] : memref<64x80xi32, #tpu.memory_space<vmem>> -> memref<1x80xi32, #tpu.memory_space<vmem>>
      %dma_wait3A_55 = tpu.memref_squeeze %dma_wait3A_54 : memref<1x80xi32, #tpu.memory_space<vmem>> -> memref<80xi32, #tpu.memory_space<vmem>>
      %dma_wait3A_56 = arith.constant 0 : i32
      %dma_wait3A_57 = arith.constant 0 : i32
      %dma_wait3A_58 = tpu.memref_slice %arg2[%dma_wait3A_56, %dma_wait3A_57] : memref<10000x128xf32, #tpu.memory_space<hbm>> -> memref<10000x128xf32, #tpu.memory_space<hbm>>
      tpu.wait_indirect_dma semaphore(%arg12 : memref<!tpu.dma_semaphore, #tpu.memory_space<semaphore_mem>>) src(%dma_wait3A_58 : memref<10000x128xf32, #tpu.memory_space<hbm>>) dst(%arg9 : memref<80x128xf32, #tpu.memory_space<vmem>>)
      %add3A_59 = arith.constant 1 : i32
      %add3A_60 = arith.addi %mul3A_33, %add3A_59 : i32
      "tpu.region"() ({
        %run_scoped3A = tpu.sem_alloc : memref<!tpu.dma_semaphore, #tpu.memory_space<semaphore_mem>>
        %dma_start3A_62 = arith.constant 0 : i32
        %dma_start3A_63 = tpu.memref_slice %arg7[%add3A_60, %dma_start3A_62] : memref<64x80xi32, #tpu.memory_space<vmem>> -> memref<1x80xi32, #tpu.memory_space<vmem>>
        %dma_start3A_64 = tpu.memref_squeeze %dma_start3A_63 : memref<1x80xi32, #tpu.memory_space<vmem>> -> memref<80xi32, #tpu.memory_space<vmem>>
        %dma_start3A_65 = arith.constant 0 : i32
        %dma_start3A_66 = arith.constant 0 : i32
        %dma_start3A_67 = tpu.memref_slice %arg10[%dma_start3A_65, %dma_start3A_66] : memref<10240x128xf32, #tpu.memory_space<vmem_shared>> -> memref<10240x128xf32, #tpu.memory_space<vmem_shared>>
        tpu.enqueue_indirect_dma source(%arg9 : memref<80x128xf32, #tpu.memory_space<vmem>>) target(%dma_start3A_67 : memref<10240x128xf32, #tpu.memory_space<vmem_shared>>) offsets(%dma_start3A_64 : memref<80xi32, #tpu.memory_space<vmem>>) semaphore(%run_scoped3A : memref<!tpu.dma_semaphore, #tpu.memory_space<semaphore_mem>>) {add = true}
        %dma_wait3A_68 = arith.constant 0 : i32
        %dma_wait3A_69 = tpu.memref_slice %arg7[%add3A_60, %dma_wait3A_68] : memref<64x80xi32, #tpu.memory_space<vmem>> -> memref<1x80xi32, #tpu.memory_space<vmem>>
        %dma_wait3A_70 = tpu.memref_squeeze %dma_wait3A_69 : memref<1x80xi32, #tpu.memory_space<vmem>> -> memref<80xi32, #tpu.memory_space<vmem>>
        %dma_wait3A_71 = arith.constant 0 : i32
        %dma_wait3A_72 = arith.constant 0 : i32
        %dma_wait3A_73 = tpu.memref_slice %arg10[%dma_wait3A_71, %dma_wait3A_72] : memref<10240x128xf32, #tpu.memory_space<vmem_shared>> -> memref<10240x128xf32, #tpu.memory_space<vmem_shared>>
        tpu.wait_indirect_dma semaphore(%run_scoped3A : memref<!tpu.dma_semaphore, #tpu.memory_space<semaphore_mem>>) src(%arg9 : memref<80x128xf32, #tpu.memory_space<vmem>>) dst(%dma_wait3A_73 : memref<10240x128xf32, #tpu.memory_space<vmem_shared>>)
        tpu.yield
      }) : () -> ()
      %scan3A_61 = arith.constant 0 : i32
      scf.yield %scan3A_61 : i32
    }
    %scan3A_28 = arith.constant 32 : i32
    %barrier3A_29 = arith.constant 0 : index
    tpu.barrier barrier_id(%barrier3A_29)
    "tpu.region"() ({
      %run_scoped3A = tpu.sem_alloc : memref<!tpu.dma_semaphore, #tpu.memory_space<semaphore_mem>>
      %dma_start3A_30 = arith.constant 0 : i32
      %dma_start3A_31 = tpu.memref_slice %arg5[%arg0, %mul3A_2, %dma_start3A_30] : memref<2x10240x128xf32, #tpu.memory_space<hbm>> -> memref<1x640x128xf32, #tpu.memory_space<hbm>>
      %dma_start3A_32 = tpu.memref_squeeze %dma_start3A_31 : memref<1x640x128xf32, #tpu.memory_space<hbm>> -> memref<640x128xf32, #tpu.memory_space<hbm>>
      %dma_start3A_33 = arith.constant 0 : i32
      %dma_start3A_34 = tpu.memref_slice %arg10[%mul3A_2, %dma_start3A_33] : memref<10240x128xf32, #tpu.memory_space<vmem_shared>> -> memref<640x128xf32, #tpu.memory_space<vmem_shared>>
      tpu.enqueue_dma source(%dma_start3A_34 : memref<640x128xf32, #tpu.memory_space<vmem_shared>>) target(%dma_start3A_32 : memref<640x128xf32, #tpu.memory_space<hbm>>) target_semaphore(%run_scoped3A : memref<!tpu.dma_semaphore, #tpu.memory_space<semaphore_mem>>)
      %dma_wait3A = arith.constant 0 : i32
      %dma_wait3A_35 = tpu.memref_slice %arg5[%arg0, %mul3A_2, %dma_wait3A] : memref<2x10240x128xf32, #tpu.memory_space<hbm>> -> memref<1x640x128xf32, #tpu.memory_space<hbm>>
      %dma_wait3A_36 = tpu.memref_squeeze %dma_wait3A_35 : memref<1x640x128xf32, #tpu.memory_space<hbm>> -> memref<640x128xf32, #tpu.memory_space<hbm>>
      %dma_wait3A_37 = arith.constant 0 : i32
      %dma_wait3A_38 = tpu.memref_slice %arg10[%mul3A_2, %dma_wait3A_37] : memref<10240x128xf32, #tpu.memory_space<vmem_shared>> -> memref<640x128xf32, #tpu.memory_space<vmem_shared>>
      tpu.wait_dma2 semaphore(%run_scoped3A : memref<!tpu.dma_semaphore, #tpu.memory_space<semaphore_mem>>) src(%dma_wait3A_38 : memref<640x128xf32, #tpu.memory_space<vmem_shared>>) dst(%dma_wait3A_36 : memref<640x128xf32, #tpu.memory_space<hbm>>)
      tpu.yield
    }) : () -> ()
    return
  }
}

#map = affine_map<(d0, d1) -> (0, 0)>
#map1 = affine_map<(d0, d1) -> (0, 0, 0)>
module attributes {stable_mosaic.version = 14 : i64} {
  func.func @body(%arg0: i32, %arg1: i32, %arg2: memref<10000x128xf32, #tpu.memory_space<hbm>>, %arg3: memref<32x64x80xi32, #tpu.memory_space<hbm>>, %arg4: memref<32x64x80xi32, #tpu.memory_space<hbm>>, %arg5: memref<2x10240x128xf32, #tpu.memory_space<hbm>>, %arg6: memref<64x80xi32, #tpu.memory_space<vmem>>, %arg7: memref<64x80xi32, #tpu.memory_space<vmem>>, %arg8: memref<80x128xf32, #tpu.memory_space<vmem>>, %arg9: memref<80x128xf32, #tpu.memory_space<vmem>>, %arg10: memref<10240x128xf32, #tpu.memory_space<vmem_shared>>, %arg11: memref<!tpu.dma_semaphore, #tpu.memory_space<semaphore_mem>>, %arg12: memref<!tpu.dma_semaphore, #tpu.memory_space<semaphore_mem>>, %arg13: memref<!tpu.dma_semaphore, #tpu.memory_space<semaphore_mem>>, %arg14: memref<!tpu.dma_semaphore, #tpu.memory_space<semaphore_mem>>) attributes {dimension_semantics = [#tpu.dimension_semantics<core_parallel>, #tpu.dimension_semantics<subcore_parallel>], iteration_bounds = array<i64: 2, 16>, scalar_prefetch = 0 : i64, scratch_operands = 9 : i64, tpu.core_type = #tpu.core_type<sc_vector_subcore>, window_params = [{transform_indices = #map}, {transform_indices = #map1}, {transform_indices = #map1}, {transform_indices = #map1}]} {
    %mul3A = arith.constant 2 : i32
    %mul3A_0 = arith.muli %arg1, %mul3A : i32
    %add3A = arith.addi %mul3A_0, %arg0 : i32
    %mul3A_1 = arith.constant 640 : i32
    %mul3A_2 = arith.muli %arg1, %mul3A_1 : i32
    %scan3A = arith.constant 0 : i32
    %scan3A_3 = arith.constant 0 : i32
    %scan3A_4 = arith.constant 80 : i32
    %scan3A_5 = arith.addi %scan3A_3, %scan3A_4 : i32
    %scan3A_6 = arith.constant 1 : i32
    %scan3A_7 = scf.for %scan3A_30 = %scan3A_3 to %scan3A_5 step %scan3A_6 iter_args(%scan3A_31 = %scan3A) -> (i32)  : i32 {
      %scan3A_32 = arith.constant 0 : i32
      %scan3A_33 = arith.constant 0 : i32
      %scan3A_34 = arith.constant 8 : i32
      %scan3A_35 = arith.addi %scan3A_33, %scan3A_34 : i32
      %scan3A_36 = arith.constant 1 : i32
      %scan3A_37 = scf.for %scan3A_40 = %scan3A_33 to %scan3A_35 step %scan3A_36 iter_args(%scan3A_41 = %scan3A_32) -> (i32)  : i32 {
        %broadcast_in_dim3A = arith.constant 0.000000e+00 : f32
        %broadcast_in_dim3A_42 = vector.broadcast %broadcast_in_dim3A : f32 to vector<16xf32>
        %mul3A_43 = arith.constant 16 : i32
        %mul3A_44 = arith.muli %scan3A_40, %mul3A_43 : i32
        %swap3A = arith.index_cast %scan3A_30 : i32 to index
        %swap3A_45 = arith.index_cast %mul3A_44 : i32 to index
        %swap3A_46 = tpu.vector_load %arg8[%swap3A, %swap3A_45] {strides = array<i32>} : memref<80x128xf32, #tpu.memory_space<vmem>>, vector<1x16xf32>,
        %swap3A_47 = vector.shape_cast %swap3A_46 : vector<1x16xf32> to vector<16xf32>
        %swap3A_48 = vector.shape_cast %broadcast_in_dim3A_42 : vector<16xf32> to vector<1x16xf32>
        tpu.vector_store %arg8[%swap3A, %swap3A_45], %swap3A_48 {strides = array<i32>} : memref<80x128xf32, #tpu.memory_space<vmem>>, vector<1x16xf32>,
        %scan3A_49 = arith.constant 0 : i32
        scf.yield %scan3A_49 : i32
      }
      %scan3A_38 = arith.constant 8 : i32
      %scan3A_39 = arith.constant 0 : i32
      scf.yield %scan3A_39 : i32
    }
    %scan3A_8 = arith.constant 80 : i32
    %scan3A_9 = arith.constant 0 : i32
    %scan3A_10 = arith.constant 0 : i32
    %scan3A_11 = arith.constant 8 : i32
    %scan3A_12 = arith.addi %scan3A_10, %scan3A_11 : i32
    %scan3A_13 = arith.constant 1 : i32
    %scan3A_14 = scf.for %scan3A_30 = %scan3A_10 to %scan3A_12 step %scan3A_13 iter_args(%scan3A_31 = %scan3A_9) -> (i32)  : i32 {
      %mul3A_32 = arith.constant 80 : i32
      %mul3A_33 = arith.muli %scan3A_30, %mul3A_32 : i32
      %add3A_34 = arith.addi %mul3A_2, %mul3A_33 : i32
      "tpu.region"() ({
        %run_scoped3A = tpu.sem_alloc : memref<!tpu.dma_semaphore, #tpu.memory_space<semaphore_mem>>
        %dma_start3A_36 = arith.constant 0 : i32
        %dma_start3A_37 = tpu.memref_slice %arg10[%add3A_34, %dma_start3A_36] : memref<10240x128xf32, #tpu.memory_space<vmem_shared>> -> memref<80x128xf32, #tpu.memory_space<vmem_shared>>
        %dma_start3A_38 = arith.constant 0 : i32
        %dma_start3A_39 = tpu.memref_slice %arg10[%add3A_34, %dma_start3A_38] : memref<10240x128xf32, #tpu.memory_space<vmem_shared>> -> memref<80x128xf32, #tpu.memory_space<vmem_shared>>
        tpu.enqueue_dma source(%arg8 : memref<80x128xf32, #tpu.memory_space<vmem>>) target(%dma_start3A_39 : memref<80x128xf32, #tpu.memory_space<vmem_shared>>) target_semaphore(%run_scoped3A : memref<!tpu.dma_semaphore, #tpu.memory_space<semaphore_mem>>)
        %dma_wait3A = arith.constant 0 : i32
        %dma_wait3A_40 = tpu.memref_slice %arg10[%add3A_34, %dma_wait3A] : memref<10240x128xf32, #tpu.memory_space<vmem_shared>> -> memref<80x128xf32, #tpu.memory_space<vmem_shared>>
        %dma_wait3A_41 = arith.constant 0 : i32
        %dma_wait3A_42 = tpu.memref_slice %arg10[%add3A_34, %dma_wait3A_41] : memref<10240x128xf32, #tpu.memory_space<vmem_shared>> -> memref<80x128xf32, #tpu.memory_space<vmem_shared>>
        tpu.wait_dma2 semaphore(%run_scoped3A : memref<!tpu.dma_semaphore, #tpu.memory_space<semaphore_mem>>) src(%arg8 : memref<80x128xf32, #tpu.memory_space<vmem>>) dst(%dma_wait3A_42 : memref<80x128xf32, #tpu.memory_space<vmem_shared>>)
        tpu.yield
      }) : () -> ()
      %scan3A_35 = arith.constant 0 : i32
      scf.yield %scan3A_35 : i32
    }
    %scan3A_15 = arith.constant 8 : i32
    "tpu.region"() ({
      %run_scoped3A = tpu.sem_alloc : memref<!tpu.dma_semaphore, #tpu.memory_space<semaphore_mem>>
      %dma_start3A_30 = arith.constant 0 : i32
      %dma_start3A_31 = arith.constant 0 : i32
      %dma_start3A_32 = tpu.memref_slice %arg3[%add3A, %dma_start3A_30, %dma_start3A_31] : memref<32x64x80xi32, #tpu.memory_space<hbm>> -> memref<1x64x80xi32, #tpu.memory_space<hbm>>
      %dma_start3A_33 = tpu.memref_squeeze %dma_start3A_32 : memref<1x64x80xi32, #tpu.memory_space<hbm>> -> memref<64x80xi32, #tpu.memory_space<hbm>>
      %dma_start3A_34 = arith.constant 0 : i32
      %dma_start3A_35 = arith.constant 0 : i32
      %dma_start3A_36 = tpu.memref_slice %arg3[%add3A, %dma_start3A_34, %dma_start3A_35] : memref<32x64x80xi32, #tpu.memory_space<hbm>> -> memref<1x64x80xi32, #tpu.memory_space<hbm>>
      %dma_start3A_37 = tpu.memref_squeeze %dma_start3A_36 : memref<1x64x80xi32, #tpu.memory_space<hbm>> -> memref<64x80xi32, #tpu.memory_space<hbm>>
      tpu.enqueue_dma source(%dma_start3A_37 : memref<64x80xi32, #tpu.memory_space<hbm>>) target(%arg6 : memref<64x80xi32, #tpu.memory_space<vmem>>) target_semaphore(%run_scoped3A : memref<!tpu.dma_semaphore, #tpu.memory_space<semaphore_mem>>)
      %dma_wait3A = arith.constant 0 : i32
      %dma_wait3A_38 = arith.constant 0 : i32
      %dma_wait3A_39 = tpu.memref_slice %arg3[%add3A, %dma_wait3A, %dma_wait3A_38] : memref<32x64x80xi32, #tpu.memory_space<hbm>> -> memref<1x64x80xi32, #tpu.memory_space<hbm>>
      %dma_wait3A_40 = tpu.memref_squeeze %dma_wait3A_39 : memref<1x64x80xi32, #tpu.memory_space<hbm>> -> memref<64x80xi32, #tpu.memory_space<hbm>>
      %dma_wait3A_41 = arith.constant 0 : i32
      %dma_wait3A_42 = arith.constant 0 : i32
      %dma_wait3A_43 = tpu.memref_slice %arg3[%add3A, %dma_wait3A_41, %dma_wait3A_42] : memref<32x64x80xi32, #tpu.memory_space<hbm>> -> memref<1x64x80xi32, #tpu.memory_space<hbm>>
      %dma_wait3A_44 = tpu.memref_squeeze %dma_wait3A_43 : memref<1x64x80xi32, #tpu.memory_space<hbm>> -> memref<64x80xi32, #tpu.memory_space<hbm>>
      tpu.wait_dma2 semaphore(%run_scoped3A : memref<!tpu.dma_semaphore, #tpu.memory_space<semaphore_mem>>) src(%dma_wait3A_44 : memref<64x80xi32, #tpu.memory_space<hbm>>) dst(%arg6 : memref<64x80xi32, #tpu.memory_space<vmem>>)
      tpu.yield
    }) : () -> ()
    "tpu.region"() ({
      %run_scoped3A = tpu.sem_alloc : memref<!tpu.dma_semaphore, #tpu.memory_space<semaphore_mem>>
      %dma_start3A_30 = arith.constant 0 : i32
      %dma_start3A_31 = arith.constant 0 : i32
      %dma_start3A_32 = tpu.memref_slice %arg4[%add3A, %dma_start3A_30, %dma_start3A_31] : memref<32x64x80xi32, #tpu.memory_space<hbm>> -> memref<1x64x80xi32, #tpu.memory_space<hbm>>
      %dma_start3A_33 = tpu.memref_squeeze %dma_start3A_32 : memref<1x64x80xi32, #tpu.memory_space<hbm>> -> memref<64x80xi32, #tpu.memory_space<hbm>>
      %dma_start3A_34 = arith.constant 0 : i32
      %dma_start3A_35 = arith.constant 0 : i32
      %dma_start3A_36 = tpu.memref_slice %arg4[%add3A, %dma_start3A_34, %dma_start3A_35] : memref<32x64x80xi32, #tpu.memory_space<hbm>> -> memref<1x64x80xi32, #tpu.memory_space<hbm>>
      %dma_start3A_37 = tpu.memref_squeeze %dma_start3A_36 : memref<1x64x80xi32, #tpu.memory_space<hbm>> -> memref<64x80xi32, #tpu.memory_space<hbm>>
      tpu.enqueue_dma source(%dma_start3A_37 : memref<64x80xi32, #tpu.memory_space<hbm>>) target(%arg7 : memref<64x80xi32, #tpu.memory_space<vmem>>) target_semaphore(%run_scoped3A : memref<!tpu.dma_semaphore, #tpu.memory_space<semaphore_mem>>)
      %dma_wait3A = arith.constant 0 : i32
      %dma_wait3A_38 = arith.constant 0 : i32
      %dma_wait3A_39 = tpu.memref_slice %arg4[%add3A, %dma_wait3A, %dma_wait3A_38] : memref<32x64x80xi32, #tpu.memory_space<hbm>> -> memref<1x64x80xi32, #tpu.memory_space<hbm>>
      %dma_wait3A_40 = tpu.memref_squeeze %dma_wait3A_39 : memref<1x64x80xi32, #tpu.memory_space<hbm>> -> memref<64x80xi32, #tpu.memory_space<hbm>>
      %dma_wait3A_41 = arith.constant 0 : i32
      %dma_wait3A_42 = arith.constant 0 : i32
      %dma_wait3A_43 = tpu.memref_slice %arg4[%add3A, %dma_wait3A_41, %dma_wait3A_42] : memref<32x64x80xi32, #tpu.memory_space<hbm>> -> memref<1x64x80xi32, #tpu.memory_space<hbm>>
      %dma_wait3A_44 = tpu.memref_squeeze %dma_wait3A_43 : memref<1x64x80xi32, #tpu.memory_space<hbm>> -> memref<64x80xi32, #tpu.memory_space<hbm>>
      tpu.wait_dma2 semaphore(%run_scoped3A : memref<!tpu.dma_semaphore, #tpu.memory_space<semaphore_mem>>) src(%dma_wait3A_44 : memref<64x80xi32, #tpu.memory_space<hbm>>) dst(%arg7 : memref<64x80xi32, #tpu.memory_space<vmem>>)
      tpu.yield
    }) : () -> ()
    %barrier3A = arith.constant 0 : index
    tpu.barrier barrier_id(%barrier3A)
    %dma_start3A = arith.constant 0 : i32
    %dma_start3A_16 = arith.constant 0 : i32
    %dma_start3A_17 = tpu.memref_slice %arg6[%dma_start3A, %dma_start3A_16] : memref<64x80xi32, #tpu.memory_space<vmem>> -> memref<1x80xi32, #tpu.memory_space<vmem>>
    %dma_start3A_18 = tpu.memref_squeeze %dma_start3A_17 : memref<1x80xi32, #tpu.memory_space<vmem>> -> memref<80xi32, #tpu.memory_space<vmem>>
    %dma_start3A_19 = arith.constant 0 : i32
    %dma_start3A_20 = arith.constant 0 : i32
    %dma_start3A_21 = tpu.memref_slice %arg2[%dma_start3A_19, %dma_start3A_20] : memref<10000x128xf32, #tpu.memory_space<hbm>> -> memref<10000x128xf32, #tpu.memory_space<hbm>>
    tpu.enqueue_indirect_dma source(%dma_start3A_21 : memref<10000x128xf32, #tpu.memory_space<hbm>>) target(%arg8 : memref<80x128xf32, #tpu.memory_space<vmem>>) offsets(%dma_start3A_18 : memref<80xi32, #tpu.memory_space<vmem>>) semaphore(%arg11 : memref<!tpu.dma_semaphore, #tpu.memory_space<semaphore_mem>>)
    %scan3A_22 = arith.constant 0 : i32
    %scan3A_23 = arith.constant 0 : i32
    %scan3A_24 = arith.constant 32 : i32
    %scan3A_25 = arith.addi %scan3A_23, %scan3A_24 : i32
    %scan3A_26 = arith.constant 1 : i32
    %scan3A_27 = scf.for %scan3A_30 = %scan3A_23 to %scan3A_25 step %scan3A_26 iter_args(%scan3A_31 = %scan3A_22) -> (i32)  : i32 {
      %mul3A_32 = arith.constant 2 : i32
      %mul3A_33 = arith.muli %mul3A_32, %scan3A_30 : i32
      %add3A_34 = arith.constant 1 : i32
      %add3A_35 = arith.addi %mul3A_33, %add3A_34 : i32
      %dma_start3A_36 = arith.constant 0 : i32
      %dma_start3A_37 = tpu.memref_slice %arg6[%add3A_35, %dma_start3A_36] : memref<64x80xi32, #tpu.memory_space<vmem>> -> memref<1x80xi32, #tpu.memory_space<vmem>>
      %dma_start3A_38 = tpu.memref_squeeze %dma_start3A_37 : memref<1x80xi32, #tpu.memory_space<vmem>> -> memref<80xi32, #tpu.memory_space<vmem>>
      %dma_start3A_39 = arith.constant 0 : i32
      %dma_start3A_40 = arith.constant 0 : i32
      %dma_start3A_41 = tpu.memref_slice %arg2[%dma_start3A_39, %dma_start3A_40] : memref<10000x128xf32, #tpu.memory_space<hbm>> -> memref<10000x128xf32, #tpu.memory_space<hbm>>
      tpu.enqueue_indirect_dma source(%dma_start3A_41 : memref<10000x128xf32, #tpu.memory_space<hbm>>) target(%arg9 : memref<80x128xf32, #tpu.memory_space<vmem>>) offsets(%dma_start3A_38 : memref<80xi32, #tpu.memory_space<vmem>>) semaphore(%arg12 : memref<!tpu.dma_semaphore, #tpu.memory_space<semaphore_mem>>)
      %dma_wait3A = arith.constant 0 : i32
      %dma_wait3A_42 = tpu.memref_slice %arg6[%mul3A_33, %dma_wait3A] : memref<64x80xi32, #tpu.memory_space<vmem>> -> memref<1x80xi32, #tpu.memory_space<vmem>>
      %dma_wait3A_43 = tpu.memref_squeeze %dma_wait3A_42 : memref<1x80xi32, #tpu.memory_space<vmem>> -> memref<80xi32, #tpu.memory_space<vmem>>
      %dma_wait3A_44 = arith.constant 0 : i32
      %dma_wait3A_45 = arith.constant 0 : i32
      %dma_wait3A_46 = tpu.memref_slice %arg2[%dma_wait3A_44, %dma_wait3A_45] : memref<10000x128xf32, #tpu.memory_space<hbm>> -> memref<10000x128xf32, #tpu.memory_space<hbm>>
      tpu.wait_indirect_dma semaphore(%arg11 : memref<!tpu.dma_semaphore, #tpu.memory_space<semaphore_mem>>) src(%dma_wait3A_46 : memref<10000x128xf32, #tpu.memory_space<hbm>>) dst(%arg8 : memref<80x128xf32, #tpu.memory_space<vmem>>)
      "tpu.region"() ({
        %run_scoped3A = tpu.sem_alloc : memref<!tpu.dma_semaphore, #tpu.memory_space<semaphore_mem>>
        %dma_start3A_62 = arith.constant 0 : i32
        %dma_start3A_63 = tpu.memref_slice %arg7[%mul3A_33, %dma_start3A_62] : memref<64x80xi32, #tpu.memory_space<vmem>> -> memref<1x80xi32, #tpu.memory_space<vmem>>
        %dma_start3A_64 = tpu.memref_squeeze %dma_start3A_63 : memref<1x80xi32, #tpu.memory_space<vmem>> -> memref<80xi32, #tpu.memory_space<vmem>>
        %dma_start3A_65 = arith.constant 0 : i32
        %dma_start3A_66 = arith.constant 0 : i32
        %dma_start3A_67 = tpu.memref_slice %arg10[%dma_start3A_65, %dma_start3A_66] : memref<10240x128xf32, #tpu.memory_space<vmem_shared>> -> memref<10240x128xf32, #tpu.memory_space<vmem_shared>>
        tpu.enqueue_indirect_dma source(%arg8 : memref<80x128xf32, #tpu.memory_space<vmem>>) target(%dma_start3A_67 : memref<10240x128xf32, #tpu.memory_space<vmem_shared>>) offsets(%dma_start3A_64 : memref<80xi32, #tpu.memory_space<vmem>>) semaphore(%run_scoped3A : memref<!tpu.dma_semaphore, #tpu.memory_space<semaphore_mem>>) {add = true}
        %dma_wait3A_68 = arith.constant 0 : i32
        %dma_wait3A_69 = tpu.memref_slice %arg7[%mul3A_33, %dma_wait3A_68] : memref<64x80xi32, #tpu.memory_space<vmem>> -> memref<1x80xi32, #tpu.memory_space<vmem>>
        %dma_wait3A_70 = tpu.memref_squeeze %dma_wait3A_69 : memref<1x80xi32, #tpu.memory_space<vmem>> -> memref<80xi32, #tpu.memory_space<vmem>>
        %dma_wait3A_71 = arith.constant 0 : i32
        %dma_wait3A_72 = arith.constant 0 : i32
        %dma_wait3A_73 = tpu.memref_slice %arg10[%dma_wait3A_71, %dma_wait3A_72] : memref<10240x128xf32, #tpu.memory_space<vmem_shared>> -> memref<10240x128xf32, #tpu.memory_space<vmem_shared>>
        tpu.wait_indirect_dma semaphore(%run_scoped3A : memref<!tpu.dma_semaphore, #tpu.memory_space<semaphore_mem>>) src(%arg8 : memref<80x128xf32, #tpu.memory_space<vmem>>) dst(%dma_wait3A_73 : memref<10240x128xf32, #tpu.memory_space<vmem_shared>>)
        tpu.yield
      }) : () -> ()
      %add3A_47 = arith.constant 2 : i32
      %add3A_48 = arith.addi %mul3A_33, %add3A_47 : i32
      %lt3A = arith.constant 64 : i32
      %lt3A_49 = arith.cmpi slt, %add3A_48, %lt3A : i32
      %convert_element_type3A = arith.extui %lt3A_49 : i1 to i32
      %cond3A = arith.constant 0 : i32
      %cond3A_50 = arith.cmpi ne, %convert_element_type3A, %cond3A : i32
      scf.if %cond3A_50 {
        %add3A_62 = arith.constant 2 : i32
        %add3A_63 = arith.addi %mul3A_33, %add3A_62 : i32
        %dma_start3A_64 = arith.constant 0 : i32
        %dma_start3A_65 = tpu.memref_slice %arg6[%add3A_63, %dma_start3A_64] : memref<64x80xi32, #tpu.memory_space<vmem>> -> memref<1x80xi32, #tpu.memory_space<vmem>>
        %dma_start3A_66 = tpu.memref_squeeze %dma_start3A_65 : memref<1x80xi32, #tpu.memory_space<vmem>> -> memref<80xi32, #tpu.memory_space<vmem>>
        %dma_start3A_67 = arith.constant 0 : i32
        %dma_start3A_68 = arith.constant 0 : i32
        %dma_start3A_69 = tpu.memref_slice %arg2[%dma_start3A_67, %dma_start3A_68] : memref<10000x128xf32, #tpu.memory_space<hbm>> -> memref<10000x128xf32, #tpu.memory_space<hbm>>
        tpu.enqueue_indirect_dma source(%dma_start3A_69 : memref<10000x128xf32, #tpu.memory_space<hbm>>) target(%arg8 : memref<80x128xf32, #tpu.memory_space<vmem>>) offsets(%dma_start3A_66 : memref<80xi32, #tpu.memory_space<vmem>>) semaphore(%arg11 : memref<!tpu.dma_semaphore, #tpu.memory_space<semaphore_mem>>)
      } else {
      }
      %add3A_51 = arith.constant 1 : i32
      %add3A_52 = arith.addi %mul3A_33, %add3A_51 : i32
      %dma_wait3A_53 = arith.constant 0 : i32
      %dma_wait3A_54 = tpu.memref_slice %arg6[%add3A_52, %dma_wait3A_53] : memref<64x80xi32, #tpu.memory_space<vmem>> -> memref<1x80xi32, #tpu.memory_space<vmem>>
      %dma_wait3A_55 = tpu.memref_squeeze %dma_wait3A_54 : memref<1x80xi32, #tpu.memory_space<vmem>> -> memref<80xi32, #tpu.memory_space<vmem>>
      %dma_wait3A_56 = arith.constant 0 : i32
      %dma_wait3A_57 = arith.constant 0 : i32
      %dma_wait3A_58 = tpu.memref_slice %arg2[%dma_wait3A_56, %dma_wait3A_57] : memref<10000x128xf32, #tpu.memory_space<hbm>> -> memref<10000x128xf32, #tpu.memory_space<hbm>>
      tpu.wait_indirect_dma semaphore(%arg12 : memref<!tpu.dma_semaphore, #tpu.memory_space<semaphore_mem>>) src(%dma_wait3A_58 : memref<10000x128xf32, #tpu.memory_space<hbm>>) dst(%arg9 : memref<80x128xf32, #tpu.memory_space<vmem>>)
      %add3A_59 = arith.constant 1 : i32
      %add3A_60 = arith.addi %mul3A_33, %add3A_59 : i32
      "tpu.region"() ({
        %run_scoped3A = tpu.sem_alloc : memref<!tpu.dma_semaphore, #tpu.memory_space<semaphore_mem>>
        %dma_start3A_62 = arith.constant 0 : i32
        %dma_start3A_63 = tpu.memref_slice %arg7[%add3A_60, %dma_start3A_62] : memref<64x80xi32, #tpu.memory_space<vmem>> -> memref<1x80xi32, #tpu.memory_space<vmem>>
        %dma_start3A_64 = tpu.memref_squeeze %dma_start3A_63 : memref<1x80xi32, #tpu.memory_space<vmem>> -> memref<80xi32, #tpu.memory_space<vmem>>
        %dma_start3A_65 = arith.constant 0 : i32
        %dma_start3A_66 = arith.constant 0 : i32
        %dma_start3A_67 = tpu.memref_slice %arg10[%dma_start3A_65, %dma_start3A_66] : memref<10240x128xf32, #tpu.memory_space<vmem_shared>> -> memref<10240x128xf32, #tpu.memory_space<vmem_shared>>
        tpu.enqueue_indirect_dma source(%arg9 : memref<80x128xf32, #tpu.memory_space<vmem>>) target(%dma_start3A_67 : memref<10240x128xf32, #tpu.memory_space<vmem_shared>>) offsets(%dma_start3A_64 : memref<80xi32, #tpu.memory_space<vmem>>) semaphore(%run_scoped3A : memref<!tpu.dma_semaphore, #tpu.memory_space<semaphore_mem>>) {add = true}
        %dma_wait3A_68 = arith.constant 0 : i32
        %dma_wait3A_69 = tpu.memref_slice %arg7[%add3A_60, %dma_wait3A_68] : memref<64x80xi32, #tpu.memory_space<vmem>> -> memref<1x80xi32, #tpu.memory_space<vmem>>
        %dma_wait3A_70 = tpu.memref_squeeze %dma_wait3A_69 : memref<1x80xi32, #tpu.memory_space<vmem>> -> memref<80xi32, #tpu.memory_space<vmem>>
        %dma_wait3A_71 = arith.constant 0 : i32
        %dma_wait3A_72 = arith.constant 0 : i32
        %dma_wait3A_73 = tpu.memref_slice %arg10[%dma_wait3A_71, %dma_wait3A_72] : memref<10240x128xf32, #tpu.memory_space<vmem_shared>> -> memref<10240x128xf32, #tpu.memory_space<vmem_shared>>
        tpu.wait_indirect_dma semaphore(%run_scoped3A : memref<!tpu.dma_semaphore, #tpu.memory_space<semaphore_mem>>) src(%arg9 : memref<80x128xf32, #tpu.memory_space<vmem>>) dst(%dma_wait3A_73 : memref<10240x128xf32, #tpu.memory_space<vmem_shared>>)
        tpu.yield
      }) : () -> ()
      %scan3A_61 = arith.constant 0 : i32
      scf.yield %scan3A_61 : i32
    }
    %scan3A_28 = arith.constant 32 : i32
    %barrier3A_29 = arith.constant 0 : index
    tpu.barrier barrier_id(%barrier3A_29)
    "tpu.region"() ({
      %run_scoped3A = tpu.sem_alloc : memref<!tpu.dma_semaphore, #tpu.memory_space<semaphore_mem>>
      %dma_start3A_30 = arith.constant 0 : i32
      %dma_start3A_31 = tpu.memref_slice %arg5[%arg0, %mul3A_2, %dma_start3A_30] : memref<2x10240x128xf32, #tpu.memory_space<hbm>> -> memref<1x640x128xf32, #tpu.memory_space<hbm>>
      %dma_start3A_32 = tpu.memref_squeeze %dma_start3A_31 : memref<1x640x128xf32, #tpu.memory_space<hbm>> -> memref<640x128xf32, #tpu.memory_space<hbm>>
      %dma_start3A_33 = arith.constant 0 : i32
      %dma_start3A_34 = tpu.memref_slice %arg10[%mul3A_2, %dma_start3A_33] : memref<10240x128xf32, #tpu.memory_space<vmem_shared>> -> memref<640x128xf32, #tpu.memory_space<vmem_shared>>
      tpu.enqueue_dma source(%dma_start3A_34 : memref<640x128xf32, #tpu.memory_space<vmem_shared>>) target(%dma_start3A_32 : memref<640x128xf32, #tpu.memory_space<hbm>>) target_semaphore(%run_scoped3A : memref<!tpu.dma_semaphore, #tpu.memory_space<semaphore_mem>>)
      %dma_wait3A = arith.constant 0 : i32
      %dma_wait3A_35 = tpu.memref_slice %arg5[%arg0, %mul3A_2, %dma_wait3A] : memref<2x10240x128xf32, #tpu.memory_space<hbm>> -> memref<1x640x128xf32, #tpu.memory_space<hbm>>
      %dma_wait3A_36 = tpu.memref_squeeze %dma_wait3A_35 : memref<1x640x128xf32, #tpu.memory_space<hbm>> -> memref<640x128xf32, #tpu.memory_space<hbm>>
      %dma_wait3A_37 = arith.constant 0 : i32
      %dma_wait3A_38 = tpu.memref_slice %arg10[%mul3A_2, %dma_wait3A_37] : memref<10240x128xf32, #tpu.memory_space<vmem_shared>> -> memref<640x128xf32, #tpu.memory_space<vmem_shared>>
      tpu.wait_dma2 semaphore(%run_scoped3A : memref<!tpu.dma_semaphore, #tpu.memory_space<semaphore_mem>>) src(%dma_wait3A_38 : memref<640x128xf32, #tpu.memory_space<vmem_shared>>) dst(%dma_wait3A_36 : memref<640x128xf32, #tpu.memory_space<hbm>>)
      tpu.yield
    }) : () -> ()
    return
  }
}

#map = affine_map<(d0, d1) -> (0, 0, 0)>
module attributes {stable_mosaic.version = 14 : i64} {
  func.func @body(%arg0: i32, %arg1: i32, %arg2: memref<32x64x80xi32, #tpu.memory_space<hbm>>, %arg3: memref<32x64x80xi32, #tpu.memory_space<hbm>>, %arg4: memref<32x64x80xi32, #tpu.memory_space<hbm>>, %arg5: memref<2x10240x128xf32, #tpu.memory_space<hbm>>, %arg6: memref<2x10240x128xf32, #tpu.memory_space<hbm>>, %arg7: memref<2x10240x128xf32, #tpu.memory_space<hbm>>, %arg8: memref<64x80xi32, #tpu.memory_space<vmem>>, %arg9: memref<80x128xf32, #tpu.memory_space<vmem>>, %arg10: memref<80x128xf32, #tpu.memory_space<vmem>>, %arg11: memref<10240x128xf32, #tpu.memory_space<vmem_shared>>, %arg12: memref<!tpu.dma_semaphore, #tpu.memory_space<semaphore_mem>>) attributes {dimension_semantics = [#tpu.dimension_semantics<core_parallel>, #tpu.dimension_semantics<subcore_parallel>], iteration_bounds = array<i64: 2, 16>, scalar_prefetch = 0 : i64, scratch_operands = 5 : i64, tpu.core_type = #tpu.core_type<sc_vector_subcore>, window_params = [{transform_indices = #map}, {transform_indices = #map}, {transform_indices = #map}, {transform_indices = #map}, {transform_indices = #map}, {transform_indices = #map}]} {
    %mul3A = arith.constant 2 : i32
    %mul3A_0 = arith.muli %arg1, %mul3A : i32
    %add3A = arith.addi %mul3A_0, %arg0 : i32
    %mul3A_1 = arith.constant 640 : i32
    %mul3A_2 = arith.muli %arg1, %mul3A_1 : i32
    %scan3A = arith.constant 0 : i32
    %scan3A_3 = arith.constant 0 : i32
    %scan3A_4 = arith.constant 80 : i32
    %scan3A_5 = arith.addi %scan3A_3, %scan3A_4 : i32
    %scan3A_6 = arith.constant 1 : i32
    %scan3A_7 = scf.for %scan3A_63 = %scan3A_3 to %scan3A_5 step %scan3A_6 iter_args(%scan3A_64 = %scan3A) -> (i32)  : i32 {
      %scan3A_65 = arith.constant 0 : i32
      %scan3A_66 = arith.constant 0 : i32
      %scan3A_67 = arith.constant 8 : i32
      %scan3A_68 = arith.addi %scan3A_66, %scan3A_67 : i32
      %scan3A_69 = arith.constant 1 : i32
      %scan3A_70 = scf.for %scan3A_73 = %scan3A_66 to %scan3A_68 step %scan3A_69 iter_args(%scan3A_74 = %scan3A_65) -> (i32)  : i32 {
        %broadcast_in_dim3A = arith.constant 0.000000e+00 : f32
        %broadcast_in_dim3A_75 = vector.broadcast %broadcast_in_dim3A : f32 to vector<16xf32>
        %mul3A_76 = arith.constant 16 : i32
        %mul3A_77 = arith.muli %scan3A_73, %mul3A_76 : i32
        %swap3A = arith.index_cast %scan3A_63 : i32 to index
        %swap3A_78 = arith.index_cast %mul3A_77 : i32 to index
        %swap3A_79 = tpu.vector_load %arg9[%swap3A, %swap3A_78] {strides = array<i32>} : memref<80x128xf32, #tpu.memory_space<vmem>>, vector<1x16xf32>,
        %swap3A_80 = vector.shape_cast %swap3A_79 : vector<1x16xf32> to vector<16xf32>
        %swap3A_81 = vector.shape_cast %broadcast_in_dim3A_75 : vector<16xf32> to vector<1x16xf32>
        tpu.vector_store %arg9[%swap3A, %swap3A_78], %swap3A_81 {strides = array<i32>} : memref<80x128xf32, #tpu.memory_space<vmem>>, vector<1x16xf32>,
        %scan3A_82 = arith.constant 0 : i32
        scf.yield %scan3A_82 : i32
      }
      %scan3A_71 = arith.constant 8 : i32
      %scan3A_72 = arith.constant 0 : i32
      scf.yield %scan3A_72 : i32
    }
    %scan3A_8 = arith.constant 80 : i32
    %scan3A_9 = arith.constant 0 : i32
    %scan3A_10 = arith.constant 0 : i32
    %scan3A_11 = arith.constant 80 : i32
    %scan3A_12 = arith.addi %scan3A_10, %scan3A_11 : i32
    %scan3A_13 = arith.constant 1 : i32
    %scan3A_14 = scf.for %scan3A_63 = %scan3A_10 to %scan3A_12 step %scan3A_13 iter_args(%scan3A_64 = %scan3A_9) -> (i32)  : i32 {
      %scan3A_65 = arith.constant 0 : i32
      %scan3A_66 = arith.constant 0 : i32
      %scan3A_67 = arith.constant 8 : i32
      %scan3A_68 = arith.addi %scan3A_66, %scan3A_67 : i32
      %scan3A_69 = arith.constant 1 : i32
      %scan3A_70 = scf.for %scan3A_73 = %scan3A_66 to %scan3A_68 step %scan3A_69 iter_args(%scan3A_74 = %scan3A_65) -> (i32)  : i32 {
        %broadcast_in_dim3A = arith.constant 1.000000e+00 : f32
        %broadcast_in_dim3A_75 = vector.broadcast %broadcast_in_dim3A : f32 to vector<16xf32>
        %mul3A_76 = arith.constant 16 : i32
        %mul3A_77 = arith.muli %scan3A_73, %mul3A_76 : i32
        %swap3A = arith.index_cast %scan3A_63 : i32 to index
        %swap3A_78 = arith.index_cast %mul3A_77 : i32 to index
        %swap3A_79 = tpu.vector_load %arg10[%swap3A, %swap3A_78] {strides = array<i32>} : memref<80x128xf32, #tpu.memory_space<vmem>>, vector<1x16xf32>,
        %swap3A_80 = vector.shape_cast %swap3A_79 : vector<1x16xf32> to vector<16xf32>
        %swap3A_81 = vector.shape_cast %broadcast_in_dim3A_75 : vector<16xf32> to vector<1x16xf32>
        tpu.vector_store %arg10[%swap3A, %swap3A_78], %swap3A_81 {strides = array<i32>} : memref<80x128xf32, #tpu.memory_space<vmem>>, vector<1x16xf32>,
        %scan3A_82 = arith.constant 0 : i32
        scf.yield %scan3A_82 : i32
      }
      %scan3A_71 = arith.constant 8 : i32
      %scan3A_72 = arith.constant 0 : i32
      scf.yield %scan3A_72 : i32
    }
    %scan3A_15 = arith.constant 80 : i32
    %scan3A_16 = arith.constant 0 : i32
    %scan3A_17 = arith.constant 0 : i32
    %scan3A_18 = arith.constant 8 : i32
    %scan3A_19 = arith.addi %scan3A_17, %scan3A_18 : i32
    %scan3A_20 = arith.constant 1 : i32
    %scan3A_21 = scf.for %scan3A_63 = %scan3A_17 to %scan3A_19 step %scan3A_20 iter_args(%scan3A_64 = %scan3A_16) -> (i32)  : i32 {
      %mul3A_65 = arith.constant 80 : i32
      %mul3A_66 = arith.muli %scan3A_63, %mul3A_65 : i32
      %add3A_67 = arith.addi %mul3A_2, %mul3A_66 : i32
      "tpu.region"() ({
        %run_scoped3A = tpu.sem_alloc : memref<!tpu.dma_semaphore, #tpu.memory_space<semaphore_mem>>
        %dma_start3A = arith.constant 0 : i32
        %dma_start3A_69 = tpu.memref_slice %arg11[%add3A_67, %dma_start3A] : memref<10240x128xf32, #tpu.memory_space<vmem_shared>> -> memref<80x128xf32, #tpu.memory_space<vmem_shared>>
        %dma_start3A_70 = arith.constant 0 : i32
        %dma_start3A_71 = tpu.memref_slice %arg11[%add3A_67, %dma_start3A_70] : memref<10240x128xf32, #tpu.memory_space<vmem_shared>> -> memref<80x128xf32, #tpu.memory_space<vmem_shared>>
        tpu.enqueue_dma source(%arg9 : memref<80x128xf32, #tpu.memory_space<vmem>>) target(%dma_start3A_71 : memref<80x128xf32, #tpu.memory_space<vmem_shared>>) target_semaphore(%run_scoped3A : memref<!tpu.dma_semaphore, #tpu.memory_space<semaphore_mem>>)
        %dma_wait3A = arith.constant 0 : i32
        %dma_wait3A_72 = tpu.memref_slice %arg11[%add3A_67, %dma_wait3A] : memref<10240x128xf32, #tpu.memory_space<vmem_shared>> -> memref<80x128xf32, #tpu.memory_space<vmem_shared>>
        %dma_wait3A_73 = arith.constant 0 : i32
        %dma_wait3A_74 = tpu.memref_slice %arg11[%add3A_67, %dma_wait3A_73] : memref<10240x128xf32, #tpu.memory_space<vmem_shared>> -> memref<80x128xf32, #tpu.memory_space<vmem_shared>>
        tpu.wait_dma2 semaphore(%run_scoped3A : memref<!tpu.dma_semaphore, #tpu.memory_space<semaphore_mem>>) src(%arg9 : memref<80x128xf32, #tpu.memory_space<vmem>>) dst(%dma_wait3A_74 : memref<80x128xf32, #tpu.memory_space<vmem_shared>>)
        tpu.yield
      }) : () -> ()
      %scan3A_68 = arith.constant 0 : i32
      scf.yield %scan3A_68 : i32
    }
    %scan3A_22 = arith.constant 8 : i32
    "tpu.region"() ({
      %run_scoped3A = tpu.sem_alloc : memref<!tpu.dma_semaphore, #tpu.memory_space<semaphore_mem>>
      %dma_start3A = arith.constant 0 : i32
      %dma_start3A_63 = arith.constant 0 : i32
      %dma_start3A_64 = tpu.memref_slice %arg2[%add3A, %dma_start3A, %dma_start3A_63] : memref<32x64x80xi32, #tpu.memory_space<hbm>> -> memref<1x64x80xi32, #tpu.memory_space<hbm>>
      %dma_start3A_65 = tpu.memref_squeeze %dma_start3A_64 : memref<1x64x80xi32, #tpu.memory_space<hbm>> -> memref<64x80xi32, #tpu.memory_space<hbm>>
      %dma_start3A_66 = arith.constant 0 : i32
      %dma_start3A_67 = arith.constant 0 : i32
      %dma_start3A_68 = tpu.memref_slice %arg2[%add3A, %dma_start3A_66, %dma_start3A_67] : memref<32x64x80xi32, #tpu.memory_space<hbm>> -> memref<1x64x80xi32, #tpu.memory_space<hbm>>
      %dma_start3A_69 = tpu.memref_squeeze %dma_start3A_68 : memref<1x64x80xi32, #tpu.memory_space<hbm>> -> memref<64x80xi32, #tpu.memory_space<hbm>>
      tpu.enqueue_dma source(%dma_start3A_69 : memref<64x80xi32, #tpu.memory_space<hbm>>) target(%arg8 : memref<64x80xi32, #tpu.memory_space<vmem>>) target_semaphore(%run_scoped3A : memref<!tpu.dma_semaphore, #tpu.memory_space<semaphore_mem>>)
      %dma_wait3A = arith.constant 0 : i32
      %dma_wait3A_70 = arith.constant 0 : i32
      %dma_wait3A_71 = tpu.memref_slice %arg2[%add3A, %dma_wait3A, %dma_wait3A_70] : memref<32x64x80xi32, #tpu.memory_space<hbm>> -> memref<1x64x80xi32, #tpu.memory_space<hbm>>
      %dma_wait3A_72 = tpu.memref_squeeze %dma_wait3A_71 : memref<1x64x80xi32, #tpu.memory_space<hbm>> -> memref<64x80xi32, #tpu.memory_space<hbm>>
      %dma_wait3A_73 = arith.constant 0 : i32
      %dma_wait3A_74 = arith.constant 0 : i32
      %dma_wait3A_75 = tpu.memref_slice %arg2[%add3A, %dma_wait3A_73, %dma_wait3A_74] : memref<32x64x80xi32, #tpu.memory_space<hbm>> -> memref<1x64x80xi32, #tpu.memory_space<hbm>>
      %dma_wait3A_76 = tpu.memref_squeeze %dma_wait3A_75 : memref<1x64x80xi32, #tpu.memory_space<hbm>> -> memref<64x80xi32, #tpu.memory_space<hbm>>
      tpu.wait_dma2 semaphore(%run_scoped3A : memref<!tpu.dma_semaphore, #tpu.memory_space<semaphore_mem>>) src(%dma_wait3A_76 : memref<64x80xi32, #tpu.memory_space<hbm>>) dst(%arg8 : memref<64x80xi32, #tpu.memory_space<vmem>>)
      tpu.yield
    }) : () -> ()
    %barrier3A = arith.constant 0 : index
    tpu.barrier barrier_id(%barrier3A)
    %scan3A_23 = arith.constant 0 : i32
    %scan3A_24 = arith.constant 0 : i32
    %scan3A_25 = arith.constant 8 : i32
    %scan3A_26 = arith.addi %scan3A_24, %scan3A_25 : i32
    %scan3A_27 = arith.constant 1 : i32
    %scan3A_28 = scf.for %scan3A_63 = %scan3A_24 to %scan3A_26 step %scan3A_27 iter_args(%scan3A_64 = %scan3A_23) -> (i32)  : i32 {
      %mul3A_65 = arith.constant 8 : i32
      %mul3A_66 = arith.muli %mul3A_65, %scan3A_63 : i32
      %add3A_67 = arith.constant 0 : i32
      %add3A_68 = arith.addi %mul3A_66, %add3A_67 : i32
      %dma_start3A = arith.constant 0 : i32
      %dma_start3A_69 = tpu.memref_slice %arg8[%add3A_68, %dma_start3A] : memref<64x80xi32, #tpu.memory_space<vmem>> -> memref<1x80xi32, #tpu.memory_space<vmem>>
      %dma_start3A_70 = tpu.memref_squeeze %dma_start3A_69 : memref<1x80xi32, #tpu.memory_space<vmem>> -> memref<80xi32, #tpu.memory_space<vmem>>
      %dma_start3A_71 = arith.constant 0 : i32
      %dma_start3A_72 = arith.constant 0 : i32
      %dma_start3A_73 = tpu.memref_slice %arg11[%dma_start3A_71, %dma_start3A_72] : memref<10240x128xf32, #tpu.memory_space<vmem_shared>> -> memref<10240x128xf32, #tpu.memory_space<vmem_shared>>
      tpu.enqueue_indirect_dma source(%arg10 : memref<80x128xf32, #tpu.memory_space<vmem>>) target(%dma_start3A_73 : memref<10240x128xf32, #tpu.memory_space<vmem_shared>>) offsets(%dma_start3A_70 : memref<80xi32, #tpu.memory_space<vmem>>) semaphore(%arg12 : memref<!tpu.dma_semaphore, #tpu.memory_space<semaphore_mem>>) {add = true}
      %mul3A_74 = arith.constant 8 : i32
      %mul3A_75 = arith.muli %mul3A_74, %scan3A_63 : i32
      %add3A_76 = arith.constant 1 : i32
      %add3A_77 = arith.addi %mul3A_75, %add3A_76 : i32
      %dma_start3A_78 = arith.constant 0 : i32
      %dma_start3A_79 = tpu.memref_slice %arg8[%add3A_77, %dma_start3A_78] : memref<64x80xi32, #tpu.memory_space<vmem>> -> memref<1x80xi32, #tpu.memory_space<vmem>>
      %dma_start3A_80 = tpu.memref_squeeze %dma_start3A_79 : memref<1x80xi32, #tpu.memory_space<vmem>> -> memref<80xi32, #tpu.memory_space<vmem>>
      %dma_start3A_81 = arith.constant 0 : i32
      %dma_start3A_82 = arith.constant 0 : i32
      %dma_start3A_83 = tpu.memref_slice %arg11[%dma_start3A_81, %dma_start3A_82] : memref<10240x128xf32, #tpu.memory_space<vmem_shared>> -> memref<10240x128xf32, #tpu.memory_space<vmem_shared>>
      tpu.enqueue_indirect_dma source(%arg10 : memref<80x128xf32, #tpu.memory_space<vmem>>) target(%dma_start3A_83 : memref<10240x128xf32, #tpu.memory_space<vmem_shared>>) offsets(%dma_start3A_80 : memref<80xi32, #tpu.memory_space<vmem>>) semaphore(%arg12 : memref<!tpu.dma_semaphore, #tpu.memory_space<semaphore_mem>>) {add = true}
      %mul3A_84 = arith.constant 8 : i32
      %mul3A_85 = arith.muli %mul3A_84, %scan3A_63 : i32
      %add3A_86 = arith.constant 2 : i32
      %add3A_87 = arith.addi %mul3A_85, %add3A_86 : i32
      %dma_start3A_88 = arith.constant 0 : i32
      %dma_start3A_89 = tpu.memref_slice %arg8[%add3A_87, %dma_start3A_88] : memref<64x80xi32, #tpu.memory_space<vmem>> -> memref<1x80xi32, #tpu.memory_space<vmem>>
      %dma_start3A_90 = tpu.memref_squeeze %dma_start3A_89 : memref<1x80xi32, #tpu.memory_space<vmem>> -> memref<80xi32, #tpu.memory_space<vmem>>
      %dma_start3A_91 = arith.constant 0 : i32
      %dma_start3A_92 = arith.constant 0 : i32
      %dma_start3A_93 = tpu.memref_slice %arg11[%dma_start3A_91, %dma_start3A_92] : memref<10240x128xf32, #tpu.memory_space<vmem_shared>> -> memref<10240x128xf32, #tpu.memory_space<vmem_shared>>
      tpu.enqueue_indirect_dma source(%arg10 : memref<80x128xf32, #tpu.memory_space<vmem>>) target(%dma_start3A_93 : memref<10240x128xf32, #tpu.memory_space<vmem_shared>>) offsets(%dma_start3A_90 : memref<80xi32, #tpu.memory_space<vmem>>) semaphore(%arg12 : memref<!tpu.dma_semaphore, #tpu.memory_space<semaphore_mem>>) {add = true}
      %mul3A_94 = arith.constant 8 : i32
      %mul3A_95 = arith.muli %mul3A_94, %scan3A_63 : i32
      %add3A_96 = arith.constant 3 : i32
      %add3A_97 = arith.addi %mul3A_95, %add3A_96 : i32
      %dma_start3A_98 = arith.constant 0 : i32
      %dma_start3A_99 = tpu.memref_slice %arg8[%add3A_97, %dma_start3A_98] : memref<64x80xi32, #tpu.memory_space<vmem>> -> memref<1x80xi32, #tpu.memory_space<vmem>>
      %dma_start3A_100 = tpu.memref_squeeze %dma_start3A_99 : memref<1x80xi32, #tpu.memory_space<vmem>> -> memref<80xi32, #tpu.memory_space<vmem>>
      %dma_start3A_101 = arith.constant 0 : i32
      %dma_start3A_102 = arith.constant 0 : i32
      %dma_start3A_103 = tpu.memref_slice %arg11[%dma_start3A_101, %dma_start3A_102] : memref<10240x128xf32, #tpu.memory_space<vmem_shared>> -> memref<10240x128xf32, #tpu.memory_space<vmem_shared>>
      tpu.enqueue_indirect_dma source(%arg10 : memref<80x128xf32, #tpu.memory_space<vmem>>) target(%dma_start3A_103 : memref<10240x128xf32, #tpu.memory_space<vmem_shared>>) offsets(%dma_start3A_100 : memref<80xi32, #tpu.memory_space<vmem>>) semaphore(%arg12 : memref<!tpu.dma_semaphore, #tpu.memory_space<semaphore_mem>>) {add = true}
      %mul3A_104 = arith.constant 8 : i32
      %mul3A_105 = arith.muli %mul3A_104, %scan3A_63 : i32
      %add3A_106 = arith.constant 4 : i32
      %add3A_107 = arith.addi %mul3A_105, %add3A_106 : i32
      %dma_start3A_108 = arith.constant 0 : i32
      %dma_start3A_109 = tpu.memref_slice %arg8[%add3A_107, %dma_start3A_108] : memref<64x80xi32, #tpu.memory_space<vmem>> -> memref<1x80xi32, #tpu.memory_space<vmem>>
      %dma_start3A_110 = tpu.memref_squeeze %dma_start3A_109 : memref<1x80xi32, #tpu.memory_space<vmem>> -> memref<80xi32, #tpu.memory_space<vmem>>
      %dma_start3A_111 = arith.constant 0 : i32
      %dma_start3A_112 = arith.constant 0 : i32
      %dma_start3A_113 = tpu.memref_slice %arg11[%dma_start3A_111, %dma_start3A_112] : memref<10240x128xf32, #tpu.memory_space<vmem_shared>> -> memref<10240x128xf32, #tpu.memory_space<vmem_shared>>
      tpu.enqueue_indirect_dma source(%arg10 : memref<80x128xf32, #tpu.memory_space<vmem>>) target(%dma_start3A_113 : memref<10240x128xf32, #tpu.memory_space<vmem_shared>>) offsets(%dma_start3A_110 : memref<80xi32, #tpu.memory_space<vmem>>) semaphore(%arg12 : memref<!tpu.dma_semaphore, #tpu.memory_space<semaphore_mem>>) {add = true}
      %mul3A_114 = arith.constant 8 : i32
      %mul3A_115 = arith.muli %mul3A_114, %scan3A_63 : i32
      %add3A_116 = arith.constant 5 : i32
      %add3A_117 = arith.addi %mul3A_115, %add3A_116 : i32
      %dma_start3A_118 = arith.constant 0 : i32
      %dma_start3A_119 = tpu.memref_slice %arg8[%add3A_117, %dma_start3A_118] : memref<64x80xi32, #tpu.memory_space<vmem>> -> memref<1x80xi32, #tpu.memory_space<vmem>>
      %dma_start3A_120 = tpu.memref_squeeze %dma_start3A_119 : memref<1x80xi32, #tpu.memory_space<vmem>> -> memref<80xi32, #tpu.memory_space<vmem>>
      %dma_start3A_121 = arith.constant 0 : i32
      %dma_start3A_122 = arith.constant 0 : i32
      %dma_start3A_123 = tpu.memref_slice %arg11[%dma_start3A_121, %dma_start3A_122] : memref<10240x128xf32, #tpu.memory_space<vmem_shared>> -> memref<10240x128xf32, #tpu.memory_space<vmem_shared>>
      tpu.enqueue_indirect_dma source(%arg10 : memref<80x128xf32, #tpu.memory_space<vmem>>) target(%dma_start3A_123 : memref<10240x128xf32, #tpu.memory_space<vmem_shared>>) offsets(%dma_start3A_120 : memref<80xi32, #tpu.memory_space<vmem>>) semaphore(%arg12 : memref<!tpu.dma_semaphore, #tpu.memory_space<semaphore_mem>>) {add = true}
      %mul3A_124 = arith.constant 8 : i32
      %mul3A_125 = arith.muli %mul3A_124, %scan3A_63 : i32
      %add3A_126 = arith.constant 6 : i32
      %add3A_127 = arith.addi %mul3A_125, %add3A_126 : i32
      %dma_start3A_128 = arith.constant 0 : i32
      %dma_start3A_129 = tpu.memref_slice %arg8[%add3A_127, %dma_start3A_128] : memref<64x80xi32, #tpu.memory_space<vmem>> -> memref<1x80xi32, #tpu.memory_space<vmem>>
      %dma_start3A_130 = tpu.memref_squeeze %dma_start3A_129 : memref<1x80xi32, #tpu.memory_space<vmem>> -> memref<80xi32, #tpu.memory_space<vmem>>
      %dma_start3A_131 = arith.constant 0 : i32
      %dma_start3A_132 = arith.constant 0 : i32
      %dma_start3A_133 = tpu.memref_slice %arg11[%dma_start3A_131, %dma_start3A_132] : memref<10240x128xf32, #tpu.memory_space<vmem_shared>> -> memref<10240x128xf32, #tpu.memory_space<vmem_shared>>
      tpu.enqueue_indirect_dma source(%arg10 : memref<80x128xf32, #tpu.memory_space<vmem>>) target(%dma_start3A_133 : memref<10240x128xf32, #tpu.memory_space<vmem_shared>>) offsets(%dma_start3A_130 : memref<80xi32, #tpu.memory_space<vmem>>) semaphore(%arg12 : memref<!tpu.dma_semaphore, #tpu.memory_space<semaphore_mem>>) {add = true}
      %mul3A_134 = arith.constant 8 : i32
      %mul3A_135 = arith.muli %mul3A_134, %scan3A_63 : i32
      %add3A_136 = arith.constant 7 : i32
      %add3A_137 = arith.addi %mul3A_135, %add3A_136 : i32
      %dma_start3A_138 = arith.constant 0 : i32
      %dma_start3A_139 = tpu.memref_slice %arg8[%add3A_137, %dma_start3A_138] : memref<64x80xi32, #tpu.memory_space<vmem>> -> memref<1x80xi32, #tpu.memory_space<vmem>>
      %dma_start3A_140 = tpu.memref_squeeze %dma_start3A_139 : memref<1x80xi32, #tpu.memory_space<vmem>> -> memref<80xi32, #tpu.memory_space<vmem>>
      %dma_start3A_141 = arith.constant 0 : i32
      %dma_start3A_142 = arith.constant 0 : i32
      %dma_start3A_143 = tpu.memref_slice %arg11[%dma_start3A_141, %dma_start3A_142] : memref<10240x128xf32, #tpu.memory_space<vmem_shared>> -> memref<10240x128xf32, #tpu.memory_space<vmem_shared>>
      tpu.enqueue_indirect_dma source(%arg10 : memref<80x128xf32, #tpu.memory_space<vmem>>) target(%dma_start3A_143 : memref<10240x128xf32, #tpu.memory_space<vmem_shared>>) offsets(%dma_start3A_140 : memref<80xi32, #tpu.memory_space<vmem>>) semaphore(%arg12 : memref<!tpu.dma_semaphore, #tpu.memory_space<semaphore_mem>>) {add = true}
      %mul3A_144 = arith.constant 8 : i32
      %mul3A_145 = arith.muli %mul3A_144, %scan3A_63 : i32
      %add3A_146 = arith.constant 0 : i32
      %add3A_147 = arith.addi %mul3A_145, %add3A_146 : i32
      %dma_wait3A = arith.constant 0 : i32
      %dma_wait3A_148 = tpu.memref_slice %arg8[%add3A_147, %dma_wait3A] : memref<64x80xi32, #tpu.memory_space<vmem>> -> memref<1x80xi32, #tpu.memory_space<vmem>>
      %dma_wait3A_149 = tpu.memref_squeeze %dma_wait3A_148 : memref<1x80xi32, #tpu.memory_space<vmem>> -> memref<80xi32, #tpu.memory_space<vmem>>
      %dma_wait3A_150 = arith.constant 0 : i32
      %dma_wait3A_151 = arith.constant 0 : i32
      %dma_wait3A_152 = tpu.memref_slice %arg11[%dma_wait3A_150, %dma_wait3A_151] : memref<10240x128xf32, #tpu.memory_space<vmem_shared>> -> memref<10240x128xf32, #tpu.memory_space<vmem_shared>>
      tpu.wait_indirect_dma semaphore(%arg12 : memref<!tpu.dma_semaphore, #tpu.memory_space<semaphore_mem>>) src(%arg10 : memref<80x128xf32, #tpu.memory_space<vmem>>) dst(%dma_wait3A_152 : memref<10240x128xf32, #tpu.memory_space<vmem_shared>>)
      %mul3A_153 = arith.constant 8 : i32
      %mul3A_154 = arith.muli %mul3A_153, %scan3A_63 : i32
      %add3A_155 = arith.constant 1 : i32
      %add3A_156 = arith.addi %mul3A_154, %add3A_155 : i32
      %dma_wait3A_157 = arith.constant 0 : i32
      %dma_wait3A_158 = tpu.memref_slice %arg8[%add3A_156, %dma_wait3A_157] : memref<64x80xi32, #tpu.memory_space<vmem>> -> memref<1x80xi32, #tpu.memory_space<vmem>>
      %dma_wait3A_159 = tpu.memref_squeeze %dma_wait3A_158 : memref<1x80xi32, #tpu.memory_space<vmem>> -> memref<80xi32, #tpu.memory_space<vmem>>
      %dma_wait3A_160 = arith.constant 0 : i32
      %dma_wait3A_161 = arith.constant 0 : i32
      %dma_wait3A_162 = tpu.memref_slice %arg11[%dma_wait3A_160, %dma_wait3A_161] : memref<10240x128xf32, #tpu.memory_space<vmem_shared>> -> memref<10240x128xf32, #tpu.memory_space<vmem_shared>>
      tpu.wait_indirect_dma semaphore(%arg12 : memref<!tpu.dma_semaphore, #tpu.memory_space<semaphore_mem>>) src(%arg10 : memref<80x128xf32, #tpu.memory_space<vmem>>) dst(%dma_wait3A_162 : memref<10240x128xf32, #tpu.memory_space<vmem_shared>>)
      %mul3A_163 = arith.constant 8 : i32
      %mul3A_164 = arith.muli %mul3A_163, %scan3A_63 : i32
      %add3A_165 = arith.constant 2 : i32
      %add3A_166 = arith.addi %mul3A_164, %add3A_165 : i32
      %dma_wait3A_167 = arith.constant 0 : i32
      %dma_wait3A_168 = tpu.memref_slice %arg8[%add3A_166, %dma_wait3A_167] : memref<64x80xi32, #tpu.memory_space<vmem>> -> memref<1x80xi32, #tpu.memory_space<vmem>>
      %dma_wait3A_169 = tpu.memref_squeeze %dma_wait3A_168 : memref<1x80xi32, #tpu.memory_space<vmem>> -> memref<80xi32, #tpu.memory_space<vmem>>
      %dma_wait3A_170 = arith.constant 0 : i32
      %dma_wait3A_171 = arith.constant 0 : i32
      %dma_wait3A_172 = tpu.memref_slice %arg11[%dma_wait3A_170, %dma_wait3A_171] : memref<10240x128xf32, #tpu.memory_space<vmem_shared>> -> memref<10240x128xf32, #tpu.memory_space<vmem_shared>>
      tpu.wait_indirect_dma semaphore(%arg12 : memref<!tpu.dma_semaphore, #tpu.memory_space<semaphore_mem>>) src(%arg10 : memref<80x128xf32, #tpu.memory_space<vmem>>) dst(%dma_wait3A_172 : memref<10240x128xf32, #tpu.memory_space<vmem_shared>>)
      %mul3A_173 = arith.constant 8 : i32
      %mul3A_174 = arith.muli %mul3A_173, %scan3A_63 : i32
      %add3A_175 = arith.constant 3 : i32
      %add3A_176 = arith.addi %mul3A_174, %add3A_175 : i32
      %dma_wait3A_177 = arith.constant 0 : i32
      %dma_wait3A_178 = tpu.memref_slice %arg8[%add3A_176, %dma_wait3A_177] : memref<64x80xi32, #tpu.memory_space<vmem>> -> memref<1x80xi32, #tpu.memory_space<vmem>>
      %dma_wait3A_179 = tpu.memref_squeeze %dma_wait3A_178 : memref<1x80xi32, #tpu.memory_space<vmem>> -> memref<80xi32, #tpu.memory_space<vmem>>
      %dma_wait3A_180 = arith.constant 0 : i32
      %dma_wait3A_181 = arith.constant 0 : i32
      %dma_wait3A_182 = tpu.memref_slice %arg11[%dma_wait3A_180, %dma_wait3A_181] : memref<10240x128xf32, #tpu.memory_space<vmem_shared>> -> memref<10240x128xf32, #tpu.memory_space<vmem_shared>>
      tpu.wait_indirect_dma semaphore(%arg12 : memref<!tpu.dma_semaphore, #tpu.memory_space<semaphore_mem>>) src(%arg10 : memref<80x128xf32, #tpu.memory_space<vmem>>) dst(%dma_wait3A_182 : memref<10240x128xf32, #tpu.memory_space<vmem_shared>>)
      %mul3A_183 = arith.constant 8 : i32
      %mul3A_184 = arith.muli %mul3A_183, %scan3A_63 : i32
      %add3A_185 = arith.constant 4 : i32
      %add3A_186 = arith.addi %mul3A_184, %add3A_185 : i32
      %dma_wait3A_187 = arith.constant 0 : i32
      %dma_wait3A_188 = tpu.memref_slice %arg8[%add3A_186, %dma_wait3A_187] : memref<64x80xi32, #tpu.memory_space<vmem>> -> memref<1x80xi32, #tpu.memory_space<vmem>>
      %dma_wait3A_189 = tpu.memref_squeeze %dma_wait3A_188 : memref<1x80xi32, #tpu.memory_space<vmem>> -> memref<80xi32, #tpu.memory_space<vmem>>
      %dma_wait3A_190 = arith.constant 0 : i32
      %dma_wait3A_191 = arith.constant 0 : i32
      %dma_wait3A_192 = tpu.memref_slice %arg11[%dma_wait3A_190, %dma_wait3A_191] : memref<10240x128xf32, #tpu.memory_space<vmem_shared>> -> memref<10240x128xf32, #tpu.memory_space<vmem_shared>>
      tpu.wait_indirect_dma semaphore(%arg12 : memref<!tpu.dma_semaphore, #tpu.memory_space<semaphore_mem>>) src(%arg10 : memref<80x128xf32, #tpu.memory_space<vmem>>) dst(%dma_wait3A_192 : memref<10240x128xf32, #tpu.memory_space<vmem_shared>>)
      %mul3A_193 = arith.constant 8 : i32
      %mul3A_194 = arith.muli %mul3A_193, %scan3A_63 : i32
      %add3A_195 = arith.constant 5 : i32
      %add3A_196 = arith.addi %mul3A_194, %add3A_195 : i32
      %dma_wait3A_197 = arith.constant 0 : i32
      %dma_wait3A_198 = tpu.memref_slice %arg8[%add3A_196, %dma_wait3A_197] : memref<64x80xi32, #tpu.memory_space<vmem>> -> memref<1x80xi32, #tpu.memory_space<vmem>>
      %dma_wait3A_199 = tpu.memref_squeeze %dma_wait3A_198 : memref<1x80xi32, #tpu.memory_space<vmem>> -> memref<80xi32, #tpu.memory_space<vmem>>
      %dma_wait3A_200 = arith.constant 0 : i32
      %dma_wait3A_201 = arith.constant 0 : i32
      %dma_wait3A_202 = tpu.memref_slice %arg11[%dma_wait3A_200, %dma_wait3A_201] : memref<10240x128xf32, #tpu.memory_space<vmem_shared>> -> memref<10240x128xf32, #tpu.memory_space<vmem_shared>>
      tpu.wait_indirect_dma semaphore(%arg12 : memref<!tpu.dma_semaphore, #tpu.memory_space<semaphore_mem>>) src(%arg10 : memref<80x128xf32, #tpu.memory_space<vmem>>) dst(%dma_wait3A_202 : memref<10240x128xf32, #tpu.memory_space<vmem_shared>>)
      %mul3A_203 = arith.constant 8 : i32
      %mul3A_204 = arith.muli %mul3A_203, %scan3A_63 : i32
      %add3A_205 = arith.constant 6 : i32
      %add3A_206 = arith.addi %mul3A_204, %add3A_205 : i32
      %dma_wait3A_207 = arith.constant 0 : i32
      %dma_wait3A_208 = tpu.memref_slice %arg8[%add3A_206, %dma_wait3A_207] : memref<64x80xi32, #tpu.memory_space<vmem>> -> memref<1x80xi32, #tpu.memory_space<vmem>>
      %dma_wait3A_209 = tpu.memref_squeeze %dma_wait3A_208 : memref<1x80xi32, #tpu.memory_space<vmem>> -> memref<80xi32, #tpu.memory_space<vmem>>
      %dma_wait3A_210 = arith.constant 0 : i32
      %dma_wait3A_211 = arith.constant 0 : i32
      %dma_wait3A_212 = tpu.memref_slice %arg11[%dma_wait3A_210, %dma_wait3A_211] : memref<10240x128xf32, #tpu.memory_space<vmem_shared>> -> memref<10240x128xf32, #tpu.memory_space<vmem_shared>>
      tpu.wait_indirect_dma semaphore(%arg12 : memref<!tpu.dma_semaphore, #tpu.memory_space<semaphore_mem>>) src(%arg10 : memref<80x128xf32, #tpu.memory_space<vmem>>) dst(%dma_wait3A_212 : memref<10240x128xf32, #tpu.memory_space<vmem_shared>>)
      %mul3A_213 = arith.constant 8 : i32
      %mul3A_214 = arith.muli %mul3A_213, %scan3A_63 : i32
      %add3A_215 = arith.constant 7 : i32
      %add3A_216 = arith.addi %mul3A_214, %add3A_215 : i32
      %dma_wait3A_217 = arith.constant 0 : i32
      %dma_wait3A_218 = tpu.memref_slice %arg8[%add3A_216, %dma_wait3A_217] : memref<64x80xi32, #tpu.memory_space<vmem>> -> memref<1x80xi32, #tpu.memory_space<vmem>>
      %dma_wait3A_219 = tpu.memref_squeeze %dma_wait3A_218 : memref<1x80xi32, #tpu.memory_space<vmem>> -> memref<80xi32, #tpu.memory_space<vmem>>
      %dma_wait3A_220 = arith.constant 0 : i32
      %dma_wait3A_221 = arith.constant 0 : i32
      %dma_wait3A_222 = tpu.memref_slice %arg11[%dma_wait3A_220, %dma_wait3A_221] : memref<10240x128xf32, #tpu.memory_space<vmem_shared>> -> memref<10240x128xf32, #tpu.memory_space<vmem_shared>>
      tpu.wait_indirect_dma semaphore(%arg12 : memref<!tpu.dma_semaphore, #tpu.memory_space<semaphore_mem>>) src(%arg10 : memref<80x128xf32, #tpu.memory_space<vmem>>) dst(%dma_wait3A_222 : memref<10240x128xf32, #tpu.memory_space<vmem_shared>>)
      %scan3A_223 = arith.constant 0 : i32
      scf.yield %scan3A_223 : i32
    }
    %scan3A_29 = arith.constant 8 : i32
    %barrier3A_30 = arith.constant 0 : index
    tpu.barrier barrier_id(%barrier3A_30)
    "tpu.region"() ({
      %run_scoped3A = tpu.sem_alloc : memref<!tpu.dma_semaphore, #tpu.memory_space<semaphore_mem>>
      %dma_start3A = arith.constant 0 : i32
      %dma_start3A_63 = tpu.memref_slice %arg5[%arg0, %mul3A_2, %dma_start3A] : memref<2x10240x128xf32, #tpu.memory_space<hbm>> -> memref<1x640x128xf32, #tpu.memory_space<hbm>>
      %dma_start3A_64 = tpu.memref_squeeze %dma_start3A_63 : memref<1x640x128xf32, #tpu.memory_space<hbm>> -> memref<640x128xf32, #tpu.memory_space<hbm>>
      %dma_start3A_65 = arith.constant 0 : i32
      %dma_start3A_66 = tpu.memref_slice %arg11[%mul3A_2, %dma_start3A_65] : memref<10240x128xf32, #tpu.memory_space<vmem_shared>> -> memref<640x128xf32, #tpu.memory_space<vmem_shared>>
      tpu.enqueue_dma source(%dma_start3A_66 : memref<640x128xf32, #tpu.memory_space<vmem_shared>>) target(%dma_start3A_64 : memref<640x128xf32, #tpu.memory_space<hbm>>) target_semaphore(%run_scoped3A : memref<!tpu.dma_semaphore, #tpu.memory_space<semaphore_mem>>)
      %dma_wait3A = arith.constant 0 : i32
      %dma_wait3A_67 = tpu.memref_slice %arg5[%arg0, %mul3A_2, %dma_wait3A] : memref<2x10240x128xf32, #tpu.memory_space<hbm>> -> memref<1x640x128xf32, #tpu.memory_space<hbm>>
      %dma_wait3A_68 = tpu.memref_squeeze %dma_wait3A_67 : memref<1x640x128xf32, #tpu.memory_space<hbm>> -> memref<640x128xf32, #tpu.memory_space<hbm>>
      %dma_wait3A_69 = arith.constant 0 : i32
      %dma_wait3A_70 = tpu.memref_slice %arg11[%mul3A_2, %dma_wait3A_69] : memref<10240x128xf32, #tpu.memory_space<vmem_shared>> -> memref<640x128xf32, #tpu.memory_space<vmem_shared>>
      tpu.wait_dma2 semaphore(%run_scoped3A : memref<!tpu.dma_semaphore, #tpu.memory_space<semaphore_mem>>) src(%dma_wait3A_70 : memref<640x128xf32, #tpu.memory_space<vmem_shared>>) dst(%dma_wait3A_68 : memref<640x128xf32, #tpu.memory_space<hbm>>)
      tpu.yield
    }) : () -> ()
    %scan3A_31 = arith.constant 0 : i32
    %scan3A_32 = arith.constant 0 : i32
    %scan3A_33 = arith.constant 8 : i32
    %scan3A_34 = arith.addi %scan3A_32, %scan3A_33 : i32
    %scan3A_35 = arith.constant 1 : i32
    %scan3A_36 = scf.for %scan3A_63 = %scan3A_32 to %scan3A_34 step %scan3A_35 iter_args(%scan3A_64 = %scan3A_31) -> (i32)  : i32 {
      %mul3A_65 = arith.constant 80 : i32
      %mul3A_66 = arith.muli %scan3A_63, %mul3A_65 : i32
      %add3A_67 = arith.addi %mul3A_2, %mul3A_66 : i32
      "tpu.region"() ({
        %run_scoped3A = tpu.sem_alloc : memref<!tpu.dma_semaphore, #tpu.memory_space<semaphore_mem>>
        %dma_start3A = arith.constant 0 : i32
        %dma_start3A_69 = tpu.memref_slice %arg11[%add3A_67, %dma_start3A] : memref<10240x128xf32, #tpu.memory_space<vmem_shared>> -> memref<80x128xf32, #tpu.memory_space<vmem_shared>>
        %dma_start3A_70 = arith.constant 0 : i32
        %dma_start3A_71 = tpu.memref_slice %arg11[%add3A_67, %dma_start3A_70] : memref<10240x128xf32, #tpu.memory_space<vmem_shared>> -> memref<80x128xf32, #tpu.memory_space<vmem_shared>>
        tpu.enqueue_dma source(%arg9 : memref<80x128xf32, #tpu.memory_space<vmem>>) target(%dma_start3A_71 : memref<80x128xf32, #tpu.memory_space<vmem_shared>>) target_semaphore(%run_scoped3A : memref<!tpu.dma_semaphore, #tpu.memory_space<semaphore_mem>>)
        %dma_wait3A = arith.constant 0 : i32
        %dma_wait3A_72 = tpu.memref_slice %arg11[%add3A_67, %dma_wait3A] : memref<10240x128xf32, #tpu.memory_space<vmem_shared>> -> memref<80x128xf32, #tpu.memory_space<vmem_shared>>
        %dma_wait3A_73 = arith.constant 0 : i32
        %dma_wait3A_74 = tpu.memref_slice %arg11[%add3A_67, %dma_wait3A_73] : memref<10240x128xf32, #tpu.memory_space<vmem_shared>> -> memref<80x128xf32, #tpu.memory_space<vmem_shared>>
        tpu.wait_dma2 semaphore(%run_scoped3A : memref<!tpu.dma_semaphore, #tpu.memory_space<semaphore_mem>>) src(%arg9 : memref<80x128xf32, #tpu.memory_space<vmem>>) dst(%dma_wait3A_74 : memref<80x128xf32, #tpu.memory_space<vmem_shared>>)
        tpu.yield
      }) : () -> ()
      %scan3A_68 = arith.constant 0 : i32
      scf.yield %scan3A_68 : i32
    }
    %scan3A_37 = arith.constant 8 : i32
    "tpu.region"() ({
      %run_scoped3A = tpu.sem_alloc : memref<!tpu.dma_semaphore, #tpu.memory_space<semaphore_mem>>
      %dma_start3A = arith.constant 0 : i32
      %dma_start3A_63 = arith.constant 0 : i32
      %dma_start3A_64 = tpu.memref_slice %arg3[%add3A, %dma_start3A, %dma_start3A_63] : memref<32x64x80xi32, #tpu.memory_space<hbm>> -> memref<1x64x80xi32, #tpu.memory_space<hbm>>
      %dma_start3A_65 = tpu.memref_squeeze %dma_start3A_64 : memref<1x64x80xi32, #tpu.memory_space<hbm>> -> memref<64x80xi32, #tpu.memory_space<hbm>>
      %dma_start3A_66 = arith.constant 0 : i32
      %dma_start3A_67 = arith.constant 0 : i32
      %dma_start3A_68 = tpu.memref_slice %arg3[%add3A, %dma_start3A_66, %dma_start3A_67] : memref<32x64x80xi32, #tpu.memory_space<hbm>> -> memref<1x64x80xi32, #tpu.memory_space<hbm>>
      %dma_start3A_69 = tpu.memref_squeeze %dma_start3A_68 : memref<1x64x80xi32, #tpu.memory_space<hbm>> -> memref<64x80xi32, #tpu.memory_space<hbm>>
      tpu.enqueue_dma source(%dma_start3A_69 : memref<64x80xi32, #tpu.memory_space<hbm>>) target(%arg8 : memref<64x80xi32, #tpu.memory_space<vmem>>) target_semaphore(%run_scoped3A : memref<!tpu.dma_semaphore, #tpu.memory_space<semaphore_mem>>)
      %dma_wait3A = arith.constant 0 : i32
      %dma_wait3A_70 = arith.constant 0 : i32
      %dma_wait3A_71 = tpu.memref_slice %arg3[%add3A, %dma_wait3A, %dma_wait3A_70] : memref<32x64x80xi32, #tpu.memory_space<hbm>> -> memref<1x64x80xi32, #tpu.memory_space<hbm>>
      %dma_wait3A_72 = tpu.memref_squeeze %dma_wait3A_71 : memref<1x64x80xi32, #tpu.memory_space<hbm>> -> memref<64x80xi32, #tpu.memory_space<hbm>>
      %dma_wait3A_73 = arith.constant 0 : i32
      %dma_wait3A_74 = arith.constant 0 : i32
      %dma_wait3A_75 = tpu.memref_slice %arg3[%add3A, %dma_wait3A_73, %dma_wait3A_74] : memref<32x64x80xi32, #tpu.memory_space<hbm>> -> memref<1x64x80xi32, #tpu.memory_space<hbm>>
      %dma_wait3A_76 = tpu.memref_squeeze %dma_wait3A_75 : memref<1x64x80xi32, #tpu.memory_space<hbm>> -> memref<64x80xi32, #tpu.memory_space<hbm>>
      tpu.wait_dma2 semaphore(%run_scoped3A : memref<!tpu.dma_semaphore, #tpu.memory_space<semaphore_mem>>) src(%dma_wait3A_76 : memref<64x80xi32, #tpu.memory_space<hbm>>) dst(%arg8 : memref<64x80xi32, #tpu.memory_space<vmem>>)
      tpu.yield
    }) : () -> ()
    %barrier3A_38 = arith.constant 0 : index
    tpu.barrier barrier_id(%barrier3A_38)
    %scan3A_39 = arith.constant 0 : i32
    %scan3A_40 = arith.constant 0 : i32
    %scan3A_41 = arith.constant 8 : i32
    %scan3A_42 = arith.addi %scan3A_40, %scan3A_41 : i32
    %scan3A_43 = arith.constant 1 : i32
    %scan3A_44 = scf.for %scan3A_63 = %scan3A_40 to %scan3A_42 step %scan3A_43 iter_args(%scan3A_64 = %scan3A_39) -> (i32)  : i32 {
      %mul3A_65 = arith.constant 8 : i32
      %mul3A_66 = arith.muli %mul3A_65, %scan3A_63 : i32
      %add3A_67 = arith.constant 0 : i32
      %add3A_68 = arith.addi %mul3A_66, %add3A_67 : i32
      %dma_start3A = arith.constant 0 : i32
      %dma_start3A_69 = tpu.memref_slice %arg8[%add3A_68, %dma_start3A] : memref<64x80xi32, #tpu.memory_space<vmem>> -> memref<1x80xi32, #tpu.memory_space<vmem>>
      %dma_start3A_70 = tpu.memref_squeeze %dma_start3A_69 : memref<1x80xi32, #tpu.memory_space<vmem>> -> memref<80xi32, #tpu.memory_space<vmem>>
      %dma_start3A_71 = arith.constant 0 : i32
      %dma_start3A_72 = arith.constant 0 : i32
      %dma_start3A_73 = tpu.memref_slice %arg11[%dma_start3A_71, %dma_start3A_72] : memref<10240x128xf32, #tpu.memory_space<vmem_shared>> -> memref<10240x128xf32, #tpu.memory_space<vmem_shared>>
      tpu.enqueue_indirect_dma source(%arg10 : memref<80x128xf32, #tpu.memory_space<vmem>>) target(%dma_start3A_73 : memref<10240x128xf32, #tpu.memory_space<vmem_shared>>) offsets(%dma_start3A_70 : memref<80xi32, #tpu.memory_space<vmem>>) semaphore(%arg12 : memref<!tpu.dma_semaphore, #tpu.memory_space<semaphore_mem>>) {add = true}
      %mul3A_74 = arith.constant 8 : i32
      %mul3A_75 = arith.muli %mul3A_74, %scan3A_63 : i32
      %add3A_76 = arith.constant 1 : i32
      %add3A_77 = arith.addi %mul3A_75, %add3A_76 : i32
      %dma_start3A_78 = arith.constant 0 : i32
      %dma_start3A_79 = tpu.memref_slice %arg8[%add3A_77, %dma_start3A_78] : memref<64x80xi32, #tpu.memory_space<vmem>> -> memref<1x80xi32, #tpu.memory_space<vmem>>
      %dma_start3A_80 = tpu.memref_squeeze %dma_start3A_79 : memref<1x80xi32, #tpu.memory_space<vmem>> -> memref<80xi32, #tpu.memory_space<vmem>>
      %dma_start3A_81 = arith.constant 0 : i32
      %dma_start3A_82 = arith.constant 0 : i32
      %dma_start3A_83 = tpu.memref_slice %arg11[%dma_start3A_81, %dma_start3A_82] : memref<10240x128xf32, #tpu.memory_space<vmem_shared>> -> memref<10240x128xf32, #tpu.memory_space<vmem_shared>>
      tpu.enqueue_indirect_dma source(%arg10 : memref<80x128xf32, #tpu.memory_space<vmem>>) target(%dma_start3A_83 : memref<10240x128xf32, #tpu.memory_space<vmem_shared>>) offsets(%dma_start3A_80 : memref<80xi32, #tpu.memory_space<vmem>>) semaphore(%arg12 : memref<!tpu.dma_semaphore, #tpu.memory_space<semaphore_mem>>) {add = true}
      %mul3A_84 = arith.constant 8 : i32
      %mul3A_85 = arith.muli %mul3A_84, %scan3A_63 : i32
      %add3A_86 = arith.constant 2 : i32
      %add3A_87 = arith.addi %mul3A_85, %add3A_86 : i32
      %dma_start3A_88 = arith.constant 0 : i32
      %dma_start3A_89 = tpu.memref_slice %arg8[%add3A_87, %dma_start3A_88] : memref<64x80xi32, #tpu.memory_space<vmem>> -> memref<1x80xi32, #tpu.memory_space<vmem>>
      %dma_start3A_90 = tpu.memref_squeeze %dma_start3A_89 : memref<1x80xi32, #tpu.memory_space<vmem>> -> memref<80xi32, #tpu.memory_space<vmem>>
      %dma_start3A_91 = arith.constant 0 : i32
      %dma_start3A_92 = arith.constant 0 : i32
      %dma_start3A_93 = tpu.memref_slice %arg11[%dma_start3A_91, %dma_start3A_92] : memref<10240x128xf32, #tpu.memory_space<vmem_shared>> -> memref<10240x128xf32, #tpu.memory_space<vmem_shared>>
      tpu.enqueue_indirect_dma source(%arg10 : memref<80x128xf32, #tpu.memory_space<vmem>>) target(%dma_start3A_93 : memref<10240x128xf32, #tpu.memory_space<vmem_shared>>) offsets(%dma_start3A_90 : memref<80xi32, #tpu.memory_space<vmem>>) semaphore(%arg12 : memref<!tpu.dma_semaphore, #tpu.memory_space<semaphore_mem>>) {add = true}
      %mul3A_94 = arith.constant 8 : i32
      %mul3A_95 = arith.muli %mul3A_94, %scan3A_63 : i32
      %add3A_96 = arith.constant 3 : i32
      %add3A_97 = arith.addi %mul3A_95, %add3A_96 : i32
      %dma_start3A_98 = arith.constant 0 : i32
      %dma_start3A_99 = tpu.memref_slice %arg8[%add3A_97, %dma_start3A_98] : memref<64x80xi32, #tpu.memory_space<vmem>> -> memref<1x80xi32, #tpu.memory_space<vmem>>
      %dma_start3A_100 = tpu.memref_squeeze %dma_start3A_99 : memref<1x80xi32, #tpu.memory_space<vmem>> -> memref<80xi32, #tpu.memory_space<vmem>>
      %dma_start3A_101 = arith.constant 0 : i32
      %dma_start3A_102 = arith.constant 0 : i32
      %dma_start3A_103 = tpu.memref_slice %arg11[%dma_start3A_101, %dma_start3A_102] : memref<10240x128xf32, #tpu.memory_space<vmem_shared>> -> memref<10240x128xf32, #tpu.memory_space<vmem_shared>>
      tpu.enqueue_indirect_dma source(%arg10 : memref<80x128xf32, #tpu.memory_space<vmem>>) target(%dma_start3A_103 : memref<10240x128xf32, #tpu.memory_space<vmem_shared>>) offsets(%dma_start3A_100 : memref<80xi32, #tpu.memory_space<vmem>>) semaphore(%arg12 : memref<!tpu.dma_semaphore, #tpu.memory_space<semaphore_mem>>) {add = true}
      %mul3A_104 = arith.constant 8 : i32
      %mul3A_105 = arith.muli %mul3A_104, %scan3A_63 : i32
      %add3A_106 = arith.constant 4 : i32
      %add3A_107 = arith.addi %mul3A_105, %add3A_106 : i32
      %dma_start3A_108 = arith.constant 0 : i32
      %dma_start3A_109 = tpu.memref_slice %arg8[%add3A_107, %dma_start3A_108] : memref<64x80xi32, #tpu.memory_space<vmem>> -> memref<1x80xi32, #tpu.memory_space<vmem>>
      %dma_start3A_110 = tpu.memref_squeeze %dma_start3A_109 : memref<1x80xi32, #tpu.memory_space<vmem>> -> memref<80xi32, #tpu.memory_space<vmem>>
      %dma_start3A_111 = arith.constant 0 : i32
      %dma_start3A_112 = arith.constant 0 : i32
      %dma_start3A_113 = tpu.memref_slice %arg11[%dma_start3A_111, %dma_start3A_112] : memref<10240x128xf32, #tpu.memory_space<vmem_shared>> -> memref<10240x128xf32, #tpu.memory_space<vmem_shared>>
      tpu.enqueue_indirect_dma source(%arg10 : memref<80x128xf32, #tpu.memory_space<vmem>>) target(%dma_start3A_113 : memref<10240x128xf32, #tpu.memory_space<vmem_shared>>) offsets(%dma_start3A_110 : memref<80xi32, #tpu.memory_space<vmem>>) semaphore(%arg12 : memref<!tpu.dma_semaphore, #tpu.memory_space<semaphore_mem>>) {add = true}
      %mul3A_114 = arith.constant 8 : i32
      %mul3A_115 = arith.muli %mul3A_114, %scan3A_63 : i32
      %add3A_116 = arith.constant 5 : i32
      %add3A_117 = arith.addi %mul3A_115, %add3A_116 : i32
      %dma_start3A_118 = arith.constant 0 : i32
      %dma_start3A_119 = tpu.memref_slice %arg8[%add3A_117, %dma_start3A_118] : memref<64x80xi32, #tpu.memory_space<vmem>> -> memref<1x80xi32, #tpu.memory_space<vmem>>
      %dma_start3A_120 = tpu.memref_squeeze %dma_start3A_119 : memref<1x80xi32, #tpu.memory_space<vmem>> -> memref<80xi32, #tpu.memory_space<vmem>>
      %dma_start3A_121 = arith.constant 0 : i32
      %dma_start3A_122 = arith.constant 0 : i32
      %dma_start3A_123 = tpu.memref_slice %arg11[%dma_start3A_121, %dma_start3A_122] : memref<10240x128xf32, #tpu.memory_space<vmem_shared>> -> memref<10240x128xf32, #tpu.memory_space<vmem_shared>>
      tpu.enqueue_indirect_dma source(%arg10 : memref<80x128xf32, #tpu.memory_space<vmem>>) target(%dma_start3A_123 : memref<10240x128xf32, #tpu.memory_space<vmem_shared>>) offsets(%dma_start3A_120 : memref<80xi32, #tpu.memory_space<vmem>>) semaphore(%arg12 : memref<!tpu.dma_semaphore, #tpu.memory_space<semaphore_mem>>) {add = true}
      %mul3A_124 = arith.constant 8 : i32
      %mul3A_125 = arith.muli %mul3A_124, %scan3A_63 : i32
      %add3A_126 = arith.constant 6 : i32
      %add3A_127 = arith.addi %mul3A_125, %add3A_126 : i32
      %dma_start3A_128 = arith.constant 0 : i32
      %dma_start3A_129 = tpu.memref_slice %arg8[%add3A_127, %dma_start3A_128] : memref<64x80xi32, #tpu.memory_space<vmem>> -> memref<1x80xi32, #tpu.memory_space<vmem>>
      %dma_start3A_130 = tpu.memref_squeeze %dma_start3A_129 : memref<1x80xi32, #tpu.memory_space<vmem>> -> memref<80xi32, #tpu.memory_space<vmem>>
      %dma_start3A_131 = arith.constant 0 : i32
      %dma_start3A_132 = arith.constant 0 : i32
      %dma_start3A_133 = tpu.memref_slice %arg11[%dma_start3A_131, %dma_start3A_132] : memref<10240x128xf32, #tpu.memory_space<vmem_shared>> -> memref<10240x128xf32, #tpu.memory_space<vmem_shared>>
      tpu.enqueue_indirect_dma source(%arg10 : memref<80x128xf32, #tpu.memory_space<vmem>>) target(%dma_start3A_133 : memref<10240x128xf32, #tpu.memory_space<vmem_shared>>) offsets(%dma_start3A_130 : memref<80xi32, #tpu.memory_space<vmem>>) semaphore(%arg12 : memref<!tpu.dma_semaphore, #tpu.memory_space<semaphore_mem>>) {add = true}
      %mul3A_134 = arith.constant 8 : i32
      %mul3A_135 = arith.muli %mul3A_134, %scan3A_63 : i32
      %add3A_136 = arith.constant 7 : i32
      %add3A_137 = arith.addi %mul3A_135, %add3A_136 : i32
      %dma_start3A_138 = arith.constant 0 : i32
      %dma_start3A_139 = tpu.memref_slice %arg8[%add3A_137, %dma_start3A_138] : memref<64x80xi32, #tpu.memory_space<vmem>> -> memref<1x80xi32, #tpu.memory_space<vmem>>
      %dma_start3A_140 = tpu.memref_squeeze %dma_start3A_139 : memref<1x80xi32, #tpu.memory_space<vmem>> -> memref<80xi32, #tpu.memory_space<vmem>>
      %dma_start3A_141 = arith.constant 0 : i32
      %dma_start3A_142 = arith.constant 0 : i32
      %dma_start3A_143 = tpu.memref_slice %arg11[%dma_start3A_141, %dma_start3A_142] : memref<10240x128xf32, #tpu.memory_space<vmem_shared>> -> memref<10240x128xf32, #tpu.memory_space<vmem_shared>>
      tpu.enqueue_indirect_dma source(%arg10 : memref<80x128xf32, #tpu.memory_space<vmem>>) target(%dma_start3A_143 : memref<10240x128xf32, #tpu.memory_space<vmem_shared>>) offsets(%dma_start3A_140 : memref<80xi32, #tpu.memory_space<vmem>>) semaphore(%arg12 : memref<!tpu.dma_semaphore, #tpu.memory_space<semaphore_mem>>) {add = true}
      %mul3A_144 = arith.constant 8 : i32
      %mul3A_145 = arith.muli %mul3A_144, %scan3A_63 : i32
      %add3A_146 = arith.constant 0 : i32
      %add3A_147 = arith.addi %mul3A_145, %add3A_146 : i32
      %dma_wait3A = arith.constant 0 : i32
      %dma_wait3A_148 = tpu.memref_slice %arg8[%add3A_147, %dma_wait3A] : memref<64x80xi32, #tpu.memory_space<vmem>> -> memref<1x80xi32, #tpu.memory_space<vmem>>
      %dma_wait3A_149 = tpu.memref_squeeze %dma_wait3A_148 : memref<1x80xi32, #tpu.memory_space<vmem>> -> memref<80xi32, #tpu.memory_space<vmem>>
      %dma_wait3A_150 = arith.constant 0 : i32
      %dma_wait3A_151 = arith.constant 0 : i32
      %dma_wait3A_152 = tpu.memref_slice %arg11[%dma_wait3A_150, %dma_wait3A_151] : memref<10240x128xf32, #tpu.memory_space<vmem_shared>> -> memref<10240x128xf32, #tpu.memory_space<vmem_shared>>
      tpu.wait_indirect_dma semaphore(%arg12 : memref<!tpu.dma_semaphore, #tpu.memory_space<semaphore_mem>>) src(%arg10 : memref<80x128xf32, #tpu.memory_space<vmem>>) dst(%dma_wait3A_152 : memref<10240x128xf32, #tpu.memory_space<vmem_shared>>)
      %mul3A_153 = arith.constant 8 : i32
      %mul3A_154 = arith.muli %mul3A_153, %scan3A_63 : i32
      %add3A_155 = arith.constant 1 : i32
      %add3A_156 = arith.addi %mul3A_154, %add3A_155 : i32
      %dma_wait3A_157 = arith.constant 0 : i32
      %dma_wait3A_158 = tpu.memref_slice %arg8[%add3A_156, %dma_wait3A_157] : memref<64x80xi32, #tpu.memory_space<vmem>> -> memref<1x80xi32, #tpu.memory_space<vmem>>
      %dma_wait3A_159 = tpu.memref_squeeze %dma_wait3A_158 : memref<1x80xi32, #tpu.memory_space<vmem>> -> memref<80xi32, #tpu.memory_space<vmem>>
      %dma_wait3A_160 = arith.constant 0 : i32
      %dma_wait3A_161 = arith.constant 0 : i32
      %dma_wait3A_162 = tpu.memref_slice %arg11[%dma_wait3A_160, %dma_wait3A_161] : memref<10240x128xf32, #tpu.memory_space<vmem_shared>> -> memref<10240x128xf32, #tpu.memory_space<vmem_shared>>
      tpu.wait_indirect_dma semaphore(%arg12 : memref<!tpu.dma_semaphore, #tpu.memory_space<semaphore_mem>>) src(%arg10 : memref<80x128xf32, #tpu.memory_space<vmem>>) dst(%dma_wait3A_162 : memref<10240x128xf32, #tpu.memory_space<vmem_shared>>)
      %mul3A_163 = arith.constant 8 : i32
      %mul3A_164 = arith.muli %mul3A_163, %scan3A_63 : i32
      %add3A_165 = arith.constant 2 : i32
      %add3A_166 = arith.addi %mul3A_164, %add3A_165 : i32
      %dma_wait3A_167 = arith.constant 0 : i32
      %dma_wait3A_168 = tpu.memref_slice %arg8[%add3A_166, %dma_wait3A_167] : memref<64x80xi32, #tpu.memory_space<vmem>> -> memref<1x80xi32, #tpu.memory_space<vmem>>
      %dma_wait3A_169 = tpu.memref_squeeze %dma_wait3A_168 : memref<1x80xi32, #tpu.memory_space<vmem>> -> memref<80xi32, #tpu.memory_space<vmem>>
      %dma_wait3A_170 = arith.constant 0 : i32
      %dma_wait3A_171 = arith.constant 0 : i32
      %dma_wait3A_172 = tpu.memref_slice %arg11[%dma_wait3A_170, %dma_wait3A_171] : memref<10240x128xf32, #tpu.memory_space<vmem_shared>> -> memref<10240x128xf32, #tpu.memory_space<vmem_shared>>
      tpu.wait_indirect_dma semaphore(%arg12 : memref<!tpu.dma_semaphore, #tpu.memory_space<semaphore_mem>>) src(%arg10 : memref<80x128xf32, #tpu.memory_space<vmem>>) dst(%dma_wait3A_172 : memref<10240x128xf32, #tpu.memory_space<vmem_shared>>)
      %mul3A_173 = arith.constant 8 : i32
      %mul3A_174 = arith.muli %mul3A_173, %scan3A_63 : i32
      %add3A_175 = arith.constant 3 : i32
      %add3A_176 = arith.addi %mul3A_174, %add3A_175 : i32
      %dma_wait3A_177 = arith.constant 0 : i32
      %dma_wait3A_178 = tpu.memref_slice %arg8[%add3A_176, %dma_wait3A_177] : memref<64x80xi32, #tpu.memory_space<vmem>> -> memref<1x80xi32, #tpu.memory_space<vmem>>
      %dma_wait3A_179 = tpu.memref_squeeze %dma_wait3A_178 : memref<1x80xi32, #tpu.memory_space<vmem>> -> memref<80xi32, #tpu.memory_space<vmem>>
      %dma_wait3A_180 = arith.constant 0 : i32
      %dma_wait3A_181 = arith.constant 0 : i32
      %dma_wait3A_182 = tpu.memref_slice %arg11[%dma_wait3A_180, %dma_wait3A_181] : memref<10240x128xf32, #tpu.memory_space<vmem_shared>> -> memref<10240x128xf32, #tpu.memory_space<vmem_shared>>
      tpu.wait_indirect_dma semaphore(%arg12 : memref<!tpu.dma_semaphore, #tpu.memory_space<semaphore_mem>>) src(%arg10 : memref<80x128xf32, #tpu.memory_space<vmem>>) dst(%dma_wait3A_182 : memref<10240x128xf32, #tpu.memory_space<vmem_shared>>)
      %mul3A_183 = arith.constant 8 : i32
      %mul3A_184 = arith.muli %mul3A_183, %scan3A_63 : i32
      %add3A_185 = arith.constant 4 : i32
      %add3A_186 = arith.addi %mul3A_184, %add3A_185 : i32
      %dma_wait3A_187 = arith.constant 0 : i32
      %dma_wait3A_188 = tpu.memref_slice %arg8[%add3A_186, %dma_wait3A_187] : memref<64x80xi32, #tpu.memory_space<vmem>> -> memref<1x80xi32, #tpu.memory_space<vmem>>
      %dma_wait3A_189 = tpu.memref_squeeze %dma_wait3A_188 : memref<1x80xi32, #tpu.memory_space<vmem>> -> memref<80xi32, #tpu.memory_space<vmem>>
      %dma_wait3A_190 = arith.constant 0 : i32
      %dma_wait3A_191 = arith.constant 0 : i32
      %dma_wait3A_192 = tpu.memref_slice %arg11[%dma_wait3A_190, %dma_wait3A_191] : memref<10240x128xf32, #tpu.memory_space<vmem_shared>> -> memref<10240x128xf32, #tpu.memory_space<vmem_shared>>
      tpu.wait_indirect_dma semaphore(%arg12 : memref<!tpu.dma_semaphore, #tpu.memory_space<semaphore_mem>>) src(%arg10 : memref<80x128xf32, #tpu.memory_space<vmem>>) dst(%dma_wait3A_192 : memref<10240x128xf32, #tpu.memory_space<vmem_shared>>)
      %mul3A_193 = arith.constant 8 : i32
      %mul3A_194 = arith.muli %mul3A_193, %scan3A_63 : i32
      %add3A_195 = arith.constant 5 : i32
      %add3A_196 = arith.addi %mul3A_194, %add3A_195 : i32
      %dma_wait3A_197 = arith.constant 0 : i32
      %dma_wait3A_198 = tpu.memref_slice %arg8[%add3A_196, %dma_wait3A_197] : memref<64x80xi32, #tpu.memory_space<vmem>> -> memref<1x80xi32, #tpu.memory_space<vmem>>
      %dma_wait3A_199 = tpu.memref_squeeze %dma_wait3A_198 : memref<1x80xi32, #tpu.memory_space<vmem>> -> memref<80xi32, #tpu.memory_space<vmem>>
      %dma_wait3A_200 = arith.constant 0 : i32
      %dma_wait3A_201 = arith.constant 0 : i32
      %dma_wait3A_202 = tpu.memref_slice %arg11[%dma_wait3A_200, %dma_wait3A_201] : memref<10240x128xf32, #tpu.memory_space<vmem_shared>> -> memref<10240x128xf32, #tpu.memory_space<vmem_shared>>
      tpu.wait_indirect_dma semaphore(%arg12 : memref<!tpu.dma_semaphore, #tpu.memory_space<semaphore_mem>>) src(%arg10 : memref<80x128xf32, #tpu.memory_space<vmem>>) dst(%dma_wait3A_202 : memref<10240x128xf32, #tpu.memory_space<vmem_shared>>)
      %mul3A_203 = arith.constant 8 : i32
      %mul3A_204 = arith.muli %mul3A_203, %scan3A_63 : i32
      %add3A_205 = arith.constant 6 : i32
      %add3A_206 = arith.addi %mul3A_204, %add3A_205 : i32
      %dma_wait3A_207 = arith.constant 0 : i32
      %dma_wait3A_208 = tpu.memref_slice %arg8[%add3A_206, %dma_wait3A_207] : memref<64x80xi32, #tpu.memory_space<vmem>> -> memref<1x80xi32, #tpu.memory_space<vmem>>
      %dma_wait3A_209 = tpu.memref_squeeze %dma_wait3A_208 : memref<1x80xi32, #tpu.memory_space<vmem>> -> memref<80xi32, #tpu.memory_space<vmem>>
      %dma_wait3A_210 = arith.constant 0 : i32
      %dma_wait3A_211 = arith.constant 0 : i32
      %dma_wait3A_212 = tpu.memref_slice %arg11[%dma_wait3A_210, %dma_wait3A_211] : memref<10240x128xf32, #tpu.memory_space<vmem_shared>> -> memref<10240x128xf32, #tpu.memory_space<vmem_shared>>
      tpu.wait_indirect_dma semaphore(%arg12 : memref<!tpu.dma_semaphore, #tpu.memory_space<semaphore_mem>>) src(%arg10 : memref<80x128xf32, #tpu.memory_space<vmem>>) dst(%dma_wait3A_212 : memref<10240x128xf32, #tpu.memory_space<vmem_shared>>)
      %mul3A_213 = arith.constant 8 : i32
      %mul3A_214 = arith.muli %mul3A_213, %scan3A_63 : i32
      %add3A_215 = arith.constant 7 : i32
      %add3A_216 = arith.addi %mul3A_214, %add3A_215 : i32
      %dma_wait3A_217 = arith.constant 0 : i32
      %dma_wait3A_218 = tpu.memref_slice %arg8[%add3A_216, %dma_wait3A_217] : memref<64x80xi32, #tpu.memory_space<vmem>> -> memref<1x80xi32, #tpu.memory_space<vmem>>
      %dma_wait3A_219 = tpu.memref_squeeze %dma_wait3A_218 : memref<1x80xi32, #tpu.memory_space<vmem>> -> memref<80xi32, #tpu.memory_space<vmem>>
      %dma_wait3A_220 = arith.constant 0 : i32
      %dma_wait3A_221 = arith.constant 0 : i32
      %dma_wait3A_222 = tpu.memref_slice %arg11[%dma_wait3A_220, %dma_wait3A_221] : memref<10240x128xf32, #tpu.memory_space<vmem_shared>> -> memref<10240x128xf32, #tpu.memory_space<vmem_shared>>
      tpu.wait_indirect_dma semaphore(%arg12 : memref<!tpu.dma_semaphore, #tpu.memory_space<semaphore_mem>>) src(%arg10 : memref<80x128xf32, #tpu.memory_space<vmem>>) dst(%dma_wait3A_222 : memref<10240x128xf32, #tpu.memory_space<vmem_shared>>)
      %scan3A_223 = arith.constant 0 : i32
      scf.yield %scan3A_223 : i32
    }
    %scan3A_45 = arith.constant 8 : i32
    %barrier3A_46 = arith.constant 0 : index
    tpu.barrier barrier_id(%barrier3A_46)
    "tpu.region"() ({
      %run_scoped3A = tpu.sem_alloc : memref<!tpu.dma_semaphore, #tpu.memory_space<semaphore_mem>>
      %dma_start3A = arith.constant 0 : i32
      %dma_start3A_63 = tpu.memref_slice %arg6[%arg0, %mul3A_2, %dma_start3A] : memref<2x10240x128xf32, #tpu.memory_space<hbm>> -> memref<1x640x128xf32, #tpu.memory_space<hbm>>
      %dma_start3A_64 = tpu.memref_squeeze %dma_start3A_63 : memref<1x640x128xf32, #tpu.memory_space<hbm>> -> memref<640x128xf32, #tpu.memory_space<hbm>>
      %dma_start3A_65 = arith.constant 0 : i32
      %dma_start3A_66 = tpu.memref_slice %arg11[%mul3A_2, %dma_start3A_65] : memref<10240x128xf32, #tpu.memory_space<vmem_shared>> -> memref<640x128xf32, #tpu.memory_space<vmem_shared>>
      tpu.enqueue_dma source(%dma_start3A_66 : memref<640x128xf32, #tpu.memory_space<vmem_shared>>) target(%dma_start3A_64 : memref<640x128xf32, #tpu.memory_space<hbm>>) target_semaphore(%run_scoped3A : memref<!tpu.dma_semaphore, #tpu.memory_space<semaphore_mem>>)
      %dma_wait3A = arith.constant 0 : i32
      %dma_wait3A_67 = tpu.memref_slice %arg6[%arg0, %mul3A_2, %dma_wait3A] : memref<2x10240x128xf32, #tpu.memory_space<hbm>> -> memref<1x640x128xf32, #tpu.memory_space<hbm>>
      %dma_wait3A_68 = tpu.memref_squeeze %dma_wait3A_67 : memref<1x640x128xf32, #tpu.memory_space<hbm>> -> memref<640x128xf32, #tpu.memory_space<hbm>>
      %dma_wait3A_69 = arith.constant 0 : i32
      %dma_wait3A_70 = tpu.memref_slice %arg11[%mul3A_2, %dma_wait3A_69] : memref<10240x128xf32, #tpu.memory_space<vmem_shared>> -> memref<640x128xf32, #tpu.memory_space<vmem_shared>>
      tpu.wait_dma2 semaphore(%run_scoped3A : memref<!tpu.dma_semaphore, #tpu.memory_space<semaphore_mem>>) src(%dma_wait3A_70 : memref<640x128xf32, #tpu.memory_space<vmem_shared>>) dst(%dma_wait3A_68 : memref<640x128xf32, #tpu.memory_space<hbm>>)
      tpu.yield
    }) : () -> ()
    %scan3A_47 = arith.constant 0 : i32
    %scan3A_48 = arith.constant 0 : i32
    %scan3A_49 = arith.constant 8 : i32
    %scan3A_50 = arith.addi %scan3A_48, %scan3A_49 : i32
    %scan3A_51 = arith.constant 1 : i32
    %scan3A_52 = scf.for %scan3A_63 = %scan3A_48 to %scan3A_50 step %scan3A_51 iter_args(%scan3A_64 = %scan3A_47) -> (i32)  : i32 {
      %mul3A_65 = arith.constant 80 : i32
      %mul3A_66 = arith.muli %scan3A_63, %mul3A_65 : i32
      %add3A_67 = arith.addi %mul3A_2, %mul3A_66 : i32
      "tpu.region"() ({
        %run_scoped3A = tpu.sem_alloc : memref<!tpu.dma_semaphore, #tpu.memory_space<semaphore_mem>>
        %dma_start3A = arith.constant 0 : i32
        %dma_start3A_69 = tpu.memref_slice %arg11[%add3A_67, %dma_start3A] : memref<10240x128xf32, #tpu.memory_space<vmem_shared>> -> memref<80x128xf32, #tpu.memory_space<vmem_shared>>
        %dma_start3A_70 = arith.constant 0 : i32
        %dma_start3A_71 = tpu.memref_slice %arg11[%add3A_67, %dma_start3A_70] : memref<10240x128xf32, #tpu.memory_space<vmem_shared>> -> memref<80x128xf32, #tpu.memory_space<vmem_shared>>
        tpu.enqueue_dma source(%arg9 : memref<80x128xf32, #tpu.memory_space<vmem>>) target(%dma_start3A_71 : memref<80x128xf32, #tpu.memory_space<vmem_shared>>) target_semaphore(%run_scoped3A : memref<!tpu.dma_semaphore, #tpu.memory_space<semaphore_mem>>)
        %dma_wait3A = arith.constant 0 : i32
        %dma_wait3A_72 = tpu.memref_slice %arg11[%add3A_67, %dma_wait3A] : memref<10240x128xf32, #tpu.memory_space<vmem_shared>> -> memref<80x128xf32, #tpu.memory_space<vmem_shared>>
        %dma_wait3A_73 = arith.constant 0 : i32
        %dma_wait3A_74 = tpu.memref_slice %arg11[%add3A_67, %dma_wait3A_73] : memref<10240x128xf32, #tpu.memory_space<vmem_shared>> -> memref<80x128xf32, #tpu.memory_space<vmem_shared>>
        tpu.wait_dma2 semaphore(%run_scoped3A : memref<!tpu.dma_semaphore, #tpu.memory_space<semaphore_mem>>) src(%arg9 : memref<80x128xf32, #tpu.memory_space<vmem>>) dst(%dma_wait3A_74 : memref<80x128xf32, #tpu.memory_space<vmem_shared>>)
        tpu.yield
      }) : () -> ()
      %scan3A_68 = arith.constant 0 : i32
      scf.yield %scan3A_68 : i32
    }
    %scan3A_53 = arith.constant 8 : i32
    "tpu.region"() ({
      %run_scoped3A = tpu.sem_alloc : memref<!tpu.dma_semaphore, #tpu.memory_space<semaphore_mem>>
      %dma_start3A = arith.constant 0 : i32
      %dma_start3A_63 = arith.constant 0 : i32
      %dma_start3A_64 = tpu.memref_slice %arg4[%add3A, %dma_start3A, %dma_start3A_63] : memref<32x64x80xi32, #tpu.memory_space<hbm>> -> memref<1x64x80xi32, #tpu.memory_space<hbm>>
      %dma_start3A_65 = tpu.memref_squeeze %dma_start3A_64 : memref<1x64x80xi32, #tpu.memory_space<hbm>> -> memref<64x80xi32, #tpu.memory_space<hbm>>
      %dma_start3A_66 = arith.constant 0 : i32
      %dma_start3A_67 = arith.constant 0 : i32
      %dma_start3A_68 = tpu.memref_slice %arg4[%add3A, %dma_start3A_66, %dma_start3A_67] : memref<32x64x80xi32, #tpu.memory_space<hbm>> -> memref<1x64x80xi32, #tpu.memory_space<hbm>>
      %dma_start3A_69 = tpu.memref_squeeze %dma_start3A_68 : memref<1x64x80xi32, #tpu.memory_space<hbm>> -> memref<64x80xi32, #tpu.memory_space<hbm>>
      tpu.enqueue_dma source(%dma_start3A_69 : memref<64x80xi32, #tpu.memory_space<hbm>>) target(%arg8 : memref<64x80xi32, #tpu.memory_space<vmem>>) target_semaphore(%run_scoped3A : memref<!tpu.dma_semaphore, #tpu.memory_space<semaphore_mem>>)
      %dma_wait3A = arith.constant 0 : i32
      %dma_wait3A_70 = arith.constant 0 : i32
      %dma_wait3A_71 = tpu.memref_slice %arg4[%add3A, %dma_wait3A, %dma_wait3A_70] : memref<32x64x80xi32, #tpu.memory_space<hbm>> -> memref<1x64x80xi32, #tpu.memory_space<hbm>>
      %dma_wait3A_72 = tpu.memref_squeeze %dma_wait3A_71 : memref<1x64x80xi32, #tpu.memory_space<hbm>> -> memref<64x80xi32, #tpu.memory_space<hbm>>
      %dma_wait3A_73 = arith.constant 0 : i32
      %dma_wait3A_74 = arith.constant 0 : i32
      %dma_wait3A_75 = tpu.memref_slice %arg4[%add3A, %dma_wait3A_73, %dma_wait3A_74] : memref<32x64x80xi32, #tpu.memory_space<hbm>> -> memref<1x64x80xi32, #tpu.memory_space<hbm>>
      %dma_wait3A_76 = tpu.memref_squeeze %dma_wait3A_75 : memref<1x64x80xi32, #tpu.memory_space<hbm>> -> memref<64x80xi32, #tpu.memory_space<hbm>>
      tpu.wait_dma2 semaphore(%run_scoped3A : memref<!tpu.dma_semaphore, #tpu.memory_space<semaphore_mem>>) src(%dma_wait3A_76 : memref<64x80xi32, #tpu.memory_space<hbm>>) dst(%arg8 : memref<64x80xi32, #tpu.memory_space<vmem>>)
      tpu.yield
    }) : () -> ()
    %barrier3A_54 = arith.constant 0 : index
    tpu.barrier barrier_id(%barrier3A_54)
    %scan3A_55 = arith.constant 0 : i32
    %scan3A_56 = arith.constant 0 : i32
    %scan3A_57 = arith.constant 8 : i32
    %scan3A_58 = arith.addi %scan3A_56, %scan3A_57 : i32
    %scan3A_59 = arith.constant 1 : i32
    %scan3A_60 = scf.for %scan3A_63 = %scan3A_56 to %scan3A_58 step %scan3A_59 iter_args(%scan3A_64 = %scan3A_55) -> (i32)  : i32 {
      %mul3A_65 = arith.constant 8 : i32
      %mul3A_66 = arith.muli %mul3A_65, %scan3A_63 : i32
      %add3A_67 = arith.constant 0 : i32
      %add3A_68 = arith.addi %mul3A_66, %add3A_67 : i32
      %dma_start3A = arith.constant 0 : i32
      %dma_start3A_69 = tpu.memref_slice %arg8[%add3A_68, %dma_start3A] : memref<64x80xi32, #tpu.memory_space<vmem>> -> memref<1x80xi32, #tpu.memory_space<vmem>>
      %dma_start3A_70 = tpu.memref_squeeze %dma_start3A_69 : memref<1x80xi32, #tpu.memory_space<vmem>> -> memref<80xi32, #tpu.memory_space<vmem>>
      %dma_start3A_71 = arith.constant 0 : i32
      %dma_start3A_72 = arith.constant 0 : i32
      %dma_start3A_73 = tpu.memref_slice %arg11[%dma_start3A_71, %dma_start3A_72] : memref<10240x128xf32, #tpu.memory_space<vmem_shared>> -> memref<10240x128xf32, #tpu.memory_space<vmem_shared>>
      tpu.enqueue_indirect_dma source(%arg10 : memref<80x128xf32, #tpu.memory_space<vmem>>) target(%dma_start3A_73 : memref<10240x128xf32, #tpu.memory_space<vmem_shared>>) offsets(%dma_start3A_70 : memref<80xi32, #tpu.memory_space<vmem>>) semaphore(%arg12 : memref<!tpu.dma_semaphore, #tpu.memory_space<semaphore_mem>>) {add = true}
      %mul3A_74 = arith.constant 8 : i32
      %mul3A_75 = arith.muli %mul3A_74, %scan3A_63 : i32
      %add3A_76 = arith.constant 1 : i32
      %add3A_77 = arith.addi %mul3A_75, %add3A_76 : i32
      %dma_start3A_78 = arith.constant 0 : i32
      %dma_start3A_79 = tpu.memref_slice %arg8[%add3A_77, %dma_start3A_78] : memref<64x80xi32, #tpu.memory_space<vmem>> -> memref<1x80xi32, #tpu.memory_space<vmem>>
      %dma_start3A_80 = tpu.memref_squeeze %dma_start3A_79 : memref<1x80xi32, #tpu.memory_space<vmem>> -> memref<80xi32, #tpu.memory_space<vmem>>
      %dma_start3A_81 = arith.constant 0 : i32
      %dma_start3A_82 = arith.constant 0 : i32
      %dma_start3A_83 = tpu.memref_slice %arg11[%dma_start3A_81, %dma_start3A_82] : memref<10240x128xf32, #tpu.memory_space<vmem_shared>> -> memref<10240x128xf32, #tpu.memory_space<vmem_shared>>
      tpu.enqueue_indirect_dma source(%arg10 : memref<80x128xf32, #tpu.memory_space<vmem>>) target(%dma_start3A_83 : memref<10240x128xf32, #tpu.memory_space<vmem_shared>>) offsets(%dma_start3A_80 : memref<80xi32, #tpu.memory_space<vmem>>) semaphore(%arg12 : memref<!tpu.dma_semaphore, #tpu.memory_space<semaphore_mem>>) {add = true}
      %mul3A_84 = arith.constant 8 : i32
      %mul3A_85 = arith.muli %mul3A_84, %scan3A_63 : i32
      %add3A_86 = arith.constant 2 : i32
      %add3A_87 = arith.addi %mul3A_85, %add3A_86 : i32
      %dma_start3A_88 = arith.constant 0 : i32
      %dma_start3A_89 = tpu.memref_slice %arg8[%add3A_87, %dma_start3A_88] : memref<64x80xi32, #tpu.memory_space<vmem>> -> memref<1x80xi32, #tpu.memory_space<vmem>>
      %dma_start3A_90 = tpu.memref_squeeze %dma_start3A_89 : memref<1x80xi32, #tpu.memory_space<vmem>> -> memref<80xi32, #tpu.memory_space<vmem>>
      %dma_start3A_91 = arith.constant 0 : i32
      %dma_start3A_92 = arith.constant 0 : i32
      %dma_start3A_93 = tpu.memref_slice %arg11[%dma_start3A_91, %dma_start3A_92] : memref<10240x128xf32, #tpu.memory_space<vmem_shared>> -> memref<10240x128xf32, #tpu.memory_space<vmem_shared>>
      tpu.enqueue_indirect_dma source(%arg10 : memref<80x128xf32, #tpu.memory_space<vmem>>) target(%dma_start3A_93 : memref<10240x128xf32, #tpu.memory_space<vmem_shared>>) offsets(%dma_start3A_90 : memref<80xi32, #tpu.memory_space<vmem>>) semaphore(%arg12 : memref<!tpu.dma_semaphore, #tpu.memory_space<semaphore_mem>>) {add = true}
      %mul3A_94 = arith.constant 8 : i32
      %mul3A_95 = arith.muli %mul3A_94, %scan3A_63 : i32
      %add3A_96 = arith.constant 3 : i32
      %add3A_97 = arith.addi %mul3A_95, %add3A_96 : i32
      %dma_start3A_98 = arith.constant 0 : i32
      %dma_start3A_99 = tpu.memref_slice %arg8[%add3A_97, %dma_start3A_98] : memref<64x80xi32, #tpu.memory_space<vmem>> -> memref<1x80xi32, #tpu.memory_space<vmem>>
      %dma_start3A_100 = tpu.memref_squeeze %dma_start3A_99 : memref<1x80xi32, #tpu.memory_space<vmem>> -> memref<80xi32, #tpu.memory_space<vmem>>
      %dma_start3A_101 = arith.constant 0 : i32
      %dma_start3A_102 = arith.constant 0 : i32
      %dma_start3A_103 = tpu.memref_slice %arg11[%dma_start3A_101, %dma_start3A_102] : memref<10240x128xf32, #tpu.memory_space<vmem_shared>> -> memref<10240x128xf32, #tpu.memory_space<vmem_shared>>
      tpu.enqueue_indirect_dma source(%arg10 : memref<80x128xf32, #tpu.memory_space<vmem>>) target(%dma_start3A_103 : memref<10240x128xf32, #tpu.memory_space<vmem_shared>>) offsets(%dma_start3A_100 : memref<80xi32, #tpu.memory_space<vmem>>) semaphore(%arg12 : memref<!tpu.dma_semaphore, #tpu.memory_space<semaphore_mem>>) {add = true}
      %mul3A_104 = arith.constant 8 : i32
      %mul3A_105 = arith.muli %mul3A_104, %scan3A_63 : i32
      %add3A_106 = arith.constant 4 : i32
      %add3A_107 = arith.addi %mul3A_105, %add3A_106 : i32
      %dma_start3A_108 = arith.constant 0 : i32
      %dma_start3A_109 = tpu.memref_slice %arg8[%add3A_107, %dma_start3A_108] : memref<64x80xi32, #tpu.memory_space<vmem>> -> memref<1x80xi32, #tpu.memory_space<vmem>>
      %dma_start3A_110 = tpu.memref_squeeze %dma_start3A_109 : memref<1x80xi32, #tpu.memory_space<vmem>> -> memref<80xi32, #tpu.memory_space<vmem>>
      %dma_start3A_111 = arith.constant 0 : i32
      %dma_start3A_112 = arith.constant 0 : i32
      %dma_start3A_113 = tpu.memref_slice %arg11[%dma_start3A_111, %dma_start3A_112] : memref<10240x128xf32, #tpu.memory_space<vmem_shared>> -> memref<10240x128xf32, #tpu.memory_space<vmem_shared>>
      tpu.enqueue_indirect_dma source(%arg10 : memref<80x128xf32, #tpu.memory_space<vmem>>) target(%dma_start3A_113 : memref<10240x128xf32, #tpu.memory_space<vmem_shared>>) offsets(%dma_start3A_110 : memref<80xi32, #tpu.memory_space<vmem>>) semaphore(%arg12 : memref<!tpu.dma_semaphore, #tpu.memory_space<semaphore_mem>>) {add = true}
      %mul3A_114 = arith.constant 8 : i32
      %mul3A_115 = arith.muli %mul3A_114, %scan3A_63 : i32
      %add3A_116 = arith.constant 5 : i32
      %add3A_117 = arith.addi %mul3A_115, %add3A_116 : i32
      %dma_start3A_118 = arith.constant 0 : i32
      %dma_start3A_119 = tpu.memref_slice %arg8[%add3A_117, %dma_start3A_118] : memref<64x80xi32, #tpu.memory_space<vmem>> -> memref<1x80xi32, #tpu.memory_space<vmem>>
      %dma_start3A_120 = tpu.memref_squeeze %dma_start3A_119 : memref<1x80xi32, #tpu.memory_space<vmem>> -> memref<80xi32, #tpu.memory_space<vmem>>
      %dma_start3A_121 = arith.constant 0 : i32
      %dma_start3A_122 = arith.constant 0 : i32
      %dma_start3A_123 = tpu.memref_slice %arg11[%dma_start3A_121, %dma_start3A_122] : memref<10240x128xf32, #tpu.memory_space<vmem_shared>> -> memref<10240x128xf32, #tpu.memory_space<vmem_shared>>
      tpu.enqueue_indirect_dma source(%arg10 : memref<80x128xf32, #tpu.memory_space<vmem>>) target(%dma_start3A_123 : memref<10240x128xf32, #tpu.memory_space<vmem_shared>>) offsets(%dma_start3A_120 : memref<80xi32, #tpu.memory_space<vmem>>) semaphore(%arg12 : memref<!tpu.dma_semaphore, #tpu.memory_space<semaphore_mem>>) {add = true}
      %mul3A_124 = arith.constant 8 : i32
      %mul3A_125 = arith.muli %mul3A_124, %scan3A_63 : i32
      %add3A_126 = arith.constant 6 : i32
      %add3A_127 = arith.addi %mul3A_125, %add3A_126 : i32
      %dma_start3A_128 = arith.constant 0 : i32
      %dma_start3A_129 = tpu.memref_slice %arg8[%add3A_127, %dma_start3A_128] : memref<64x80xi32, #tpu.memory_space<vmem>> -> memref<1x80xi32, #tpu.memory_space<vmem>>
      %dma_start3A_130 = tpu.memref_squeeze %dma_start3A_129 : memref<1x80xi32, #tpu.memory_space<vmem>> -> memref<80xi32, #tpu.memory_space<vmem>>
      %dma_start3A_131 = arith.constant 0 : i32
      %dma_start3A_132 = arith.constant 0 : i32
      %dma_start3A_133 = tpu.memref_slice %arg11[%dma_start3A_131, %dma_start3A_132] : memref<10240x128xf32, #tpu.memory_space<vmem_shared>> -> memref<10240x128xf32, #tpu.memory_space<vmem_shared>>
      tpu.enqueue_indirect_dma source(%arg10 : memref<80x128xf32, #tpu.memory_space<vmem>>) target(%dma_start3A_133 : memref<10240x128xf32, #tpu.memory_space<vmem_shared>>) offsets(%dma_start3A_130 : memref<80xi32, #tpu.memory_space<vmem>>) semaphore(%arg12 : memref<!tpu.dma_semaphore, #tpu.memory_space<semaphore_mem>>) {add = true}
      %mul3A_134 = arith.constant 8 : i32
      %mul3A_135 = arith.muli %mul3A_134, %scan3A_63 : i32
      %add3A_136 = arith.constant 7 : i32
      %add3A_137 = arith.addi %mul3A_135, %add3A_136 : i32
      %dma_start3A_138 = arith.constant 0 : i32
      %dma_start3A_139 = tpu.memref_slice %arg8[%add3A_137, %dma_start3A_138] : memref<64x80xi32, #tpu.memory_space<vmem>> -> memref<1x80xi32, #tpu.memory_space<vmem>>
      %dma_start3A_140 = tpu.memref_squeeze %dma_start3A_139 : memref<1x80xi32, #tpu.memory_space<vmem>> -> memref<80xi32, #tpu.memory_space<vmem>>
      %dma_start3A_141 = arith.constant 0 : i32
      %dma_start3A_142 = arith.constant 0 : i32
      %dma_start3A_143 = tpu.memref_slice %arg11[%dma_start3A_141, %dma_start3A_142] : memref<10240x128xf32, #tpu.memory_space<vmem_shared>> -> memref<10240x128xf32, #tpu.memory_space<vmem_shared>>
      tpu.enqueue_indirect_dma source(%arg10 : memref<80x128xf32, #tpu.memory_space<vmem>>) target(%dma_start3A_143 : memref<10240x128xf32, #tpu.memory_space<vmem_shared>>) offsets(%dma_start3A_140 : memref<80xi32, #tpu.memory_space<vmem>>) semaphore(%arg12 : memref<!tpu.dma_semaphore, #tpu.memory_space<semaphore_mem>>) {add = true}
      %mul3A_144 = arith.constant 8 : i32
      %mul3A_145 = arith.muli %mul3A_144, %scan3A_63 : i32
      %add3A_146 = arith.constant 0 : i32
      %add3A_147 = arith.addi %mul3A_145, %add3A_146 : i32
      %dma_wait3A = arith.constant 0 : i32
      %dma_wait3A_148 = tpu.memref_slice %arg8[%add3A_147, %dma_wait3A] : memref<64x80xi32, #tpu.memory_space<vmem>> -> memref<1x80xi32, #tpu.memory_space<vmem>>
      %dma_wait3A_149 = tpu.memref_squeeze %dma_wait3A_148 : memref<1x80xi32, #tpu.memory_space<vmem>> -> memref<80xi32, #tpu.memory_space<vmem>>
      %dma_wait3A_150 = arith.constant 0 : i32
      %dma_wait3A_151 = arith.constant 0 : i32
      %dma_wait3A_152 = tpu.memref_slice %arg11[%dma_wait3A_150, %dma_wait3A_151] : memref<10240x128xf32, #tpu.memory_space<vmem_shared>> -> memref<10240x128xf32, #tpu.memory_space<vmem_shared>>
      tpu.wait_indirect_dma semaphore(%arg12 : memref<!tpu.dma_semaphore, #tpu.memory_space<semaphore_mem>>) src(%arg10 : memref<80x128xf32, #tpu.memory_space<vmem>>) dst(%dma_wait3A_152 : memref<10240x128xf32, #tpu.memory_space<vmem_shared>>)
      %mul3A_153 = arith.constant 8 : i32
      %mul3A_154 = arith.muli %mul3A_153, %scan3A_63 : i32
      %add3A_155 = arith.constant 1 : i32
      %add3A_156 = arith.addi %mul3A_154, %add3A_155 : i32
      %dma_wait3A_157 = arith.constant 0 : i32
      %dma_wait3A_158 = tpu.memref_slice %arg8[%add3A_156, %dma_wait3A_157] : memref<64x80xi32, #tpu.memory_space<vmem>> -> memref<1x80xi32, #tpu.memory_space<vmem>>
      %dma_wait3A_159 = tpu.memref_squeeze %dma_wait3A_158 : memref<1x80xi32, #tpu.memory_space<vmem>> -> memref<80xi32, #tpu.memory_space<vmem>>
      %dma_wait3A_160 = arith.constant 0 : i32
      %dma_wait3A_161 = arith.constant 0 : i32
      %dma_wait3A_162 = tpu.memref_slice %arg11[%dma_wait3A_160, %dma_wait3A_161] : memref<10240x128xf32, #tpu.memory_space<vmem_shared>> -> memref<10240x128xf32, #tpu.memory_space<vmem_shared>>
      tpu.wait_indirect_dma semaphore(%arg12 : memref<!tpu.dma_semaphore, #tpu.memory_space<semaphore_mem>>) src(%arg10 : memref<80x128xf32, #tpu.memory_space<vmem>>) dst(%dma_wait3A_162 : memref<10240x128xf32, #tpu.memory_space<vmem_shared>>)
      %mul3A_163 = arith.constant 8 : i32
      %mul3A_164 = arith.muli %mul3A_163, %scan3A_63 : i32
      %add3A_165 = arith.constant 2 : i32
      %add3A_166 = arith.addi %mul3A_164, %add3A_165 : i32
      %dma_wait3A_167 = arith.constant 0 : i32
      %dma_wait3A_168 = tpu.memref_slice %arg8[%add3A_166, %dma_wait3A_167] : memref<64x80xi32, #tpu.memory_space<vmem>> -> memref<1x80xi32, #tpu.memory_space<vmem>>
      %dma_wait3A_169 = tpu.memref_squeeze %dma_wait3A_168 : memref<1x80xi32, #tpu.memory_space<vmem>> -> memref<80xi32, #tpu.memory_space<vmem>>
      %dma_wait3A_170 = arith.constant 0 : i32
      %dma_wait3A_171 = arith.constant 0 : i32
      %dma_wait3A_172 = tpu.memref_slice %arg11[%dma_wait3A_170, %dma_wait3A_171] : memref<10240x128xf32, #tpu.memory_space<vmem_shared>> -> memref<10240x128xf32, #tpu.memory_space<vmem_shared>>
      tpu.wait_indirect_dma semaphore(%arg12 : memref<!tpu.dma_semaphore, #tpu.memory_space<semaphore_mem>>) src(%arg10 : memref<80x128xf32, #tpu.memory_space<vmem>>) dst(%dma_wait3A_172 : memref<10240x128xf32, #tpu.memory_space<vmem_shared>>)
      %mul3A_173 = arith.constant 8 : i32
      %mul3A_174 = arith.muli %mul3A_173, %scan3A_63 : i32
      %add3A_175 = arith.constant 3 : i32
      %add3A_176 = arith.addi %mul3A_174, %add3A_175 : i32
      %dma_wait3A_177 = arith.constant 0 : i32
      %dma_wait3A_178 = tpu.memref_slice %arg8[%add3A_176, %dma_wait3A_177] : memref<64x80xi32, #tpu.memory_space<vmem>> -> memref<1x80xi32, #tpu.memory_space<vmem>>
      %dma_wait3A_179 = tpu.memref_squeeze %dma_wait3A_178 : memref<1x80xi32, #tpu.memory_space<vmem>> -> memref<80xi32, #tpu.memory_space<vmem>>
      %dma_wait3A_180 = arith.constant 0 : i32
      %dma_wait3A_181 = arith.constant 0 : i32
      %dma_wait3A_182 = tpu.memref_slice %arg11[%dma_wait3A_180, %dma_wait3A_181] : memref<10240x128xf32, #tpu.memory_space<vmem_shared>> -> memref<10240x128xf32, #tpu.memory_space<vmem_shared>>
      tpu.wait_indirect_dma semaphore(%arg12 : memref<!tpu.dma_semaphore, #tpu.memory_space<semaphore_mem>>) src(%arg10 : memref<80x128xf32, #tpu.memory_space<vmem>>) dst(%dma_wait3A_182 : memref<10240x128xf32, #tpu.memory_space<vmem_shared>>)
      %mul3A_183 = arith.constant 8 : i32
      %mul3A_184 = arith.muli %mul3A_183, %scan3A_63 : i32
      %add3A_185 = arith.constant 4 : i32
      %add3A_186 = arith.addi %mul3A_184, %add3A_185 : i32
      %dma_wait3A_187 = arith.constant 0 : i32
      %dma_wait3A_188 = tpu.memref_slice %arg8[%add3A_186, %dma_wait3A_187] : memref<64x80xi32, #tpu.memory_space<vmem>> -> memref<1x80xi32, #tpu.memory_space<vmem>>
      %dma_wait3A_189 = tpu.memref_squeeze %dma_wait3A_188 : memref<1x80xi32, #tpu.memory_space<vmem>> -> memref<80xi32, #tpu.memory_space<vmem>>
      %dma_wait3A_190 = arith.constant 0 : i32
      %dma_wait3A_191 = arith.constant 0 : i32
      %dma_wait3A_192 = tpu.memref_slice %arg11[%dma_wait3A_190, %dma_wait3A_191] : memref<10240x128xf32, #tpu.memory_space<vmem_shared>> -> memref<10240x128xf32, #tpu.memory_space<vmem_shared>>
      tpu.wait_indirect_dma semaphore(%arg12 : memref<!tpu.dma_semaphore, #tpu.memory_space<semaphore_mem>>) src(%arg10 : memref<80x128xf32, #tpu.memory_space<vmem>>) dst(%dma_wait3A_192 : memref<10240x128xf32, #tpu.memory_space<vmem_shared>>)
      %mul3A_193 = arith.constant 8 : i32
      %mul3A_194 = arith.muli %mul3A_193, %scan3A_63 : i32
      %add3A_195 = arith.constant 5 : i32
      %add3A_196 = arith.addi %mul3A_194, %add3A_195 : i32
      %dma_wait3A_197 = arith.constant 0 : i32
      %dma_wait3A_198 = tpu.memref_slice %arg8[%add3A_196, %dma_wait3A_197] : memref<64x80xi32, #tpu.memory_space<vmem>> -> memref<1x80xi32, #tpu.memory_space<vmem>>
      %dma_wait3A_199 = tpu.memref_squeeze %dma_wait3A_198 : memref<1x80xi32, #tpu.memory_space<vmem>> -> memref<80xi32, #tpu.memory_space<vmem>>
      %dma_wait3A_200 = arith.constant 0 : i32
      %dma_wait3A_201 = arith.constant 0 : i32
      %dma_wait3A_202 = tpu.memref_slice %arg11[%dma_wait3A_200, %dma_wait3A_201] : memref<10240x128xf32, #tpu.memory_space<vmem_shared>> -> memref<10240x128xf32, #tpu.memory_space<vmem_shared>>
      tpu.wait_indirect_dma semaphore(%arg12 : memref<!tpu.dma_semaphore, #tpu.memory_space<semaphore_mem>>) src(%arg10 : memref<80x128xf32, #tpu.memory_space<vmem>>) dst(%dma_wait3A_202 : memref<10240x128xf32, #tpu.memory_space<vmem_shared>>)
      %mul3A_203 = arith.constant 8 : i32
      %mul3A_204 = arith.muli %mul3A_203, %scan3A_63 : i32
      %add3A_205 = arith.constant 6 : i32
      %add3A_206 = arith.addi %mul3A_204, %add3A_205 : i32
      %dma_wait3A_207 = arith.constant 0 : i32
      %dma_wait3A_208 = tpu.memref_slice %arg8[%add3A_206, %dma_wait3A_207] : memref<64x80xi32, #tpu.memory_space<vmem>> -> memref<1x80xi32, #tpu.memory_space<vmem>>
      %dma_wait3A_209 = tpu.memref_squeeze %dma_wait3A_208 : memref<1x80xi32, #tpu.memory_space<vmem>> -> memref<80xi32, #tpu.memory_space<vmem>>
      %dma_wait3A_210 = arith.constant 0 : i32
      %dma_wait3A_211 = arith.constant 0 : i32
      %dma_wait3A_212 = tpu.memref_slice %arg11[%dma_wait3A_210, %dma_wait3A_211] : memref<10240x128xf32, #tpu.memory_space<vmem_shared>> -> memref<10240x128xf32, #tpu.memory_space<vmem_shared>>
      tpu.wait_indirect_dma semaphore(%arg12 : memref<!tpu.dma_semaphore, #tpu.memory_space<semaphore_mem>>) src(%arg10 : memref<80x128xf32, #tpu.memory_space<vmem>>) dst(%dma_wait3A_212 : memref<10240x128xf32, #tpu.memory_space<vmem_shared>>)
      %mul3A_213 = arith.constant 8 : i32
      %mul3A_214 = arith.muli %mul3A_213, %scan3A_63 : i32
      %add3A_215 = arith.constant 7 : i32
      %add3A_216 = arith.addi %mul3A_214, %add3A_215 : i32
      %dma_wait3A_217 = arith.constant 0 : i32
      %dma_wait3A_218 = tpu.memref_slice %arg8[%add3A_216, %dma_wait3A_217] : memref<64x80xi32, #tpu.memory_space<vmem>> -> memref<1x80xi32, #tpu.memory_space<vmem>>
      %dma_wait3A_219 = tpu.memref_squeeze %dma_wait3A_218 : memref<1x80xi32, #tpu.memory_space<vmem>> -> memref<80xi32, #tpu.memory_space<vmem>>
      %dma_wait3A_220 = arith.constant 0 : i32
      %dma_wait3A_221 = arith.constant 0 : i32
      %dma_wait3A_222 = tpu.memref_slice %arg11[%dma_wait3A_220, %dma_wait3A_221] : memref<10240x128xf32, #tpu.memory_space<vmem_shared>> -> memref<10240x128xf32, #tpu.memory_space<vmem_shared>>
      tpu.wait_indirect_dma semaphore(%arg12 : memref<!tpu.dma_semaphore, #tpu.memory_space<semaphore_mem>>) src(%arg10 : memref<80x128xf32, #tpu.memory_space<vmem>>) dst(%dma_wait3A_222 : memref<10240x128xf32, #tpu.memory_space<vmem_shared>>)
      %scan3A_223 = arith.constant 0 : i32
      scf.yield %scan3A_223 : i32
    }
    %scan3A_61 = arith.constant 8 : i32
    %barrier3A_62 = arith.constant 0 : index
    tpu.barrier barrier_id(%barrier3A_62)
    "tpu.region"() ({
      %run_scoped3A = tpu.sem_alloc : memref<!tpu.dma_semaphore, #tpu.memory_space<semaphore_mem>>
      %dma_start3A = arith.constant 0 : i32
      %dma_start3A_63 = tpu.memref_slice %arg7[%arg0, %mul3A_2, %dma_start3A] : memref<2x10240x128xf32, #tpu.memory_space<hbm>> -> memref<1x640x128xf32, #tpu.memory_space<hbm>>
      %dma_start3A_64 = tpu.memref_squeeze %dma_start3A_63 : memref<1x640x128xf32, #tpu.memory_space<hbm>> -> memref<640x128xf32, #tpu.memory_space<hbm>>
      %dma_start3A_65 = arith.constant 0 : i32
      %dma_start3A_66 = tpu.memref_slice %arg11[%mul3A_2, %dma_start3A_65] : memref<10240x128xf32, #tpu.memory_space<vmem_shared>> -> memref<640x128xf32, #tpu.memory_space<vmem_shared>>
      tpu.enqueue_dma source(%dma_start3A_66 : memref<640x128xf32, #tpu.memory_space<vmem_shared>>) target(%dma_start3A_64 : memref<640x128xf32, #tpu.memory_space<hbm>>) target_semaphore(%run_scoped3A : memref<!tpu.dma_semaphore, #tpu.memory_space<semaphore_mem>>)
      %dma_wait3A = arith.constant 0 : i32
      %dma_wait3A_67 = tpu.memref_slice %arg7[%arg0, %mul3A_2, %dma_wait3A] : memref<2x10240x128xf32, #tpu.memory_space<hbm>> -> memref<1x640x128xf32, #tpu.memory_space<hbm>>
      %dma_wait3A_68 = tpu.memref_squeeze %dma_wait3A_67 : memref<1x640x128xf32, #tpu.memory_space<hbm>> -> memref<640x128xf32, #tpu.memory_space<hbm>>
      %dma_wait3A_69 = arith.constant 0 : i32
      %dma_wait3A_70 = tpu.memref_slice %arg11[%mul3A_2, %dma_wait3A_69] : memref<10240x128xf32, #tpu.memory_space<vmem_shared>> -> memref<640x128xf32, #tpu.memory_space<vmem_shared>>
      tpu.wait_dma2 semaphore(%run_scoped3A : memref<!tpu.dma_semaphore, #tpu.memory_space<semaphore_mem>>) src(%dma_wait3A_70 : memref<640x128xf32, #tpu.memory_space<vmem_shared>>) dst(%dma_wait3A_68 : memref<640x128xf32, #tpu.memory_space<hbm>>)
      tpu.yield
    }) : () -> ()
    return
  }
}

#map = affine_map<(d0, d1) -> (0, 0)>
#map1 = affine_map<(d0, d1) -> (0, 0, 0)>
module attributes {stable_mosaic.version = 14 : i64} {
  func.func @body(%arg0: i32, %arg1: i32, %arg2: memref<10000x128xf32, #tpu.memory_space<hbm>>, %arg3: memref<32x64x80xi32, #tpu.memory_space<hbm>>, %arg4: memref<32x64x80xi32, #tpu.memory_space<hbm>>, %arg5: memref<2x10240x128xf32, #tpu.memory_space<hbm>>, %arg6: memref<64x80xi32, #tpu.memory_space<vmem>>, %arg7: memref<64x80xi32, #tpu.memory_space<vmem>>, %arg8: memref<80x128xf32, #tpu.memory_space<vmem>>, %arg9: memref<80x128xf32, #tpu.memory_space<vmem>>, %arg10: memref<10240x128xf32, #tpu.memory_space<vmem_shared>>, %arg11: memref<!tpu.dma_semaphore, #tpu.memory_space<semaphore_mem>>, %arg12: memref<!tpu.dma_semaphore, #tpu.memory_space<semaphore_mem>>, %arg13: memref<!tpu.dma_semaphore, #tpu.memory_space<semaphore_mem>>, %arg14: memref<!tpu.dma_semaphore, #tpu.memory_space<semaphore_mem>>) attributes {dimension_semantics = [#tpu.dimension_semantics<core_parallel>, #tpu.dimension_semantics<subcore_parallel>], iteration_bounds = array<i64: 2, 16>, scalar_prefetch = 0 : i64, scratch_operands = 9 : i64, tpu.core_type = #tpu.core_type<sc_vector_subcore>, window_params = [{transform_indices = #map}, {transform_indices = #map1}, {transform_indices = #map1}, {transform_indices = #map1}]} {
    %mul3A = arith.constant 2 : i32
    %mul3A_0 = arith.muli %arg1, %mul3A : i32
    %add3A = arith.addi %mul3A_0, %arg0 : i32
    %mul3A_1 = arith.constant 640 : i32
    %mul3A_2 = arith.muli %arg1, %mul3A_1 : i32
    %scan3A = arith.constant 0 : i32
    %scan3A_3 = arith.constant 0 : i32
    %scan3A_4 = arith.constant 80 : i32
    %scan3A_5 = arith.addi %scan3A_3, %scan3A_4 : i32
    %scan3A_6 = arith.constant 1 : i32
    %scan3A_7 = scf.for %scan3A_30 = %scan3A_3 to %scan3A_5 step %scan3A_6 iter_args(%scan3A_31 = %scan3A) -> (i32)  : i32 {
      %scan3A_32 = arith.constant 0 : i32
      %scan3A_33 = arith.constant 0 : i32
      %scan3A_34 = arith.constant 8 : i32
      %scan3A_35 = arith.addi %scan3A_33, %scan3A_34 : i32
      %scan3A_36 = arith.constant 1 : i32
      %scan3A_37 = scf.for %scan3A_40 = %scan3A_33 to %scan3A_35 step %scan3A_36 iter_args(%scan3A_41 = %scan3A_32) -> (i32)  : i32 {
        %broadcast_in_dim3A = arith.constant 0.000000e+00 : f32
        %broadcast_in_dim3A_42 = vector.broadcast %broadcast_in_dim3A : f32 to vector<16xf32>
        %mul3A_43 = arith.constant 16 : i32
        %mul3A_44 = arith.muli %scan3A_40, %mul3A_43 : i32
        %swap3A = arith.index_cast %scan3A_30 : i32 to index
        %swap3A_45 = arith.index_cast %mul3A_44 : i32 to index
        %swap3A_46 = tpu.vector_load %arg8[%swap3A, %swap3A_45] {strides = array<i32>} : memref<80x128xf32, #tpu.memory_space<vmem>>, vector<1x16xf32>,
        %swap3A_47 = vector.shape_cast %swap3A_46 : vector<1x16xf32> to vector<16xf32>
        %swap3A_48 = vector.shape_cast %broadcast_in_dim3A_42 : vector<16xf32> to vector<1x16xf32>
        tpu.vector_store %arg8[%swap3A, %swap3A_45], %swap3A_48 {strides = array<i32>} : memref<80x128xf32, #tpu.memory_space<vmem>>, vector<1x16xf32>,
        %scan3A_49 = arith.constant 0 : i32
        scf.yield %scan3A_49 : i32
      }
      %scan3A_38 = arith.constant 8 : i32
      %scan3A_39 = arith.constant 0 : i32
      scf.yield %scan3A_39 : i32
    }
    %scan3A_8 = arith.constant 80 : i32
    %scan3A_9 = arith.constant 0 : i32
    %scan3A_10 = arith.constant 0 : i32
    %scan3A_11 = arith.constant 8 : i32
    %scan3A_12 = arith.addi %scan3A_10, %scan3A_11 : i32
    %scan3A_13 = arith.constant 1 : i32
    %scan3A_14 = scf.for %scan3A_30 = %scan3A_10 to %scan3A_12 step %scan3A_13 iter_args(%scan3A_31 = %scan3A_9) -> (i32)  : i32 {
      %mul3A_32 = arith.constant 80 : i32
      %mul3A_33 = arith.muli %scan3A_30, %mul3A_32 : i32
      %add3A_34 = arith.addi %mul3A_2, %mul3A_33 : i32
      "tpu.region"() ({
        %run_scoped3A = tpu.sem_alloc : memref<!tpu.dma_semaphore, #tpu.memory_space<semaphore_mem>>
        %dma_start3A_36 = arith.constant 0 : i32
        %dma_start3A_37 = tpu.memref_slice %arg10[%add3A_34, %dma_start3A_36] : memref<10240x128xf32, #tpu.memory_space<vmem_shared>> -> memref<80x128xf32, #tpu.memory_space<vmem_shared>>
        %dma_start3A_38 = arith.constant 0 : i32
        %dma_start3A_39 = tpu.memref_slice %arg10[%add3A_34, %dma_start3A_38] : memref<10240x128xf32, #tpu.memory_space<vmem_shared>> -> memref<80x128xf32, #tpu.memory_space<vmem_shared>>
        tpu.enqueue_dma source(%arg8 : memref<80x128xf32, #tpu.memory_space<vmem>>) target(%dma_start3A_39 : memref<80x128xf32, #tpu.memory_space<vmem_shared>>) target_semaphore(%run_scoped3A : memref<!tpu.dma_semaphore, #tpu.memory_space<semaphore_mem>>)
        %dma_wait3A = arith.constant 0 : i32
        %dma_wait3A_40 = tpu.memref_slice %arg10[%add3A_34, %dma_wait3A] : memref<10240x128xf32, #tpu.memory_space<vmem_shared>> -> memref<80x128xf32, #tpu.memory_space<vmem_shared>>
        %dma_wait3A_41 = arith.constant 0 : i32
        %dma_wait3A_42 = tpu.memref_slice %arg10[%add3A_34, %dma_wait3A_41] : memref<10240x128xf32, #tpu.memory_space<vmem_shared>> -> memref<80x128xf32, #tpu.memory_space<vmem_shared>>
        tpu.wait_dma2 semaphore(%run_scoped3A : memref<!tpu.dma_semaphore, #tpu.memory_space<semaphore_mem>>) src(%arg8 : memref<80x128xf32, #tpu.memory_space<vmem>>) dst(%dma_wait3A_42 : memref<80x128xf32, #tpu.memory_space<vmem_shared>>)
        tpu.yield
      }) : () -> ()
      %scan3A_35 = arith.constant 0 : i32
      scf.yield %scan3A_35 : i32
    }
    %scan3A_15 = arith.constant 8 : i32
    "tpu.region"() ({
      %run_scoped3A = tpu.sem_alloc : memref<!tpu.dma_semaphore, #tpu.memory_space<semaphore_mem>>
      %dma_start3A_30 = arith.constant 0 : i32
      %dma_start3A_31 = arith.constant 0 : i32
      %dma_start3A_32 = tpu.memref_slice %arg3[%add3A, %dma_start3A_30, %dma_start3A_31] : memref<32x64x80xi32, #tpu.memory_space<hbm>> -> memref<1x64x80xi32, #tpu.memory_space<hbm>>
      %dma_start3A_33 = tpu.memref_squeeze %dma_start3A_32 : memref<1x64x80xi32, #tpu.memory_space<hbm>> -> memref<64x80xi32, #tpu.memory_space<hbm>>
      %dma_start3A_34 = arith.constant 0 : i32
      %dma_start3A_35 = arith.constant 0 : i32
      %dma_start3A_36 = tpu.memref_slice %arg3[%add3A, %dma_start3A_34, %dma_start3A_35] : memref<32x64x80xi32, #tpu.memory_space<hbm>> -> memref<1x64x80xi32, #tpu.memory_space<hbm>>
      %dma_start3A_37 = tpu.memref_squeeze %dma_start3A_36 : memref<1x64x80xi32, #tpu.memory_space<hbm>> -> memref<64x80xi32, #tpu.memory_space<hbm>>
      tpu.enqueue_dma source(%dma_start3A_37 : memref<64x80xi32, #tpu.memory_space<hbm>>) target(%arg6 : memref<64x80xi32, #tpu.memory_space<vmem>>) target_semaphore(%run_scoped3A : memref<!tpu.dma_semaphore, #tpu.memory_space<semaphore_mem>>)
      %dma_wait3A = arith.constant 0 : i32
      %dma_wait3A_38 = arith.constant 0 : i32
      %dma_wait3A_39 = tpu.memref_slice %arg3[%add3A, %dma_wait3A, %dma_wait3A_38] : memref<32x64x80xi32, #tpu.memory_space<hbm>> -> memref<1x64x80xi32, #tpu.memory_space<hbm>>
      %dma_wait3A_40 = tpu.memref_squeeze %dma_wait3A_39 : memref<1x64x80xi32, #tpu.memory_space<hbm>> -> memref<64x80xi32, #tpu.memory_space<hbm>>
      %dma_wait3A_41 = arith.constant 0 : i32
      %dma_wait3A_42 = arith.constant 0 : i32
      %dma_wait3A_43 = tpu.memref_slice %arg3[%add3A, %dma_wait3A_41, %dma_wait3A_42] : memref<32x64x80xi32, #tpu.memory_space<hbm>> -> memref<1x64x80xi32, #tpu.memory_space<hbm>>
      %dma_wait3A_44 = tpu.memref_squeeze %dma_wait3A_43 : memref<1x64x80xi32, #tpu.memory_space<hbm>> -> memref<64x80xi32, #tpu.memory_space<hbm>>
      tpu.wait_dma2 semaphore(%run_scoped3A : memref<!tpu.dma_semaphore, #tpu.memory_space<semaphore_mem>>) src(%dma_wait3A_44 : memref<64x80xi32, #tpu.memory_space<hbm>>) dst(%arg6 : memref<64x80xi32, #tpu.memory_space<vmem>>)
      tpu.yield
    }) : () -> ()
    "tpu.region"() ({
      %run_scoped3A = tpu.sem_alloc : memref<!tpu.dma_semaphore, #tpu.memory_space<semaphore_mem>>
      %dma_start3A_30 = arith.constant 0 : i32
      %dma_start3A_31 = arith.constant 0 : i32
      %dma_start3A_32 = tpu.memref_slice %arg4[%add3A, %dma_start3A_30, %dma_start3A_31] : memref<32x64x80xi32, #tpu.memory_space<hbm>> -> memref<1x64x80xi32, #tpu.memory_space<hbm>>
      %dma_start3A_33 = tpu.memref_squeeze %dma_start3A_32 : memref<1x64x80xi32, #tpu.memory_space<hbm>> -> memref<64x80xi32, #tpu.memory_space<hbm>>
      %dma_start3A_34 = arith.constant 0 : i32
      %dma_start3A_35 = arith.constant 0 : i32
      %dma_start3A_36 = tpu.memref_slice %arg4[%add3A, %dma_start3A_34, %dma_start3A_35] : memref<32x64x80xi32, #tpu.memory_space<hbm>> -> memref<1x64x80xi32, #tpu.memory_space<hbm>>
      %dma_start3A_37 = tpu.memref_squeeze %dma_start3A_36 : memref<1x64x80xi32, #tpu.memory_space<hbm>> -> memref<64x80xi32, #tpu.memory_space<hbm>>
      tpu.enqueue_dma source(%dma_start3A_37 : memref<64x80xi32, #tpu.memory_space<hbm>>) target(%arg7 : memref<64x80xi32, #tpu.memory_space<vmem>>) target_semaphore(%run_scoped3A : memref<!tpu.dma_semaphore, #tpu.memory_space<semaphore_mem>>)
      %dma_wait3A = arith.constant 0 : i32
      %dma_wait3A_38 = arith.constant 0 : i32
      %dma_wait3A_39 = tpu.memref_slice %arg4[%add3A, %dma_wait3A, %dma_wait3A_38] : memref<32x64x80xi32, #tpu.memory_space<hbm>> -> memref<1x64x80xi32, #tpu.memory_space<hbm>>
      %dma_wait3A_40 = tpu.memref_squeeze %dma_wait3A_39 : memref<1x64x80xi32, #tpu.memory_space<hbm>> -> memref<64x80xi32, #tpu.memory_space<hbm>>
      %dma_wait3A_41 = arith.constant 0 : i32
      %dma_wait3A_42 = arith.constant 0 : i32
      %dma_wait3A_43 = tpu.memref_slice %arg4[%add3A, %dma_wait3A_41, %dma_wait3A_42] : memref<32x64x80xi32, #tpu.memory_space<hbm>> -> memref<1x64x80xi32, #tpu.memory_space<hbm>>
      %dma_wait3A_44 = tpu.memref_squeeze %dma_wait3A_43 : memref<1x64x80xi32, #tpu.memory_space<hbm>> -> memref<64x80xi32, #tpu.memory_space<hbm>>
      tpu.wait_dma2 semaphore(%run_scoped3A : memref<!tpu.dma_semaphore, #tpu.memory_space<semaphore_mem>>) src(%dma_wait3A_44 : memref<64x80xi32, #tpu.memory_space<hbm>>) dst(%arg7 : memref<64x80xi32, #tpu.memory_space<vmem>>)
      tpu.yield
    }) : () -> ()
    %barrier3A = arith.constant 0 : index
    tpu.barrier barrier_id(%barrier3A)
    %dma_start3A = arith.constant 0 : i32
    %dma_start3A_16 = arith.constant 0 : i32
    %dma_start3A_17 = tpu.memref_slice %arg6[%dma_start3A, %dma_start3A_16] : memref<64x80xi32, #tpu.memory_space<vmem>> -> memref<1x80xi32, #tpu.memory_space<vmem>>
    %dma_start3A_18 = tpu.memref_squeeze %dma_start3A_17 : memref<1x80xi32, #tpu.memory_space<vmem>> -> memref<80xi32, #tpu.memory_space<vmem>>
    %dma_start3A_19 = arith.constant 0 : i32
    %dma_start3A_20 = arith.constant 0 : i32
    %dma_start3A_21 = tpu.memref_slice %arg2[%dma_start3A_19, %dma_start3A_20] : memref<10000x128xf32, #tpu.memory_space<hbm>> -> memref<10000x128xf32, #tpu.memory_space<hbm>>
    tpu.enqueue_indirect_dma source(%dma_start3A_21 : memref<10000x128xf32, #tpu.memory_space<hbm>>) target(%arg8 : memref<80x128xf32, #tpu.memory_space<vmem>>) offsets(%dma_start3A_18 : memref<80xi32, #tpu.memory_space<vmem>>) semaphore(%arg11 : memref<!tpu.dma_semaphore, #tpu.memory_space<semaphore_mem>>)
    %scan3A_22 = arith.constant 0 : i32
    %scan3A_23 = arith.constant 0 : i32
    %scan3A_24 = arith.constant 32 : i32
    %scan3A_25 = arith.addi %scan3A_23, %scan3A_24 : i32
    %scan3A_26 = arith.constant 1 : i32
    %scan3A_27 = scf.for %scan3A_30 = %scan3A_23 to %scan3A_25 step %scan3A_26 iter_args(%scan3A_31 = %scan3A_22) -> (i32)  : i32 {
      %mul3A_32 = arith.constant 2 : i32
      %mul3A_33 = arith.muli %mul3A_32, %scan3A_30 : i32
      %add3A_34 = arith.constant 1 : i32
      %add3A_35 = arith.addi %mul3A_33, %add3A_34 : i32
      %dma_start3A_36 = arith.constant 0 : i32
      %dma_start3A_37 = tpu.memref_slice %arg6[%add3A_35, %dma_start3A_36] : memref<64x80xi32, #tpu.memory_space<vmem>> -> memref<1x80xi32, #tpu.memory_space<vmem>>
      %dma_start3A_38 = tpu.memref_squeeze %dma_start3A_37 : memref<1x80xi32, #tpu.memory_space<vmem>> -> memref<80xi32, #tpu.memory_space<vmem>>
      %dma_start3A_39 = arith.constant 0 : i32
      %dma_start3A_40 = arith.constant 0 : i32
      %dma_start3A_41 = tpu.memref_slice %arg2[%dma_start3A_39, %dma_start3A_40] : memref<10000x128xf32, #tpu.memory_space<hbm>> -> memref<10000x128xf32, #tpu.memory_space<hbm>>
      tpu.enqueue_indirect_dma source(%dma_start3A_41 : memref<10000x128xf32, #tpu.memory_space<hbm>>) target(%arg9 : memref<80x128xf32, #tpu.memory_space<vmem>>) offsets(%dma_start3A_38 : memref<80xi32, #tpu.memory_space<vmem>>) semaphore(%arg12 : memref<!tpu.dma_semaphore, #tpu.memory_space<semaphore_mem>>)
      %dma_wait3A = arith.constant 0 : i32
      %dma_wait3A_42 = tpu.memref_slice %arg6[%mul3A_33, %dma_wait3A] : memref<64x80xi32, #tpu.memory_space<vmem>> -> memref<1x80xi32, #tpu.memory_space<vmem>>
      %dma_wait3A_43 = tpu.memref_squeeze %dma_wait3A_42 : memref<1x80xi32, #tpu.memory_space<vmem>> -> memref<80xi32, #tpu.memory_space<vmem>>
      %dma_wait3A_44 = arith.constant 0 : i32
      %dma_wait3A_45 = arith.constant 0 : i32
      %dma_wait3A_46 = tpu.memref_slice %arg2[%dma_wait3A_44, %dma_wait3A_45] : memref<10000x128xf32, #tpu.memory_space<hbm>> -> memref<10000x128xf32, #tpu.memory_space<hbm>>
      tpu.wait_indirect_dma semaphore(%arg11 : memref<!tpu.dma_semaphore, #tpu.memory_space<semaphore_mem>>) src(%dma_wait3A_46 : memref<10000x128xf32, #tpu.memory_space<hbm>>) dst(%arg8 : memref<80x128xf32, #tpu.memory_space<vmem>>)
      "tpu.region"() ({
        %run_scoped3A = tpu.sem_alloc : memref<!tpu.dma_semaphore, #tpu.memory_space<semaphore_mem>>
        %dma_start3A_62 = arith.constant 0 : i32
        %dma_start3A_63 = tpu.memref_slice %arg7[%mul3A_33, %dma_start3A_62] : memref<64x80xi32, #tpu.memory_space<vmem>> -> memref<1x80xi32, #tpu.memory_space<vmem>>
        %dma_start3A_64 = tpu.memref_squeeze %dma_start3A_63 : memref<1x80xi32, #tpu.memory_space<vmem>> -> memref<80xi32, #tpu.memory_space<vmem>>
        %dma_start3A_65 = arith.constant 0 : i32
        %dma_start3A_66 = arith.constant 0 : i32
        %dma_start3A_67 = tpu.memref_slice %arg10[%dma_start3A_65, %dma_start3A_66] : memref<10240x128xf32, #tpu.memory_space<vmem_shared>> -> memref<10240x128xf32, #tpu.memory_space<vmem_shared>>
        tpu.enqueue_indirect_dma source(%arg8 : memref<80x128xf32, #tpu.memory_space<vmem>>) target(%dma_start3A_67 : memref<10240x128xf32, #tpu.memory_space<vmem_shared>>) offsets(%dma_start3A_64 : memref<80xi32, #tpu.memory_space<vmem>>) semaphore(%run_scoped3A : memref<!tpu.dma_semaphore, #tpu.memory_space<semaphore_mem>>) {add = true}
        %dma_wait3A_68 = arith.constant 0 : i32
        %dma_wait3A_69 = tpu.memref_slice %arg7[%mul3A_33, %dma_wait3A_68] : memref<64x80xi32, #tpu.memory_space<vmem>> -> memref<1x80xi32, #tpu.memory_space<vmem>>
        %dma_wait3A_70 = tpu.memref_squeeze %dma_wait3A_69 : memref<1x80xi32, #tpu.memory_space<vmem>> -> memref<80xi32, #tpu.memory_space<vmem>>
        %dma_wait3A_71 = arith.constant 0 : i32
        %dma_wait3A_72 = arith.constant 0 : i32
        %dma_wait3A_73 = tpu.memref_slice %arg10[%dma_wait3A_71, %dma_wait3A_72] : memref<10240x128xf32, #tpu.memory_space<vmem_shared>> -> memref<10240x128xf32, #tpu.memory_space<vmem_shared>>
        tpu.wait_indirect_dma semaphore(%run_scoped3A : memref<!tpu.dma_semaphore, #tpu.memory_space<semaphore_mem>>) src(%arg8 : memref<80x128xf32, #tpu.memory_space<vmem>>) dst(%dma_wait3A_73 : memref<10240x128xf32, #tpu.memory_space<vmem_shared>>)
        tpu.yield
      }) : () -> ()
      %add3A_47 = arith.constant 2 : i32
      %add3A_48 = arith.addi %mul3A_33, %add3A_47 : i32
      %lt3A = arith.constant 64 : i32
      %lt3A_49 = arith.cmpi slt, %add3A_48, %lt3A : i32
      %convert_element_type3A = arith.extui %lt3A_49 : i1 to i32
      %cond3A = arith.constant 0 : i32
      %cond3A_50 = arith.cmpi ne, %convert_element_type3A, %cond3A : i32
      scf.if %cond3A_50 {
        %add3A_62 = arith.constant 2 : i32
        %add3A_63 = arith.addi %mul3A_33, %add3A_62 : i32
        %dma_start3A_64 = arith.constant 0 : i32
        %dma_start3A_65 = tpu.memref_slice %arg6[%add3A_63, %dma_start3A_64] : memref<64x80xi32, #tpu.memory_space<vmem>> -> memref<1x80xi32, #tpu.memory_space<vmem>>
        %dma_start3A_66 = tpu.memref_squeeze %dma_start3A_65 : memref<1x80xi32, #tpu.memory_space<vmem>> -> memref<80xi32, #tpu.memory_space<vmem>>
        %dma_start3A_67 = arith.constant 0 : i32
        %dma_start3A_68 = arith.constant 0 : i32
        %dma_start3A_69 = tpu.memref_slice %arg2[%dma_start3A_67, %dma_start3A_68] : memref<10000x128xf32, #tpu.memory_space<hbm>> -> memref<10000x128xf32, #tpu.memory_space<hbm>>
        tpu.enqueue_indirect_dma source(%dma_start3A_69 : memref<10000x128xf32, #tpu.memory_space<hbm>>) target(%arg8 : memref<80x128xf32, #tpu.memory_space<vmem>>) offsets(%dma_start3A_66 : memref<80xi32, #tpu.memory_space<vmem>>) semaphore(%arg11 : memref<!tpu.dma_semaphore, #tpu.memory_space<semaphore_mem>>)
      } else {
      }
      %add3A_51 = arith.constant 1 : i32
      %add3A_52 = arith.addi %mul3A_33, %add3A_51 : i32
      %dma_wait3A_53 = arith.constant 0 : i32
      %dma_wait3A_54 = tpu.memref_slice %arg6[%add3A_52, %dma_wait3A_53] : memref<64x80xi32, #tpu.memory_space<vmem>> -> memref<1x80xi32, #tpu.memory_space<vmem>>
      %dma_wait3A_55 = tpu.memref_squeeze %dma_wait3A_54 : memref<1x80xi32, #tpu.memory_space<vmem>> -> memref<80xi32, #tpu.memory_space<vmem>>
      %dma_wait3A_56 = arith.constant 0 : i32
      %dma_wait3A_57 = arith.constant 0 : i32
      %dma_wait3A_58 = tpu.memref_slice %arg2[%dma_wait3A_56, %dma_wait3A_57] : memref<10000x128xf32, #tpu.memory_space<hbm>> -> memref<10000x128xf32, #tpu.memory_space<hbm>>
      tpu.wait_indirect_dma semaphore(%arg12 : memref<!tpu.dma_semaphore, #tpu.memory_space<semaphore_mem>>) src(%dma_wait3A_58 : memref<10000x128xf32, #tpu.memory_space<hbm>>) dst(%arg9 : memref<80x128xf32, #tpu.memory_space<vmem>>)
      %add3A_59 = arith.constant 1 : i32
      %add3A_60 = arith.addi %mul3A_33, %add3A_59 : i32
      "tpu.region"() ({
        %run_scoped3A = tpu.sem_alloc : memref<!tpu.dma_semaphore, #tpu.memory_space<semaphore_mem>>
        %dma_start3A_62 = arith.constant 0 : i32
        %dma_start3A_63 = tpu.memref_slice %arg7[%add3A_60, %dma_start3A_62] : memref<64x80xi32, #tpu.memory_space<vmem>> -> memref<1x80xi32, #tpu.memory_space<vmem>>
        %dma_start3A_64 = tpu.memref_squeeze %dma_start3A_63 : memref<1x80xi32, #tpu.memory_space<vmem>> -> memref<80xi32, #tpu.memory_space<vmem>>
        %dma_start3A_65 = arith.constant 0 : i32
        %dma_start3A_66 = arith.constant 0 : i32
        %dma_start3A_67 = tpu.memref_slice %arg10[%dma_start3A_65, %dma_start3A_66] : memref<10240x128xf32, #tpu.memory_space<vmem_shared>> -> memref<10240x128xf32, #tpu.memory_space<vmem_shared>>
        tpu.enqueue_indirect_dma source(%arg9 : memref<80x128xf32, #tpu.memory_space<vmem>>) target(%dma_start3A_67 : memref<10240x128xf32, #tpu.memory_space<vmem_shared>>) offsets(%dma_start3A_64 : memref<80xi32, #tpu.memory_space<vmem>>) semaphore(%run_scoped3A : memref<!tpu.dma_semaphore, #tpu.memory_space<semaphore_mem>>) {add = true}
        %dma_wait3A_68 = arith.constant 0 : i32
        %dma_wait3A_69 = tpu.memref_slice %arg7[%add3A_60, %dma_wait3A_68] : memref<64x80xi32, #tpu.memory_space<vmem>> -> memref<1x80xi32, #tpu.memory_space<vmem>>
        %dma_wait3A_70 = tpu.memref_squeeze %dma_wait3A_69 : memref<1x80xi32, #tpu.memory_space<vmem>> -> memref<80xi32, #tpu.memory_space<vmem>>
        %dma_wait3A_71 = arith.constant 0 : i32
        %dma_wait3A_72 = arith.constant 0 : i32
        %dma_wait3A_73 = tpu.memref_slice %arg10[%dma_wait3A_71, %dma_wait3A_72] : memref<10240x128xf32, #tpu.memory_space<vmem_shared>> -> memref<10240x128xf32, #tpu.memory_space<vmem_shared>>
        tpu.wait_indirect_dma semaphore(%run_scoped3A : memref<!tpu.dma_semaphore, #tpu.memory_space<semaphore_mem>>) src(%arg9 : memref<80x128xf32, #tpu.memory_space<vmem>>) dst(%dma_wait3A_73 : memref<10240x128xf32, #tpu.memory_space<vmem_shared>>)
        tpu.yield
      }) : () -> ()
      %scan3A_61 = arith.constant 0 : i32
      scf.yield %scan3A_61 : i32
    }
    %scan3A_28 = arith.constant 32 : i32
    %barrier3A_29 = arith.constant 0 : index
    tpu.barrier barrier_id(%barrier3A_29)
    "tpu.region"() ({
      %run_scoped3A = tpu.sem_alloc : memref<!tpu.dma_semaphore, #tpu.memory_space<semaphore_mem>>
      %dma_start3A_30 = arith.constant 0 : i32
      %dma_start3A_31 = tpu.memref_slice %arg5[%arg0, %mul3A_2, %dma_start3A_30] : memref<2x10240x128xf32, #tpu.memory_space<hbm>> -> memref<1x640x128xf32, #tpu.memory_space<hbm>>
      %dma_start3A_32 = tpu.memref_squeeze %dma_start3A_31 : memref<1x640x128xf32, #tpu.memory_space<hbm>> -> memref<640x128xf32, #tpu.memory_space<hbm>>
      %dma_start3A_33 = arith.constant 0 : i32
      %dma_start3A_34 = tpu.memref_slice %arg10[%mul3A_2, %dma_start3A_33] : memref<10240x128xf32, #tpu.memory_space<vmem_shared>> -> memref<640x128xf32, #tpu.memory_space<vmem_shared>>
      tpu.enqueue_dma source(%dma_start3A_34 : memref<640x128xf32, #tpu.memory_space<vmem_shared>>) target(%dma_start3A_32 : memref<640x128xf32, #tpu.memory_space<hbm>>) target_semaphore(%run_scoped3A : memref<!tpu.dma_semaphore, #tpu.memory_space<semaphore_mem>>)
      %dma_wait3A = arith.constant 0 : i32
      %dma_wait3A_35 = tpu.memref_slice %arg5[%arg0, %mul3A_2, %dma_wait3A] : memref<2x10240x128xf32, #tpu.memory_space<hbm>> -> memref<1x640x128xf32, #tpu.memory_space<hbm>>
      %dma_wait3A_36 = tpu.memref_squeeze %dma_wait3A_35 : memref<1x640x128xf32, #tpu.memory_space<hbm>> -> memref<640x128xf32, #tpu.memory_space<hbm>>
      %dma_wait3A_37 = arith.constant 0 : i32
      %dma_wait3A_38 = tpu.memref_slice %arg10[%mul3A_2, %dma_wait3A_37] : memref<10240x128xf32, #tpu.memory_space<vmem_shared>> -> memref<640x128xf32, #tpu.memory_space<vmem_shared>>
      tpu.wait_dma2 semaphore(%run_scoped3A : memref<!tpu.dma_semaphore, #tpu.memory_space<semaphore_mem>>) src(%dma_wait3A_38 : memref<640x128xf32, #tpu.memory_space<vmem_shared>>) dst(%dma_wait3A_36 : memref<640x128xf32, #tpu.memory_space<hbm>>)
      tpu.yield
    }) : () -> ()
    return
  }
}

#map = affine_map<(d0, d1) -> (0, 0)>
#map1 = affine_map<(d0, d1) -> (0, 0, 0)>
module attributes {stable_mosaic.version = 14 : i64} {
  func.func @body(%arg0: i32, %arg1: i32, %arg2: memref<10000x128xf32, #tpu.memory_space<hbm>>, %arg3: memref<32x64x80xi32, #tpu.memory_space<hbm>>, %arg4: memref<32x64x80xi32, #tpu.memory_space<hbm>>, %arg5: memref<2x10240x128xf32, #tpu.memory_space<hbm>>, %arg6: memref<64x80xi32, #tpu.memory_space<vmem>>, %arg7: memref<64x80xi32, #tpu.memory_space<vmem>>, %arg8: memref<80x128xf32, #tpu.memory_space<vmem>>, %arg9: memref<80x128xf32, #tpu.memory_space<vmem>>, %arg10: memref<10240x128xf32, #tpu.memory_space<vmem_shared>>, %arg11: memref<!tpu.dma_semaphore, #tpu.memory_space<semaphore_mem>>, %arg12: memref<!tpu.dma_semaphore, #tpu.memory_space<semaphore_mem>>, %arg13: memref<!tpu.dma_semaphore, #tpu.memory_space<semaphore_mem>>, %arg14: memref<!tpu.dma_semaphore, #tpu.memory_space<semaphore_mem>>) attributes {dimension_semantics = [#tpu.dimension_semantics<core_parallel>, #tpu.dimension_semantics<subcore_parallel>], iteration_bounds = array<i64: 2, 16>, scalar_prefetch = 0 : i64, scratch_operands = 9 : i64, tpu.core_type = #tpu.core_type<sc_vector_subcore>, window_params = [{transform_indices = #map}, {transform_indices = #map1}, {transform_indices = #map1}, {transform_indices = #map1}]} {
    %mul3A = arith.constant 2 : i32
    %mul3A_0 = arith.muli %arg1, %mul3A : i32
    %add3A = arith.addi %mul3A_0, %arg0 : i32
    %mul3A_1 = arith.constant 640 : i32
    %mul3A_2 = arith.muli %arg1, %mul3A_1 : i32
    %scan3A = arith.constant 0 : i32
    %scan3A_3 = arith.constant 0 : i32
    %scan3A_4 = arith.constant 80 : i32
    %scan3A_5 = arith.addi %scan3A_3, %scan3A_4 : i32
    %scan3A_6 = arith.constant 1 : i32
    %scan3A_7 = scf.for %scan3A_30 = %scan3A_3 to %scan3A_5 step %scan3A_6 iter_args(%scan3A_31 = %scan3A) -> (i32)  : i32 {
      %scan3A_32 = arith.constant 0 : i32
      %scan3A_33 = arith.constant 0 : i32
      %scan3A_34 = arith.constant 8 : i32
      %scan3A_35 = arith.addi %scan3A_33, %scan3A_34 : i32
      %scan3A_36 = arith.constant 1 : i32
      %scan3A_37 = scf.for %scan3A_40 = %scan3A_33 to %scan3A_35 step %scan3A_36 iter_args(%scan3A_41 = %scan3A_32) -> (i32)  : i32 {
        %broadcast_in_dim3A = arith.constant 0.000000e+00 : f32
        %broadcast_in_dim3A_42 = vector.broadcast %broadcast_in_dim3A : f32 to vector<16xf32>
        %mul3A_43 = arith.constant 16 : i32
        %mul3A_44 = arith.muli %scan3A_40, %mul3A_43 : i32
        %swap3A = arith.index_cast %scan3A_30 : i32 to index
        %swap3A_45 = arith.index_cast %mul3A_44 : i32 to index
        %swap3A_46 = tpu.vector_load %arg8[%swap3A, %swap3A_45] {strides = array<i32>} : memref<80x128xf32, #tpu.memory_space<vmem>>, vector<1x16xf32>,
        %swap3A_47 = vector.shape_cast %swap3A_46 : vector<1x16xf32> to vector<16xf32>
        %swap3A_48 = vector.shape_cast %broadcast_in_dim3A_42 : vector<16xf32> to vector<1x16xf32>
        tpu.vector_store %arg8[%swap3A, %swap3A_45], %swap3A_48 {strides = array<i32>} : memref<80x128xf32, #tpu.memory_space<vmem>>, vector<1x16xf32>,
        %scan3A_49 = arith.constant 0 : i32
        scf.yield %scan3A_49 : i32
      }
      %scan3A_38 = arith.constant 8 : i32
      %scan3A_39 = arith.constant 0 : i32
      scf.yield %scan3A_39 : i32
    }
    %scan3A_8 = arith.constant 80 : i32
    %scan3A_9 = arith.constant 0 : i32
    %scan3A_10 = arith.constant 0 : i32
    %scan3A_11 = arith.constant 8 : i32
    %scan3A_12 = arith.addi %scan3A_10, %scan3A_11 : i32
    %scan3A_13 = arith.constant 1 : i32
    %scan3A_14 = scf.for %scan3A_30 = %scan3A_10 to %scan3A_12 step %scan3A_13 iter_args(%scan3A_31 = %scan3A_9) -> (i32)  : i32 {
      %mul3A_32 = arith.constant 80 : i32
      %mul3A_33 = arith.muli %scan3A_30, %mul3A_32 : i32
      %add3A_34 = arith.addi %mul3A_2, %mul3A_33 : i32
      "tpu.region"() ({
        %run_scoped3A = tpu.sem_alloc : memref<!tpu.dma_semaphore, #tpu.memory_space<semaphore_mem>>
        %dma_start3A_36 = arith.constant 0 : i32
        %dma_start3A_37 = tpu.memref_slice %arg10[%add3A_34, %dma_start3A_36] : memref<10240x128xf32, #tpu.memory_space<vmem_shared>> -> memref<80x128xf32, #tpu.memory_space<vmem_shared>>
        %dma_start3A_38 = arith.constant 0 : i32
        %dma_start3A_39 = tpu.memref_slice %arg10[%add3A_34, %dma_start3A_38] : memref<10240x128xf32, #tpu.memory_space<vmem_shared>> -> memref<80x128xf32, #tpu.memory_space<vmem_shared>>
        tpu.enqueue_dma source(%arg8 : memref<80x128xf32, #tpu.memory_space<vmem>>) target(%dma_start3A_39 : memref<80x128xf32, #tpu.memory_space<vmem_shared>>) target_semaphore(%run_scoped3A : memref<!tpu.dma_semaphore, #tpu.memory_space<semaphore_mem>>)
        %dma_wait3A = arith.constant 0 : i32
        %dma_wait3A_40 = tpu.memref_slice %arg10[%add3A_34, %dma_wait3A] : memref<10240x128xf32, #tpu.memory_space<vmem_shared>> -> memref<80x128xf32, #tpu.memory_space<vmem_shared>>
        %dma_wait3A_41 = arith.constant 0 : i32
        %dma_wait3A_42 = tpu.memref_slice %arg10[%add3A_34, %dma_wait3A_41] : memref<10240x128xf32, #tpu.memory_space<vmem_shared>> -> memref<80x128xf32, #tpu.memory_space<vmem_shared>>
        tpu.wait_dma2 semaphore(%run_scoped3A : memref<!tpu.dma_semaphore, #tpu.memory_space<semaphore_mem>>) src(%arg8 : memref<80x128xf32, #tpu.memory_space<vmem>>) dst(%dma_wait3A_42 : memref<80x128xf32, #tpu.memory_space<vmem_shared>>)
        tpu.yield
      }) : () -> ()
      %scan3A_35 = arith.constant 0 : i32
      scf.yield %scan3A_35 : i32
    }
    %scan3A_15 = arith.constant 8 : i32
    "tpu.region"() ({
      %run_scoped3A = tpu.sem_alloc : memref<!tpu.dma_semaphore, #tpu.memory_space<semaphore_mem>>
      %dma_start3A_30 = arith.constant 0 : i32
      %dma_start3A_31 = arith.constant 0 : i32
      %dma_start3A_32 = tpu.memref_slice %arg3[%add3A, %dma_start3A_30, %dma_start3A_31] : memref<32x64x80xi32, #tpu.memory_space<hbm>> -> memref<1x64x80xi32, #tpu.memory_space<hbm>>
      %dma_start3A_33 = tpu.memref_squeeze %dma_start3A_32 : memref<1x64x80xi32, #tpu.memory_space<hbm>> -> memref<64x80xi32, #tpu.memory_space<hbm>>
      %dma_start3A_34 = arith.constant 0 : i32
      %dma_start3A_35 = arith.constant 0 : i32
      %dma_start3A_36 = tpu.memref_slice %arg3[%add3A, %dma_start3A_34, %dma_start3A_35] : memref<32x64x80xi32, #tpu.memory_space<hbm>> -> memref<1x64x80xi32, #tpu.memory_space<hbm>>
      %dma_start3A_37 = tpu.memref_squeeze %dma_start3A_36 : memref<1x64x80xi32, #tpu.memory_space<hbm>> -> memref<64x80xi32, #tpu.memory_space<hbm>>
      tpu.enqueue_dma source(%dma_start3A_37 : memref<64x80xi32, #tpu.memory_space<hbm>>) target(%arg6 : memref<64x80xi32, #tpu.memory_space<vmem>>) target_semaphore(%run_scoped3A : memref<!tpu.dma_semaphore, #tpu.memory_space<semaphore_mem>>)
      %dma_wait3A = arith.constant 0 : i32
      %dma_wait3A_38 = arith.constant 0 : i32
      %dma_wait3A_39 = tpu.memref_slice %arg3[%add3A, %dma_wait3A, %dma_wait3A_38] : memref<32x64x80xi32, #tpu.memory_space<hbm>> -> memref<1x64x80xi32, #tpu.memory_space<hbm>>
      %dma_wait3A_40 = tpu.memref_squeeze %dma_wait3A_39 : memref<1x64x80xi32, #tpu.memory_space<hbm>> -> memref<64x80xi32, #tpu.memory_space<hbm>>
      %dma_wait3A_41 = arith.constant 0 : i32
      %dma_wait3A_42 = arith.constant 0 : i32
      %dma_wait3A_43 = tpu.memref_slice %arg3[%add3A, %dma_wait3A_41, %dma_wait3A_42] : memref<32x64x80xi32, #tpu.memory_space<hbm>> -> memref<1x64x80xi32, #tpu.memory_space<hbm>>
      %dma_wait3A_44 = tpu.memref_squeeze %dma_wait3A_43 : memref<1x64x80xi32, #tpu.memory_space<hbm>> -> memref<64x80xi32, #tpu.memory_space<hbm>>
      tpu.wait_dma2 semaphore(%run_scoped3A : memref<!tpu.dma_semaphore, #tpu.memory_space<semaphore_mem>>) src(%dma_wait3A_44 : memref<64x80xi32, #tpu.memory_space<hbm>>) dst(%arg6 : memref<64x80xi32, #tpu.memory_space<vmem>>)
      tpu.yield
    }) : () -> ()
    "tpu.region"() ({
      %run_scoped3A = tpu.sem_alloc : memref<!tpu.dma_semaphore, #tpu.memory_space<semaphore_mem>>
      %dma_start3A_30 = arith.constant 0 : i32
      %dma_start3A_31 = arith.constant 0 : i32
      %dma_start3A_32 = tpu.memref_slice %arg4[%add3A, %dma_start3A_30, %dma_start3A_31] : memref<32x64x80xi32, #tpu.memory_space<hbm>> -> memref<1x64x80xi32, #tpu.memory_space<hbm>>
      %dma_start3A_33 = tpu.memref_squeeze %dma_start3A_32 : memref<1x64x80xi32, #tpu.memory_space<hbm>> -> memref<64x80xi32, #tpu.memory_space<hbm>>
      %dma_start3A_34 = arith.constant 0 : i32
      %dma_start3A_35 = arith.constant 0 : i32
      %dma_start3A_36 = tpu.memref_slice %arg4[%add3A, %dma_start3A_34, %dma_start3A_35] : memref<32x64x80xi32, #tpu.memory_space<hbm>> -> memref<1x64x80xi32, #tpu.memory_space<hbm>>
      %dma_start3A_37 = tpu.memref_squeeze %dma_start3A_36 : memref<1x64x80xi32, #tpu.memory_space<hbm>> -> memref<64x80xi32, #tpu.memory_space<hbm>>
      tpu.enqueue_dma source(%dma_start3A_37 : memref<64x80xi32, #tpu.memory_space<hbm>>) target(%arg7 : memref<64x80xi32, #tpu.memory_space<vmem>>) target_semaphore(%run_scoped3A : memref<!tpu.dma_semaphore, #tpu.memory_space<semaphore_mem>>)
      %dma_wait3A = arith.constant 0 : i32
      %dma_wait3A_38 = arith.constant 0 : i32
      %dma_wait3A_39 = tpu.memref_slice %arg4[%add3A, %dma_wait3A, %dma_wait3A_38] : memref<32x64x80xi32, #tpu.memory_space<hbm>> -> memref<1x64x80xi32, #tpu.memory_space<hbm>>
      %dma_wait3A_40 = tpu.memref_squeeze %dma_wait3A_39 : memref<1x64x80xi32, #tpu.memory_space<hbm>> -> memref<64x80xi32, #tpu.memory_space<hbm>>
      %dma_wait3A_41 = arith.constant 0 : i32
      %dma_wait3A_42 = arith.constant 0 : i32
      %dma_wait3A_43 = tpu.memref_slice %arg4[%add3A, %dma_wait3A_41, %dma_wait3A_42] : memref<32x64x80xi32, #tpu.memory_space<hbm>> -> memref<1x64x80xi32, #tpu.memory_space<hbm>>
      %dma_wait3A_44 = tpu.memref_squeeze %dma_wait3A_43 : memref<1x64x80xi32, #tpu.memory_space<hbm>> -> memref<64x80xi32, #tpu.memory_space<hbm>>
      tpu.wait_dma2 semaphore(%run_scoped3A : memref<!tpu.dma_semaphore, #tpu.memory_space<semaphore_mem>>) src(%dma_wait3A_44 : memref<64x80xi32, #tpu.memory_space<hbm>>) dst(%arg7 : memref<64x80xi32, #tpu.memory_space<vmem>>)
      tpu.yield
    }) : () -> ()
    %barrier3A = arith.constant 0 : index
    tpu.barrier barrier_id(%barrier3A)
    %dma_start3A = arith.constant 0 : i32
    %dma_start3A_16 = arith.constant 0 : i32
    %dma_start3A_17 = tpu.memref_slice %arg6[%dma_start3A, %dma_start3A_16] : memref<64x80xi32, #tpu.memory_space<vmem>> -> memref<1x80xi32, #tpu.memory_space<vmem>>
    %dma_start3A_18 = tpu.memref_squeeze %dma_start3A_17 : memref<1x80xi32, #tpu.memory_space<vmem>> -> memref<80xi32, #tpu.memory_space<vmem>>
    %dma_start3A_19 = arith.constant 0 : i32
    %dma_start3A_20 = arith.constant 0 : i32
    %dma_start3A_21 = tpu.memref_slice %arg2[%dma_start3A_19, %dma_start3A_20] : memref<10000x128xf32, #tpu.memory_space<hbm>> -> memref<10000x128xf32, #tpu.memory_space<hbm>>
    tpu.enqueue_indirect_dma source(%dma_start3A_21 : memref<10000x128xf32, #tpu.memory_space<hbm>>) target(%arg8 : memref<80x128xf32, #tpu.memory_space<vmem>>) offsets(%dma_start3A_18 : memref<80xi32, #tpu.memory_space<vmem>>) semaphore(%arg11 : memref<!tpu.dma_semaphore, #tpu.memory_space<semaphore_mem>>)
    %scan3A_22 = arith.constant 0 : i32
    %scan3A_23 = arith.constant 0 : i32
    %scan3A_24 = arith.constant 32 : i32
    %scan3A_25 = arith.addi %scan3A_23, %scan3A_24 : i32
    %scan3A_26 = arith.constant 1 : i32
    %scan3A_27 = scf.for %scan3A_30 = %scan3A_23 to %scan3A_25 step %scan3A_26 iter_args(%scan3A_31 = %scan3A_22) -> (i32)  : i32 {
      %mul3A_32 = arith.constant 2 : i32
      %mul3A_33 = arith.muli %mul3A_32, %scan3A_30 : i32
      %add3A_34 = arith.constant 1 : i32
      %add3A_35 = arith.addi %mul3A_33, %add3A_34 : i32
      %dma_start3A_36 = arith.constant 0 : i32
      %dma_start3A_37 = tpu.memref_slice %arg6[%add3A_35, %dma_start3A_36] : memref<64x80xi32, #tpu.memory_space<vmem>> -> memref<1x80xi32, #tpu.memory_space<vmem>>
      %dma_start3A_38 = tpu.memref_squeeze %dma_start3A_37 : memref<1x80xi32, #tpu.memory_space<vmem>> -> memref<80xi32, #tpu.memory_space<vmem>>
      %dma_start3A_39 = arith.constant 0 : i32
      %dma_start3A_40 = arith.constant 0 : i32
      %dma_start3A_41 = tpu.memref_slice %arg2[%dma_start3A_39, %dma_start3A_40] : memref<10000x128xf32, #tpu.memory_space<hbm>> -> memref<10000x128xf32, #tpu.memory_space<hbm>>
      tpu.enqueue_indirect_dma source(%dma_start3A_41 : memref<10000x128xf32, #tpu.memory_space<hbm>>) target(%arg9 : memref<80x128xf32, #tpu.memory_space<vmem>>) offsets(%dma_start3A_38 : memref<80xi32, #tpu.memory_space<vmem>>) semaphore(%arg12 : memref<!tpu.dma_semaphore, #tpu.memory_space<semaphore_mem>>)
      %dma_wait3A = arith.constant 0 : i32
      %dma_wait3A_42 = tpu.memref_slice %arg6[%mul3A_33, %dma_wait3A] : memref<64x80xi32, #tpu.memory_space<vmem>> -> memref<1x80xi32, #tpu.memory_space<vmem>>
      %dma_wait3A_43 = tpu.memref_squeeze %dma_wait3A_42 : memref<1x80xi32, #tpu.memory_space<vmem>> -> memref<80xi32, #tpu.memory_space<vmem>>
      %dma_wait3A_44 = arith.constant 0 : i32
      %dma_wait3A_45 = arith.constant 0 : i32
      %dma_wait3A_46 = tpu.memref_slice %arg2[%dma_wait3A_44, %dma_wait3A_45] : memref<10000x128xf32, #tpu.memory_space<hbm>> -> memref<10000x128xf32, #tpu.memory_space<hbm>>
      tpu.wait_indirect_dma semaphore(%arg11 : memref<!tpu.dma_semaphore, #tpu.memory_space<semaphore_mem>>) src(%dma_wait3A_46 : memref<10000x128xf32, #tpu.memory_space<hbm>>) dst(%arg8 : memref<80x128xf32, #tpu.memory_space<vmem>>)
      "tpu.region"() ({
        %run_scoped3A = tpu.sem_alloc : memref<!tpu.dma_semaphore, #tpu.memory_space<semaphore_mem>>
        %dma_start3A_62 = arith.constant 0 : i32
        %dma_start3A_63 = tpu.memref_slice %arg7[%mul3A_33, %dma_start3A_62] : memref<64x80xi32, #tpu.memory_space<vmem>> -> memref<1x80xi32, #tpu.memory_space<vmem>>
        %dma_start3A_64 = tpu.memref_squeeze %dma_start3A_63 : memref<1x80xi32, #tpu.memory_space<vmem>> -> memref<80xi32, #tpu.memory_space<vmem>>
        %dma_start3A_65 = arith.constant 0 : i32
        %dma_start3A_66 = arith.constant 0 : i32
        %dma_start3A_67 = tpu.memref_slice %arg10[%dma_start3A_65, %dma_start3A_66] : memref<10240x128xf32, #tpu.memory_space<vmem_shared>> -> memref<10240x128xf32, #tpu.memory_space<vmem_shared>>
        tpu.enqueue_indirect_dma source(%arg8 : memref<80x128xf32, #tpu.memory_space<vmem>>) target(%dma_start3A_67 : memref<10240x128xf32, #tpu.memory_space<vmem_shared>>) offsets(%dma_start3A_64 : memref<80xi32, #tpu.memory_space<vmem>>) semaphore(%run_scoped3A : memref<!tpu.dma_semaphore, #tpu.memory_space<semaphore_mem>>) {add = true}
        %dma_wait3A_68 = arith.constant 0 : i32
        %dma_wait3A_69 = tpu.memref_slice %arg7[%mul3A_33, %dma_wait3A_68] : memref<64x80xi32, #tpu.memory_space<vmem>> -> memref<1x80xi32, #tpu.memory_space<vmem>>
        %dma_wait3A_70 = tpu.memref_squeeze %dma_wait3A_69 : memref<1x80xi32, #tpu.memory_space<vmem>> -> memref<80xi32, #tpu.memory_space<vmem>>
        %dma_wait3A_71 = arith.constant 0 : i32
        %dma_wait3A_72 = arith.constant 0 : i32
        %dma_wait3A_73 = tpu.memref_slice %arg10[%dma_wait3A_71, %dma_wait3A_72] : memref<10240x128xf32, #tpu.memory_space<vmem_shared>> -> memref<10240x128xf32, #tpu.memory_space<vmem_shared>>
        tpu.wait_indirect_dma semaphore(%run_scoped3A : memref<!tpu.dma_semaphore, #tpu.memory_space<semaphore_mem>>) src(%arg8 : memref<80x128xf32, #tpu.memory_space<vmem>>) dst(%dma_wait3A_73 : memref<10240x128xf32, #tpu.memory_space<vmem_shared>>)
        tpu.yield
      }) : () -> ()
      %add3A_47 = arith.constant 2 : i32
      %add3A_48 = arith.addi %mul3A_33, %add3A_47 : i32
      %lt3A = arith.constant 64 : i32
      %lt3A_49 = arith.cmpi slt, %add3A_48, %lt3A : i32
      %convert_element_type3A = arith.extui %lt3A_49 : i1 to i32
      %cond3A = arith.constant 0 : i32
      %cond3A_50 = arith.cmpi ne, %convert_element_type3A, %cond3A : i32
      scf.if %cond3A_50 {
        %add3A_62 = arith.constant 2 : i32
        %add3A_63 = arith.addi %mul3A_33, %add3A_62 : i32
        %dma_start3A_64 = arith.constant 0 : i32
        %dma_start3A_65 = tpu.memref_slice %arg6[%add3A_63, %dma_start3A_64] : memref<64x80xi32, #tpu.memory_space<vmem>> -> memref<1x80xi32, #tpu.memory_space<vmem>>
        %dma_start3A_66 = tpu.memref_squeeze %dma_start3A_65 : memref<1x80xi32, #tpu.memory_space<vmem>> -> memref<80xi32, #tpu.memory_space<vmem>>
        %dma_start3A_67 = arith.constant 0 : i32
        %dma_start3A_68 = arith.constant 0 : i32
        %dma_start3A_69 = tpu.memref_slice %arg2[%dma_start3A_67, %dma_start3A_68] : memref<10000x128xf32, #tpu.memory_space<hbm>> -> memref<10000x128xf32, #tpu.memory_space<hbm>>
        tpu.enqueue_indirect_dma source(%dma_start3A_69 : memref<10000x128xf32, #tpu.memory_space<hbm>>) target(%arg8 : memref<80x128xf32, #tpu.memory_space<vmem>>) offsets(%dma_start3A_66 : memref<80xi32, #tpu.memory_space<vmem>>) semaphore(%arg11 : memref<!tpu.dma_semaphore, #tpu.memory_space<semaphore_mem>>)
      } else {
      }
      %add3A_51 = arith.constant 1 : i32
      %add3A_52 = arith.addi %mul3A_33, %add3A_51 : i32
      %dma_wait3A_53 = arith.constant 0 : i32
      %dma_wait3A_54 = tpu.memref_slice %arg6[%add3A_52, %dma_wait3A_53] : memref<64x80xi32, #tpu.memory_space<vmem>> -> memref<1x80xi32, #tpu.memory_space<vmem>>
      %dma_wait3A_55 = tpu.memref_squeeze %dma_wait3A_54 : memref<1x80xi32, #tpu.memory_space<vmem>> -> memref<80xi32, #tpu.memory_space<vmem>>
      %dma_wait3A_56 = arith.constant 0 : i32
      %dma_wait3A_57 = arith.constant 0 : i32
      %dma_wait3A_58 = tpu.memref_slice %arg2[%dma_wait3A_56, %dma_wait3A_57] : memref<10000x128xf32, #tpu.memory_space<hbm>> -> memref<10000x128xf32, #tpu.memory_space<hbm>>
      tpu.wait_indirect_dma semaphore(%arg12 : memref<!tpu.dma_semaphore, #tpu.memory_space<semaphore_mem>>) src(%dma_wait3A_58 : memref<10000x128xf32, #tpu.memory_space<hbm>>) dst(%arg9 : memref<80x128xf32, #tpu.memory_space<vmem>>)
      %add3A_59 = arith.constant 1 : i32
      %add3A_60 = arith.addi %mul3A_33, %add3A_59 : i32
      "tpu.region"() ({
        %run_scoped3A = tpu.sem_alloc : memref<!tpu.dma_semaphore, #tpu.memory_space<semaphore_mem>>
        %dma_start3A_62 = arith.constant 0 : i32
        %dma_start3A_63 = tpu.memref_slice %arg7[%add3A_60, %dma_start3A_62] : memref<64x80xi32, #tpu.memory_space<vmem>> -> memref<1x80xi32, #tpu.memory_space<vmem>>
        %dma_start3A_64 = tpu.memref_squeeze %dma_start3A_63 : memref<1x80xi32, #tpu.memory_space<vmem>> -> memref<80xi32, #tpu.memory_space<vmem>>
        %dma_start3A_65 = arith.constant 0 : i32
        %dma_start3A_66 = arith.constant 0 : i32
        %dma_start3A_67 = tpu.memref_slice %arg10[%dma_start3A_65, %dma_start3A_66] : memref<10240x128xf32, #tpu.memory_space<vmem_shared>> -> memref<10240x128xf32, #tpu.memory_space<vmem_shared>>
        tpu.enqueue_indirect_dma source(%arg9 : memref<80x128xf32, #tpu.memory_space<vmem>>) target(%dma_start3A_67 : memref<10240x128xf32, #tpu.memory_space<vmem_shared>>) offsets(%dma_start3A_64 : memref<80xi32, #tpu.memory_space<vmem>>) semaphore(%run_scoped3A : memref<!tpu.dma_semaphore, #tpu.memory_space<semaphore_mem>>) {add = true}
        %dma_wait3A_68 = arith.constant 0 : i32
        %dma_wait3A_69 = tpu.memref_slice %arg7[%add3A_60, %dma_wait3A_68] : memref<64x80xi32, #tpu.memory_space<vmem>> -> memref<1x80xi32, #tpu.memory_space<vmem>>
        %dma_wait3A_70 = tpu.memref_squeeze %dma_wait3A_69 : memref<1x80xi32, #tpu.memory_space<vmem>> -> memref<80xi32, #tpu.memory_space<vmem>>
        %dma_wait3A_71 = arith.constant 0 : i32
        %dma_wait3A_72 = arith.constant 0 : i32
        %dma_wait3A_73 = tpu.memref_slice %arg10[%dma_wait3A_71, %dma_wait3A_72] : memref<10240x128xf32, #tpu.memory_space<vmem_shared>> -> memref<10240x128xf32, #tpu.memory_space<vmem_shared>>
        tpu.wait_indirect_dma semaphore(%run_scoped3A : memref<!tpu.dma_semaphore, #tpu.memory_space<semaphore_mem>>) src(%arg9 : memref<80x128xf32, #tpu.memory_space<vmem>>) dst(%dma_wait3A_73 : memref<10240x128xf32, #tpu.memory_space<vmem_shared>>)
        tpu.yield
      }) : () -> ()
      %scan3A_61 = arith.constant 0 : i32
      scf.yield %scan3A_61 : i32
    }
    %scan3A_28 = arith.constant 32 : i32
    %barrier3A_29 = arith.constant 0 : index
    tpu.barrier barrier_id(%barrier3A_29)
    "tpu.region"() ({
      %run_scoped3A = tpu.sem_alloc : memref<!tpu.dma_semaphore, #tpu.memory_space<semaphore_mem>>
      %dma_start3A_30 = arith.constant 0 : i32
      %dma_start3A_31 = tpu.memref_slice %arg5[%arg0, %mul3A_2, %dma_start3A_30] : memref<2x10240x128xf32, #tpu.memory_space<hbm>> -> memref<1x640x128xf32, #tpu.memory_space<hbm>>
      %dma_start3A_32 = tpu.memref_squeeze %dma_start3A_31 : memref<1x640x128xf32, #tpu.memory_space<hbm>> -> memref<640x128xf32, #tpu.memory_space<hbm>>
      %dma_start3A_33 = arith.constant 0 : i32
      %dma_start3A_34 = tpu.memref_slice %arg10[%mul3A_2, %dma_start3A_33] : memref<10240x128xf32, #tpu.memory_space<vmem_shared>> -> memref<640x128xf32, #tpu.memory_space<vmem_shared>>
      tpu.enqueue_dma source(%dma_start3A_34 : memref<640x128xf32, #tpu.memory_space<vmem_shared>>) target(%dma_start3A_32 : memref<640x128xf32, #tpu.memory_space<hbm>>) target_semaphore(%run_scoped3A : memref<!tpu.dma_semaphore, #tpu.memory_space<semaphore_mem>>)
      %dma_wait3A = arith.constant 0 : i32
      %dma_wait3A_35 = tpu.memref_slice %arg5[%arg0, %mul3A_2, %dma_wait3A] : memref<2x10240x128xf32, #tpu.memory_space<hbm>> -> memref<1x640x128xf32, #tpu.memory_space<hbm>>
      %dma_wait3A_36 = tpu.memref_squeeze %dma_wait3A_35 : memref<1x640x128xf32, #tpu.memory_space<hbm>> -> memref<640x128xf32, #tpu.memory_space<hbm>>
      %dma_wait3A_37 = arith.constant 0 : i32
      %dma_wait3A_38 = tpu.memref_slice %arg10[%mul3A_2, %dma_wait3A_37] : memref<10240x128xf32, #tpu.memory_space<vmem_shared>> -> memref<640x128xf32, #tpu.memory_space<vmem_shared>>
      tpu.wait_dma2 semaphore(%run_scoped3A : memref<!tpu.dma_semaphore, #tpu.memory_space<semaphore_mem>>) src(%dma_wait3A_38 : memref<640x128xf32, #tpu.memory_space<vmem_shared>>) dst(%dma_wait3A_36 : memref<640x128xf32, #tpu.memory_space<hbm>>)
      tpu.yield
    }) : () -> ()
    return
  }
}

#map = affine_map<(d0, d1) -> (0, 0)>
#map1 = affine_map<(d0, d1) -> (0, 0, 0)>
module attributes {stable_mosaic.version = 14 : i64} {
  func.func @body(%arg0: i32, %arg1: i32, %arg2: memref<10000x128xf32, #tpu.memory_space<hbm>>, %arg3: memref<32x64x80xi32, #tpu.memory_space<hbm>>, %arg4: memref<32x64x80xi32, #tpu.memory_space<hbm>>, %arg5: memref<2x10240x128xf32, #tpu.memory_space<hbm>>, %arg6: memref<64x80xi32, #tpu.memory_space<vmem>>, %arg7: memref<64x80xi32, #tpu.memory_space<vmem>>, %arg8: memref<80x128xf32, #tpu.memory_space<vmem>>, %arg9: memref<80x128xf32, #tpu.memory_space<vmem>>, %arg10: memref<10240x128xf32, #tpu.memory_space<vmem_shared>>, %arg11: memref<!tpu.dma_semaphore, #tpu.memory_space<semaphore_mem>>, %arg12: memref<!tpu.dma_semaphore, #tpu.memory_space<semaphore_mem>>, %arg13: memref<!tpu.dma_semaphore, #tpu.memory_space<semaphore_mem>>, %arg14: memref<!tpu.dma_semaphore, #tpu.memory_space<semaphore_mem>>) attributes {dimension_semantics = [#tpu.dimension_semantics<core_parallel>, #tpu.dimension_semantics<subcore_parallel>], iteration_bounds = array<i64: 2, 16>, scalar_prefetch = 0 : i64, scratch_operands = 9 : i64, tpu.core_type = #tpu.core_type<sc_vector_subcore>, window_params = [{transform_indices = #map}, {transform_indices = #map1}, {transform_indices = #map1}, {transform_indices = #map1}]} {
    %mul3A = arith.constant 2 : i32
    %mul3A_0 = arith.muli %arg1, %mul3A : i32
    %add3A = arith.addi %mul3A_0, %arg0 : i32
    %mul3A_1 = arith.constant 640 : i32
    %mul3A_2 = arith.muli %arg1, %mul3A_1 : i32
    %scan3A = arith.constant 0 : i32
    %scan3A_3 = arith.constant 0 : i32
    %scan3A_4 = arith.constant 80 : i32
    %scan3A_5 = arith.addi %scan3A_3, %scan3A_4 : i32
    %scan3A_6 = arith.constant 1 : i32
    %scan3A_7 = scf.for %scan3A_30 = %scan3A_3 to %scan3A_5 step %scan3A_6 iter_args(%scan3A_31 = %scan3A) -> (i32)  : i32 {
      %scan3A_32 = arith.constant 0 : i32
      %scan3A_33 = arith.constant 0 : i32
      %scan3A_34 = arith.constant 8 : i32
      %scan3A_35 = arith.addi %scan3A_33, %scan3A_34 : i32
      %scan3A_36 = arith.constant 1 : i32
      %scan3A_37 = scf.for %scan3A_40 = %scan3A_33 to %scan3A_35 step %scan3A_36 iter_args(%scan3A_41 = %scan3A_32) -> (i32)  : i32 {
        %broadcast_in_dim3A = arith.constant 0.000000e+00 : f32
        %broadcast_in_dim3A_42 = vector.broadcast %broadcast_in_dim3A : f32 to vector<16xf32>
        %mul3A_43 = arith.constant 16 : i32
        %mul3A_44 = arith.muli %scan3A_40, %mul3A_43 : i32
        %swap3A = arith.index_cast %scan3A_30 : i32 to index
        %swap3A_45 = arith.index_cast %mul3A_44 : i32 to index
        %swap3A_46 = tpu.vector_load %arg8[%swap3A, %swap3A_45] {strides = array<i32>} : memref<80x128xf32, #tpu.memory_space<vmem>>, vector<1x16xf32>,
        %swap3A_47 = vector.shape_cast %swap3A_46 : vector<1x16xf32> to vector<16xf32>
        %swap3A_48 = vector.shape_cast %broadcast_in_dim3A_42 : vector<16xf32> to vector<1x16xf32>
        tpu.vector_store %arg8[%swap3A, %swap3A_45], %swap3A_48 {strides = array<i32>} : memref<80x128xf32, #tpu.memory_space<vmem>>, vector<1x16xf32>,
        %scan3A_49 = arith.constant 0 : i32
        scf.yield %scan3A_49 : i32
      }
      %scan3A_38 = arith.constant 8 : i32
      %scan3A_39 = arith.constant 0 : i32
      scf.yield %scan3A_39 : i32
    }
    %scan3A_8 = arith.constant 80 : i32
    %scan3A_9 = arith.constant 0 : i32
    %scan3A_10 = arith.constant 0 : i32
    %scan3A_11 = arith.constant 8 : i32
    %scan3A_12 = arith.addi %scan3A_10, %scan3A_11 : i32
    %scan3A_13 = arith.constant 1 : i32
    %scan3A_14 = scf.for %scan3A_30 = %scan3A_10 to %scan3A_12 step %scan3A_13 iter_args(%scan3A_31 = %scan3A_9) -> (i32)  : i32 {
      %mul3A_32 = arith.constant 80 : i32
      %mul3A_33 = arith.muli %scan3A_30, %mul3A_32 : i32
      %add3A_34 = arith.addi %mul3A_2, %mul3A_33 : i32
      "tpu.region"() ({
        %run_scoped3A = tpu.sem_alloc : memref<!tpu.dma_semaphore, #tpu.memory_space<semaphore_mem>>
        %dma_start3A_36 = arith.constant 0 : i32
        %dma_start3A_37 = tpu.memref_slice %arg10[%add3A_34, %dma_start3A_36] : memref<10240x128xf32, #tpu.memory_space<vmem_shared>> -> memref<80x128xf32, #tpu.memory_space<vmem_shared>>
        %dma_start3A_38 = arith.constant 0 : i32
        %dma_start3A_39 = tpu.memref_slice %arg10[%add3A_34, %dma_start3A_38] : memref<10240x128xf32, #tpu.memory_space<vmem_shared>> -> memref<80x128xf32, #tpu.memory_space<vmem_shared>>
        tpu.enqueue_dma source(%arg8 : memref<80x128xf32, #tpu.memory_space<vmem>>) target(%dma_start3A_39 : memref<80x128xf32, #tpu.memory_space<vmem_shared>>) target_semaphore(%run_scoped3A : memref<!tpu.dma_semaphore, #tpu.memory_space<semaphore_mem>>)
        %dma_wait3A = arith.constant 0 : i32
        %dma_wait3A_40 = tpu.memref_slice %arg10[%add3A_34, %dma_wait3A] : memref<10240x128xf32, #tpu.memory_space<vmem_shared>> -> memref<80x128xf32, #tpu.memory_space<vmem_shared>>
        %dma_wait3A_41 = arith.constant 0 : i32
        %dma_wait3A_42 = tpu.memref_slice %arg10[%add3A_34, %dma_wait3A_41] : memref<10240x128xf32, #tpu.memory_space<vmem_shared>> -> memref<80x128xf32, #tpu.memory_space<vmem_shared>>
        tpu.wait_dma2 semaphore(%run_scoped3A : memref<!tpu.dma_semaphore, #tpu.memory_space<semaphore_mem>>) src(%arg8 : memref<80x128xf32, #tpu.memory_space<vmem>>) dst(%dma_wait3A_42 : memref<80x128xf32, #tpu.memory_space<vmem_shared>>)
        tpu.yield
      }) : () -> ()
      %scan3A_35 = arith.constant 0 : i32
      scf.yield %scan3A_35 : i32
    }
    %scan3A_15 = arith.constant 8 : i32
    "tpu.region"() ({
      %run_scoped3A = tpu.sem_alloc : memref<!tpu.dma_semaphore, #tpu.memory_space<semaphore_mem>>
      %dma_start3A_30 = arith.constant 0 : i32
      %dma_start3A_31 = arith.constant 0 : i32
      %dma_start3A_32 = tpu.memref_slice %arg3[%add3A, %dma_start3A_30, %dma_start3A_31] : memref<32x64x80xi32, #tpu.memory_space<hbm>> -> memref<1x64x80xi32, #tpu.memory_space<hbm>>
      %dma_start3A_33 = tpu.memref_squeeze %dma_start3A_32 : memref<1x64x80xi32, #tpu.memory_space<hbm>> -> memref<64x80xi32, #tpu.memory_space<hbm>>
      %dma_start3A_34 = arith.constant 0 : i32
      %dma_start3A_35 = arith.constant 0 : i32
      %dma_start3A_36 = tpu.memref_slice %arg3[%add3A, %dma_start3A_34, %dma_start3A_35] : memref<32x64x80xi32, #tpu.memory_space<hbm>> -> memref<1x64x80xi32, #tpu.memory_space<hbm>>
      %dma_start3A_37 = tpu.memref_squeeze %dma_start3A_36 : memref<1x64x80xi32, #tpu.memory_space<hbm>> -> memref<64x80xi32, #tpu.memory_space<hbm>>
      tpu.enqueue_dma source(%dma_start3A_37 : memref<64x80xi32, #tpu.memory_space<hbm>>) target(%arg6 : memref<64x80xi32, #tpu.memory_space<vmem>>) target_semaphore(%run_scoped3A : memref<!tpu.dma_semaphore, #tpu.memory_space<semaphore_mem>>)
      %dma_wait3A = arith.constant 0 : i32
      %dma_wait3A_38 = arith.constant 0 : i32
      %dma_wait3A_39 = tpu.memref_slice %arg3[%add3A, %dma_wait3A, %dma_wait3A_38] : memref<32x64x80xi32, #tpu.memory_space<hbm>> -> memref<1x64x80xi32, #tpu.memory_space<hbm>>
      %dma_wait3A_40 = tpu.memref_squeeze %dma_wait3A_39 : memref<1x64x80xi32, #tpu.memory_space<hbm>> -> memref<64x80xi32, #tpu.memory_space<hbm>>
      %dma_wait3A_41 = arith.constant 0 : i32
      %dma_wait3A_42 = arith.constant 0 : i32
      %dma_wait3A_43 = tpu.memref_slice %arg3[%add3A, %dma_wait3A_41, %dma_wait3A_42] : memref<32x64x80xi32, #tpu.memory_space<hbm>> -> memref<1x64x80xi32, #tpu.memory_space<hbm>>
      %dma_wait3A_44 = tpu.memref_squeeze %dma_wait3A_43 : memref<1x64x80xi32, #tpu.memory_space<hbm>> -> memref<64x80xi32, #tpu.memory_space<hbm>>
      tpu.wait_dma2 semaphore(%run_scoped3A : memref<!tpu.dma_semaphore, #tpu.memory_space<semaphore_mem>>) src(%dma_wait3A_44 : memref<64x80xi32, #tpu.memory_space<hbm>>) dst(%arg6 : memref<64x80xi32, #tpu.memory_space<vmem>>)
      tpu.yield
    }) : () -> ()
    "tpu.region"() ({
      %run_scoped3A = tpu.sem_alloc : memref<!tpu.dma_semaphore, #tpu.memory_space<semaphore_mem>>
      %dma_start3A_30 = arith.constant 0 : i32
      %dma_start3A_31 = arith.constant 0 : i32
      %dma_start3A_32 = tpu.memref_slice %arg4[%add3A, %dma_start3A_30, %dma_start3A_31] : memref<32x64x80xi32, #tpu.memory_space<hbm>> -> memref<1x64x80xi32, #tpu.memory_space<hbm>>
      %dma_start3A_33 = tpu.memref_squeeze %dma_start3A_32 : memref<1x64x80xi32, #tpu.memory_space<hbm>> -> memref<64x80xi32, #tpu.memory_space<hbm>>
      %dma_start3A_34 = arith.constant 0 : i32
      %dma_start3A_35 = arith.constant 0 : i32
      %dma_start3A_36 = tpu.memref_slice %arg4[%add3A, %dma_start3A_34, %dma_start3A_35] : memref<32x64x80xi32, #tpu.memory_space<hbm>> -> memref<1x64x80xi32, #tpu.memory_space<hbm>>
      %dma_start3A_37 = tpu.memref_squeeze %dma_start3A_36 : memref<1x64x80xi32, #tpu.memory_space<hbm>> -> memref<64x80xi32, #tpu.memory_space<hbm>>
      tpu.enqueue_dma source(%dma_start3A_37 : memref<64x80xi32, #tpu.memory_space<hbm>>) target(%arg7 : memref<64x80xi32, #tpu.memory_space<vmem>>) target_semaphore(%run_scoped3A : memref<!tpu.dma_semaphore, #tpu.memory_space<semaphore_mem>>)
      %dma_wait3A = arith.constant 0 : i32
      %dma_wait3A_38 = arith.constant 0 : i32
      %dma_wait3A_39 = tpu.memref_slice %arg4[%add3A, %dma_wait3A, %dma_wait3A_38] : memref<32x64x80xi32, #tpu.memory_space<hbm>> -> memref<1x64x80xi32, #tpu.memory_space<hbm>>
      %dma_wait3A_40 = tpu.memref_squeeze %dma_wait3A_39 : memref<1x64x80xi32, #tpu.memory_space<hbm>> -> memref<64x80xi32, #tpu.memory_space<hbm>>
      %dma_wait3A_41 = arith.constant 0 : i32
      %dma_wait3A_42 = arith.constant 0 : i32
      %dma_wait3A_43 = tpu.memref_slice %arg4[%add3A, %dma_wait3A_41, %dma_wait3A_42] : memref<32x64x80xi32, #tpu.memory_space<hbm>> -> memref<1x64x80xi32, #tpu.memory_space<hbm>>
      %dma_wait3A_44 = tpu.memref_squeeze %dma_wait3A_43 : memref<1x64x80xi32, #tpu.memory_space<hbm>> -> memref<64x80xi32, #tpu.memory_space<hbm>>
      tpu.wait_dma2 semaphore(%run_scoped3A : memref<!tpu.dma_semaphore, #tpu.memory_space<semaphore_mem>>) src(%dma_wait3A_44 : memref<64x80xi32, #tpu.memory_space<hbm>>) dst(%arg7 : memref<64x80xi32, #tpu.memory_space<vmem>>)
      tpu.yield
    }) : () -> ()
    %barrier3A = arith.constant 0 : index
    tpu.barrier barrier_id(%barrier3A)
    %dma_start3A = arith.constant 0 : i32
    %dma_start3A_16 = arith.constant 0 : i32
    %dma_start3A_17 = tpu.memref_slice %arg6[%dma_start3A, %dma_start3A_16] : memref<64x80xi32, #tpu.memory_space<vmem>> -> memref<1x80xi32, #tpu.memory_space<vmem>>
    %dma_start3A_18 = tpu.memref_squeeze %dma_start3A_17 : memref<1x80xi32, #tpu.memory_space<vmem>> -> memref<80xi32, #tpu.memory_space<vmem>>
    %dma_start3A_19 = arith.constant 0 : i32
    %dma_start3A_20 = arith.constant 0 : i32
    %dma_start3A_21 = tpu.memref_slice %arg2[%dma_start3A_19, %dma_start3A_20] : memref<10000x128xf32, #tpu.memory_space<hbm>> -> memref<10000x128xf32, #tpu.memory_space<hbm>>
    tpu.enqueue_indirect_dma source(%dma_start3A_21 : memref<10000x128xf32, #tpu.memory_space<hbm>>) target(%arg8 : memref<80x128xf32, #tpu.memory_space<vmem>>) offsets(%dma_start3A_18 : memref<80xi32, #tpu.memory_space<vmem>>) semaphore(%arg11 : memref<!tpu.dma_semaphore, #tpu.memory_space<semaphore_mem>>)
    %scan3A_22 = arith.constant 0 : i32
    %scan3A_23 = arith.constant 0 : i32
    %scan3A_24 = arith.constant 32 : i32
    %scan3A_25 = arith.addi %scan3A_23, %scan3A_24 : i32
    %scan3A_26 = arith.constant 1 : i32
    %scan3A_27 = scf.for %scan3A_30 = %scan3A_23 to %scan3A_25 step %scan3A_26 iter_args(%scan3A_31 = %scan3A_22) -> (i32)  : i32 {
      %mul3A_32 = arith.constant 2 : i32
      %mul3A_33 = arith.muli %mul3A_32, %scan3A_30 : i32
      %add3A_34 = arith.constant 1 : i32
      %add3A_35 = arith.addi %mul3A_33, %add3A_34 : i32
      %dma_start3A_36 = arith.constant 0 : i32
      %dma_start3A_37 = tpu.memref_slice %arg6[%add3A_35, %dma_start3A_36] : memref<64x80xi32, #tpu.memory_space<vmem>> -> memref<1x80xi32, #tpu.memory_space<vmem>>
      %dma_start3A_38 = tpu.memref_squeeze %dma_start3A_37 : memref<1x80xi32, #tpu.memory_space<vmem>> -> memref<80xi32, #tpu.memory_space<vmem>>
      %dma_start3A_39 = arith.constant 0 : i32
      %dma_start3A_40 = arith.constant 0 : i32
      %dma_start3A_41 = tpu.memref_slice %arg2[%dma_start3A_39, %dma_start3A_40] : memref<10000x128xf32, #tpu.memory_space<hbm>> -> memref<10000x128xf32, #tpu.memory_space<hbm>>
      tpu.enqueue_indirect_dma source(%dma_start3A_41 : memref<10000x128xf32, #tpu.memory_space<hbm>>) target(%arg9 : memref<80x128xf32, #tpu.memory_space<vmem>>) offsets(%dma_start3A_38 : memref<80xi32, #tpu.memory_space<vmem>>) semaphore(%arg12 : memref<!tpu.dma_semaphore, #tpu.memory_space<semaphore_mem>>)
      %dma_wait3A = arith.constant 0 : i32
      %dma_wait3A_42 = tpu.memref_slice %arg6[%mul3A_33, %dma_wait3A] : memref<64x80xi32, #tpu.memory_space<vmem>> -> memref<1x80xi32, #tpu.memory_space<vmem>>
      %dma_wait3A_43 = tpu.memref_squeeze %dma_wait3A_42 : memref<1x80xi32, #tpu.memory_space<vmem>> -> memref<80xi32, #tpu.memory_space<vmem>>
      %dma_wait3A_44 = arith.constant 0 : i32
      %dma_wait3A_45 = arith.constant 0 : i32
      %dma_wait3A_46 = tpu.memref_slice %arg2[%dma_wait3A_44, %dma_wait3A_45] : memref<10000x128xf32, #tpu.memory_space<hbm>> -> memref<10000x128xf32, #tpu.memory_space<hbm>>
      tpu.wait_indirect_dma semaphore(%arg11 : memref<!tpu.dma_semaphore, #tpu.memory_space<semaphore_mem>>) src(%dma_wait3A_46 : memref<10000x128xf32, #tpu.memory_space<hbm>>) dst(%arg8 : memref<80x128xf32, #tpu.memory_space<vmem>>)
      "tpu.region"() ({
        %run_scoped3A = tpu.sem_alloc : memref<!tpu.dma_semaphore, #tpu.memory_space<semaphore_mem>>
        %dma_start3A_62 = arith.constant 0 : i32
        %dma_start3A_63 = tpu.memref_slice %arg7[%mul3A_33, %dma_start3A_62] : memref<64x80xi32, #tpu.memory_space<vmem>> -> memref<1x80xi32, #tpu.memory_space<vmem>>
        %dma_start3A_64 = tpu.memref_squeeze %dma_start3A_63 : memref<1x80xi32, #tpu.memory_space<vmem>> -> memref<80xi32, #tpu.memory_space<vmem>>
        %dma_start3A_65 = arith.constant 0 : i32
        %dma_start3A_66 = arith.constant 0 : i32
        %dma_start3A_67 = tpu.memref_slice %arg10[%dma_start3A_65, %dma_start3A_66] : memref<10240x128xf32, #tpu.memory_space<vmem_shared>> -> memref<10240x128xf32, #tpu.memory_space<vmem_shared>>
        tpu.enqueue_indirect_dma source(%arg8 : memref<80x128xf32, #tpu.memory_space<vmem>>) target(%dma_start3A_67 : memref<10240x128xf32, #tpu.memory_space<vmem_shared>>) offsets(%dma_start3A_64 : memref<80xi32, #tpu.memory_space<vmem>>) semaphore(%run_scoped3A : memref<!tpu.dma_semaphore, #tpu.memory_space<semaphore_mem>>) {add = true}
        %dma_wait3A_68 = arith.constant 0 : i32
        %dma_wait3A_69 = tpu.memref_slice %arg7[%mul3A_33, %dma_wait3A_68] : memref<64x80xi32, #tpu.memory_space<vmem>> -> memref<1x80xi32, #tpu.memory_space<vmem>>
        %dma_wait3A_70 = tpu.memref_squeeze %dma_wait3A_69 : memref<1x80xi32, #tpu.memory_space<vmem>> -> memref<80xi32, #tpu.memory_space<vmem>>
        %dma_wait3A_71 = arith.constant 0 : i32
        %dma_wait3A_72 = arith.constant 0 : i32
        %dma_wait3A_73 = tpu.memref_slice %arg10[%dma_wait3A_71, %dma_wait3A_72] : memref<10240x128xf32, #tpu.memory_space<vmem_shared>> -> memref<10240x128xf32, #tpu.memory_space<vmem_shared>>
        tpu.wait_indirect_dma semaphore(%run_scoped3A : memref<!tpu.dma_semaphore, #tpu.memory_space<semaphore_mem>>) src(%arg8 : memref<80x128xf32, #tpu.memory_space<vmem>>) dst(%dma_wait3A_73 : memref<10240x128xf32, #tpu.memory_space<vmem_shared>>)
        tpu.yield
      }) : () -> ()
      %add3A_47 = arith.constant 2 : i32
      %add3A_48 = arith.addi %mul3A_33, %add3A_47 : i32
      %lt3A = arith.constant 64 : i32
      %lt3A_49 = arith.cmpi slt, %add3A_48, %lt3A : i32
      %convert_element_type3A = arith.extui %lt3A_49 : i1 to i32
      %cond3A = arith.constant 0 : i32
      %cond3A_50 = arith.cmpi ne, %convert_element_type3A, %cond3A : i32
      scf.if %cond3A_50 {
        %add3A_62 = arith.constant 2 : i32
        %add3A_63 = arith.addi %mul3A_33, %add3A_62 : i32
        %dma_start3A_64 = arith.constant 0 : i32
        %dma_start3A_65 = tpu.memref_slice %arg6[%add3A_63, %dma_start3A_64] : memref<64x80xi32, #tpu.memory_space<vmem>> -> memref<1x80xi32, #tpu.memory_space<vmem>>
        %dma_start3A_66 = tpu.memref_squeeze %dma_start3A_65 : memref<1x80xi32, #tpu.memory_space<vmem>> -> memref<80xi32, #tpu.memory_space<vmem>>
        %dma_start3A_67 = arith.constant 0 : i32
        %dma_start3A_68 = arith.constant 0 : i32
        %dma_start3A_69 = tpu.memref_slice %arg2[%dma_start3A_67, %dma_start3A_68] : memref<10000x128xf32, #tpu.memory_space<hbm>> -> memref<10000x128xf32, #tpu.memory_space<hbm>>
        tpu.enqueue_indirect_dma source(%dma_start3A_69 : memref<10000x128xf32, #tpu.memory_space<hbm>>) target(%arg8 : memref<80x128xf32, #tpu.memory_space<vmem>>) offsets(%dma_start3A_66 : memref<80xi32, #tpu.memory_space<vmem>>) semaphore(%arg11 : memref<!tpu.dma_semaphore, #tpu.memory_space<semaphore_mem>>)
      } else {
      }
      %add3A_51 = arith.constant 1 : i32
      %add3A_52 = arith.addi %mul3A_33, %add3A_51 : i32
      %dma_wait3A_53 = arith.constant 0 : i32
      %dma_wait3A_54 = tpu.memref_slice %arg6[%add3A_52, %dma_wait3A_53] : memref<64x80xi32, #tpu.memory_space<vmem>> -> memref<1x80xi32, #tpu.memory_space<vmem>>
      %dma_wait3A_55 = tpu.memref_squeeze %dma_wait3A_54 : memref<1x80xi32, #tpu.memory_space<vmem>> -> memref<80xi32, #tpu.memory_space<vmem>>
      %dma_wait3A_56 = arith.constant 0 : i32
      %dma_wait3A_57 = arith.constant 0 : i32
      %dma_wait3A_58 = tpu.memref_slice %arg2[%dma_wait3A_56, %dma_wait3A_57] : memref<10000x128xf32, #tpu.memory_space<hbm>> -> memref<10000x128xf32, #tpu.memory_space<hbm>>
      tpu.wait_indirect_dma semaphore(%arg12 : memref<!tpu.dma_semaphore, #tpu.memory_space<semaphore_mem>>) src(%dma_wait3A_58 : memref<10000x128xf32, #tpu.memory_space<hbm>>) dst(%arg9 : memref<80x128xf32, #tpu.memory_space<vmem>>)
      %add3A_59 = arith.constant 1 : i32
      %add3A_60 = arith.addi %mul3A_33, %add3A_59 : i32
      "tpu.region"() ({
        %run_scoped3A = tpu.sem_alloc : memref<!tpu.dma_semaphore, #tpu.memory_space<semaphore_mem>>
        %dma_start3A_62 = arith.constant 0 : i32
        %dma_start3A_63 = tpu.memref_slice %arg7[%add3A_60, %dma_start3A_62] : memref<64x80xi32, #tpu.memory_space<vmem>> -> memref<1x80xi32, #tpu.memory_space<vmem>>
        %dma_start3A_64 = tpu.memref_squeeze %dma_start3A_63 : memref<1x80xi32, #tpu.memory_space<vmem>> -> memref<80xi32, #tpu.memory_space<vmem>>
        %dma_start3A_65 = arith.constant 0 : i32
        %dma_start3A_66 = arith.constant 0 : i32
        %dma_start3A_67 = tpu.memref_slice %arg10[%dma_start3A_65, %dma_start3A_66] : memref<10240x128xf32, #tpu.memory_space<vmem_shared>> -> memref<10240x128xf32, #tpu.memory_space<vmem_shared>>
        tpu.enqueue_indirect_dma source(%arg9 : memref<80x128xf32, #tpu.memory_space<vmem>>) target(%dma_start3A_67 : memref<10240x128xf32, #tpu.memory_space<vmem_shared>>) offsets(%dma_start3A_64 : memref<80xi32, #tpu.memory_space<vmem>>) semaphore(%run_scoped3A : memref<!tpu.dma_semaphore, #tpu.memory_space<semaphore_mem>>) {add = true}
        %dma_wait3A_68 = arith.constant 0 : i32
        %dma_wait3A_69 = tpu.memref_slice %arg7[%add3A_60, %dma_wait3A_68] : memref<64x80xi32, #tpu.memory_space<vmem>> -> memref<1x80xi32, #tpu.memory_space<vmem>>
        %dma_wait3A_70 = tpu.memref_squeeze %dma_wait3A_69 : memref<1x80xi32, #tpu.memory_space<vmem>> -> memref<80xi32, #tpu.memory_space<vmem>>
        %dma_wait3A_71 = arith.constant 0 : i32
        %dma_wait3A_72 = arith.constant 0 : i32
        %dma_wait3A_73 = tpu.memref_slice %arg10[%dma_wait3A_71, %dma_wait3A_72] : memref<10240x128xf32, #tpu.memory_space<vmem_shared>> -> memref<10240x128xf32, #tpu.memory_space<vmem_shared>>
        tpu.wait_indirect_dma semaphore(%run_scoped3A : memref<!tpu.dma_semaphore, #tpu.memory_space<semaphore_mem>>) src(%arg9 : memref<80x128xf32, #tpu.memory_space<vmem>>) dst(%dma_wait3A_73 : memref<10240x128xf32, #tpu.memory_space<vmem_shared>>)
        tpu.yield
      }) : () -> ()
      %scan3A_61 = arith.constant 0 : i32
      scf.yield %scan3A_61 : i32
    }
    %scan3A_28 = arith.constant 32 : i32
    %barrier3A_29 = arith.constant 0 : index
    tpu.barrier barrier_id(%barrier3A_29)
    "tpu.region"() ({
      %run_scoped3A = tpu.sem_alloc : memref<!tpu.dma_semaphore, #tpu.memory_space<semaphore_mem>>
      %dma_start3A_30 = arith.constant 0 : i32
      %dma_start3A_31 = tpu.memref_slice %arg5[%arg0, %mul3A_2, %dma_start3A_30] : memref<2x10240x128xf32, #tpu.memory_space<hbm>> -> memref<1x640x128xf32, #tpu.memory_space<hbm>>
      %dma_start3A_32 = tpu.memref_squeeze %dma_start3A_31 : memref<1x640x128xf32, #tpu.memory_space<hbm>> -> memref<640x128xf32, #tpu.memory_space<hbm>>
      %dma_start3A_33 = arith.constant 0 : i32
      %dma_start3A_34 = tpu.memref_slice %arg10[%mul3A_2, %dma_start3A_33] : memref<10240x128xf32, #tpu.memory_space<vmem_shared>> -> memref<640x128xf32, #tpu.memory_space<vmem_shared>>
      tpu.enqueue_dma source(%dma_start3A_34 : memref<640x128xf32, #tpu.memory_space<vmem_shared>>) target(%dma_start3A_32 : memref<640x128xf32, #tpu.memory_space<hbm>>) target_semaphore(%run_scoped3A : memref<!tpu.dma_semaphore, #tpu.memory_space<semaphore_mem>>)
      %dma_wait3A = arith.constant 0 : i32
      %dma_wait3A_35 = tpu.memref_slice %arg5[%arg0, %mul3A_2, %dma_wait3A] : memref<2x10240x128xf32, #tpu.memory_space<hbm>> -> memref<1x640x128xf32, #tpu.memory_space<hbm>>
      %dma_wait3A_36 = tpu.memref_squeeze %dma_wait3A_35 : memref<1x640x128xf32, #tpu.memory_space<hbm>> -> memref<640x128xf32, #tpu.memory_space<hbm>>
      %dma_wait3A_37 = arith.constant 0 : i32
      %dma_wait3A_38 = tpu.memref_slice %arg10[%mul3A_2, %dma_wait3A_37] : memref<10240x128xf32, #tpu.memory_space<vmem_shared>> -> memref<640x128xf32, #tpu.memory_space<vmem_shared>>
      tpu.wait_dma2 semaphore(%run_scoped3A : memref<!tpu.dma_semaphore, #tpu.memory_space<semaphore_mem>>) src(%dma_wait3A_38 : memref<640x128xf32, #tpu.memory_space<vmem_shared>>) dst(%dma_wait3A_36 : memref<640x128xf32, #tpu.memory_space<hbm>>)
      tpu.yield
    }) : () -> ()
    return
  }
}

#map = affine_map<(d0, d1) -> (0, 0)>
#map1 = affine_map<(d0, d1) -> (0, 0, 0)>
module attributes {stable_mosaic.version = 14 : i64} {
  func.func @body(%arg0: i32, %arg1: i32, %arg2: memref<10000x128xf32, #tpu.memory_space<hbm>>, %arg3: memref<32x64x80xi32, #tpu.memory_space<hbm>>, %arg4: memref<32x64x80xi32, #tpu.memory_space<hbm>>, %arg5: memref<2x10240x128xf32, #tpu.memory_space<hbm>>, %arg6: memref<64x80xi32, #tpu.memory_space<vmem>>, %arg7: memref<64x80xi32, #tpu.memory_space<vmem>>, %arg8: memref<80x128xf32, #tpu.memory_space<vmem>>, %arg9: memref<80x128xf32, #tpu.memory_space<vmem>>, %arg10: memref<10240x128xf32, #tpu.memory_space<vmem_shared>>, %arg11: memref<!tpu.dma_semaphore, #tpu.memory_space<semaphore_mem>>, %arg12: memref<!tpu.dma_semaphore, #tpu.memory_space<semaphore_mem>>, %arg13: memref<!tpu.dma_semaphore, #tpu.memory_space<semaphore_mem>>, %arg14: memref<!tpu.dma_semaphore, #tpu.memory_space<semaphore_mem>>) attributes {dimension_semantics = [#tpu.dimension_semantics<core_parallel>, #tpu.dimension_semantics<subcore_parallel>], iteration_bounds = array<i64: 2, 16>, scalar_prefetch = 0 : i64, scratch_operands = 9 : i64, tpu.core_type = #tpu.core_type<sc_vector_subcore>, window_params = [{transform_indices = #map}, {transform_indices = #map1}, {transform_indices = #map1}, {transform_indices = #map1}]} {
    %mul3A = arith.constant 2 : i32
    %mul3A_0 = arith.muli %arg1, %mul3A : i32
    %add3A = arith.addi %mul3A_0, %arg0 : i32
    %mul3A_1 = arith.constant 640 : i32
    %mul3A_2 = arith.muli %arg1, %mul3A_1 : i32
    %scan3A = arith.constant 0 : i32
    %scan3A_3 = arith.constant 0 : i32
    %scan3A_4 = arith.constant 80 : i32
    %scan3A_5 = arith.addi %scan3A_3, %scan3A_4 : i32
    %scan3A_6 = arith.constant 1 : i32
    %scan3A_7 = scf.for %scan3A_30 = %scan3A_3 to %scan3A_5 step %scan3A_6 iter_args(%scan3A_31 = %scan3A) -> (i32)  : i32 {
      %scan3A_32 = arith.constant 0 : i32
      %scan3A_33 = arith.constant 0 : i32
      %scan3A_34 = arith.constant 8 : i32
      %scan3A_35 = arith.addi %scan3A_33, %scan3A_34 : i32
      %scan3A_36 = arith.constant 1 : i32
      %scan3A_37 = scf.for %scan3A_40 = %scan3A_33 to %scan3A_35 step %scan3A_36 iter_args(%scan3A_41 = %scan3A_32) -> (i32)  : i32 {
        %broadcast_in_dim3A = arith.constant 0.000000e+00 : f32
        %broadcast_in_dim3A_42 = vector.broadcast %broadcast_in_dim3A : f32 to vector<16xf32>
        %mul3A_43 = arith.constant 16 : i32
        %mul3A_44 = arith.muli %scan3A_40, %mul3A_43 : i32
        %swap3A = arith.index_cast %scan3A_30 : i32 to index
        %swap3A_45 = arith.index_cast %mul3A_44 : i32 to index
        %swap3A_46 = tpu.vector_load %arg8[%swap3A, %swap3A_45] {strides = array<i32>} : memref<80x128xf32, #tpu.memory_space<vmem>>, vector<1x16xf32>,
        %swap3A_47 = vector.shape_cast %swap3A_46 : vector<1x16xf32> to vector<16xf32>
        %swap3A_48 = vector.shape_cast %broadcast_in_dim3A_42 : vector<16xf32> to vector<1x16xf32>
        tpu.vector_store %arg8[%swap3A, %swap3A_45], %swap3A_48 {strides = array<i32>} : memref<80x128xf32, #tpu.memory_space<vmem>>, vector<1x16xf32>,
        %scan3A_49 = arith.constant 0 : i32
        scf.yield %scan3A_49 : i32
      }
      %scan3A_38 = arith.constant 8 : i32
      %scan3A_39 = arith.constant 0 : i32
      scf.yield %scan3A_39 : i32
    }
    %scan3A_8 = arith.constant 80 : i32
    %scan3A_9 = arith.constant 0 : i32
    %scan3A_10 = arith.constant 0 : i32
    %scan3A_11 = arith.constant 8 : i32
    %scan3A_12 = arith.addi %scan3A_10, %scan3A_11 : i32
    %scan3A_13 = arith.constant 1 : i32
    %scan3A_14 = scf.for %scan3A_30 = %scan3A_10 to %scan3A_12 step %scan3A_13 iter_args(%scan3A_31 = %scan3A_9) -> (i32)  : i32 {
      %mul3A_32 = arith.constant 80 : i32
      %mul3A_33 = arith.muli %scan3A_30, %mul3A_32 : i32
      %add3A_34 = arith.addi %mul3A_2, %mul3A_33 : i32
      "tpu.region"() ({
        %run_scoped3A = tpu.sem_alloc : memref<!tpu.dma_semaphore, #tpu.memory_space<semaphore_mem>>
        %dma_start3A_36 = arith.constant 0 : i32
        %dma_start3A_37 = tpu.memref_slice %arg10[%add3A_34, %dma_start3A_36] : memref<10240x128xf32, #tpu.memory_space<vmem_shared>> -> memref<80x128xf32, #tpu.memory_space<vmem_shared>>
        %dma_start3A_38 = arith.constant 0 : i32
        %dma_start3A_39 = tpu.memref_slice %arg10[%add3A_34, %dma_start3A_38] : memref<10240x128xf32, #tpu.memory_space<vmem_shared>> -> memref<80x128xf32, #tpu.memory_space<vmem_shared>>
        tpu.enqueue_dma source(%arg8 : memref<80x128xf32, #tpu.memory_space<vmem>>) target(%dma_start3A_39 : memref<80x128xf32, #tpu.memory_space<vmem_shared>>) target_semaphore(%run_scoped3A : memref<!tpu.dma_semaphore, #tpu.memory_space<semaphore_mem>>)
        %dma_wait3A = arith.constant 0 : i32
        %dma_wait3A_40 = tpu.memref_slice %arg10[%add3A_34, %dma_wait3A] : memref<10240x128xf32, #tpu.memory_space<vmem_shared>> -> memref<80x128xf32, #tpu.memory_space<vmem_shared>>
        %dma_wait3A_41 = arith.constant 0 : i32
        %dma_wait3A_42 = tpu.memref_slice %arg10[%add3A_34, %dma_wait3A_41] : memref<10240x128xf32, #tpu.memory_space<vmem_shared>> -> memref<80x128xf32, #tpu.memory_space<vmem_shared>>
        tpu.wait_dma2 semaphore(%run_scoped3A : memref<!tpu.dma_semaphore, #tpu.memory_space<semaphore_mem>>) src(%arg8 : memref<80x128xf32, #tpu.memory_space<vmem>>) dst(%dma_wait3A_42 : memref<80x128xf32, #tpu.memory_space<vmem_shared>>)
        tpu.yield
      }) : () -> ()
      %scan3A_35 = arith.constant 0 : i32
      scf.yield %scan3A_35 : i32
    }
    %scan3A_15 = arith.constant 8 : i32
    "tpu.region"() ({
      %run_scoped3A = tpu.sem_alloc : memref<!tpu.dma_semaphore, #tpu.memory_space<semaphore_mem>>
      %dma_start3A_30 = arith.constant 0 : i32
      %dma_start3A_31 = arith.constant 0 : i32
      %dma_start3A_32 = tpu.memref_slice %arg3[%add3A, %dma_start3A_30, %dma_start3A_31] : memref<32x64x80xi32, #tpu.memory_space<hbm>> -> memref<1x64x80xi32, #tpu.memory_space<hbm>>
      %dma_start3A_33 = tpu.memref_squeeze %dma_start3A_32 : memref<1x64x80xi32, #tpu.memory_space<hbm>> -> memref<64x80xi32, #tpu.memory_space<hbm>>
      %dma_start3A_34 = arith.constant 0 : i32
      %dma_start3A_35 = arith.constant 0 : i32
      %dma_start3A_36 = tpu.memref_slice %arg3[%add3A, %dma_start3A_34, %dma_start3A_35] : memref<32x64x80xi32, #tpu.memory_space<hbm>> -> memref<1x64x80xi32, #tpu.memory_space<hbm>>
      %dma_start3A_37 = tpu.memref_squeeze %dma_start3A_36 : memref<1x64x80xi32, #tpu.memory_space<hbm>> -> memref<64x80xi32, #tpu.memory_space<hbm>>
      tpu.enqueue_dma source(%dma_start3A_37 : memref<64x80xi32, #tpu.memory_space<hbm>>) target(%arg6 : memref<64x80xi32, #tpu.memory_space<vmem>>) target_semaphore(%run_scoped3A : memref<!tpu.dma_semaphore, #tpu.memory_space<semaphore_mem>>)
      %dma_wait3A = arith.constant 0 : i32
      %dma_wait3A_38 = arith.constant 0 : i32
      %dma_wait3A_39 = tpu.memref_slice %arg3[%add3A, %dma_wait3A, %dma_wait3A_38] : memref<32x64x80xi32, #tpu.memory_space<hbm>> -> memref<1x64x80xi32, #tpu.memory_space<hbm>>
      %dma_wait3A_40 = tpu.memref_squeeze %dma_wait3A_39 : memref<1x64x80xi32, #tpu.memory_space<hbm>> -> memref<64x80xi32, #tpu.memory_space<hbm>>
      %dma_wait3A_41 = arith.constant 0 : i32
      %dma_wait3A_42 = arith.constant 0 : i32
      %dma_wait3A_43 = tpu.memref_slice %arg3[%add3A, %dma_wait3A_41, %dma_wait3A_42] : memref<32x64x80xi32, #tpu.memory_space<hbm>> -> memref<1x64x80xi32, #tpu.memory_space<hbm>>
      %dma_wait3A_44 = tpu.memref_squeeze %dma_wait3A_43 : memref<1x64x80xi32, #tpu.memory_space<hbm>> -> memref<64x80xi32, #tpu.memory_space<hbm>>
      tpu.wait_dma2 semaphore(%run_scoped3A : memref<!tpu.dma_semaphore, #tpu.memory_space<semaphore_mem>>) src(%dma_wait3A_44 : memref<64x80xi32, #tpu.memory_space<hbm>>) dst(%arg6 : memref<64x80xi32, #tpu.memory_space<vmem>>)
      tpu.yield
    }) : () -> ()
    "tpu.region"() ({
      %run_scoped3A = tpu.sem_alloc : memref<!tpu.dma_semaphore, #tpu.memory_space<semaphore_mem>>
      %dma_start3A_30 = arith.constant 0 : i32
      %dma_start3A_31 = arith.constant 0 : i32
      %dma_start3A_32 = tpu.memref_slice %arg4[%add3A, %dma_start3A_30, %dma_start3A_31] : memref<32x64x80xi32, #tpu.memory_space<hbm>> -> memref<1x64x80xi32, #tpu.memory_space<hbm>>
      %dma_start3A_33 = tpu.memref_squeeze %dma_start3A_32 : memref<1x64x80xi32, #tpu.memory_space<hbm>> -> memref<64x80xi32, #tpu.memory_space<hbm>>
      %dma_start3A_34 = arith.constant 0 : i32
      %dma_start3A_35 = arith.constant 0 : i32
      %dma_start3A_36 = tpu.memref_slice %arg4[%add3A, %dma_start3A_34, %dma_start3A_35] : memref<32x64x80xi32, #tpu.memory_space<hbm>> -> memref<1x64x80xi32, #tpu.memory_space<hbm>>
      %dma_start3A_37 = tpu.memref_squeeze %dma_start3A_36 : memref<1x64x80xi32, #tpu.memory_space<hbm>> -> memref<64x80xi32, #tpu.memory_space<hbm>>
      tpu.enqueue_dma source(%dma_start3A_37 : memref<64x80xi32, #tpu.memory_space<hbm>>) target(%arg7 : memref<64x80xi32, #tpu.memory_space<vmem>>) target_semaphore(%run_scoped3A : memref<!tpu.dma_semaphore, #tpu.memory_space<semaphore_mem>>)
      %dma_wait3A = arith.constant 0 : i32
      %dma_wait3A_38 = arith.constant 0 : i32
      %dma_wait3A_39 = tpu.memref_slice %arg4[%add3A, %dma_wait3A, %dma_wait3A_38] : memref<32x64x80xi32, #tpu.memory_space<hbm>> -> memref<1x64x80xi32, #tpu.memory_space<hbm>>
      %dma_wait3A_40 = tpu.memref_squeeze %dma_wait3A_39 : memref<1x64x80xi32, #tpu.memory_space<hbm>> -> memref<64x80xi32, #tpu.memory_space<hbm>>
      %dma_wait3A_41 = arith.constant 0 : i32
      %dma_wait3A_42 = arith.constant 0 : i32
      %dma_wait3A_43 = tpu.memref_slice %arg4[%add3A, %dma_wait3A_41, %dma_wait3A_42] : memref<32x64x80xi32, #tpu.memory_space<hbm>> -> memref<1x64x80xi32, #tpu.memory_space<hbm>>
      %dma_wait3A_44 = tpu.memref_squeeze %dma_wait3A_43 : memref<1x64x80xi32, #tpu.memory_space<hbm>> -> memref<64x80xi32, #tpu.memory_space<hbm>>
      tpu.wait_dma2 semaphore(%run_scoped3A : memref<!tpu.dma_semaphore, #tpu.memory_space<semaphore_mem>>) src(%dma_wait3A_44 : memref<64x80xi32, #tpu.memory_space<hbm>>) dst(%arg7 : memref<64x80xi32, #tpu.memory_space<vmem>>)
      tpu.yield
    }) : () -> ()
    %barrier3A = arith.constant 0 : index
    tpu.barrier barrier_id(%barrier3A)
    %dma_start3A = arith.constant 0 : i32
    %dma_start3A_16 = arith.constant 0 : i32
    %dma_start3A_17 = tpu.memref_slice %arg6[%dma_start3A, %dma_start3A_16] : memref<64x80xi32, #tpu.memory_space<vmem>> -> memref<1x80xi32, #tpu.memory_space<vmem>>
    %dma_start3A_18 = tpu.memref_squeeze %dma_start3A_17 : memref<1x80xi32, #tpu.memory_space<vmem>> -> memref<80xi32, #tpu.memory_space<vmem>>
    %dma_start3A_19 = arith.constant 0 : i32
    %dma_start3A_20 = arith.constant 0 : i32
    %dma_start3A_21 = tpu.memref_slice %arg2[%dma_start3A_19, %dma_start3A_20] : memref<10000x128xf32, #tpu.memory_space<hbm>> -> memref<10000x128xf32, #tpu.memory_space<hbm>>
    tpu.enqueue_indirect_dma source(%dma_start3A_21 : memref<10000x128xf32, #tpu.memory_space<hbm>>) target(%arg8 : memref<80x128xf32, #tpu.memory_space<vmem>>) offsets(%dma_start3A_18 : memref<80xi32, #tpu.memory_space<vmem>>) semaphore(%arg11 : memref<!tpu.dma_semaphore, #tpu.memory_space<semaphore_mem>>)
    %scan3A_22 = arith.constant 0 : i32
    %scan3A_23 = arith.constant 0 : i32
    %scan3A_24 = arith.constant 32 : i32
    %scan3A_25 = arith.addi %scan3A_23, %scan3A_24 : i32
    %scan3A_26 = arith.constant 1 : i32
    %scan3A_27 = scf.for %scan3A_30 = %scan3A_23 to %scan3A_25 step %scan3A_26 iter_args(%scan3A_31 = %scan3A_22) -> (i32)  : i32 {
      %mul3A_32 = arith.constant 2 : i32
      %mul3A_33 = arith.muli %mul3A_32, %scan3A_30 : i32
      %add3A_34 = arith.constant 1 : i32
      %add3A_35 = arith.addi %mul3A_33, %add3A_34 : i32
      %dma_start3A_36 = arith.constant 0 : i32
      %dma_start3A_37 = tpu.memref_slice %arg6[%add3A_35, %dma_start3A_36] : memref<64x80xi32, #tpu.memory_space<vmem>> -> memref<1x80xi32, #tpu.memory_space<vmem>>
      %dma_start3A_38 = tpu.memref_squeeze %dma_start3A_37 : memref<1x80xi32, #tpu.memory_space<vmem>> -> memref<80xi32, #tpu.memory_space<vmem>>
      %dma_start3A_39 = arith.constant 0 : i32
      %dma_start3A_40 = arith.constant 0 : i32
      %dma_start3A_41 = tpu.memref_slice %arg2[%dma_start3A_39, %dma_start3A_40] : memref<10000x128xf32, #tpu.memory_space<hbm>> -> memref<10000x128xf32, #tpu.memory_space<hbm>>
      tpu.enqueue_indirect_dma source(%dma_start3A_41 : memref<10000x128xf32, #tpu.memory_space<hbm>>) target(%arg9 : memref<80x128xf32, #tpu.memory_space<vmem>>) offsets(%dma_start3A_38 : memref<80xi32, #tpu.memory_space<vmem>>) semaphore(%arg12 : memref<!tpu.dma_semaphore, #tpu.memory_space<semaphore_mem>>)
      %dma_wait3A = arith.constant 0 : i32
      %dma_wait3A_42 = tpu.memref_slice %arg6[%mul3A_33, %dma_wait3A] : memref<64x80xi32, #tpu.memory_space<vmem>> -> memref<1x80xi32, #tpu.memory_space<vmem>>
      %dma_wait3A_43 = tpu.memref_squeeze %dma_wait3A_42 : memref<1x80xi32, #tpu.memory_space<vmem>> -> memref<80xi32, #tpu.memory_space<vmem>>
      %dma_wait3A_44 = arith.constant 0 : i32
      %dma_wait3A_45 = arith.constant 0 : i32
      %dma_wait3A_46 = tpu.memref_slice %arg2[%dma_wait3A_44, %dma_wait3A_45] : memref<10000x128xf32, #tpu.memory_space<hbm>> -> memref<10000x128xf32, #tpu.memory_space<hbm>>
      tpu.wait_indirect_dma semaphore(%arg11 : memref<!tpu.dma_semaphore, #tpu.memory_space<semaphore_mem>>) src(%dma_wait3A_46 : memref<10000x128xf32, #tpu.memory_space<hbm>>) dst(%arg8 : memref<80x128xf32, #tpu.memory_space<vmem>>)
      "tpu.region"() ({
        %run_scoped3A = tpu.sem_alloc : memref<!tpu.dma_semaphore, #tpu.memory_space<semaphore_mem>>
        %dma_start3A_62 = arith.constant 0 : i32
        %dma_start3A_63 = tpu.memref_slice %arg7[%mul3A_33, %dma_start3A_62] : memref<64x80xi32, #tpu.memory_space<vmem>> -> memref<1x80xi32, #tpu.memory_space<vmem>>
        %dma_start3A_64 = tpu.memref_squeeze %dma_start3A_63 : memref<1x80xi32, #tpu.memory_space<vmem>> -> memref<80xi32, #tpu.memory_space<vmem>>
        %dma_start3A_65 = arith.constant 0 : i32
        %dma_start3A_66 = arith.constant 0 : i32
        %dma_start3A_67 = tpu.memref_slice %arg10[%dma_start3A_65, %dma_start3A_66] : memref<10240x128xf32, #tpu.memory_space<vmem_shared>> -> memref<10240x128xf32, #tpu.memory_space<vmem_shared>>
        tpu.enqueue_indirect_dma source(%arg8 : memref<80x128xf32, #tpu.memory_space<vmem>>) target(%dma_start3A_67 : memref<10240x128xf32, #tpu.memory_space<vmem_shared>>) offsets(%dma_start3A_64 : memref<80xi32, #tpu.memory_space<vmem>>) semaphore(%run_scoped3A : memref<!tpu.dma_semaphore, #tpu.memory_space<semaphore_mem>>) {add = true}
        %dma_wait3A_68 = arith.constant 0 : i32
        %dma_wait3A_69 = tpu.memref_slice %arg7[%mul3A_33, %dma_wait3A_68] : memref<64x80xi32, #tpu.memory_space<vmem>> -> memref<1x80xi32, #tpu.memory_space<vmem>>
        %dma_wait3A_70 = tpu.memref_squeeze %dma_wait3A_69 : memref<1x80xi32, #tpu.memory_space<vmem>> -> memref<80xi32, #tpu.memory_space<vmem>>
        %dma_wait3A_71 = arith.constant 0 : i32
        %dma_wait3A_72 = arith.constant 0 : i32
        %dma_wait3A_73 = tpu.memref_slice %arg10[%dma_wait3A_71, %dma_wait3A_72] : memref<10240x128xf32, #tpu.memory_space<vmem_shared>> -> memref<10240x128xf32, #tpu.memory_space<vmem_shared>>
        tpu.wait_indirect_dma semaphore(%run_scoped3A : memref<!tpu.dma_semaphore, #tpu.memory_space<semaphore_mem>>) src(%arg8 : memref<80x128xf32, #tpu.memory_space<vmem>>) dst(%dma_wait3A_73 : memref<10240x128xf32, #tpu.memory_space<vmem_shared>>)
        tpu.yield
      }) : () -> ()
      %add3A_47 = arith.constant 2 : i32
      %add3A_48 = arith.addi %mul3A_33, %add3A_47 : i32
      %lt3A = arith.constant 64 : i32
      %lt3A_49 = arith.cmpi slt, %add3A_48, %lt3A : i32
      %convert_element_type3A = arith.extui %lt3A_49 : i1 to i32
      %cond3A = arith.constant 0 : i32
      %cond3A_50 = arith.cmpi ne, %convert_element_type3A, %cond3A : i32
      scf.if %cond3A_50 {
        %add3A_62 = arith.constant 2 : i32
        %add3A_63 = arith.addi %mul3A_33, %add3A_62 : i32
        %dma_start3A_64 = arith.constant 0 : i32
        %dma_start3A_65 = tpu.memref_slice %arg6[%add3A_63, %dma_start3A_64] : memref<64x80xi32, #tpu.memory_space<vmem>> -> memref<1x80xi32, #tpu.memory_space<vmem>>
        %dma_start3A_66 = tpu.memref_squeeze %dma_start3A_65 : memref<1x80xi32, #tpu.memory_space<vmem>> -> memref<80xi32, #tpu.memory_space<vmem>>
        %dma_start3A_67 = arith.constant 0 : i32
        %dma_start3A_68 = arith.constant 0 : i32
        %dma_start3A_69 = tpu.memref_slice %arg2[%dma_start3A_67, %dma_start3A_68] : memref<10000x128xf32, #tpu.memory_space<hbm>> -> memref<10000x128xf32, #tpu.memory_space<hbm>>
        tpu.enqueue_indirect_dma source(%dma_start3A_69 : memref<10000x128xf32, #tpu.memory_space<hbm>>) target(%arg8 : memref<80x128xf32, #tpu.memory_space<vmem>>) offsets(%dma_start3A_66 : memref<80xi32, #tpu.memory_space<vmem>>) semaphore(%arg11 : memref<!tpu.dma_semaphore, #tpu.memory_space<semaphore_mem>>)
      } else {
      }
      %add3A_51 = arith.constant 1 : i32
      %add3A_52 = arith.addi %mul3A_33, %add3A_51 : i32
      %dma_wait3A_53 = arith.constant 0 : i32
      %dma_wait3A_54 = tpu.memref_slice %arg6[%add3A_52, %dma_wait3A_53] : memref<64x80xi32, #tpu.memory_space<vmem>> -> memref<1x80xi32, #tpu.memory_space<vmem>>
      %dma_wait3A_55 = tpu.memref_squeeze %dma_wait3A_54 : memref<1x80xi32, #tpu.memory_space<vmem>> -> memref<80xi32, #tpu.memory_space<vmem>>
      %dma_wait3A_56 = arith.constant 0 : i32
      %dma_wait3A_57 = arith.constant 0 : i32
      %dma_wait3A_58 = tpu.memref_slice %arg2[%dma_wait3A_56, %dma_wait3A_57] : memref<10000x128xf32, #tpu.memory_space<hbm>> -> memref<10000x128xf32, #tpu.memory_space<hbm>>
      tpu.wait_indirect_dma semaphore(%arg12 : memref<!tpu.dma_semaphore, #tpu.memory_space<semaphore_mem>>) src(%dma_wait3A_58 : memref<10000x128xf32, #tpu.memory_space<hbm>>) dst(%arg9 : memref<80x128xf32, #tpu.memory_space<vmem>>)
      %add3A_59 = arith.constant 1 : i32
      %add3A_60 = arith.addi %mul3A_33, %add3A_59 : i32
      "tpu.region"() ({
        %run_scoped3A = tpu.sem_alloc : memref<!tpu.dma_semaphore, #tpu.memory_space<semaphore_mem>>
        %dma_start3A_62 = arith.constant 0 : i32
        %dma_start3A_63 = tpu.memref_slice %arg7[%add3A_60, %dma_start3A_62] : memref<64x80xi32, #tpu.memory_space<vmem>> -> memref<1x80xi32, #tpu.memory_space<vmem>>
        %dma_start3A_64 = tpu.memref_squeeze %dma_start3A_63 : memref<1x80xi32, #tpu.memory_space<vmem>> -> memref<80xi32, #tpu.memory_space<vmem>>
        %dma_start3A_65 = arith.constant 0 : i32
        %dma_start3A_66 = arith.constant 0 : i32
        %dma_start3A_67 = tpu.memref_slice %arg10[%dma_start3A_65, %dma_start3A_66] : memref<10240x128xf32, #tpu.memory_space<vmem_shared>> -> memref<10240x128xf32, #tpu.memory_space<vmem_shared>>
        tpu.enqueue_indirect_dma source(%arg9 : memref<80x128xf32, #tpu.memory_space<vmem>>) target(%dma_start3A_67 : memref<10240x128xf32, #tpu.memory_space<vmem_shared>>) offsets(%dma_start3A_64 : memref<80xi32, #tpu.memory_space<vmem>>) semaphore(%run_scoped3A : memref<!tpu.dma_semaphore, #tpu.memory_space<semaphore_mem>>) {add = true}
        %dma_wait3A_68 = arith.constant 0 : i32
        %dma_wait3A_69 = tpu.memref_slice %arg7[%add3A_60, %dma_wait3A_68] : memref<64x80xi32, #tpu.memory_space<vmem>> -> memref<1x80xi32, #tpu.memory_space<vmem>>
        %dma_wait3A_70 = tpu.memref_squeeze %dma_wait3A_69 : memref<1x80xi32, #tpu.memory_space<vmem>> -> memref<80xi32, #tpu.memory_space<vmem>>
        %dma_wait3A_71 = arith.constant 0 : i32
        %dma_wait3A_72 = arith.constant 0 : i32
        %dma_wait3A_73 = tpu.memref_slice %arg10[%dma_wait3A_71, %dma_wait3A_72] : memref<10240x128xf32, #tpu.memory_space<vmem_shared>> -> memref<10240x128xf32, #tpu.memory_space<vmem_shared>>
        tpu.wait_indirect_dma semaphore(%run_scoped3A : memref<!tpu.dma_semaphore, #tpu.memory_space<semaphore_mem>>) src(%arg9 : memref<80x128xf32, #tpu.memory_space<vmem>>) dst(%dma_wait3A_73 : memref<10240x128xf32, #tpu.memory_space<vmem_shared>>)
        tpu.yield
      }) : () -> ()
      %scan3A_61 = arith.constant 0 : i32
      scf.yield %scan3A_61 : i32
    }
    %scan3A_28 = arith.constant 32 : i32
    %barrier3A_29 = arith.constant 0 : index
    tpu.barrier barrier_id(%barrier3A_29)
    "tpu.region"() ({
      %run_scoped3A = tpu.sem_alloc : memref<!tpu.dma_semaphore, #tpu.memory_space<semaphore_mem>>
      %dma_start3A_30 = arith.constant 0 : i32
      %dma_start3A_31 = tpu.memref_slice %arg5[%arg0, %mul3A_2, %dma_start3A_30] : memref<2x10240x128xf32, #tpu.memory_space<hbm>> -> memref<1x640x128xf32, #tpu.memory_space<hbm>>
      %dma_start3A_32 = tpu.memref_squeeze %dma_start3A_31 : memref<1x640x128xf32, #tpu.memory_space<hbm>> -> memref<640x128xf32, #tpu.memory_space<hbm>>
      %dma_start3A_33 = arith.constant 0 : i32
      %dma_start3A_34 = tpu.memref_slice %arg10[%mul3A_2, %dma_start3A_33] : memref<10240x128xf32, #tpu.memory_space<vmem_shared>> -> memref<640x128xf32, #tpu.memory_space<vmem_shared>>
      tpu.enqueue_dma source(%dma_start3A_34 : memref<640x128xf32, #tpu.memory_space<vmem_shared>>) target(%dma_start3A_32 : memref<640x128xf32, #tpu.memory_space<hbm>>) target_semaphore(%run_scoped3A : memref<!tpu.dma_semaphore, #tpu.memory_space<semaphore_mem>>)
      %dma_wait3A = arith.constant 0 : i32
      %dma_wait3A_35 = tpu.memref_slice %arg5[%arg0, %mul3A_2, %dma_wait3A] : memref<2x10240x128xf32, #tpu.memory_space<hbm>> -> memref<1x640x128xf32, #tpu.memory_space<hbm>>
      %dma_wait3A_36 = tpu.memref_squeeze %dma_wait3A_35 : memref<1x640x128xf32, #tpu.memory_space<hbm>> -> memref<640x128xf32, #tpu.memory_space<hbm>>
      %dma_wait3A_37 = arith.constant 0 : i32
      %dma_wait3A_38 = tpu.memref_slice %arg10[%mul3A_2, %dma_wait3A_37] : memref<10240x128xf32, #tpu.memory_space<vmem_shared>> -> memref<640x128xf32, #tpu.memory_space<vmem_shared>>
      tpu.wait_dma2 semaphore(%run_scoped3A : memref<!tpu.dma_semaphore, #tpu.memory_space<semaphore_mem>>) src(%dma_wait3A_38 : memref<640x128xf32, #tpu.memory_space<vmem_shared>>) dst(%dma_wait3A_36 : memref<640x128xf32, #tpu.memory_space<hbm>>)
      tpu.yield
    }) : () -> ()
    return
  }
}

module attributes {stable_mosaic.version = 14 : i64} {
  func.func @_enc_body(%arg0: i32, %arg1: memref<1000x128xf32, #tpu.memory_space<vmem>>, %arg2: memref<128x384xf32, #tpu.memory_space<vmem>>, %arg3: memref<1x384xf32, #tpu.memory_space<vmem>>, %arg4: memref<128x384xf32, #tpu.memory_space<vmem>>, %arg5: memref<1x384xf32, #tpu.memory_space<vmem>>, %arg6: memref<1000x128xf32, #tpu.memory_space<vmem>>, %arg7: memref<1000x128xf32, #tpu.memory_space<vmem>>, %arg8: memref<1000x128xf32, #tpu.memory_space<vmem>>, %arg9: memref<1000x128xf32, #tpu.memory_space<vmem>>) attributes {dimension_semantics = [#tpu.dimension_semantics<arbitrary>], iteration_bounds = array<i64: 10>, scalar_prefetch = 0 : i64, scratch_operands = 0 : i64, tpu.core_type = #tpu.core_type<tc>, window_params = [{transform_indices = @transform_0, window_bounds = array<i64: 1000, 128>}, {pipeline_mode = #tpu.pipeline_mode<synchronous>, transform_indices = @transform_1, window_bounds = array<i64: 128, 384>}, {pipeline_mode = #tpu.pipeline_mode<synchronous>, transform_indices = @transform_2, window_bounds = array<i64: 1, 384>}, {pipeline_mode = #tpu.pipeline_mode<synchronous>, transform_indices = @transform_3, window_bounds = array<i64: 128, 384>}, {pipeline_mode = #tpu.pipeline_mode<synchronous>, transform_indices = @transform_4, window_bounds = array<i64: 1, 384>}, {transform_indices = @transform_5, window_bounds = array<i64: 1000, 128>}, {transform_indices = @transform_6, window_bounds = array<i64: 1000, 128>}, {transform_indices = @transform_7, window_bounds = array<i64: 1000, 128>}, {transform_indices = @transform_8, window_bounds = array<i64: 1000, 128>}]} {
    %get3A = arith.constant 0 : index
    %get3A_0 = arith.constant 0 : index
    %get3A_1 = vector.load %arg1[%get3A, %get3A_0] : memref<1000x128xf32, #tpu.memory_space<vmem>>, vector<1000x128xf32>
    %get3A_2 = arith.constant 0 : index
    %get3A_3 = arith.constant 0 : index
    %get3A_4 = vector.load %arg2[%get3A_2, %get3A_3] : memref<128x384xf32, #tpu.memory_space<vmem>>, vector<128x384xf32>
    %dot_general3A = arith.constant dense<0.000000e+00> : vector<1000x384xf32>
    %dot_general3A_5 = tpu.matmul %get3A_1, %get3A_4, %dot_general3A {dimension_numbers = #tpu.dot_dimension_numbers<[1], [0], [0], [1], [0, 0, 1, 1], [], []>, transpose_lhs_hint = false} : vector<1000x128xf32>, vector<128x384xf32>, vector<1000x384xf32> -> vector<1000x384xf32>
    %get3A_6 = arith.constant 0 : index
    %get3A_7 = arith.constant 0 : index
    %get3A_8 = vector.load %arg3[%get3A_6, %get3A_7] : memref<1x384xf32, #tpu.memory_space<vmem>>, vector<1x384xf32>
    %add3A = vector.broadcast %get3A_8 : vector<1x384xf32> to vector<1000x384xf32>
    %add3A_9 = arith.addf %dot_general3A_5, %add3A : vector<1000x384xf32>
    %slice3A = vector.extract_strided_slice %add3A_9 {offsets = [0, 0], sizes = [1000, 128], strides = [1, 1]} : vector<1000x384xf32> to vector<1000x128xf32>
    %logistic3A = arith.negf %slice3A : vector<1000x128xf32>
    %logistic3A_10 = math.exp %logistic3A : vector<1000x128xf32>
    %logistic3A_11 = arith.constant 1.000000e+00 : f32
    %logistic3A_12 = vector.broadcast %logistic3A_11 : f32 to vector<1000x128xf32>
    %logistic3A_13 = arith.addf %logistic3A_12, %logistic3A_10 : vector<1000x128xf32>
    %logistic3A_14 = arith.divf %logistic3A_12, %logistic3A_13 : vector<1000x128xf32>
    %slice3A_15 = vector.extract_strided_slice %add3A_9 {offsets = [0, 128], sizes = [1000, 128], strides = [1, 1]} : vector<1000x384xf32> to vector<1000x128xf32>
    %tanh3A = math.tanh %slice3A_15 : vector<1000x128xf32>
    %slice3A_16 = vector.extract_strided_slice %add3A_9 {offsets = [0, 256], sizes = [1000, 128], strides = [1, 1]} : vector<1000x384xf32> to vector<1000x128xf32>
    %logistic3A_17 = arith.negf %slice3A_16 : vector<1000x128xf32>
    %logistic3A_18 = math.exp %logistic3A_17 : vector<1000x128xf32>
    %logistic3A_19 = arith.constant 1.000000e+00 : f32
    %logistic3A_20 = vector.broadcast %logistic3A_19 : f32 to vector<1000x128xf32>
    %logistic3A_21 = arith.addf %logistic3A_20, %logistic3A_18 : vector<1000x128xf32>
    %logistic3A_22 = arith.divf %logistic3A_20, %logistic3A_21 : vector<1000x128xf32>
    %mul3A = arith.mulf %logistic3A_14, %tanh3A : vector<1000x128xf32>
    %tanh3A_23 = math.tanh %mul3A : vector<1000x128xf32>
    %mul3A_24 = arith.mulf %logistic3A_22, %tanh3A_23 : vector<1000x128xf32>
    %get3A_25 = arith.constant 0 : index
    %get3A_26 = arith.constant 0 : index
    %get3A_27 = vector.load %arg4[%get3A_25, %get3A_26] : memref<128x384xf32, #tpu.memory_space<vmem>>, vector<128x384xf32>
    %dot_general3A_28 = arith.constant dense<0.000000e+00> : vector<1000x384xf32>
    %dot_general3A_29 = tpu.matmul %mul3A_24, %get3A_27, %dot_general3A_28 {dimension_numbers = #tpu.dot_dimension_numbers<[1], [0], [0], [1], [0, 0, 1, 1], [], []>, transpose_lhs_hint = false} : vector<1000x128xf32>, vector<128x384xf32>, vector<1000x384xf32> -> vector<1000x384xf32>
    %get3A_30 = arith.constant 0 : index
    %get3A_31 = arith.constant 0 : index
    %get3A_32 = vector.load %arg5[%get3A_30, %get3A_31] : memref<1x384xf32, #tpu.memory_space<vmem>>, vector<1x384xf32>
    %add3A_33 = vector.broadcast %get3A_32 : vector<1x384xf32> to vector<1000x384xf32>
    %add3A_34 = arith.addf %dot_general3A_29, %add3A_33 : vector<1000x384xf32>
    %slice3A_35 = vector.extract_strided_slice %add3A_34 {offsets = [0, 0], sizes = [1000, 128], strides = [1, 1]} : vector<1000x384xf32> to vector<1000x128xf32>
    %logistic3A_36 = arith.negf %slice3A_35 : vector<1000x128xf32>
    %logistic3A_37 = math.exp %logistic3A_36 : vector<1000x128xf32>
    %logistic3A_38 = arith.constant 1.000000e+00 : f32
    %logistic3A_39 = vector.broadcast %logistic3A_38 : f32 to vector<1000x128xf32>
    %logistic3A_40 = arith.addf %logistic3A_39, %logistic3A_37 : vector<1000x128xf32>
    %logistic3A_41 = arith.divf %logistic3A_39, %logistic3A_40 : vector<1000x128xf32>
    %slice3A_42 = vector.extract_strided_slice %add3A_34 {offsets = [0, 128], sizes = [1000, 128], strides = [1, 1]} : vector<1000x384xf32> to vector<1000x128xf32>
    %tanh3A_43 = math.tanh %slice3A_42 : vector<1000x128xf32>
    %slice3A_44 = vector.extract_strided_slice %add3A_34 {offsets = [0, 256], sizes = [1000, 128], strides = [1, 1]} : vector<1000x384xf32> to vector<1000x128xf32>
    %logistic3A_45 = arith.negf %slice3A_44 : vector<1000x128xf32>
    %logistic3A_46 = math.exp %logistic3A_45 : vector<1000x128xf32>
    %logistic3A_47 = arith.constant 1.000000e+00 : f32
    %logistic3A_48 = vector.broadcast %logistic3A_47 : f32 to vector<1000x128xf32>
    %logistic3A_49 = arith.addf %logistic3A_48, %logistic3A_46 : vector<1000x128xf32>
    %logistic3A_50 = arith.divf %logistic3A_48, %logistic3A_49 : vector<1000x128xf32>
    %mul3A_51 = arith.mulf %logistic3A_41, %tanh3A_43 : vector<1000x128xf32>
    %tanh3A_52 = math.tanh %mul3A_51 : vector<1000x128xf32>
    %mul3A_53 = arith.mulf %logistic3A_50, %tanh3A_52 : vector<1000x128xf32>
    %swap3A = arith.constant 0 : index
    %swap3A_54 = arith.constant 0 : index
    %swap3A_55 = vector.load %arg6[%swap3A, %swap3A_54] : memref<1000x128xf32, #tpu.memory_space<vmem>>, vector<1000x128xf32>
    tpu.vector_store %arg6[%swap3A, %swap3A_54], %mul3A_24 {strides = array<i32>} : memref<1000x128xf32, #tpu.memory_space<vmem>>, vector<1000x128xf32>,
    %swap3A_56 = arith.constant 0 : index
    %swap3A_57 = arith.constant 0 : index
    %swap3A_58 = vector.load %arg7[%swap3A_56, %swap3A_57] : memref<1000x128xf32, #tpu.memory_space<vmem>>, vector<1000x128xf32>
    tpu.vector_store %arg7[%swap3A_56, %swap3A_57], %mul3A {strides = array<i32>} : memref<1000x128xf32, #tpu.memory_space<vmem>>, vector<1000x128xf32>,
    %swap3A_59 = arith.constant 0 : index
    %swap3A_60 = arith.constant 0 : index
    %swap3A_61 = vector.load %arg8[%swap3A_59, %swap3A_60] : memref<1000x128xf32, #tpu.memory_space<vmem>>, vector<1000x128xf32>
    tpu.vector_store %arg8[%swap3A_59, %swap3A_60], %mul3A_53 {strides = array<i32>} : memref<1000x128xf32, #tpu.memory_space<vmem>>, vector<1000x128xf32>,
    %swap3A_62 = arith.constant 0 : index
    %swap3A_63 = arith.constant 0 : index
    %swap3A_64 = vector.load %arg9[%swap3A_62, %swap3A_63] : memref<1000x128xf32, #tpu.memory_space<vmem>>, vector<1000x128xf32>
    tpu.vector_store %arg9[%swap3A_62, %swap3A_63], %mul3A_51 {strides = array<i32>} : memref<1000x128xf32, #tpu.memory_space<vmem>>, vector<1000x128xf32>,
    return
  }
  func.func @transform_0(%arg0: i32) -> (i32, i32) {
    %c0_i32 = arith.constant 0 : i32
    %c0_i32_0 = arith.constant 0 : i32
    return %arg0, %c0_i32 : i32, i32
  }
  func.func @transform_1(%arg0: i32) -> (i32, i32) {
    %c0_i32 = arith.constant 0 : i32
    %c0_i32_0 = arith.constant 0 : i32
    %c0_i32_1 = arith.constant 0 : i32
    return %c0_i32, %c0_i32_0 : i32, i32
  }
  func.func @transform_2(%arg0: i32) -> (i32, i32) {
    %c0_i32 = arith.constant 0 : i32
    %c0_i32_0 = arith.constant 0 : i32
    %c0_i32_1 = arith.constant 0 : i32
    return %c0_i32, %c0_i32_0 : i32, i32
  }
  func.func @transform_3(%arg0: i32) -> (i32, i32) {
    %c0_i32 = arith.constant 0 : i32
    %c0_i32_0 = arith.constant 0 : i32
    %c0_i32_1 = arith.constant 0 : i32
    return %c0_i32, %c0_i32_0 : i32, i32
  }
  func.func @transform_4(%arg0: i32) -> (i32, i32) {
    %c0_i32 = arith.constant 0 : i32
    %c0_i32_0 = arith.constant 0 : i32
    %c0_i32_1 = arith.constant 0 : i32
    return %c0_i32, %c0_i32_0 : i32, i32
  }
  func.func @transform_5(%arg0: i32) -> (i32, i32) {
    %c0_i32 = arith.constant 0 : i32
    %c0_i32_0 = arith.constant 0 : i32
    return %arg0, %c0_i32 : i32, i32
  }
  func.func @transform_6(%arg0: i32) -> (i32, i32) {
    %c0_i32 = arith.constant 0 : i32
    %c0_i32_0 = arith.constant 0 : i32
    return %arg0, %c0_i32 : i32, i32
  }
  func.func @transform_7(%arg0: i32) -> (i32, i32) {
    %c0_i32 = arith.constant 0 : i32
    %c0_i32_0 = arith.constant 0 : i32
    return %arg0, %c0_i32 : i32, i32
  }
  func.func @transform_8(%arg0: i32) -> (i32, i32) {
    %c0_i32 = arith.constant 0 : i32
    %c0_i32_0 = arith.constant 0 : i32
    return %arg0, %c0_i32 : i32, i32
  }
}

module attributes {stable_mosaic.version = 14 : i64} {
  func.func @body(%arg0: i32, %arg1: memref<1000x128xf32, #tpu.memory_space<vmem>>, %arg2: memref<128x512xf32, #tpu.memory_space<vmem>>, %arg3: memref<2x1000x128xf32, #tpu.memory_space<vmem>>, %arg4: memref<2x1000x128xf32, #tpu.memory_space<vmem>>, %arg5: memref<128x512xf32, #tpu.memory_space<vmem>>, %arg6: memref<1000x128xf32, #tpu.memory_space<vmem>>, %arg7: memref<128x512xf32, #tpu.memory_space<vmem>>, %arg8: memref<1x512xf32, #tpu.memory_space<vmem>>, %arg9: memref<1000x128xf32, #tpu.memory_space<vmem>>, %arg10: memref<1000x128xf32, #tpu.memory_space<vmem>>, %arg11: memref<1000x128xf32, #tpu.memory_space<vmem>>) attributes {dimension_semantics = [#tpu.dimension_semantics<arbitrary>], iteration_bounds = array<i64: 10>, scalar_prefetch = 0 : i64, scratch_operands = 0 : i64, tpu.core_type = #tpu.core_type<tc>, window_params = [{transform_indices = @transform_0, window_bounds = array<i64: 1000, 128>}, {pipeline_mode = #tpu.pipeline_mode<synchronous>, transform_indices = @transform_1, window_bounds = array<i64: 128, 512>}, {transform_indices = @transform_2, window_bounds = array<i64: 2, 1000, 128>}, {transform_indices = @transform_3, window_bounds = array<i64: 2, 1000, 128>}, {pipeline_mode = #tpu.pipeline_mode<synchronous>, transform_indices = @transform_4, window_bounds = array<i64: 128, 512>}, {transform_indices = @transform_5, window_bounds = array<i64: 1000, 128>}, {pipeline_mode = #tpu.pipeline_mode<synchronous>, transform_indices = @transform_6, window_bounds = array<i64: 128, 512>}, {pipeline_mode = #tpu.pipeline_mode<synchronous>, transform_indices = @transform_7, window_bounds = array<i64: 1, 512>}, {transform_indices = @transform_8, window_bounds = array<i64: 1000, 128>}, {transform_indices = @transform_9, window_bounds = array<i64: 1000, 128>}, {transform_indices = @transform_10, window_bounds = array<i64: 1000, 128>}]} {
    %get3A = arith.constant 0 : index
    %get3A_0 = arith.constant 0 : index
    %get3A_1 = vector.load %arg1[%get3A, %get3A_0] : memref<1000x128xf32, #tpu.memory_space<vmem>>, vector<1000x128xf32>
    %get3A_2 = arith.constant 0 : index
    %get3A_3 = arith.constant 0 : index
    %get3A_4 = vector.load %arg2[%get3A_2, %get3A_3] : memref<128x512xf32, #tpu.memory_space<vmem>>, vector<128x512xf32>
    %dot_general3A = arith.constant dense<0.000000e+00> : vector<1000x512xf32>
    %dot_general3A_5 = tpu.matmul %get3A_1, %get3A_4, %dot_general3A {dimension_numbers = #tpu.dot_dimension_numbers<[1], [0], [0], [1], [0, 0, 1, 1], [], []>, transpose_lhs_hint = false} : vector<1000x128xf32>, vector<128x512xf32>, vector<1000x512xf32> -> vector<1000x512xf32>
    %get3A_6 = arith.constant 0 : index
    %get3A_7 = arith.constant 0 : index
    %get3A_8 = arith.constant 0 : index
    %get3A_9 = vector.load %arg3[%get3A_6, %get3A_7, %get3A_8] : memref<2x1000x128xf32, #tpu.memory_space<vmem>>, vector<1x1000x128xf32>
    %get3A_10 = vector.shape_cast %get3A_9 : vector<1x1000x128xf32> to vector<1000x128xf32>
    %get3A_11 = arith.constant 1 : index
    %get3A_12 = arith.constant 0 : index
    %get3A_13 = arith.constant 0 : index
    %get3A_14 = vector.load %arg3[%get3A_11, %get3A_12, %get3A_13] : memref<2x1000x128xf32, #tpu.memory_space<vmem>>, vector<1x1000x128xf32>
    %get3A_15 = vector.shape_cast %get3A_14 : vector<1x1000x128xf32> to vector<1000x128xf32>
    %add3A = arith.addf %get3A_10, %get3A_15 : vector<1000x128xf32>
    %get3A_16 = arith.constant 0 : index
    %get3A_17 = arith.constant 0 : index
    %get3A_18 = arith.constant 0 : index
    %get3A_19 = vector.load %arg4[%get3A_16, %get3A_17, %get3A_18] : memref<2x1000x128xf32, #tpu.memory_space<vmem>>, vector<1x1000x1xf32>
    %get3A_20 = vector.shape_cast %get3A_19 : vector<1x1000x1xf32> to vector<1000x1xf32>
    %get3A_21 = arith.constant 1 : index
    %get3A_22 = arith.constant 0 : index
    %get3A_23 = arith.constant 0 : index
    %get3A_24 = vector.load %arg4[%get3A_21, %get3A_22, %get3A_23] : memref<2x1000x128xf32, #tpu.memory_space<vmem>>, vector<1x1000x1xf32>
    %get3A_25 = vector.shape_cast %get3A_24 : vector<1x1000x1xf32> to vector<1000x1xf32>
    %add3A_26 = arith.addf %get3A_20, %get3A_25 : vector<1000x1xf32>
    %max3A = arith.constant 1.000000e+00 : f32
    %max3A_27 = vector.broadcast %max3A : f32 to vector<1000x1xf32>
    %max3A_28 = arith.maximumf %add3A_26, %max3A_27 : vector<1000x1xf32>
    %div3A = vector.broadcast %max3A_28 : vector<1000x1xf32> to vector<1000x128xf32>
    %div3A_29 = arith.divf %add3A, %div3A : vector<1000x128xf32>
    %get3A_30 = arith.constant 0 : index
    %get3A_31 = arith.constant 0 : index
    %get3A_32 = vector.load %arg5[%get3A_30, %get3A_31] : memref<128x512xf32, #tpu.memory_space<vmem>>, vector<128x512xf32>
    %dot_general3A_33 = arith.constant dense<0.000000e+00> : vector<1000x512xf32>
    %dot_general3A_34 = tpu.matmul %div3A_29, %get3A_32, %dot_general3A_33 {dimension_numbers = #tpu.dot_dimension_numbers<[1], [0], [0], [1], [0, 0, 1, 1], [], []>, transpose_lhs_hint = false} : vector<1000x128xf32>, vector<128x512xf32>, vector<1000x512xf32> -> vector<1000x512xf32>
    %add3A_35 = arith.addf %dot_general3A_5, %dot_general3A_34 : vector<1000x512xf32>
    %get3A_36 = arith.constant 0 : index
    %get3A_37 = arith.constant 0 : index
    %get3A_38 = vector.load %arg6[%get3A_36, %get3A_37] : memref<1000x128xf32, #tpu.memory_space<vmem>>, vector<1000x128xf32>
    %get3A_39 = arith.constant 0 : index
    %get3A_40 = arith.constant 0 : index
    %get3A_41 = vector.load %arg7[%get3A_39, %get3A_40] : memref<128x512xf32, #tpu.memory_space<vmem>>, vector<128x512xf32>
    %dot_general3A_42 = arith.constant dense<0.000000e+00> : vector<1000x512xf32>
    %dot_general3A_43 = tpu.matmul %get3A_38, %get3A_41, %dot_general3A_42 {dimension_numbers = #tpu.dot_dimension_numbers<[1], [0], [0], [1], [0, 0, 1, 1], [], []>, transpose_lhs_hint = false} : vector<1000x128xf32>, vector<128x512xf32>, vector<1000x512xf32> -> vector<1000x512xf32>
    %add3A_44 = arith.addf %add3A_35, %dot_general3A_43 : vector<1000x512xf32>
    %get3A_45 = arith.constant 0 : index
    %get3A_46 = arith.constant 0 : index
    %get3A_47 = vector.load %arg8[%get3A_45, %get3A_46] : memref<1x512xf32, #tpu.memory_space<vmem>>, vector<1x512xf32>
    %add3A_48 = vector.broadcast %get3A_47 : vector<1x512xf32> to vector<1000x512xf32>
    %add3A_49 = arith.addf %add3A_44, %add3A_48 : vector<1000x512xf32>
    %get3A_50 = arith.constant 0 : index
    %get3A_51 = arith.constant 0 : index
    %get3A_52 = vector.load %arg9[%get3A_50, %get3A_51] : memref<1000x128xf32, #tpu.memory_space<vmem>>, vector<1000x128xf32>
    %slice3A = vector.extract_strided_slice %add3A_49 {offsets = [0, 0], sizes = [1000, 128], strides = [1, 1]} : vector<1000x512xf32> to vector<1000x128xf32>
    %logistic3A = arith.negf %slice3A : vector<1000x128xf32>
    %logistic3A_53 = math.exp %logistic3A : vector<1000x128xf32>
    %logistic3A_54 = arith.constant 1.000000e+00 : f32
    %logistic3A_55 = vector.broadcast %logistic3A_54 : f32 to vector<1000x128xf32>
    %logistic3A_56 = arith.addf %logistic3A_55, %logistic3A_53 : vector<1000x128xf32>
    %logistic3A_57 = arith.divf %logistic3A_55, %logistic3A_56 : vector<1000x128xf32>
    %slice3A_58 = vector.extract_strided_slice %add3A_49 {offsets = [0, 128], sizes = [1000, 128], strides = [1, 1]} : vector<1000x512xf32> to vector<1000x128xf32>
    %logistic3A_59 = arith.negf %slice3A_58 : vector<1000x128xf32>
    %logistic3A_60 = math.exp %logistic3A_59 : vector<1000x128xf32>
    %logistic3A_61 = arith.constant 1.000000e+00 : f32
    %logistic3A_62 = vector.broadcast %logistic3A_61 : f32 to vector<1000x128xf32>
    %logistic3A_63 = arith.addf %logistic3A_62, %logistic3A_60 : vector<1000x128xf32>
    %logistic3A_64 = arith.divf %logistic3A_62, %logistic3A_63 : vector<1000x128xf32>
    %slice3A_65 = vector.extract_strided_slice %add3A_49 {offsets = [0, 256], sizes = [1000, 128], strides = [1, 1]} : vector<1000x512xf32> to vector<1000x128xf32>
    %tanh3A = math.tanh %slice3A_65 : vector<1000x128xf32>
    %slice3A_66 = vector.extract_strided_slice %add3A_49 {offsets = [0, 384], sizes = [1000, 128], strides = [1, 1]} : vector<1000x512xf32> to vector<1000x128xf32>
    %logistic3A_67 = arith.negf %slice3A_66 : vector<1000x128xf32>
    %logistic3A_68 = math.exp %logistic3A_67 : vector<1000x128xf32>
    %logistic3A_69 = arith.constant 1.000000e+00 : f32
    %logistic3A_70 = vector.broadcast %logistic3A_69 : f32 to vector<1000x128xf32>
    %logistic3A_71 = arith.addf %logistic3A_70, %logistic3A_68 : vector<1000x128xf32>
    %logistic3A_72 = arith.divf %logistic3A_70, %logistic3A_71 : vector<1000x128xf32>
    %mul3A = arith.mulf %logistic3A_64, %get3A_52 : vector<1000x128xf32>
    %mul3A_73 = arith.mulf %logistic3A_57, %tanh3A : vector<1000x128xf32>
    %add3A_74 = arith.addf %mul3A, %mul3A_73 : vector<1000x128xf32>
    %tanh3A_75 = math.tanh %add3A_74 : vector<1000x128xf32>
    %mul3A_76 = arith.mulf %logistic3A_72, %tanh3A_75 : vector<1000x128xf32>
    %swap3A = arith.constant 0 : index
    %swap3A_77 = arith.constant 0 : index
    %swap3A_78 = vector.load %arg10[%swap3A, %swap3A_77] : memref<1000x128xf32, #tpu.memory_space<vmem>>, vector<1000x128xf32>
    tpu.vector_store %arg10[%swap3A, %swap3A_77], %mul3A_76 {strides = array<i32>} : memref<1000x128xf32, #tpu.memory_space<vmem>>, vector<1000x128xf32>,
    %swap3A_79 = arith.constant 0 : index
    %swap3A_80 = arith.constant 0 : index
    %swap3A_81 = vector.load %arg11[%swap3A_79, %swap3A_80] : memref<1000x128xf32, #tpu.memory_space<vmem>>, vector<1000x128xf32>
    tpu.vector_store %arg11[%swap3A_79, %swap3A_80], %add3A_74 {strides = array<i32>} : memref<1000x128xf32, #tpu.memory_space<vmem>>, vector<1000x128xf32>,
    return
  }
  func.func @transform_0(%arg0: i32) -> (i32, i32) {
    %c0_i32 = arith.constant 0 : i32
    %c0_i32_0 = arith.constant 0 : i32
    return %arg0, %c0_i32 : i32, i32
  }
  func.func @transform_1(%arg0: i32) -> (i32, i32) {
    %c0_i32 = arith.constant 0 : i32
    %c0_i32_0 = arith.constant 0 : i32
    %c0_i32_1 = arith.constant 0 : i32
    return %c0_i32, %c0_i32_0 : i32, i32
  }
  func.func @transform_2(%arg0: i32) -> (i32, i32, i32) {
    %c0_i32 = arith.constant 0 : i32
    %c0_i32_0 = arith.constant 0 : i32
    %c0_i32_1 = arith.constant 0 : i32
    return %c0_i32, %arg0, %c0_i32_0 : i32, i32, i32
  }
  func.func @transform_3(%arg0: i32) -> (i32, i32, i32) {
    %c0_i32 = arith.constant 0 : i32
    %c0_i32_0 = arith.constant 0 : i32
    %c0_i32_1 = arith.constant 0 : i32
    return %c0_i32, %arg0, %c0_i32_0 : i32, i32, i32
  }
  func.func @transform_4(%arg0: i32) -> (i32, i32) {
    %c0_i32 = arith.constant 0 : i32
    %c0_i32_0 = arith.constant 0 : i32
    %c0_i32_1 = arith.constant 0 : i32
    return %c0_i32, %c0_i32_0 : i32, i32
  }
  func.func @transform_5(%arg0: i32) -> (i32, i32) {
    %c0_i32 = arith.constant 0 : i32
    %c0_i32_0 = arith.constant 0 : i32
    return %arg0, %c0_i32 : i32, i32
  }
  func.func @transform_6(%arg0: i32) -> (i32, i32) {
    %c0_i32 = arith.constant 0 : i32
    %c0_i32_0 = arith.constant 0 : i32
    %c0_i32_1 = arith.constant 0 : i32
    return %c0_i32, %c0_i32_0 : i32, i32
  }
  func.func @transform_7(%arg0: i32) -> (i32, i32) {
    %c0_i32 = arith.constant 0 : i32
    %c0_i32_0 = arith.constant 0 : i32
    %c0_i32_1 = arith.constant 0 : i32
    return %c0_i32, %c0_i32_0 : i32, i32
  }
  func.func @transform_8(%arg0: i32) -> (i32, i32) {
    %c0_i32 = arith.constant 0 : i32
    %c0_i32_0 = arith.constant 0 : i32
    return %arg0, %c0_i32 : i32, i32
  }
  func.func @transform_9(%arg0: i32) -> (i32, i32) {
    %c0_i32 = arith.constant 0 : i32
    %c0_i32_0 = arith.constant 0 : i32
    return %arg0, %c0_i32 : i32, i32
  }
  func.func @transform_10(%arg0: i32) -> (i32, i32) {
    %c0_i32 = arith.constant 0 : i32
    %c0_i32_0 = arith.constant 0 : i32
    return %arg0, %c0_i32 : i32, i32
  }
}

module attributes {stable_mosaic.version = 14 : i64} {
  func.func @body(%arg0: i32, %arg1: memref<1000x128xf32, #tpu.memory_space<vmem>>, %arg2: memref<128x512xf32, #tpu.memory_space<vmem>>, %arg3: memref<2x1000x128xf32, #tpu.memory_space<vmem>>, %arg4: memref<2x1000x128xf32, #tpu.memory_space<vmem>>, %arg5: memref<128x512xf32, #tpu.memory_space<vmem>>, %arg6: memref<1000x128xf32, #tpu.memory_space<vmem>>, %arg7: memref<128x512xf32, #tpu.memory_space<vmem>>, %arg8: memref<1x512xf32, #tpu.memory_space<vmem>>, %arg9: memref<1000x128xf32, #tpu.memory_space<vmem>>, %arg10: memref<1000x128xf32, #tpu.memory_space<vmem>>) attributes {dimension_semantics = [#tpu.dimension_semantics<arbitrary>], iteration_bounds = array<i64: 10>, scalar_prefetch = 0 : i64, scratch_operands = 0 : i64, tpu.core_type = #tpu.core_type<tc>, window_params = [{transform_indices = @transform_0, window_bounds = array<i64: 1000, 128>}, {pipeline_mode = #tpu.pipeline_mode<synchronous>, transform_indices = @transform_1, window_bounds = array<i64: 128, 512>}, {transform_indices = @transform_2, window_bounds = array<i64: 2, 1000, 128>}, {transform_indices = @transform_3, window_bounds = array<i64: 2, 1000, 128>}, {pipeline_mode = #tpu.pipeline_mode<synchronous>, transform_indices = @transform_4, window_bounds = array<i64: 128, 512>}, {transform_indices = @transform_5, window_bounds = array<i64: 1000, 128>}, {pipeline_mode = #tpu.pipeline_mode<synchronous>, transform_indices = @transform_6, window_bounds = array<i64: 128, 512>}, {pipeline_mode = #tpu.pipeline_mode<synchronous>, transform_indices = @transform_7, window_bounds = array<i64: 1, 512>}, {transform_indices = @transform_8, window_bounds = array<i64: 1000, 128>}, {transform_indices = @transform_9, window_bounds = array<i64: 1000, 128>}]} {
    %get3A = arith.constant 0 : index
    %get3A_0 = arith.constant 0 : index
    %get3A_1 = vector.load %arg1[%get3A, %get3A_0] : memref<1000x128xf32, #tpu.memory_space<vmem>>, vector<1000x128xf32>
    %get3A_2 = arith.constant 0 : index
    %get3A_3 = arith.constant 0 : index
    %get3A_4 = vector.load %arg2[%get3A_2, %get3A_3] : memref<128x512xf32, #tpu.memory_space<vmem>>, vector<128x512xf32>
    %dot_general3A = arith.constant dense<0.000000e+00> : vector<1000x512xf32>
    %dot_general3A_5 = tpu.matmul %get3A_1, %get3A_4, %dot_general3A {dimension_numbers = #tpu.dot_dimension_numbers<[1], [0], [0], [1], [0, 0, 1, 1], [], []>, transpose_lhs_hint = false} : vector<1000x128xf32>, vector<128x512xf32>, vector<1000x512xf32> -> vector<1000x512xf32>
    %get3A_6 = arith.constant 0 : index
    %get3A_7 = arith.constant 0 : index
    %get3A_8 = arith.constant 0 : index
    %get3A_9 = vector.load %arg3[%get3A_6, %get3A_7, %get3A_8] : memref<2x1000x128xf32, #tpu.memory_space<vmem>>, vector<1x1000x128xf32>
    %get3A_10 = vector.shape_cast %get3A_9 : vector<1x1000x128xf32> to vector<1000x128xf32>
    %get3A_11 = arith.constant 1 : index
    %get3A_12 = arith.constant 0 : index
    %get3A_13 = arith.constant 0 : index
    %get3A_14 = vector.load %arg3[%get3A_11, %get3A_12, %get3A_13] : memref<2x1000x128xf32, #tpu.memory_space<vmem>>, vector<1x1000x128xf32>
    %get3A_15 = vector.shape_cast %get3A_14 : vector<1x1000x128xf32> to vector<1000x128xf32>
    %add3A = arith.addf %get3A_10, %get3A_15 : vector<1000x128xf32>
    %get3A_16 = arith.constant 0 : index
    %get3A_17 = arith.constant 0 : index
    %get3A_18 = arith.constant 0 : index
    %get3A_19 = vector.load %arg4[%get3A_16, %get3A_17, %get3A_18] : memref<2x1000x128xf32, #tpu.memory_space<vmem>>, vector<1x1000x1xf32>
    %get3A_20 = vector.shape_cast %get3A_19 : vector<1x1000x1xf32> to vector<1000x1xf32>
    %get3A_21 = arith.constant 1 : index
    %get3A_22 = arith.constant 0 : index
    %get3A_23 = arith.constant 0 : index
    %get3A_24 = vector.load %arg4[%get3A_21, %get3A_22, %get3A_23] : memref<2x1000x128xf32, #tpu.memory_space<vmem>>, vector<1x1000x1xf32>
    %get3A_25 = vector.shape_cast %get3A_24 : vector<1x1000x1xf32> to vector<1000x1xf32>
    %add3A_26 = arith.addf %get3A_20, %get3A_25 : vector<1000x1xf32>
    %max3A = arith.constant 1.000000e+00 : f32
    %max3A_27 = vector.broadcast %max3A : f32 to vector<1000x1xf32>
    %max3A_28 = arith.maximumf %add3A_26, %max3A_27 : vector<1000x1xf32>
    %div3A = vector.broadcast %max3A_28 : vector<1000x1xf32> to vector<1000x128xf32>
    %div3A_29 = arith.divf %add3A, %div3A : vector<1000x128xf32>
    %get3A_30 = arith.constant 0 : index
    %get3A_31 = arith.constant 0 : index
    %get3A_32 = vector.load %arg5[%get3A_30, %get3A_31] : memref<128x512xf32, #tpu.memory_space<vmem>>, vector<128x512xf32>
    %dot_general3A_33 = arith.constant dense<0.000000e+00> : vector<1000x512xf32>
    %dot_general3A_34 = tpu.matmul %div3A_29, %get3A_32, %dot_general3A_33 {dimension_numbers = #tpu.dot_dimension_numbers<[1], [0], [0], [1], [0, 0, 1, 1], [], []>, transpose_lhs_hint = false} : vector<1000x128xf32>, vector<128x512xf32>, vector<1000x512xf32> -> vector<1000x512xf32>
    %add3A_35 = arith.addf %dot_general3A_5, %dot_general3A_34 : vector<1000x512xf32>
    %get3A_36 = arith.constant 0 : index
    %get3A_37 = arith.constant 0 : index
    %get3A_38 = vector.load %arg6[%get3A_36, %get3A_37] : memref<1000x128xf32, #tpu.memory_space<vmem>>, vector<1000x128xf32>
    %get3A_39 = arith.constant 0 : index
    %get3A_40 = arith.constant 0 : index
    %get3A_41 = vector.load %arg7[%get3A_39, %get3A_40] : memref<128x512xf32, #tpu.memory_space<vmem>>, vector<128x512xf32>
    %dot_general3A_42 = arith.constant dense<0.000000e+00> : vector<1000x512xf32>
    %dot_general3A_43 = tpu.matmul %get3A_38, %get3A_41, %dot_general3A_42 {dimension_numbers = #tpu.dot_dimension_numbers<[1], [0], [0], [1], [0, 0, 1, 1], [], []>, transpose_lhs_hint = false} : vector<1000x128xf32>, vector<128x512xf32>, vector<1000x512xf32> -> vector<1000x512xf32>
    %add3A_44 = arith.addf %add3A_35, %dot_general3A_43 : vector<1000x512xf32>
    %get3A_45 = arith.constant 0 : index
    %get3A_46 = arith.constant 0 : index
    %get3A_47 = vector.load %arg8[%get3A_45, %get3A_46] : memref<1x512xf32, #tpu.memory_space<vmem>>, vector<1x512xf32>
    %add3A_48 = vector.broadcast %get3A_47 : vector<1x512xf32> to vector<1000x512xf32>
    %add3A_49 = arith.addf %add3A_44, %add3A_48 : vector<1000x512xf32>
    %get3A_50 = arith.constant 0 : index
    %get3A_51 = arith.constant 0 : index
    %get3A_52 = vector.load %arg9[%get3A_50, %get3A_51] : memref<1000x128xf32, #tpu.memory_space<vmem>>, vector<1000x128xf32>
    %slice3A = vector.extract_strided_slice %add3A_49 {offsets = [0, 0], sizes = [1000, 128], strides = [1, 1]} : vector<1000x512xf32> to vector<1000x128xf32>
    %logistic3A = arith.negf %slice3A : vector<1000x128xf32>
    %logistic3A_53 = math.exp %logistic3A : vector<1000x128xf32>
    %logistic3A_54 = arith.constant 1.000000e+00 : f32
    %logistic3A_55 = vector.broadcast %logistic3A_54 : f32 to vector<1000x128xf32>
    %logistic3A_56 = arith.addf %logistic3A_55, %logistic3A_53 : vector<1000x128xf32>
    %logistic3A_57 = arith.divf %logistic3A_55, %logistic3A_56 : vector<1000x128xf32>
    %slice3A_58 = vector.extract_strided_slice %add3A_49 {offsets = [0, 128], sizes = [1000, 128], strides = [1, 1]} : vector<1000x512xf32> to vector<1000x128xf32>
    %logistic3A_59 = arith.negf %slice3A_58 : vector<1000x128xf32>
    %logistic3A_60 = math.exp %logistic3A_59 : vector<1000x128xf32>
    %logistic3A_61 = arith.constant 1.000000e+00 : f32
    %logistic3A_62 = vector.broadcast %logistic3A_61 : f32 to vector<1000x128xf32>
    %logistic3A_63 = arith.addf %logistic3A_62, %logistic3A_60 : vector<1000x128xf32>
    %logistic3A_64 = arith.divf %logistic3A_62, %logistic3A_63 : vector<1000x128xf32>
    %slice3A_65 = vector.extract_strided_slice %add3A_49 {offsets = [0, 256], sizes = [1000, 128], strides = [1, 1]} : vector<1000x512xf32> to vector<1000x128xf32>
    %tanh3A = math.tanh %slice3A_65 : vector<1000x128xf32>
    %slice3A_66 = vector.extract_strided_slice %add3A_49 {offsets = [0, 384], sizes = [1000, 128], strides = [1, 1]} : vector<1000x512xf32> to vector<1000x128xf32>
    %logistic3A_67 = arith.negf %slice3A_66 : vector<1000x128xf32>
    %logistic3A_68 = math.exp %logistic3A_67 : vector<1000x128xf32>
    %logistic3A_69 = arith.constant 1.000000e+00 : f32
    %logistic3A_70 = vector.broadcast %logistic3A_69 : f32 to vector<1000x128xf32>
    %logistic3A_71 = arith.addf %logistic3A_70, %logistic3A_68 : vector<1000x128xf32>
    %logistic3A_72 = arith.divf %logistic3A_70, %logistic3A_71 : vector<1000x128xf32>
    %mul3A = arith.mulf %logistic3A_64, %get3A_52 : vector<1000x128xf32>
    %mul3A_73 = arith.mulf %logistic3A_57, %tanh3A : vector<1000x128xf32>
    %add3A_74 = arith.addf %mul3A, %mul3A_73 : vector<1000x128xf32>
    %tanh3A_75 = math.tanh %add3A_74 : vector<1000x128xf32>
    %mul3A_76 = arith.mulf %logistic3A_72, %tanh3A_75 : vector<1000x128xf32>
    %swap3A = arith.constant 0 : index
    %swap3A_77 = arith.constant 0 : index
    %swap3A_78 = vector.load %arg10[%swap3A, %swap3A_77] : memref<1000x128xf32, #tpu.memory_space<vmem>>, vector<1000x128xf32>
    tpu.vector_store %arg10[%swap3A, %swap3A_77], %mul3A_76 {strides = array<i32>} : memref<1000x128xf32, #tpu.memory_space<vmem>>, vector<1000x128xf32>,
    return
  }
  func.func @transform_0(%arg0: i32) -> (i32, i32) {
    %c0_i32 = arith.constant 0 : i32
    %c0_i32_0 = arith.constant 0 : i32
    return %arg0, %c0_i32 : i32, i32
  }
  func.func @transform_1(%arg0: i32) -> (i32, i32) {
    %c0_i32 = arith.constant 0 : i32
    %c0_i32_0 = arith.constant 0 : i32
    %c0_i32_1 = arith.constant 0 : i32
    return %c0_i32, %c0_i32_0 : i32, i32
  }
  func.func @transform_2(%arg0: i32) -> (i32, i32, i32) {
    %c0_i32 = arith.constant 0 : i32
    %c0_i32_0 = arith.constant 0 : i32
    %c0_i32_1 = arith.constant 0 : i32
    return %c0_i32, %arg0, %c0_i32_0 : i32, i32, i32
  }
  func.func @transform_3(%arg0: i32) -> (i32, i32, i32) {
    %c0_i32 = arith.constant 0 : i32
    %c0_i32_0 = arith.constant 0 : i32
    %c0_i32_1 = arith.constant 0 : i32
    return %c0_i32, %arg0, %c0_i32_0 : i32, i32, i32
  }
  func.func @transform_4(%arg0: i32) -> (i32, i32) {
    %c0_i32 = arith.constant 0 : i32
    %c0_i32_0 = arith.constant 0 : i32
    %c0_i32_1 = arith.constant 0 : i32
    return %c0_i32, %c0_i32_0 : i32, i32
  }
  func.func @transform_5(%arg0: i32) -> (i32, i32) {
    %c0_i32 = arith.constant 0 : i32
    %c0_i32_0 = arith.constant 0 : i32
    return %arg0, %c0_i32 : i32, i32
  }
  func.func @transform_6(%arg0: i32) -> (i32, i32) {
    %c0_i32 = arith.constant 0 : i32
    %c0_i32_0 = arith.constant 0 : i32
    %c0_i32_1 = arith.constant 0 : i32
    return %c0_i32, %c0_i32_0 : i32, i32
  }
  func.func @transform_7(%arg0: i32) -> (i32, i32) {
    %c0_i32 = arith.constant 0 : i32
    %c0_i32_0 = arith.constant 0 : i32
    %c0_i32_1 = arith.constant 0 : i32
    return %c0_i32, %c0_i32_0 : i32, i32
  }
  func.func @transform_8(%arg0: i32) -> (i32, i32) {
    %c0_i32 = arith.constant 0 : i32
    %c0_i32_0 = arith.constant 0 : i32
    return %arg0, %c0_i32 : i32, i32
  }
  func.func @transform_9(%arg0: i32) -> (i32, i32) {
    %c0_i32 = arith.constant 0 : i32
    %c0_i32_0 = arith.constant 0 : i32
    return %arg0, %c0_i32 : i32, i32
  }
}

module attributes {stable_mosaic.version = 14 : i64} {
  func.func @_ghead_body(%arg0: memref<10000x128xf32, #tpu.memory_space<vmem>>, %arg1: memref<10000x1xf32, #tpu.memory_space<vmem>>, %arg2: memref<128x128xf32, #tpu.memory_space<vmem>>, %arg3: memref<1x128xf32, #tpu.memory_space<vmem>>, %arg4: memref<10000x2xf32, #tpu.memory_space<vmem>>) attributes {dimension_semantics = [], scalar_prefetch = 0 : i64, scratch_operands = 0 : i64, tpu.core_type = #tpu.core_type<tc>} {
    %get3A = arith.constant 0 : index
    %get3A_0 = arith.constant 0 : index
    %get3A_1 = vector.load %arg0[%get3A, %get3A_0] : memref<10000x128xf32, #tpu.memory_space<vmem>>, vector<10000x128xf32>
    %get3A_2 = arith.constant 0 : index
    %get3A_3 = arith.constant 0 : index
    %get3A_4 = vector.load %arg2[%get3A_2, %get3A_3] : memref<128x128xf32, #tpu.memory_space<vmem>>, vector<128x128xf32>
    %dot_general3A = arith.constant dense<0.000000e+00> : vector<10000x128xf32>
    %dot_general3A_5 = tpu.matmul %get3A_1, %get3A_4, %dot_general3A {dimension_numbers = #tpu.dot_dimension_numbers<[1], [0], [0], [1], [0, 0, 1, 1], [], []>, transpose_lhs_hint = false} : vector<10000x128xf32>, vector<128x128xf32>, vector<10000x128xf32> -> vector<10000x128xf32>
    %get3A_6 = arith.constant 0 : index
    %get3A_7 = arith.constant 0 : index
    %get3A_8 = vector.load %arg3[%get3A_6, %get3A_7] : memref<1x128xf32, #tpu.memory_space<vmem>>, vector<1x128xf32>
    %add3A = vector.broadcast %get3A_8 : vector<1x128xf32> to vector<10000x128xf32>
    %add3A_9 = arith.addf %dot_general3A_5, %add3A : vector<10000x128xf32>
    %get3A_10 = arith.constant 0 : index
    %get3A_11 = arith.constant 0 : index
    %get3A_12 = vector.load %arg1[%get3A_10, %get3A_11] : memref<10000x1xf32, #tpu.memory_space<vmem>>, vector<10000x1xf32>
    %slice3A = vector.extract_strided_slice %add3A_9 {offsets = [0, 1], sizes = [10000, 1], strides = [1, 1]} : vector<10000x128xf32> to vector<10000x1xf32>
    %max3A = arith.constant 0.000000e+00 : f32
    %max3A_13 = vector.broadcast %max3A : f32 to vector<10000x1xf32>
    %max3A_14 = arith.maximumf %slice3A, %max3A_13 : vector<10000x1xf32>
    %slice3A_15 = vector.extract_strided_slice %add3A_9 {offsets = [0, 0], sizes = [10000, 1], strides = [1, 1]} : vector<10000x128xf32> to vector<10000x1xf32>
    %add3A_16 = arith.addf %slice3A_15, %get3A_12 : vector<10000x1xf32>
    %max3A_17 = arith.constant 0.000000e+00 : f32
    %max3A_18 = vector.broadcast %max3A_17 : f32 to vector<10000x1xf32>
    %max3A_19 = arith.maximumf %add3A_16, %max3A_18 : vector<10000x1xf32>
    %reduce_sum3A = vector.shape_cast %max3A_19 : vector<10000x1xf32> to vector<1x10000x1xf32>
    %reduce_sum3A_20 = arith.constant dense<0.000000e+00> : vector<1xf32>
    %reduce_sum3A_21 = vector.multi_reduction <add>, %reduce_sum3A, %reduce_sum3A_20 [1, 2] : vector<1x10000x1xf32> to vector<1xf32>
    %reduce_sum3A_22 = vector.shape_cast %reduce_sum3A_21 : vector<1xf32> to vector<1x1x1xf32>
    %reduce_sum3A_23 = vector.extract %reduce_sum3A_22[0, 0, 0] : f32 from vector<1x1x1xf32>
    %max3A_24 = arith.constant 9.99999996E-13 : f32
    %max3A_25 = arith.maximumf %reduce_sum3A_23, %max3A_24 : f32
    %div3A = vector.broadcast %max3A_25 : f32 to vector<10000x1xf32>
    %div3A_26 = arith.divf %max3A_19, %div3A : vector<10000x1xf32>
    %sub3A = arith.subf %div3A_26, %get3A_12 : vector<10000x1xf32>
    %concatenate3A = tpu.concatenate %sub3A, %max3A_14 in 1 : vector<10000x1xf32>, vector<10000x1xf32> -> vector<10000x2xf32>
    %swap3A = arith.constant 0 : index
    %swap3A_27 = arith.constant 0 : index
    %swap3A_28 = vector.load %arg4[%swap3A, %swap3A_27] : memref<10000x2xf32, #tpu.memory_space<vmem>>, vector<10000x2xf32>
    tpu.vector_store %arg4[%swap3A, %swap3A_27], %concatenate3A {strides = array<i32>} : memref<10000x2xf32, #tpu.memory_space<vmem>>, vector<10000x2xf32>,
    return
  }
}

module attributes {stable_mosaic.version = 14 : i64} {
  func.func @body(%arg0: i32, %arg1: memref<1000x128xf32, #tpu.memory_space<vmem>>, %arg2: memref<128x512xf32, #tpu.memory_space<vmem>>, %arg3: memref<2x1000x128xf32, #tpu.memory_space<vmem>>, %arg4: memref<2x1000x128xf32, #tpu.memory_space<vmem>>, %arg5: memref<128x512xf32, #tpu.memory_space<vmem>>, %arg6: memref<2x1000x128xf32, #tpu.memory_space<vmem>>, %arg7: memref<2x1000x128xf32, #tpu.memory_space<vmem>>, %arg8: memref<128x512xf32, #tpu.memory_space<vmem>>, %arg9: memref<1000x128xf32, #tpu.memory_space<vmem>>, %arg10: memref<128x512xf32, #tpu.memory_space<vmem>>, %arg11: memref<1x512xf32, #tpu.memory_space<vmem>>, %arg12: memref<1000x128xf32, #tpu.memory_space<vmem>>, %arg13: memref<1000x128xf32, #tpu.memory_space<vmem>>, %arg14: memref<1000x128xf32, #tpu.memory_space<vmem>>) attributes {dimension_semantics = [#tpu.dimension_semantics<arbitrary>], iteration_bounds = array<i64: 10>, scalar_prefetch = 0 : i64, scratch_operands = 0 : i64, tpu.core_type = #tpu.core_type<tc>, window_params = [{transform_indices = @transform_0, window_bounds = array<i64: 1000, 128>}, {pipeline_mode = #tpu.pipeline_mode<synchronous>, transform_indices = @transform_1, window_bounds = array<i64: 128, 512>}, {transform_indices = @transform_2, window_bounds = array<i64: 2, 1000, 128>}, {transform_indices = @transform_3, window_bounds = array<i64: 2, 1000, 128>}, {pipeline_mode = #tpu.pipeline_mode<synchronous>, transform_indices = @transform_4, window_bounds = array<i64: 128, 512>}, {transform_indices = @transform_5, window_bounds = array<i64: 2, 1000, 128>}, {transform_indices = @transform_6, window_bounds = array<i64: 2, 1000, 128>}, {pipeline_mode = #tpu.pipeline_mode<synchronous>, transform_indices = @transform_7, window_bounds = array<i64: 128, 512>}, {transform_indices = @transform_8, window_bounds = array<i64: 1000, 128>}, {pipeline_mode = #tpu.pipeline_mode<synchronous>, transform_indices = @transform_9, window_bounds = array<i64: 128, 512>}, {pipeline_mode = #tpu.pipeline_mode<synchronous>, transform_indices = @transform_10, window_bounds = array<i64: 1, 512>}, {transform_indices = @transform_11, window_bounds = array<i64: 1000, 128>}, {transform_indices = @transform_12, window_bounds = array<i64: 1000, 128>}, {transform_indices = @transform_13, window_bounds = array<i64: 1000, 128>}]} {
    %get3A = arith.constant 0 : index
    %get3A_0 = arith.constant 0 : index
    %get3A_1 = vector.load %arg1[%get3A, %get3A_0] : memref<1000x128xf32, #tpu.memory_space<vmem>>, vector<1000x128xf32>
    %get3A_2 = arith.constant 0 : index
    %get3A_3 = arith.constant 0 : index
    %get3A_4 = vector.load %arg2[%get3A_2, %get3A_3] : memref<128x512xf32, #tpu.memory_space<vmem>>, vector<128x512xf32>
    %dot_general3A = arith.constant dense<0.000000e+00> : vector<1000x512xf32>
    %dot_general3A_5 = tpu.matmul %get3A_1, %get3A_4, %dot_general3A {dimension_numbers = #tpu.dot_dimension_numbers<[1], [0], [0], [1], [0, 0, 1, 1], [], []>, transpose_lhs_hint = false} : vector<1000x128xf32>, vector<128x512xf32>, vector<1000x512xf32> -> vector<1000x512xf32>
    %get3A_6 = arith.constant 0 : index
    %get3A_7 = arith.constant 0 : index
    %get3A_8 = arith.constant 0 : index
    %get3A_9 = vector.load %arg3[%get3A_6, %get3A_7, %get3A_8] : memref<2x1000x128xf32, #tpu.memory_space<vmem>>, vector<1x1000x128xf32>
    %get3A_10 = vector.shape_cast %get3A_9 : vector<1x1000x128xf32> to vector<1000x128xf32>
    %get3A_11 = arith.constant 1 : index
    %get3A_12 = arith.constant 0 : index
    %get3A_13 = arith.constant 0 : index
    %get3A_14 = vector.load %arg3[%get3A_11, %get3A_12, %get3A_13] : memref<2x1000x128xf32, #tpu.memory_space<vmem>>, vector<1x1000x128xf32>
    %get3A_15 = vector.shape_cast %get3A_14 : vector<1x1000x128xf32> to vector<1000x128xf32>
    %add3A = arith.addf %get3A_10, %get3A_15 : vector<1000x128xf32>
    %get3A_16 = arith.constant 0 : index
    %get3A_17 = arith.constant 0 : index
    %get3A_18 = arith.constant 0 : index
    %get3A_19 = vector.load %arg4[%get3A_16, %get3A_17, %get3A_18] : memref<2x1000x128xf32, #tpu.memory_space<vmem>>, vector<1x1000x1xf32>
    %get3A_20 = vector.shape_cast %get3A_19 : vector<1x1000x1xf32> to vector<1000x1xf32>
    %get3A_21 = arith.constant 1 : index
    %get3A_22 = arith.constant 0 : index
    %get3A_23 = arith.constant 0 : index
    %get3A_24 = vector.load %arg4[%get3A_21, %get3A_22, %get3A_23] : memref<2x1000x128xf32, #tpu.memory_space<vmem>>, vector<1x1000x1xf32>
    %get3A_25 = vector.shape_cast %get3A_24 : vector<1x1000x1xf32> to vector<1000x1xf32>
    %add3A_26 = arith.addf %get3A_20, %get3A_25 : vector<1000x1xf32>
    %max3A = arith.constant 1.000000e+00 : f32
    %max3A_27 = vector.broadcast %max3A : f32 to vector<1000x1xf32>
    %max3A_28 = arith.maximumf %add3A_26, %max3A_27 : vector<1000x1xf32>
    %div3A = vector.broadcast %max3A_28 : vector<1000x1xf32> to vector<1000x128xf32>
    %div3A_29 = arith.divf %add3A, %div3A : vector<1000x128xf32>
    %get3A_30 = arith.constant 0 : index
    %get3A_31 = arith.constant 0 : index
    %get3A_32 = vector.load %arg5[%get3A_30, %get3A_31] : memref<128x512xf32, #tpu.memory_space<vmem>>, vector<128x512xf32>
    %dot_general3A_33 = arith.constant dense<0.000000e+00> : vector<1000x512xf32>
    %dot_general3A_34 = tpu.matmul %div3A_29, %get3A_32, %dot_general3A_33 {dimension_numbers = #tpu.dot_dimension_numbers<[1], [0], [0], [1], [0, 0, 1, 1], [], []>, transpose_lhs_hint = false} : vector<1000x128xf32>, vector<128x512xf32>, vector<1000x512xf32> -> vector<1000x512xf32>
    %add3A_35 = arith.addf %dot_general3A_5, %dot_general3A_34 : vector<1000x512xf32>
    %get3A_36 = arith.constant 0 : index
    %get3A_37 = arith.constant 0 : index
    %get3A_38 = arith.constant 0 : index
    %get3A_39 = vector.load %arg6[%get3A_36, %get3A_37, %get3A_38] : memref<2x1000x128xf32, #tpu.memory_space<vmem>>, vector<1x1000x128xf32>
    %get3A_40 = vector.shape_cast %get3A_39 : vector<1x1000x128xf32> to vector<1000x128xf32>
    %get3A_41 = arith.constant 1 : index
    %get3A_42 = arith.constant 0 : index
    %get3A_43 = arith.constant 0 : index
    %get3A_44 = vector.load %arg6[%get3A_41, %get3A_42, %get3A_43] : memref<2x1000x128xf32, #tpu.memory_space<vmem>>, vector<1x1000x128xf32>
    %get3A_45 = vector.shape_cast %get3A_44 : vector<1x1000x128xf32> to vector<1000x128xf32>
    %add3A_46 = arith.addf %get3A_40, %get3A_45 : vector<1000x128xf32>
    %get3A_47 = arith.constant 0 : index
    %get3A_48 = arith.constant 0 : index
    %get3A_49 = arith.constant 0 : index
    %get3A_50 = vector.load %arg7[%get3A_47, %get3A_48, %get3A_49] : memref<2x1000x128xf32, #tpu.memory_space<vmem>>, vector<1x1000x1xf32>
    %get3A_51 = vector.shape_cast %get3A_50 : vector<1x1000x1xf32> to vector<1000x1xf32>
    %get3A_52 = arith.constant 1 : index
    %get3A_53 = arith.constant 0 : index
    %get3A_54 = arith.constant 0 : index
    %get3A_55 = vector.load %arg7[%get3A_52, %get3A_53, %get3A_54] : memref<2x1000x128xf32, #tpu.memory_space<vmem>>, vector<1x1000x1xf32>
    %get3A_56 = vector.shape_cast %get3A_55 : vector<1x1000x1xf32> to vector<1000x1xf32>
    %add3A_57 = arith.addf %get3A_51, %get3A_56 : vector<1000x1xf32>
    %max3A_58 = arith.constant 1.000000e+00 : f32
    %max3A_59 = vector.broadcast %max3A_58 : f32 to vector<1000x1xf32>
    %max3A_60 = arith.maximumf %add3A_57, %max3A_59 : vector<1000x1xf32>
    %div3A_61 = vector.broadcast %max3A_60 : vector<1000x1xf32> to vector<1000x128xf32>
    %div3A_62 = arith.divf %add3A_46, %div3A_61 : vector<1000x128xf32>
    %get3A_63 = arith.constant 0 : index
    %get3A_64 = arith.constant 0 : index
    %get3A_65 = vector.load %arg8[%get3A_63, %get3A_64] : memref<128x512xf32, #tpu.memory_space<vmem>>, vector<128x512xf32>
    %dot_general3A_66 = arith.constant dense<0.000000e+00> : vector<1000x512xf32>
    %dot_general3A_67 = tpu.matmul %div3A_62, %get3A_65, %dot_general3A_66 {dimension_numbers = #tpu.dot_dimension_numbers<[1], [0], [0], [1], [0, 0, 1, 1], [], []>, transpose_lhs_hint = false} : vector<1000x128xf32>, vector<128x512xf32>, vector<1000x512xf32> -> vector<1000x512xf32>
    %add3A_68 = arith.addf %add3A_35, %dot_general3A_67 : vector<1000x512xf32>
    %get3A_69 = arith.constant 0 : index
    %get3A_70 = arith.constant 0 : index
    %get3A_71 = vector.load %arg9[%get3A_69, %get3A_70] : memref<1000x128xf32, #tpu.memory_space<vmem>>, vector<1000x128xf32>
    %get3A_72 = arith.constant 0 : index
    %get3A_73 = arith.constant 0 : index
    %get3A_74 = vector.load %arg10[%get3A_72, %get3A_73] : memref<128x512xf32, #tpu.memory_space<vmem>>, vector<128x512xf32>
    %dot_general3A_75 = arith.constant dense<0.000000e+00> : vector<1000x512xf32>
    %dot_general3A_76 = tpu.matmul %get3A_71, %get3A_74, %dot_general3A_75 {dimension_numbers = #tpu.dot_dimension_numbers<[1], [0], [0], [1], [0, 0, 1, 1], [], []>, transpose_lhs_hint = false} : vector<1000x128xf32>, vector<128x512xf32>, vector<1000x512xf32> -> vector<1000x512xf32>
    %add3A_77 = arith.addf %add3A_68, %dot_general3A_76 : vector<1000x512xf32>
    %get3A_78 = arith.constant 0 : index
    %get3A_79 = arith.constant 0 : index
    %get3A_80 = vector.load %arg11[%get3A_78, %get3A_79] : memref<1x512xf32, #tpu.memory_space<vmem>>, vector<1x512xf32>
    %add3A_81 = vector.broadcast %get3A_80 : vector<1x512xf32> to vector<1000x512xf32>
    %add3A_82 = arith.addf %add3A_77, %add3A_81 : vector<1000x512xf32>
    %get3A_83 = arith.constant 0 : index
    %get3A_84 = arith.constant 0 : index
    %get3A_85 = vector.load %arg12[%get3A_83, %get3A_84] : memref<1000x128xf32, #tpu.memory_space<vmem>>, vector<1000x128xf32>
    %slice3A = vector.extract_strided_slice %add3A_82 {offsets = [0, 0], sizes = [1000, 128], strides = [1, 1]} : vector<1000x512xf32> to vector<1000x128xf32>
    %logistic3A = arith.negf %slice3A : vector<1000x128xf32>
    %logistic3A_86 = math.exp %logistic3A : vector<1000x128xf32>
    %logistic3A_87 = arith.constant 1.000000e+00 : f32
    %logistic3A_88 = vector.broadcast %logistic3A_87 : f32 to vector<1000x128xf32>
    %logistic3A_89 = arith.addf %logistic3A_88, %logistic3A_86 : vector<1000x128xf32>
    %logistic3A_90 = arith.divf %logistic3A_88, %logistic3A_89 : vector<1000x128xf32>
    %slice3A_91 = vector.extract_strided_slice %add3A_82 {offsets = [0, 128], sizes = [1000, 128], strides = [1, 1]} : vector<1000x512xf32> to vector<1000x128xf32>
    %logistic3A_92 = arith.negf %slice3A_91 : vector<1000x128xf32>
    %logistic3A_93 = math.exp %logistic3A_92 : vector<1000x128xf32>
    %logistic3A_94 = arith.constant 1.000000e+00 : f32
    %logistic3A_95 = vector.broadcast %logistic3A_94 : f32 to vector<1000x128xf32>
    %logistic3A_96 = arith.addf %logistic3A_95, %logistic3A_93 : vector<1000x128xf32>
    %logistic3A_97 = arith.divf %logistic3A_95, %logistic3A_96 : vector<1000x128xf32>
    %slice3A_98 = vector.extract_strided_slice %add3A_82 {offsets = [0, 256], sizes = [1000, 128], strides = [1, 1]} : vector<1000x512xf32> to vector<1000x128xf32>
    %tanh3A = math.tanh %slice3A_98 : vector<1000x128xf32>
    %slice3A_99 = vector.extract_strided_slice %add3A_82 {offsets = [0, 384], sizes = [1000, 128], strides = [1, 1]} : vector<1000x512xf32> to vector<1000x128xf32>
    %logistic3A_100 = arith.negf %slice3A_99 : vector<1000x128xf32>
    %logistic3A_101 = math.exp %logistic3A_100 : vector<1000x128xf32>
    %logistic3A_102 = arith.constant 1.000000e+00 : f32
    %logistic3A_103 = vector.broadcast %logistic3A_102 : f32 to vector<1000x128xf32>
    %logistic3A_104 = arith.addf %logistic3A_103, %logistic3A_101 : vector<1000x128xf32>
    %logistic3A_105 = arith.divf %logistic3A_103, %logistic3A_104 : vector<1000x128xf32>
    %mul3A = arith.mulf %logistic3A_97, %get3A_85 : vector<1000x128xf32>
    %mul3A_106 = arith.mulf %logistic3A_90, %tanh3A : vector<1000x128xf32>
    %add3A_107 = arith.addf %mul3A, %mul3A_106 : vector<1000x128xf32>
    %tanh3A_108 = math.tanh %add3A_107 : vector<1000x128xf32>
    %mul3A_109 = arith.mulf %logistic3A_105, %tanh3A_108 : vector<1000x128xf32>
    %swap3A = arith.constant 0 : index
    %swap3A_110 = arith.constant 0 : index
    %swap3A_111 = vector.load %arg13[%swap3A, %swap3A_110] : memref<1000x128xf32, #tpu.memory_space<vmem>>, vector<1000x128xf32>
    tpu.vector_store %arg13[%swap3A, %swap3A_110], %mul3A_109 {strides = array<i32>} : memref<1000x128xf32, #tpu.memory_space<vmem>>, vector<1000x128xf32>,
    %swap3A_112 = arith.constant 0 : index
    %swap3A_113 = arith.constant 0 : index
    %swap3A_114 = vector.load %arg14[%swap3A_112, %swap3A_113] : memref<1000x128xf32, #tpu.memory_space<vmem>>, vector<1000x128xf32>
    tpu.vector_store %arg14[%swap3A_112, %swap3A_113], %add3A_107 {strides = array<i32>} : memref<1000x128xf32, #tpu.memory_space<vmem>>, vector<1000x128xf32>,
    return
  }
  func.func @transform_0(%arg0: i32) -> (i32, i32) {
    %c0_i32 = arith.constant 0 : i32
    %c0_i32_0 = arith.constant 0 : i32
    return %arg0, %c0_i32 : i32, i32
  }
  func.func @transform_1(%arg0: i32) -> (i32, i32) {
    %c0_i32 = arith.constant 0 : i32
    %c0_i32_0 = arith.constant 0 : i32
    %c0_i32_1 = arith.constant 0 : i32
    return %c0_i32, %c0_i32_0 : i32, i32
  }
  func.func @transform_2(%arg0: i32) -> (i32, i32, i32) {
    %c0_i32 = arith.constant 0 : i32
    %c0_i32_0 = arith.constant 0 : i32
    %c0_i32_1 = arith.constant 0 : i32
    return %c0_i32, %arg0, %c0_i32_0 : i32, i32, i32
  }
  func.func @transform_3(%arg0: i32) -> (i32, i32, i32) {
    %c0_i32 = arith.constant 0 : i32
    %c0_i32_0 = arith.constant 0 : i32
    %c0_i32_1 = arith.constant 0 : i32
    return %c0_i32, %arg0, %c0_i32_0 : i32, i32, i32
  }
  func.func @transform_4(%arg0: i32) -> (i32, i32) {
    %c0_i32 = arith.constant 0 : i32
    %c0_i32_0 = arith.constant 0 : i32
    %c0_i32_1 = arith.constant 0 : i32
    return %c0_i32, %c0_i32_0 : i32, i32
  }
  func.func @transform_5(%arg0: i32) -> (i32, i32, i32) {
    %c0_i32 = arith.constant 0 : i32
    %c0_i32_0 = arith.constant 0 : i32
    %c0_i32_1 = arith.constant 0 : i32
    return %c0_i32, %arg0, %c0_i32_0 : i32, i32, i32
  }
  func.func @transform_6(%arg0: i32) -> (i32, i32, i32) {
    %c0_i32 = arith.constant 0 : i32
    %c0_i32_0 = arith.constant 0 : i32
    %c0_i32_1 = arith.constant 0 : i32
    return %c0_i32, %arg0, %c0_i32_0 : i32, i32, i32
  }
  func.func @transform_7(%arg0: i32) -> (i32, i32) {
    %c0_i32 = arith.constant 0 : i32
    %c0_i32_0 = arith.constant 0 : i32
    %c0_i32_1 = arith.constant 0 : i32
    return %c0_i32, %c0_i32_0 : i32, i32
  }
  func.func @transform_8(%arg0: i32) -> (i32, i32) {
    %c0_i32 = arith.constant 0 : i32
    %c0_i32_0 = arith.constant 0 : i32
    return %arg0, %c0_i32 : i32, i32
  }
  func.func @transform_9(%arg0: i32) -> (i32, i32) {
    %c0_i32 = arith.constant 0 : i32
    %c0_i32_0 = arith.constant 0 : i32
    %c0_i32_1 = arith.constant 0 : i32
    return %c0_i32, %c0_i32_0 : i32, i32
  }
  func.func @transform_10(%arg0: i32) -> (i32, i32) {
    %c0_i32 = arith.constant 0 : i32
    %c0_i32_0 = arith.constant 0 : i32
    %c0_i32_1 = arith.constant 0 : i32
    return %c0_i32, %c0_i32_0 : i32, i32
  }
  func.func @transform_11(%arg0: i32) -> (i32, i32) {
    %c0_i32 = arith.constant 0 : i32
    %c0_i32_0 = arith.constant 0 : i32
    return %arg0, %c0_i32 : i32, i32
  }
  func.func @transform_12(%arg0: i32) -> (i32, i32) {
    %c0_i32 = arith.constant 0 : i32
    %c0_i32_0 = arith.constant 0 : i32
    return %arg0, %c0_i32 : i32, i32
  }
  func.func @transform_13(%arg0: i32) -> (i32, i32) {
    %c0_i32 = arith.constant 0 : i32
    %c0_i32_0 = arith.constant 0 : i32
    return %arg0, %c0_i32 : i32, i32
  }
}

module attributes {stable_mosaic.version = 14 : i64} {
  func.func @body(%arg0: i32, %arg1: memref<1000x128xf32, #tpu.memory_space<vmem>>, %arg2: memref<128x512xf32, #tpu.memory_space<vmem>>, %arg3: memref<2x1000x128xf32, #tpu.memory_space<vmem>>, %arg4: memref<2x1000x128xf32, #tpu.memory_space<vmem>>, %arg5: memref<128x512xf32, #tpu.memory_space<vmem>>, %arg6: memref<2x1000x128xf32, #tpu.memory_space<vmem>>, %arg7: memref<2x1000x128xf32, #tpu.memory_space<vmem>>, %arg8: memref<128x512xf32, #tpu.memory_space<vmem>>, %arg9: memref<1000x128xf32, #tpu.memory_space<vmem>>, %arg10: memref<128x512xf32, #tpu.memory_space<vmem>>, %arg11: memref<1x512xf32, #tpu.memory_space<vmem>>, %arg12: memref<1000x128xf32, #tpu.memory_space<vmem>>, %arg13: memref<1000x128xf32, #tpu.memory_space<vmem>>) attributes {dimension_semantics = [#tpu.dimension_semantics<arbitrary>], iteration_bounds = array<i64: 10>, scalar_prefetch = 0 : i64, scratch_operands = 0 : i64, tpu.core_type = #tpu.core_type<tc>, window_params = [{transform_indices = @transform_0, window_bounds = array<i64: 1000, 128>}, {pipeline_mode = #tpu.pipeline_mode<synchronous>, transform_indices = @transform_1, window_bounds = array<i64: 128, 512>}, {transform_indices = @transform_2, window_bounds = array<i64: 2, 1000, 128>}, {transform_indices = @transform_3, window_bounds = array<i64: 2, 1000, 128>}, {pipeline_mode = #tpu.pipeline_mode<synchronous>, transform_indices = @transform_4, window_bounds = array<i64: 128, 512>}, {transform_indices = @transform_5, window_bounds = array<i64: 2, 1000, 128>}, {transform_indices = @transform_6, window_bounds = array<i64: 2, 1000, 128>}, {pipeline_mode = #tpu.pipeline_mode<synchronous>, transform_indices = @transform_7, window_bounds = array<i64: 128, 512>}, {transform_indices = @transform_8, window_bounds = array<i64: 1000, 128>}, {pipeline_mode = #tpu.pipeline_mode<synchronous>, transform_indices = @transform_9, window_bounds = array<i64: 128, 512>}, {pipeline_mode = #tpu.pipeline_mode<synchronous>, transform_indices = @transform_10, window_bounds = array<i64: 1, 512>}, {transform_indices = @transform_11, window_bounds = array<i64: 1000, 128>}, {transform_indices = @transform_12, window_bounds = array<i64: 1000, 128>}]} {
    %get3A = arith.constant 0 : index
    %get3A_0 = arith.constant 0 : index
    %get3A_1 = vector.load %arg1[%get3A, %get3A_0] : memref<1000x128xf32, #tpu.memory_space<vmem>>, vector<1000x128xf32>
    %get3A_2 = arith.constant 0 : index
    %get3A_3 = arith.constant 0 : index
    %get3A_4 = vector.load %arg2[%get3A_2, %get3A_3] : memref<128x512xf32, #tpu.memory_space<vmem>>, vector<128x512xf32>
    %dot_general3A = arith.constant dense<0.000000e+00> : vector<1000x512xf32>
    %dot_general3A_5 = tpu.matmul %get3A_1, %get3A_4, %dot_general3A {dimension_numbers = #tpu.dot_dimension_numbers<[1], [0], [0], [1], [0, 0, 1, 1], [], []>, transpose_lhs_hint = false} : vector<1000x128xf32>, vector<128x512xf32>, vector<1000x512xf32> -> vector<1000x512xf32>
    %get3A_6 = arith.constant 0 : index
    %get3A_7 = arith.constant 0 : index
    %get3A_8 = arith.constant 0 : index
    %get3A_9 = vector.load %arg3[%get3A_6, %get3A_7, %get3A_8] : memref<2x1000x128xf32, #tpu.memory_space<vmem>>, vector<1x1000x128xf32>
    %get3A_10 = vector.shape_cast %get3A_9 : vector<1x1000x128xf32> to vector<1000x128xf32>
    %get3A_11 = arith.constant 1 : index
    %get3A_12 = arith.constant 0 : index
    %get3A_13 = arith.constant 0 : index
    %get3A_14 = vector.load %arg3[%get3A_11, %get3A_12, %get3A_13] : memref<2x1000x128xf32, #tpu.memory_space<vmem>>, vector<1x1000x128xf32>
    %get3A_15 = vector.shape_cast %get3A_14 : vector<1x1000x128xf32> to vector<1000x128xf32>
    %add3A = arith.addf %get3A_10, %get3A_15 : vector<1000x128xf32>
    %get3A_16 = arith.constant 0 : index
    %get3A_17 = arith.constant 0 : index
    %get3A_18 = arith.constant 0 : index
    %get3A_19 = vector.load %arg4[%get3A_16, %get3A_17, %get3A_18] : memref<2x1000x128xf32, #tpu.memory_space<vmem>>, vector<1x1000x1xf32>
    %get3A_20 = vector.shape_cast %get3A_19 : vector<1x1000x1xf32> to vector<1000x1xf32>
    %get3A_21 = arith.constant 1 : index
    %get3A_22 = arith.constant 0 : index
    %get3A_23 = arith.constant 0 : index
    %get3A_24 = vector.load %arg4[%get3A_21, %get3A_22, %get3A_23] : memref<2x1000x128xf32, #tpu.memory_space<vmem>>, vector<1x1000x1xf32>
    %get3A_25 = vector.shape_cast %get3A_24 : vector<1x1000x1xf32> to vector<1000x1xf32>
    %add3A_26 = arith.addf %get3A_20, %get3A_25 : vector<1000x1xf32>
    %max3A = arith.constant 1.000000e+00 : f32
    %max3A_27 = vector.broadcast %max3A : f32 to vector<1000x1xf32>
    %max3A_28 = arith.maximumf %add3A_26, %max3A_27 : vector<1000x1xf32>
    %div3A = vector.broadcast %max3A_28 : vector<1000x1xf32> to vector<1000x128xf32>
    %div3A_29 = arith.divf %add3A, %div3A : vector<1000x128xf32>
    %get3A_30 = arith.constant 0 : index
    %get3A_31 = arith.constant 0 : index
    %get3A_32 = vector.load %arg5[%get3A_30, %get3A_31] : memref<128x512xf32, #tpu.memory_space<vmem>>, vector<128x512xf32>
    %dot_general3A_33 = arith.constant dense<0.000000e+00> : vector<1000x512xf32>
    %dot_general3A_34 = tpu.matmul %div3A_29, %get3A_32, %dot_general3A_33 {dimension_numbers = #tpu.dot_dimension_numbers<[1], [0], [0], [1], [0, 0, 1, 1], [], []>, transpose_lhs_hint = false} : vector<1000x128xf32>, vector<128x512xf32>, vector<1000x512xf32> -> vector<1000x512xf32>
    %add3A_35 = arith.addf %dot_general3A_5, %dot_general3A_34 : vector<1000x512xf32>
    %get3A_36 = arith.constant 0 : index
    %get3A_37 = arith.constant 0 : index
    %get3A_38 = arith.constant 0 : index
    %get3A_39 = vector.load %arg6[%get3A_36, %get3A_37, %get3A_38] : memref<2x1000x128xf32, #tpu.memory_space<vmem>>, vector<1x1000x128xf32>
    %get3A_40 = vector.shape_cast %get3A_39 : vector<1x1000x128xf32> to vector<1000x128xf32>
    %get3A_41 = arith.constant 1 : index
    %get3A_42 = arith.constant 0 : index
    %get3A_43 = arith.constant 0 : index
    %get3A_44 = vector.load %arg6[%get3A_41, %get3A_42, %get3A_43] : memref<2x1000x128xf32, #tpu.memory_space<vmem>>, vector<1x1000x128xf32>
    %get3A_45 = vector.shape_cast %get3A_44 : vector<1x1000x128xf32> to vector<1000x128xf32>
    %add3A_46 = arith.addf %get3A_40, %get3A_45 : vector<1000x128xf32>
    %get3A_47 = arith.constant 0 : index
    %get3A_48 = arith.constant 0 : index
    %get3A_49 = arith.constant 0 : index
    %get3A_50 = vector.load %arg7[%get3A_47, %get3A_48, %get3A_49] : memref<2x1000x128xf32, #tpu.memory_space<vmem>>, vector<1x1000x1xf32>
    %get3A_51 = vector.shape_cast %get3A_50 : vector<1x1000x1xf32> to vector<1000x1xf32>
    %get3A_52 = arith.constant 1 : index
    %get3A_53 = arith.constant 0 : index
    %get3A_54 = arith.constant 0 : index
    %get3A_55 = vector.load %arg7[%get3A_52, %get3A_53, %get3A_54] : memref<2x1000x128xf32, #tpu.memory_space<vmem>>, vector<1x1000x1xf32>
    %get3A_56 = vector.shape_cast %get3A_55 : vector<1x1000x1xf32> to vector<1000x1xf32>
    %add3A_57 = arith.addf %get3A_51, %get3A_56 : vector<1000x1xf32>
    %max3A_58 = arith.constant 1.000000e+00 : f32
    %max3A_59 = vector.broadcast %max3A_58 : f32 to vector<1000x1xf32>
    %max3A_60 = arith.maximumf %add3A_57, %max3A_59 : vector<1000x1xf32>
    %div3A_61 = vector.broadcast %max3A_60 : vector<1000x1xf32> to vector<1000x128xf32>
    %div3A_62 = arith.divf %add3A_46, %div3A_61 : vector<1000x128xf32>
    %get3A_63 = arith.constant 0 : index
    %get3A_64 = arith.constant 0 : index
    %get3A_65 = vector.load %arg8[%get3A_63, %get3A_64] : memref<128x512xf32, #tpu.memory_space<vmem>>, vector<128x512xf32>
    %dot_general3A_66 = arith.constant dense<0.000000e+00> : vector<1000x512xf32>
    %dot_general3A_67 = tpu.matmul %div3A_62, %get3A_65, %dot_general3A_66 {dimension_numbers = #tpu.dot_dimension_numbers<[1], [0], [0], [1], [0, 0, 1, 1], [], []>, transpose_lhs_hint = false} : vector<1000x128xf32>, vector<128x512xf32>, vector<1000x512xf32> -> vector<1000x512xf32>
    %add3A_68 = arith.addf %add3A_35, %dot_general3A_67 : vector<1000x512xf32>
    %get3A_69 = arith.constant 0 : index
    %get3A_70 = arith.constant 0 : index
    %get3A_71 = vector.load %arg9[%get3A_69, %get3A_70] : memref<1000x128xf32, #tpu.memory_space<vmem>>, vector<1000x128xf32>
    %get3A_72 = arith.constant 0 : index
    %get3A_73 = arith.constant 0 : index
    %get3A_74 = vector.load %arg10[%get3A_72, %get3A_73] : memref<128x512xf32, #tpu.memory_space<vmem>>, vector<128x512xf32>
    %dot_general3A_75 = arith.constant dense<0.000000e+00> : vector<1000x512xf32>
    %dot_general3A_76 = tpu.matmul %get3A_71, %get3A_74, %dot_general3A_75 {dimension_numbers = #tpu.dot_dimension_numbers<[1], [0], [0], [1], [0, 0, 1, 1], [], []>, transpose_lhs_hint = false} : vector<1000x128xf32>, vector<128x512xf32>, vector<1000x512xf32> -> vector<1000x512xf32>
    %add3A_77 = arith.addf %add3A_68, %dot_general3A_76 : vector<1000x512xf32>
    %get3A_78 = arith.constant 0 : index
    %get3A_79 = arith.constant 0 : index
    %get3A_80 = vector.load %arg11[%get3A_78, %get3A_79] : memref<1x512xf32, #tpu.memory_space<vmem>>, vector<1x512xf32>
    %add3A_81 = vector.broadcast %get3A_80 : vector<1x512xf32> to vector<1000x512xf32>
    %add3A_82 = arith.addf %add3A_77, %add3A_81 : vector<1000x512xf32>
    %get3A_83 = arith.constant 0 : index
    %get3A_84 = arith.constant 0 : index
    %get3A_85 = vector.load %arg12[%get3A_83, %get3A_84] : memref<1000x128xf32, #tpu.memory_space<vmem>>, vector<1000x128xf32>
    %slice3A = vector.extract_strided_slice %add3A_82 {offsets = [0, 0], sizes = [1000, 128], strides = [1, 1]} : vector<1000x512xf32> to vector<1000x128xf32>
    %logistic3A = arith.negf %slice3A : vector<1000x128xf32>
    %logistic3A_86 = math.exp %logistic3A : vector<1000x128xf32>
    %logistic3A_87 = arith.constant 1.000000e+00 : f32
    %logistic3A_88 = vector.broadcast %logistic3A_87 : f32 to vector<1000x128xf32>
    %logistic3A_89 = arith.addf %logistic3A_88, %logistic3A_86 : vector<1000x128xf32>
    %logistic3A_90 = arith.divf %logistic3A_88, %logistic3A_89 : vector<1000x128xf32>
    %slice3A_91 = vector.extract_strided_slice %add3A_82 {offsets = [0, 128], sizes = [1000, 128], strides = [1, 1]} : vector<1000x512xf32> to vector<1000x128xf32>
    %logistic3A_92 = arith.negf %slice3A_91 : vector<1000x128xf32>
    %logistic3A_93 = math.exp %logistic3A_92 : vector<1000x128xf32>
    %logistic3A_94 = arith.constant 1.000000e+00 : f32
    %logistic3A_95 = vector.broadcast %logistic3A_94 : f32 to vector<1000x128xf32>
    %logistic3A_96 = arith.addf %logistic3A_95, %logistic3A_93 : vector<1000x128xf32>
    %logistic3A_97 = arith.divf %logistic3A_95, %logistic3A_96 : vector<1000x128xf32>
    %slice3A_98 = vector.extract_strided_slice %add3A_82 {offsets = [0, 256], sizes = [1000, 128], strides = [1, 1]} : vector<1000x512xf32> to vector<1000x128xf32>
    %tanh3A = math.tanh %slice3A_98 : vector<1000x128xf32>
    %slice3A_99 = vector.extract_strided_slice %add3A_82 {offsets = [0, 384], sizes = [1000, 128], strides = [1, 1]} : vector<1000x512xf32> to vector<1000x128xf32>
    %logistic3A_100 = arith.negf %slice3A_99 : vector<1000x128xf32>
    %logistic3A_101 = math.exp %logistic3A_100 : vector<1000x128xf32>
    %logistic3A_102 = arith.constant 1.000000e+00 : f32
    %logistic3A_103 = vector.broadcast %logistic3A_102 : f32 to vector<1000x128xf32>
    %logistic3A_104 = arith.addf %logistic3A_103, %logistic3A_101 : vector<1000x128xf32>
    %logistic3A_105 = arith.divf %logistic3A_103, %logistic3A_104 : vector<1000x128xf32>
    %mul3A = arith.mulf %logistic3A_97, %get3A_85 : vector<1000x128xf32>
    %mul3A_106 = arith.mulf %logistic3A_90, %tanh3A : vector<1000x128xf32>
    %add3A_107 = arith.addf %mul3A, %mul3A_106 : vector<1000x128xf32>
    %tanh3A_108 = math.tanh %add3A_107 : vector<1000x128xf32>
    %mul3A_109 = arith.mulf %logistic3A_105, %tanh3A_108 : vector<1000x128xf32>
    %swap3A = arith.constant 0 : index
    %swap3A_110 = arith.constant 0 : index
    %swap3A_111 = vector.load %arg13[%swap3A, %swap3A_110] : memref<1000x128xf32, #tpu.memory_space<vmem>>, vector<1000x128xf32>
    tpu.vector_store %arg13[%swap3A, %swap3A_110], %mul3A_109 {strides = array<i32>} : memref<1000x128xf32, #tpu.memory_space<vmem>>, vector<1000x128xf32>,
    return
  }
  func.func @transform_0(%arg0: i32) -> (i32, i32) {
    %c0_i32 = arith.constant 0 : i32
    %c0_i32_0 = arith.constant 0 : i32
    return %arg0, %c0_i32 : i32, i32
  }
  func.func @transform_1(%arg0: i32) -> (i32, i32) {
    %c0_i32 = arith.constant 0 : i32
    %c0_i32_0 = arith.constant 0 : i32
    %c0_i32_1 = arith.constant 0 : i32
    return %c0_i32, %c0_i32_0 : i32, i32
  }
  func.func @transform_2(%arg0: i32) -> (i32, i32, i32) {
    %c0_i32 = arith.constant 0 : i32
    %c0_i32_0 = arith.constant 0 : i32
    %c0_i32_1 = arith.constant 0 : i32
    return %c0_i32, %arg0, %c0_i32_0 : i32, i32, i32
  }
  func.func @transform_3(%arg0: i32) -> (i32, i32, i32) {
    %c0_i32 = arith.constant 0 : i32
    %c0_i32_0 = arith.constant 0 : i32
    %c0_i32_1 = arith.constant 0 : i32
    return %c0_i32, %arg0, %c0_i32_0 : i32, i32, i32
  }
  func.func @transform_4(%arg0: i32) -> (i32, i32) {
    %c0_i32 = arith.constant 0 : i32
    %c0_i32_0 = arith.constant 0 : i32
    %c0_i32_1 = arith.constant 0 : i32
    return %c0_i32, %c0_i32_0 : i32, i32
  }
  func.func @transform_5(%arg0: i32) -> (i32, i32, i32) {
    %c0_i32 = arith.constant 0 : i32
    %c0_i32_0 = arith.constant 0 : i32
    %c0_i32_1 = arith.constant 0 : i32
    return %c0_i32, %arg0, %c0_i32_0 : i32, i32, i32
  }
  func.func @transform_6(%arg0: i32) -> (i32, i32, i32) {
    %c0_i32 = arith.constant 0 : i32
    %c0_i32_0 = arith.constant 0 : i32
    %c0_i32_1 = arith.constant 0 : i32
    return %c0_i32, %arg0, %c0_i32_0 : i32, i32, i32
  }
  func.func @transform_7(%arg0: i32) -> (i32, i32) {
    %c0_i32 = arith.constant 0 : i32
    %c0_i32_0 = arith.constant 0 : i32
    %c0_i32_1 = arith.constant 0 : i32
    return %c0_i32, %c0_i32_0 : i32, i32
  }
  func.func @transform_8(%arg0: i32) -> (i32, i32) {
    %c0_i32 = arith.constant 0 : i32
    %c0_i32_0 = arith.constant 0 : i32
    return %arg0, %c0_i32 : i32, i32
  }
  func.func @transform_9(%arg0: i32) -> (i32, i32) {
    %c0_i32 = arith.constant 0 : i32
    %c0_i32_0 = arith.constant 0 : i32
    %c0_i32_1 = arith.constant 0 : i32
    return %c0_i32, %c0_i32_0 : i32, i32
  }
  func.func @transform_10(%arg0: i32) -> (i32, i32) {
    %c0_i32 = arith.constant 0 : i32
    %c0_i32_0 = arith.constant 0 : i32
    %c0_i32_1 = arith.constant 0 : i32
    return %c0_i32, %c0_i32_0 : i32, i32
  }
  func.func @transform_11(%arg0: i32) -> (i32, i32) {
    %c0_i32 = arith.constant 0 : i32
    %c0_i32_0 = arith.constant 0 : i32
    return %arg0, %c0_i32 : i32, i32
  }
  func.func @transform_12(%arg0: i32) -> (i32, i32) {
    %c0_i32 = arith.constant 0 : i32
    %c0_i32_0 = arith.constant 0 : i32
    return %arg0, %c0_i32 : i32, i32
  }
}

module attributes {stable_mosaic.version = 14 : i64} {
  func.func @_jhead_body(%arg0: memref<10000x128xf32, #tpu.memory_space<vmem>>, %arg1: memref<128x128xf32, #tpu.memory_space<vmem>>, %arg2: memref<1x128xf32, #tpu.memory_space<vmem>>, %arg3: memref<10000x2xf32, #tpu.memory_space<vmem>>) attributes {dimension_semantics = [], scalar_prefetch = 0 : i64, scratch_operands = 0 : i64, tpu.core_type = #tpu.core_type<tc>} {
    %get3A = arith.constant 0 : index
    %get3A_0 = arith.constant 0 : index
    %get3A_1 = vector.load %arg0[%get3A, %get3A_0] : memref<10000x128xf32, #tpu.memory_space<vmem>>, vector<10000x128xf32>
    %get3A_2 = arith.constant 0 : index
    %get3A_3 = arith.constant 0 : index
    %get3A_4 = vector.load %arg1[%get3A_2, %get3A_3] : memref<128x128xf32, #tpu.memory_space<vmem>>, vector<128x128xf32>
    %dot_general3A = arith.constant dense<0.000000e+00> : vector<10000x128xf32>
    %dot_general3A_5 = tpu.matmul %get3A_1, %get3A_4, %dot_general3A {dimension_numbers = #tpu.dot_dimension_numbers<[1], [0], [0], [1], [0, 0, 1, 1], [], []>, transpose_lhs_hint = false} : vector<10000x128xf32>, vector<128x128xf32>, vector<10000x128xf32> -> vector<10000x128xf32>
    %get3A_6 = arith.constant 0 : index
    %get3A_7 = arith.constant 0 : index
    %get3A_8 = vector.load %arg2[%get3A_6, %get3A_7] : memref<1x128xf32, #tpu.memory_space<vmem>>, vector<1x128xf32>
    %add3A = vector.broadcast %get3A_8 : vector<1x128xf32> to vector<10000x128xf32>
    %add3A_9 = arith.addf %dot_general3A_5, %add3A : vector<10000x128xf32>
    %slice3A = vector.extract_strided_slice %add3A_9 {offsets = [0, 0], sizes = [10000, 2], strides = [1, 1]} : vector<10000x128xf32> to vector<10000x2xf32>
    %tanh3A = math.tanh %slice3A : vector<10000x2xf32>
    %swap3A = arith.constant 0 : index
    %swap3A_10 = arith.constant 0 : index
    %swap3A_11 = vector.load %arg3[%swap3A, %swap3A_10] : memref<10000x2xf32, #tpu.memory_space<vmem>>, vector<10000x2xf32>
    tpu.vector_store %arg3[%swap3A, %swap3A_10], %tanh3A {strides = array<i32>} : memref<10000x2xf32, #tpu.memory_space<vmem>>, vector<10000x2xf32>,
    return
  }
}

</mosaic_0001>

<sc_bundles>
// kernel: kernel.17.cloned.1.call-start
scs
__scs_entry_jumppad:
0x0: {  	(pc) =	sbr.rel $0x88, $3  }
0x1: {  	(tag) =	ssettag $0x0;
	lr =	simm.s32 $0x1  }
0x2: {  	[smem:$0x3F06] =	sst lr;
	_ =	strace $0xD0000000  }
0x3: {  	_ = 	snop  }
0x4: {  	_ = 	snop  }
0x5: {  	_ = 	snop  }
0x6: {  	_ = 	snop  }
0x7: {  	_ = 	snop  }
__scs_overlays_trampoline_lowered:
0x8: {  	[smem:$0x3F15] =	sst s0  }
0x9: {  	[smem:$0x3F16] =	sst s1  }
0xa: {  	[smem:$0x3F17] =	sst s2  }
0xb: {  	[smem:$0x3F18] =	sst s3  }
0xc: {  	[smem:$0x3F19] =	sst s4  }
0xd: {  	[smem:$0x3F1A] =	sst s5  }
0xe: {  	[smem:$0x3F1B] =	sst s6  }
0xf: {  	[smem:$0x3F1C] =	sst s7  }
0x10: {  	[smem:$0x3F1D] =	sst s8  }
0x11: {  	[smem:$0x3F1E] =	sst s9;
	s0 =	simm.s32 @!p0 $0x0  }
0x12: {  	s1 =	sld [smem:$0x3F04];
	s0 =	simm.s32 @p0 $0x1  }
0x13: {  	[smem:$0x3F1F] =	sst s0;
	s0 =	simm.s32 @!p1 $0x0  }
0x14: {  	s2 =	sld [smem:$0x3F03];
	s0 =	simm.s32 @p1 $0x1  }
0x15: {  	[smem:$0x3F20] =	sst s0;
	s0 =	simm.s32 @!p2 $0x0  }
0x16: {  	s3 =	sld [smem:$0x3FDB];
	s0 =	simm.s32 @p2 $0x1  }
0x17: {  	s4 =	simm.s32 $0x1BF5;
	[smem:$0x3F22] =	sst s0  }
0x18: {  	s0 =	sld [smem:$0x3F05];
	_ =	swait.ge [sflag:s4], $0x0  }
0x19: {  	s7 =	sld [smem:$0x3F06]  }
0x1a: {  	s8 =	sadd.s32 $0xFFFFE003, lr  }
0x1b: {  	s9 =	sadd.s32 $0xFFFFFEF7, lr;
	s5 =	simm.s32 $0xFFFFFFFF;
	p2 =	slt.u32 s8, $0xFFFFF086  }
0x1c: {  	p1 =	slt.u32 s9, $0xF7A;
	s5 =	simm.s32 @!p2 $0x0  }
0x1d: {  	s5 =	simm.s32 @p1 $0x1;
	p0 =	seq.s32 s7, s2  }
0x1e: {  	s7 =	smul.u32 @!p0 $0xF7A, s2;
	p2 =	seq.s32 @!p0 s5, $0x0  }
0x1f: {  	s9 =	smul.u32 $0xF7A, s1;
	s8 =	simm.s32 @!p0 $0x1BF5;
	p2 =	por !p2, p0  }
0x20: {  	[sflag:s8] =	ssyncset.s32 @!p0 $0xFFFFF086;
	s6 =	sadd.s32 @!p0 s3, s7;
	s7 =	simm.s32 @!p0 $0x108  }
0x21: {  	s3 =	sadd.s32 s3, s9;
	s6 =	sadd.s32 @!p0 $0x88, s6;
	s7 =	simm.s32 @p2 $0x1082  }
0x22: {  	[simem:s7], [sflag:s8] =	dma.local @!p0 [hbm:s6], $0xF7A  }
0x23: {  	s9 =	sor.u32 $0xD0000000, s2;
	s6 =	simm.s32 $0x108;
	_ =	swait.ge @!p0 [sflag:s8], $0x0  }
0x24: {  	s3 =	sadd.s32 $0x88, s3;
	s6 =	simm.s32 @!p1 $0x1082;
	[sflag:s4] =	ssyncset.s32 $0xFFFFF086  }
0x25: {  	[simem:s6], [sflag:s4] =	dma.local [hbm:s3], $0xF7A  }
0x26: {  	[smem:$0x3F06] =	sst s1;
	(tag) =	ssettag s2;
	_ =	strace s9  }
0x27: {  	s1 =	sld [smem:$0x3F16]  }
0x28: {  	s2 =	sld [smem:$0x3F17]  }
0x29: {  	s4 =	sld [smem:$0x3F19]  }
0x2a: {  	p0 =	seq.s32 s5, $0x0;
	s5 =	sld [smem:$0x3F1A]  }
0x2b: {  	s6 =	sld [smem:$0x3F1B]  }
0x2c: {  	s7 =	sld [smem:$0x3F1C]  }
0x2d: {  	s3 =	simm.s32 $0x108;
	s8 =	sld [smem:$0x3F1D]  }
0x2e: {  	s3 =	simm.s32 @!p0 $0x1082;
	s9 =	sld [smem:$0x3F1E]  }
0x2f: {  	lr =	sadd.s32 s0, s3;
	s0 =	sld [smem:$0x3F15]  }
0x30: {  	s3 =	sld [smem:$0x3F18]  }
0x31: {  	[smem:$0x3F21] =	sst s10  }
0x32: {  	s10 =	sld [smem:$0x3F1F];
	_ =	sdelay $0x3  }
0x33: {  	p0 =	seq.s32 s10, $0x1;
	s10 =	sld [smem:$0x3F21];
	_ =	sdelay $0x3  }
0x34: {  	[smem:$0x3F21] =	sst s10  }
0x35: {  	s10 =	sld [smem:$0x3F20];
	_ =	sdelay $0x3  }
0x36: {  	p1 =	seq.s32 s10, $0x1;
	s10 =	sld [smem:$0x3F21];
	_ =	sdelay $0x3  }
0x37: {  	[smem:$0x3F21] =	sst s10  }
0x38: {  	s10 =	sld [smem:$0x3F22]  }
0x39: {  	_ = 	snop;
	(pc) =	sbr.ind lr, $3  }
0x3a: {  	_ = 	snop  }
0x3b: {  	_ = 	snop  }
0x3c: {  	p2 =	seq.s32 s10, $0x1;
	s10 =	sld [smem:$0x3F21]  }
0x3d: {  	_ =	shalt  }
0x3e: {  	_ =	shalt  }
0x3f: {  	_ =	shalt  }
0x40: {  	_ =	shalt  }
0x41: {  	_ =	shalt  }
0x42: {  	_ =	shalt  }
0x43: {  	_ =	shalt  }
0x44: {  	_ =	shalt  }
0x45: {  	_ =	shalt  }
0x46: {  	_ =	shalt  }
0x47: {  	_ =	shalt  }
0x48: {  	_ =	shalt  }
0x49: {  	_ =	shalt  }
0x4a: {  	_ =	shalt  }
0x4b: {  	_ =	shalt  }
0x4c: {  	_ =	shalt  }
0x4d: {  	_ =	shalt  }
0x4e: {  	_ =	shalt  }
0x4f: {  	_ =	shalt  }
0x50: {  	_ =	shalt  }
0x51: {  	_ =	shalt  }
0x52: {  	_ =	shalt  }
0x53: {  	_ =	shalt  }
0x54: {  	_ =	shalt  }
0x55: {  	_ =	shalt  }
0x56: {  	_ =	shalt  }
0x57: {  	_ =	shalt  }
0x58: {  	_ =	shalt  }
0x59: {  	_ =	shalt  }
0x5a: {  	_ =	shalt  }
0x5b: {  	_ =	shalt  }
0x5c: {  	_ =	shalt  }
0x5d: {  	_ =	shalt  }
0x5e: {  	_ =	shalt  }
0x5f: {  	_ =	shalt  }
0x60: {  	_ =	shalt  }
0x61: {  	_ =	shalt  }
0x62: {  	_ =	shalt  }
0x63: {  	_ =	shalt  }
0x64: {  	_ =	shalt  }
0x65: {  	_ =	shalt  }
0x66: {  	_ =	shalt  }
0x67: {  	_ =	shalt  }
0x68: {  	_ =	shalt  }
0x69: {  	_ =	shalt  }
0x6a: {  	_ =	shalt  }
0x6b: {  	_ =	shalt  }
0x6c: {  	_ =	shalt  }
0x6d: {  	_ =	shalt  }
0x6e: {  	_ =	shalt  }
0x6f: {  	_ =	shalt  }
0x70: {  	_ =	shalt  }
0x71: {  	_ =	shalt  }
0x72: {  	_ =	shalt  }
0x73: {  	_ =	shalt  }
0x74: {  	_ =	shalt  }
0x75: {  	_ =	shalt  }
0x76: {  	_ =	shalt  }
0x77: {  	_ =	shalt  }
0x78: {  	_ =	shalt  }
0x79: {  	_ =	shalt  }
0x7a: {  	_ =	shalt  }
0x7b: {  	_ =	shalt  }
0x7c: {  	_ =	shalt  }
0x7d: {  	_ =	shalt  }
0x7e: {  	_ =	shalt  }
0x7f: {  	_ =	shalt  }
0x80: {  	_ =	shalt  }
0x81: {  	_ =	shalt  }
0x82: {  	_ =	shalt  }
0x83: {  	_ =	shalt  }
0x84: {  	_ =	shalt  }
0x85: {  	_ =	shalt  }
0x86: {  	_ =	shalt  }
0x87: {  	_ =	shalt  }
.Lfunc_end0:
.L_simem_size_0:
called_computation_lowered:
.L_overlay_start_0:
0x88: {  	s2 =	sld [smem:$0x3FD9]  }
0x89: {  	s3 =	sld [smem:$0x3FFE];
	_ =	sdelay $0x1  }
0x8a: {  	s1 =	srdreg.scid  }
0x8b: {  	s0 =	sand.u32 $0x1, s1  }
0x8c: {  	s17 =	sshll.u32 s0, $0xA;
	s2 =	sadd.s32 s3, s2  }
0x8d: {  	s2 =	sadd.s32 s2, s17  }
0x8e: {  	[smem:$0x3F2D] =	sst s2  }
0x8f: {  	_ = 	snop  }
0x90: {  	(tm) =	ssettm $0x1  }
0x91: {  	s18 =	sld [smem:$0x3FFB];
	_ =	sdelay $0x3  }
0x92: {  	_ =	strace s18  }
0x93: {  	s2 =	sld [smem:$0x3FFC];
	_ =	sdelay $0x3  }
0x94: {  	_ =	strace s2  }
0x95: {  	s2 =	sld [smem:$0x3FFD];
	_ =	sdelay $0x3  }
0x96: {  	_ =	strace s2  }
0x97: {  	_ =	strace $0x8FFFFFFF  }
0x98: {  	s19 =	sld [smem:$0x3FDB];
	_ =	sdelay $0x1  }
0x99: {  	s20 =	simm.s32 $_scs_section_size  }
0x9a: {  	s4 =	simm.s32 $_size__tile_overlayer_lowered;
	s5 =	simm.s32 $_tile_overlayer_lowered  }
0x9b: {  	s6 =	simm.s32 $0x1BFF;
	s21 =	sshll.u32 s5, $0x1;
	s3 =	sadd.s32 s20, s19  }
0x9c: {  	s22 =	simm.s32 $0x0;
	s4 =	sshll.u32 s4, $0x1;
	s5 =	sadd.s32 s21, s3  }
0x9d: {  	[timem:s22], [sflag:s6] =	dma.local [hbm:s5], s4  }
0x9e: {  	_ =	swait.ge [sflag:s6], s4  }
0x9f: {  	s4 =	ssub.s32 $0x0, s4;
	[sflag:s6] =	ssyncset.done $0x0  }
0xa0: {  	[sflag:s6] =	ssyncadd.s32 s4;
	_ =	sdelay $0x1  }
0xa1: {  	s23 =	simm.s32 $0x1B8B  }
0xa2: {  	_ =	swait.ge [sflag:s23], $0x1  }
0xa3: {  	[sflag:s23] =	ssyncset.done $0x0  }
0xa4: {  	[sflag:s23] =	ssyncadd.s32 $0xFFFFFFFF  }
0xa5: {  	s4 =	sld [smem:$0x0]  }
0xa6: {  	s5 =	sand.u32 $0xFFFFFFFE, s1  }
0xa7: {  	p0 =	sne.s32 s1, s5  }
0xa8: {  	s5 =	sshll.u32 @p0 s5, $0xE  }
0xa9: {  	s5 =	sadd.s32 @p0 $0x11B8D, s5;
	s6 =	sshll.u32 @p0 s4, $0x11  }
0xaa: {  	s5 =	sor.u32 @p0 s6, s5  }
0xab: {  	[sflag:s5] =	ssyncadd.remote.s32 @p0 $0x1;
	_ =	sdelay $0x1  }
0xac: {  	s5 =	simm.s32 @p0 $0x1B8D  }
0xad: {  	_ =	swait.eq @p0 [sflag:s5], $0x1  }
0xae: {  	[sflag:s5] =	ssyncadd.s32 @p0 $0xFFFFFFFF  }
0xaf: {  	s6 =	sshll.u32 @!p0 s1, $0xE  }
0xb0: {  	s6 =	sor.u32 @!p0 $0x4000, s6;
	s5 =	simm.s32 @!p0 $0x1B8D  }
0xb1: {  	s4 =	sshll.u32 @!p0 s4, $0x11;
	s6 =	sadd.s32 @!p0 $0x11B8D, s6;
	_ =	swait.eq @!p0 [sflag:s5], $0x1  }
0xb2: {  	s4 =	sor.u32 @!p0 s4, s6;
	[sflag:s5] =	ssyncadd.s32 @!p0 $0xFFFFFFFF  }
0xb3: {  	s25 =	simm.s32 $0x1B8E;
	s24 =	sld [smem:$0x3FFE];
	[sflag:s4] =	ssyncadd.remote.s32 @!p0 $0x1  }
0xb4: {  	s26 =	simm.s32 $execute0_lowered;
	[smem:$0x3FD2] =	sst s25  }
0xb5: {  	s5 =	sshll.u32 s26, $0x1;
	_ =	strace $0x80000049;
	[dreg:$0x1] =	wrdreg $0xFFFFFFFF  }
0xb6: {  	s28 =	simm.s32 $_size_execute0_lowered;
	s3 =	sadd.s32 s3, s5;
	[dreg:$0x0] =	wrdreg $0x0  }
0xb7: {  	s5 =	sshll.u32 s28, $0x1;
	[dreg:$0x2] =	wrdreg s3  }
0xb8: {  	[dreg:$0x3] =	wrdreg s5  }
0xb9: {  	[dreg:$0x4] =	wrdreg $0xC0  }
0xba: {  	_ =	task [dreg:s22], $0x5FFFF  }
0xbb: {  	[dreg:$0x1] =	wrdreg $0xFFFFFFFF  }
0xbc: {  	[dreg:$0x0] =	wrdreg $0x60  }
0xbd: {  	[dreg:$0x2] =	wrdreg s24  }
0xbe: {  	[dreg:$0x3] =	wrdreg $0x70000  }
0xbf: {  	[dreg:$0x4] =	wrdreg $0x9  }
0xc0: {  	_ =	task.clear_ibuf [dreg:s22], $0x5FFFF;
	_ =	strace $0x90000049  }
0xc1: {  	s29 =	simm.s32 $0x9;
	_ =	strace $0x8000004B  }
0xc2: {  	_ =	swait.ge [sflag:s29], $0x1  }
0xc3: {  	[sflag:s29] =	ssyncadd.s32 $0xFFFFFFFF  }
0xc4: {  	_ =	strace $0x9000004B  }
0xc5: {  	_ =	sfence  }
0xc6: {  	s30 =	sld [smem:$0x0];
	_ =	sdelay $0x2  }
0xc7: {  	s31 =	sshll.u32 s1, $0xD;
	s1 =	sshrl.u32 s1, $0x2  }
0xc8: {  	s4 =	sand.u32 $0x4000, s31;
	s1 =	sadd.s32 s1, s30  }
0xc9: {  	s0 =	sor.u32 s4, s0;
	s1 =	sshll.u32 s1, $0x11  }
0xca: {  	s0 =	sor.u32 s1, s0  }
0xcb: {  	s0 =	sadd.s32 $0x8F2B, s0  }
0xcc: {  	[sflag:s0] =	ssyncadd.remote.s32 $0x1  }
0xcd: {  	_ =	sfence.sel $0xFFFF  }
0xce: {  	[dreg:$0x0] =	wrdreg $0xFFFFFFFF;
	(pc) =	sbr.abs _section_cstart, $3  }
0xcf: {  	[dreg:$0x1] =	wrdreg $0xFFFFFFFF  }
0xd0: {  	_ =	task.clear_ibuf [dreg:s22], $0x2FFFF;
	_ =	strace $0x9FFFFFFF  }
0xd1: {  	(tm) =	ssettm $0x7FFFFFFF  }
tec
execute0_lowered:
.L_overlay_start_1:
0x0: {  	(tag) =	ssettag $0x1  }
0x1: {  	s4 =	rddreg [dreg:$0x0]  }
0x2: {  	s1 =	rddreg [dreg:$0x1]  }
0x3: {  	s2 =	srdreg.scid;
	s0 =	rddreg [dreg:$0x2]  }
0x4: {  	s3 =	simm.s32 $0x0;
	s19 =	simm.s32 $0x2000;
	s20 =	simm.s32 $0x2  }
0x5: {  	s21 =	simm.s32 $0x50;
	s5 =	sand.u32 $0x1, s2;
	s2 =	stileid.u32  }
0x6: {  	s22 =	simm.s32 $0x4800;
	[smem:$0x7FF] =	sst s3;
	s6 =	smul.u32 $0x140000, s5  }
0x7: {  	s23 =	simm.s32 $0x1;
	s7 =	smul.u32 $0x14000, s2;
	_ =	strace $0x8000004A  }
0x8: {  	s8 =	sshll.u32 s2, $0xB;
	s9 =	sshll.u32 s5, $0xA;
	s5 =	ssub.s32 $0x2, s5  }
0x9: {  	s30 =	smul.u32 $0x50000, s2;
	s8 =	sor.u32 s9, s8;
	s29 =	sshrl.u32 s5, $0x1  }
0xa: {  	s6 =	sadd.s32 s7, s6;
	s10 =	sadd.s32 s8, s4;
	s12 =	ssub.s32 s5, s29  }
0xb: {  	s31 =	sshrl.u32 s30, $0x2;
	s6 =	sshrl.u32 s6, $0x3;
	s7 =	sadd.s32 $0x1CC00, s10  }
0xc: {  	s9 =	sadd.s32 $0x119400, s10;
	s11 =	sadd.s32 s6, s4;
	s4 =	sadd.s32 $0x111400, s10  }
0xd: {  	s6 =	sadd.s32 s31, s1;
	s5 =	sadd.s32 $0x171400, s11;
	s8 =	sadd.s32 $0x121400, s11  }
0xe: {  	s10 =	sadd.s32 $0x1C1400, s11;
	s11 =	smax.u32 s12, $0x1;
	s12 =	sadd.s32 $0x2800, s6  }
0xf: {  	s13 =	sadd.s32 $0x5000, s6;
	s14 =	sadd.s32 $0x7800, s6;
	s15 =	sadd.s32 $0xA000, s6  }
0x10: {  	v0 =	vimm.f32 $0.0e+00;
	v1 =	vimm.f32 $1.000000000e+00;
	s16 =	sadd.s32 $0xC800, s6;
	s17 =	sadd.s32 $0xF000, s6;
	s18 =	sadd.s32 $0x11800, s6  }
.LBB2_1:
0x11: {  	s24 =	simm.s32 $0x70;
	s25 =	simm.s32 $0x3C0  }
.LBB2_2:
0x12: {  	p0 =	sne.s32 s25, $0x9FC0;
	[tilespmem:s24+$0x2000] =	vst v0  }
0x13: {  	[tilespmem:s24+$0x1F90] =	vst v0  }
0x14: {  	[tilespmem:s24+$0x1FA0] =	vst v0  }
.Ltmp0:
0x15: {  	[tilespmem:s24+$0x1FB0] =	vst v0;
	(pc) =	sbr.rel @p0 .LBB2_2-.Ltmp0, $4  }
0x16: {  	[tilespmem:s24+$0x1FC0] =	vst v0  }
0x17: {  	[tilespmem:s24+$0x1FD0] =	vst v0  }
0x18: {  	[tilespmem:s24+$0x1FE0] =	vst v0  }
0x19: {  	[tilespmem:s24+$0x1FF0] =	vst v0;
	s24 =	sshra.s32 s25, $0x2;
	s25 =	sadd.s32 $0x200, s25  }
0x1a: {  	[tilespmem:s24+$0x2000] =	vst v0  }
0x1b: {  	[tilespmem:s24+$0x1F90] =	vst v0  }
0x1c: {  	[tilespmem:s24+$0x1FA0] =	vst v0  }
0x1d: {  	[tilespmem:s24+$0x1FB0] =	vst v0  }
0x1e: {  	[tilespmem:s24+$0x1FC0] =	vst v0  }
0x1f: {  	[tilespmem:s24+$0x1FD0] =	vst v0  }
0x20: {  	[tilespmem:s24+$0x1FE0] =	vst v0  }
0x21: {  	[tilespmem:s24+$0x1FF0] =	vst v0;
	s24 =	simm.s32 $0x70;
	s25 =	simm.s32 $0x3C0  }
.LBB2_4:
0x22: {  	p0 =	sne.s32 s25, $0x9FC0;
	[tilespmem:s24+$0x4800] =	vst v1  }
0x23: {  	[tilespmem:s24+$0x4790] =	vst v1  }
0x24: {  	[tilespmem:s24+$0x47A0] =	vst v1  }
.Ltmp1:
0x25: {  	[tilespmem:s24+$0x47B0] =	vst v1;
	(pc) =	sbr.rel @p0 .LBB2_4-.Ltmp1, $4  }
0x26: {  	[tilespmem:s24+$0x47C0] =	vst v1  }
0x27: {  	[tilespmem:s24+$0x47D0] =	vst v1  }
0x28: {  	[tilespmem:s24+$0x47E0] =	vst v1  }
0x29: {  	[tilespmem:s24+$0x47F0] =	vst v1;
	s24 =	sshra.s32 s25, $0x2;
	s25 =	sadd.s32 $0x200, s25  }
0x2a: {  	[tilespmem:s24+$0x4800] =	vst v1  }
0x2b: {  	[tilespmem:s24+$0x4790] =	vst v1  }
0x2c: {  	[tilespmem:s24+$0x47A0] =	vst v1  }
0x2d: {  	[tilespmem:s24+$0x47B0] =	vst v1  }
0x2e: {  	[tilespmem:s24+$0x47C0] =	vst v1  }
0x2f: {  	[tilespmem:s24+$0x47D0] =	vst v1  }
0x30: {  	[tilespmem:s24+$0x47E0] =	vst v1  }
0x31: {  	[tilespmem:s24+$0x47F0] =	vst v1  }
0x32: {  	[spmem:s6] =	stream.linear.scatter [tilespmem:s19], [sflag:$0x2], $0x2800, $0x38;
	[tilespmem:$0x1B000] =	vst v63  }
0x33: {  	_ =	swait.ge [sflag:s20], $0x2800  }
0x34: {  	[sflag:s20] =	ssyncset.done $0x0  }
0x35: {  	[sflag:s20] =	ssyncadd.s32 $0xFFFFD800  }
0x36: {  	[spmem:s12] =	stream.linear.scatter [tilespmem:s19], [sflag:$0x2], $0x2800, $0x38;
	[tilespmem:$0x1B000] =	vst v63  }
0x37: {  	_ =	swait.ge [sflag:s20], $0x2800  }
0x38: {  	[sflag:s20] =	ssyncset.done $0x0  }
0x39: {  	[sflag:s20] =	ssyncadd.s32 $0xFFFFD800  }
0x3a: {  	[spmem:s13] =	stream.linear.scatter [tilespmem:s19], [sflag:$0x2], $0x2800, $0x38;
	[tilespmem:$0x1B000] =	vst v63  }
0x3b: {  	_ =	swait.ge [sflag:s20], $0x2800  }
0x3c: {  	[sflag:s20] =	ssyncset.done $0x0  }
0x3d: {  	[sflag:s20] =	ssyncadd.s32 $0xFFFFD800  }
0x3e: {  	[spmem:s14] =	stream.linear.scatter [tilespmem:s19], [sflag:$0x2], $0x2800, $0x38;
	[tilespmem:$0x1B000] =	vst v63  }
0x3f: {  	_ =	swait.ge [sflag:s20], $0x2800  }
0x40: {  	[sflag:s20] =	ssyncset.done $0x0  }
0x41: {  	[sflag:s20] =	ssyncadd.s32 $0xFFFFD800  }
0x42: {  	[spmem:s15] =	stream.linear.scatter [tilespmem:s19], [sflag:$0x2], $0x2800, $0x38;
	[tilespmem:$0x1B000] =	vst v63  }
0x43: {  	_ =	swait.ge [sflag:s20], $0x2800  }
0x44: {  	[sflag:s20] =	ssyncset.done $0x0  }
0x45: {  	[sflag:s20] =	ssyncadd.s32 $0xFFFFD800  }
0x46: {  	[spmem:s16] =	stream.linear.scatter [tilespmem:s19], [sflag:$0x2], $0x2800, $0x38;
	[tilespmem:$0x1B000] =	vst v63  }
0x47: {  	_ =	swait.ge [sflag:s20], $0x2800  }
0x48: {  	[sflag:s20] =	ssyncset.done $0x0  }
0x49: {  	[sflag:s20] =	ssyncadd.s32 $0xFFFFD800  }
0x4a: {  	[spmem:s17] =	stream.linear.scatter [tilespmem:s19], [sflag:$0x2], $0x2800, $0x38;
	[tilespmem:$0x1B000] =	vst v63  }
0x4b: {  	_ =	swait.ge [sflag:s20], $0x2800  }
0x4c: {  	[sflag:s20] =	ssyncset.done $0x0  }
0x4d: {  	[sflag:s20] =	ssyncadd.s32 $0xFFFFD800  }
0x4e: {  	[spmem:s18] =	stream.linear.scatter [tilespmem:s19], [sflag:$0x2], $0x2800, $0x38;
	[tilespmem:$0x1B000] =	vst v63  }
0x4f: {  	_ =	swait.ge [sflag:s20], $0x2800  }
0x50: {  	[sflag:s20] =	ssyncset.done $0x0  }
0x51: {  	s29 =	simm.s32 $0x0;
	[sflag:s20] =	ssyncadd.s32 $0xFFFFD800  }
0x52: {  	[tilespmem:s29], [sflag:$0x2] =	stream.linear.gather [hbm4b:s4+s29], $0x2000, $0x38;
	[tilespmem:$0x1B000] =	vst v63  }
0x53: {  	_ =	swait.ge [sflag:s20], $0x2000  }
0x54: {  	[sflag:s20] =	ssyncset.done $0x0  }
0x55: {  	[sflag:s20] =	ssyncadd.s32 $0xFFFFE000  }
0x56: {  	s30 =	simm.s32 $0x0;
	[bflag:$0x0] =	sbarrier.arrive $0xFFFF  }
0x57: {  	[spmem:s1] =	stream.indirect.scatter.add.f32 [tilespmem:s22], [sflag:$0x1], $0x80, s30, s21, $0xb8;
	[tilespmem:$0x1B000] =	vst v63  }
0x58: {  	s31 =	simm.s32 $0x80  }
0x59: {  	[spmem:s1] =	stream.indirect.scatter.add.f32 [tilespmem:s22], [sflag:$0x1], $0x80, s31, s21, $0xb8;
	[tilespmem:$0x1B000] =	vst v63  }
0x5a: {  	s25 =	simm.s32 $0x100  }
0x5b: {  	[spmem:s1] =	stream.indirect.scatter.add.f32 [tilespmem:s22], [sflag:$0x1], $0x80, s25, s21, $0xb8;
	[tilespmem:$0x1B000] =	vst v63  }
0x5c: {  	s26 =	simm.s32 $0x180  }
0x5d: {  	[spmem:s1] =	stream.indirect.scatter.add.f32 [tilespmem:s22], [sflag:$0x1], $0x80, s26, s21, $0xb8;
	[tilespmem:$0x1B000] =	vst v63  }
0x5e: {  	s28 =	simm.s32 $0x200  }
0x5f: {  	[spmem:s1] =	stream.indirect.scatter.add.f32 [tilespmem:s22], [sflag:$0x1], $0x80, s28, s21, $0xb8;
	[tilespmem:$0x1B000] =	vst v63  }
0x60: {  	s29 =	simm.s32 $0x280  }
0x61: {  	[spmem:s1] =	stream.indirect.scatter.add.f32 [tilespmem:s22], [sflag:$0x1], $0x80, s29, s21, $0xb8;
	[tilespmem:$0x1B000] =	vst v63  }
0x62: {  	s30 =	simm.s32 $0x300  }
0x63: {  	[spmem:s1] =	stream.indirect.scatter.add.f32 [tilespmem:s22], [sflag:$0x1], $0x80, s30, s21, $0xb8;
	[tilespmem:$0x1B000] =	vst v63  }
0x64: {  	s31 =	simm.s32 $0x380  }
0x65: {  	[spmem:s1] =	stream.indirect.scatter.add.f32 [tilespmem:s22], [sflag:$0x1], $0x80, s31, s21, $0xb8;
	[tilespmem:$0x1B000] =	vst v63  }
0x66: {  	_ =	swait.ge [sflag:s23], $0x2800  }
0x67: {  	[sflag:s23] =	ssyncset.done $0x0  }
0x68: {  	[sflag:s23] =	ssyncadd.s32 $0xFFFFD800  }
0x69: {  	_ =	swait.ge [sflag:s23], $0x2800  }
0x6a: {  	[sflag:s23] =	ssyncset.done $0x0  }
0x6b: {  	[sflag:s23] =	ssyncadd.s32 $0xFFFFD800  }
0x6c: {  	_ =	swait.ge [sflag:s23], $0x2800  }
0x6d: {  	[sflag:s23] =	ssyncset.done $0x0  }
0x6e: {  	[sflag:s23] =	ssyncadd.s32 $0xFFFFD800  }
0x6f: {  	_ =	swait.ge [sflag:s23], $0x2800  }
0x70: {  	[sflag:s23] =	ssyncset.done $0x0  }
0x71: {  	[sflag:s23] =	ssyncadd.s32 $0xFFFFD800  }
0x72: {  	_ =	swait.ge [sflag:s23], $0x2800  }
0x73: {  	[sflag:s23] =	ssyncset.done $0x0  }
0x74: {  	[sflag:s23] =	ssyncadd.s32 $0xFFFFD800  }
0x75: {  	_ =	swait.ge [sflag:s23], $0x2800  }
0x76: {  	[sflag:s23] =	ssyncset.done $0x0  }
0x77: {  	[sflag:s23] =	ssyncadd.s32 $0xFFFFD800  }
0x78: {  	_ =	swait.ge [sflag:s23], $0x2800  }
0x79: {  	[sflag:s23] =	ssyncset.done $0x0  }
0x7a: {  	[sflag:s23] =	ssyncadd.s32 $0xFFFFD800  }
0x7b: {  	_ =	swait.ge [sflag:s23], $0x2800  }
0x7c: {  	s24 =	simm.s32 $0x1000;
	s26 =	simm.s32 $0x2000;
	[sflag:s23] =	ssyncset.done $0x0  }
.LBB2_6:
0x7d: {  	s28 =	sshra.s32 s24, $0x2  }
0x7e: {  	[sflag:s23] =	ssyncadd.s32 $0xFFFFD800;
	s24 =	smov.u32 s26;
	s25 =	sadd.s32 $0x1000, s26  }
0x7f: {  	[spmem:s1] =	stream.indirect.scatter.add.f32 [tilespmem:s22], [sflag:$0x1], $0x80, s28, s21, $0xb8;
	[tilespmem:$0x1B000] =	vst v63  }
0x80: {  	p0 =	sne.s32 s26, $0x7000;
	s26 =	sadd.s32 $0x80, s28  }
0x81: {  	[spmem:s1] =	stream.indirect.scatter.add.f32 [tilespmem:s22], [sflag:$0x1], $0x80, s26, s21, $0xb8;
	[tilespmem:$0x1B000] =	vst v63  }
0x82: {  	s26 =	sadd.s32 $0x100, s28  }
0x83: {  	[spmem:s1] =	stream.indirect.scatter.add.f32 [tilespmem:s22], [sflag:$0x1], $0x80, s26, s21, $0xb8;
	[tilespmem:$0x1B000] =	vst v63  }
0x84: {  	s26 =	sadd.s32 $0x180, s28  }
0x85: {  	[spmem:s1] =	stream.indirect.scatter.add.f32 [tilespmem:s22], [sflag:$0x1], $0x80, s26, s21, $0xb8;
	[tilespmem:$0x1B000] =	vst v63  }
0x86: {  	s26 =	sadd.s32 $0x200, s28  }
0x87: {  	[spmem:s1] =	stream.indirect.scatter.add.f32 [tilespmem:s22], [sflag:$0x1], $0x80, s26, s21, $0xb8;
	[tilespmem:$0x1B000] =	vst v63  }
0x88: {  	s26 =	sadd.s32 $0x280, s28  }
0x89: {  	[spmem:s1] =	stream.indirect.scatter.add.f32 [tilespmem:s22], [sflag:$0x1], $0x80, s26, s21, $0xb8;
	[tilespmem:$0x1B000] =	vst v63  }
0x8a: {  	s26 =	sadd.s32 $0x300, s28  }
0x8b: {  	[spmem:s1] =	stream.indirect.scatter.add.f32 [tilespmem:s22], [sflag:$0x1], $0x80, s26, s21, $0xb8;
	[tilespmem:$0x1B000] =	vst v63  }
0x8c: {  	s26 =	sadd.s32 $0x380, s28  }
0x8d: {  	[spmem:s1] =	stream.indirect.scatter.add.f32 [tilespmem:s22], [sflag:$0x1], $0x80, s26, s21, $0xb8;
	[tilespmem:$0x1B000] =	vst v63  }
0x8e: {  	_ =	swait.ge [sflag:s23], $0x2800  }
0x8f: {  	[sflag:s23] =	ssyncset.done $0x0  }
0x90: {  	[sflag:s23] =	ssyncadd.s32 $0xFFFFD800  }
0x91: {  	_ =	swait.ge [sflag:s23], $0x2800  }
0x92: {  	[sflag:s23] =	ssyncset.done $0x0  }
0x93: {  	[sflag:s23] =	ssyncadd.s32 $0xFFFFD800  }
0x94: {  	_ =	swait.ge [sflag:s23], $0x2800  }
0x95: {  	[sflag:s23] =	ssyncset.done $0x0  }
0x96: {  	[sflag:s23] =	ssyncadd.s32 $0xFFFFD800  }
0x97: {  	_ =	swait.ge [sflag:s23], $0x2800  }
0x98: {  	[sflag:s23] =	ssyncset.done $0x0  }
0x99: {  	[sflag:s23] =	ssyncadd.s32 $0xFFFFD800  }
0x9a: {  	_ =	swait.ge [sflag:s23], $0x2800  }
0x9b: {  	[sflag:s23] =	ssyncset.done $0x0  }
0x9c: {  	[sflag:s23] =	ssyncadd.s32 $0xFFFFD800  }
0x9d: {  	_ =	swait.ge [sflag:s23], $0x2800  }
0x9e: {  	[sflag:s23] =	ssyncset.done $0x0  }
0x9f: {  	[sflag:s23] =	ssyncadd.s32 $0xFFFFD800  }
.Ltmp2:
0xa0: {  	_ =	swait.ge [sflag:s23], $0x2800;
	(pc) =	sbr.rel @p0 .LBB2_6-.Ltmp2, $4  }
0xa1: {  	[sflag:s23] =	ssyncset.done $0x0  }
0xa2: {  	[sflag:s23] =	ssyncadd.s32 $0xFFFFD800  }
0xa3: {  	_ =	swait.ge [sflag:s23], $0x2800  }
0xa4: {  	s26 =	smov.u32 s25;
	[sflag:s23] =	ssyncset.done $0x0  }
0xa5: {  	s24 =	sshra.s32 s24, $0x2;
	[sflag:s23] =	ssyncadd.s32 $0xFFFFD800  }
0xa6: {  	[spmem:s1] =	stream.indirect.scatter.add.f32 [tilespmem:s22], [sflag:$0x1], $0x80, s24, s21, $0xb8;
	[tilespmem:$0x1B000] =	vst v63  }
0xa7: {  	s25 =	sadd.s32 $0x80, s24  }
0xa8: {  	[spmem:s1] =	stream.indirect.scatter.add.f32 [tilespmem:s22], [sflag:$0x1], $0x80, s25, s21, $0xb8;
	[tilespmem:$0x1B000] =	vst v63  }
0xa9: {  	s26 =	sadd.s32 $0x100, s24  }
0xaa: {  	[spmem:s1] =	stream.indirect.scatter.add.f32 [tilespmem:s22], [sflag:$0x1], $0x80, s26, s21, $0xb8;
	[tilespmem:$0x1B000] =	vst v63  }
0xab: {  	s28 =	sadd.s32 $0x180, s24  }
0xac: {  	[spmem:s1] =	stream.indirect.scatter.add.f32 [tilespmem:s22], [sflag:$0x1], $0x80, s28, s21, $0xb8;
	[tilespmem:$0x1B000] =	vst v63  }
0xad: {  	s30 =	sadd.s32 $0x200, s24  }
0xae: {  	[spmem:s1] =	stream.indirect.scatter.add.f32 [tilespmem:s22], [sflag:$0x1], $0x80, s30, s21, $0xb8;
	[tilespmem:$0x1B000] =	vst v63  }
0xaf: {  	s31 =	sadd.s32 $0x280, s24  }
0xb0: {  	[spmem:s1] =	stream.indirect.scatter.add.f32 [tilespmem:s22], [sflag:$0x1], $0x80, s31, s21, $0xb8;
	[tilespmem:$0x1B000] =	vst v63  }
0xb1: {  	s26 =	sadd.s32 $0x300, s24  }
0xb2: {  	[spmem:s1] =	stream.indirect.scatter.add.f32 [tilespmem:s22], [sflag:$0x1], $0x80, s26, s21, $0xb8;
	[tilespmem:$0x1B000] =	vst v63  }
0xb3: {  	s24 =	sadd.s32 $0x380, s24  }
0xb4: {  	[spmem:s1] =	stream.indirect.scatter.add.f32 [tilespmem:s22], [sflag:$0x1], $0x80, s24, s21, $0xb8;
	[tilespmem:$0x1B000] =	vst v63  }
0xb5: {  	_ =	swait.ge [sflag:s23], $0x2800  }
0xb6: {  	[sflag:s23] =	ssyncset.done $0x0  }
0xb7: {  	[sflag:s23] =	ssyncadd.s32 $0xFFFFD800  }
0xb8: {  	_ =	swait.ge [sflag:s23], $0x2800  }
0xb9: {  	[sflag:s23] =	ssyncset.done $0x0  }
0xba: {  	[sflag:s23] =	ssyncadd.s32 $0xFFFFD800  }
0xbb: {  	_ =	swait.ge [sflag:s23], $0x2800  }
0xbc: {  	[sflag:s23] =	ssyncset.done $0x0  }
0xbd: {  	[sflag:s23] =	ssyncadd.s32 $0xFFFFD800  }
0xbe: {  	_ =	swait.ge [sflag:s23], $0x2800  }
0xbf: {  	[sflag:s23] =	ssyncset.done $0x0  }
0xc0: {  	[sflag:s23] =	ssyncadd.s32 $0xFFFFD800  }
0xc1: {  	_ =	swait.ge [sflag:s23], $0x2800  }
0xc2: {  	[sflag:s23] =	ssyncset.done $0x0  }
0xc3: {  	[sflag:s23] =	ssyncadd.s32 $0xFFFFD800  }
0xc4: {  	_ =	swait.ge [sflag:s23], $0x2800  }
0xc5: {  	[sflag:s23] =	ssyncset.done $0x0  }
0xc6: {  	[sflag:s23] =	ssyncadd.s32 $0xFFFFD800  }
0xc7: {  	_ =	swait.ge [sflag:s23], $0x2800  }
0xc8: {  	[sflag:s23] =	ssyncset.done $0x0  }
0xc9: {  	[sflag:s23] =	ssyncadd.s32 $0xFFFFD800  }
0xca: {  	_ =	swait.ge [sflag:s23], $0x2800  }
0xcb: {  	[sflag:s23] =	ssyncset.done $0x0  }
0xcc: {  	s28 =	sshll.u32 s2, $0x6;
	[sflag:s23] =	ssyncadd.s32 $0xFFFFD800  }
0xcd: {  	s25 =	sshrl.u32 s6, $0x3;
	s24 =	sor.u32 $0x1C02, s28;
	[bflag:$0x0] =	sbarrier.arrive $0xFFFF  }
0xce: {  	[hbm:s5], [sflag:s24] =	dma.local [spmem:s25], $0x2800  }
0xcf: {  	_ =	swait.ge [sflag:s20], $0x2800  }
0xd0: {  	[sflag:s20] =	ssyncset.done $0x0  }
0xd1: {  	[sflag:s20] =	ssyncadd.s32 $0xFFFFD800  }
0xd2: {  	[spmem:s6] =	stream.linear.scatter [tilespmem:s19], [sflag:$0x2], $0x2800, $0x38;
	[tilespmem:$0x1B000] =	vst v63  }
0xd3: {  	_ =	swait.ge [sflag:s20], $0x2800  }
0xd4: {  	[sflag:s20] =	ssyncset.done $0x0  }
0xd5: {  	[sflag:s20] =	ssyncadd.s32 $0xFFFFD800  }
0xd6: {  	[spmem:s12] =	stream.linear.scatter [tilespmem:s19], [sflag:$0x2], $0x2800, $0x38;
	[tilespmem:$0x1B000] =	vst v63  }
0xd7: {  	_ =	swait.ge [sflag:s20], $0x2800  }
0xd8: {  	[sflag:s20] =	ssyncset.done $0x0  }
0xd9: {  	[sflag:s20] =	ssyncadd.s32 $0xFFFFD800  }
0xda: {  	[spmem:s13] =	stream.linear.scatter [tilespmem:s19], [sflag:$0x2], $0x2800, $0x38;
	[tilespmem:$0x1B000] =	vst v63  }
0xdb: {  	_ =	swait.ge [sflag:s20], $0x2800  }
0xdc: {  	[sflag:s20] =	ssyncset.done $0x0  }
0xdd: {  	[sflag:s20] =	ssyncadd.s32 $0xFFFFD800  }
0xde: {  	[spmem:s14] =	stream.linear.scatter [tilespmem:s19], [sflag:$0x2], $0x2800, $0x38;
	[tilespmem:$0x1B000] =	vst v63  }
0xdf: {  	_ =	swait.ge [sflag:s20], $0x2800  }
0xe0: {  	[sflag:s20] =	ssyncset.done $0x0  }
0xe1: {  	[sflag:s20] =	ssyncadd.s32 $0xFFFFD800  }
0xe2: {  	[spmem:s15] =	stream.linear.scatter [tilespmem:s19], [sflag:$0x2], $0x2800, $0x38;
	[tilespmem:$0x1B000] =	vst v63  }
0xe3: {  	_ =	swait.ge [sflag:s20], $0x2800  }
0xe4: {  	[sflag:s20] =	ssyncset.done $0x0  }
0xe5: {  	[sflag:s20] =	ssyncadd.s32 $0xFFFFD800  }
0xe6: {  	[spmem:s16] =	stream.linear.scatter [tilespmem:s19], [sflag:$0x2], $0x2800, $0x38;
	[tilespmem:$0x1B000] =	vst v63  }
0xe7: {  	_ =	swait.ge [sflag:s20], $0x2800  }
0xe8: {  	[sflag:s20] =	ssyncset.done $0x0  }
0xe9: {  	[sflag:s20] =	ssyncadd.s32 $0xFFFFD800  }
0xea: {  	[spmem:s17] =	stream.linear.scatter [tilespmem:s19], [sflag:$0x2], $0x2800, $0x38;
	[tilespmem:$0x1B000] =	vst v63  }
0xeb: {  	_ =	swait.ge [sflag:s20], $0x2800  }
0xec: {  	[sflag:s20] =	ssyncset.done $0x0  }
0xed: {  	[sflag:s20] =	ssyncadd.s32 $0xFFFFD800  }
0xee: {  	[spmem:s18] =	stream.linear.scatter [tilespmem:s19], [sflag:$0x2], $0x2800, $0x38;
	[tilespmem:$0x1B000] =	vst v63  }
0xef: {  	_ =	swait.ge [sflag:s20], $0x2800  }
0xf0: {  	[sflag:s20] =	ssyncset.done $0x0  }
0xf1: {  	s26 =	simm.s32 $0x0;
	[sflag:s20] =	ssyncadd.s32 $0xFFFFD800  }
0xf2: {  	[tilespmem:s26], [sflag:$0x2] =	stream.linear.gather [hbm4b:s7+s26], $0x2000, $0x38;
	[tilespmem:$0x1B000] =	vst v63  }
0xf3: {  	_ =	swait.ge [sflag:s20], $0x2000  }
0xf4: {  	[sflag:s20] =	ssyncset.done $0x0  }
0xf5: {  	[sflag:s20] =	ssyncadd.s32 $0xFFFFE000  }
0xf6: {  	s30 =	simm.s32 $0x0;
	[bflag:$0x0] =	sbarrier.arrive $0xFFFF  }
0xf7: {  	[spmem:s1] =	stream.indirect.scatter.add.f32 [tilespmem:s22], [sflag:$0x1], $0x80, s30, s21, $0xb8;
	[tilespmem:$0x1B000] =	vst v63  }
0xf8: {  	s31 =	simm.s32 $0x80  }
0xf9: {  	[spmem:s1] =	stream.indirect.scatter.add.f32 [tilespmem:s22], [sflag:$0x1], $0x80, s31, s21, $0xb8;
	[tilespmem:$0x1B000] =	vst v63  }
0xfa: {  	s28 =	simm.s32 $0x100  }
0xfb: {  	[spmem:s1] =	stream.indirect.scatter.add.f32 [tilespmem:s22], [sflag:$0x1], $0x80, s28, s21, $0xb8;
	[tilespmem:$0x1B000] =	vst v63  }
0xfc: {  	s30 =	simm.s32 $0x180  }
0xfd: {  	[spmem:s1] =	stream.indirect.scatter.add.f32 [tilespmem:s22], [sflag:$0x1], $0x80, s30, s21, $0xb8;
	[tilespmem:$0x1B000] =	vst v63  }
0xfe: {  	s31 =	simm.s32 $0x200  }
0xff: {  	[spmem:s1] =	stream.indirect.scatter.add.f32 [tilespmem:s22], [sflag:$0x1], $0x80, s31, s21, $0xb8;
	[tilespmem:$0x1B000] =	vst v63  }
0x100: {  	s28 =	simm.s32 $0x280  }
0x101: {  	[spmem:s1] =	stream.indirect.scatter.add.f32 [tilespmem:s22], [sflag:$0x1], $0x80, s28, s21, $0xb8;
	[tilespmem:$0x1B000] =	vst v63  }
0x102: {  	s30 =	simm.s32 $0x300  }
0x103: {  	[spmem:s1] =	stream.indirect.scatter.add.f32 [tilespmem:s22], [sflag:$0x1], $0x80, s30, s21, $0xb8;
	[tilespmem:$0x1B000] =	vst v63  }
0x104: {  	s31 =	simm.s32 $0x380  }
0x105: {  	[spmem:s1] =	stream.indirect.scatter.add.f32 [tilespmem:s22], [sflag:$0x1], $0x80, s31, s21, $0xb8;
	[tilespmem:$0x1B000] =	vst v63  }
0x106: {  	_ =	swait.ge [sflag:s23], $0x2800  }
0x107: {  	[sflag:s23] =	ssyncset.done $0x0  }
0x108: {  	[sflag:s23] =	ssyncadd.s32 $0xFFFFD800  }
0x109: {  	_ =	swait.ge [sflag:s23], $0x2800  }
0x10a: {  	[sflag:s23] =	ssyncset.done $0x0  }
0x10b: {  	[sflag:s23] =	ssyncadd.s32 $0xFFFFD800  }
0x10c: {  	_ =	swait.ge [sflag:s23], $0x2800  }
0x10d: {  	[sflag:s23] =	ssyncset.done $0x0  }
0x10e: {  	[sflag:s23] =	ssyncadd.s32 $0xFFFFD800  }
0x10f: {  	_ =	swait.ge [sflag:s23], $0x2800  }
0x110: {  	[sflag:s23] =	ssyncset.done $0x0  }
0x111: {  	[sflag:s23] =	ssyncadd.s32 $0xFFFFD800  }
0x112: {  	_ =	swait.ge [sflag:s23], $0x2800  }
0x113: {  	[sflag:s23] =	ssyncset.done $0x0  }
0x114: {  	[sflag:s23] =	ssyncadd.s32 $0xFFFFD800  }
0x115: {  	_ =	swait.ge [sflag:s23], $0x2800  }
0x116: {  	[sflag:s23] =	ssyncset.done $0x0  }
0x117: {  	[sflag:s23] =	ssyncadd.s32 $0xFFFFD800  }
0x118: {  	_ =	swait.ge [sflag:s23], $0x2800  }
0x119: {  	[sflag:s23] =	ssyncset.done $0x0  }
0x11a: {  	[sflag:s23] =	ssyncadd.s32 $0xFFFFD800  }
0x11b: {  	_ =	swait.ge [sflag:s23], $0x2800  }
0x11c: {  	s29 =	simm.s32 $0x2000;
	s26 =	simm.s32 $0x1000;
	[sflag:s23] =	ssyncset.done $0x0  }
.LBB2_8:
0x11d: {  	s30 =	sshra.s32 s26, $0x2  }
0x11e: {  	[sflag:s23] =	ssyncadd.s32 $0xFFFFD800;
	s26 =	smov.u32 s29;
	s28 =	sadd.s32 $0x1000, s29  }
0x11f: {  	[spmem:s1] =	stream.indirect.scatter.add.f32 [tilespmem:s22], [sflag:$0x1], $0x80, s30, s21, $0xb8;
	[tilespmem:$0x1B000] =	vst v63  }
0x120: {  	p0 =	sne.s32 s29, $0x7000;
	s29 =	sadd.s32 $0x80, s30  }
0x121: {  	[spmem:s1] =	stream.indirect.scatter.add.f32 [tilespmem:s22], [sflag:$0x1], $0x80, s29, s21, $0xb8;
	[tilespmem:$0x1B000] =	vst v63  }
0x122: {  	s29 =	sadd.s32 $0x100, s30  }
0x123: {  	[spmem:s1] =	stream.indirect.scatter.add.f32 [tilespmem:s22], [sflag:$0x1], $0x80, s29, s21, $0xb8;
	[tilespmem:$0x1B000] =	vst v63  }
0x124: {  	s29 =	sadd.s32 $0x180, s30  }
0x125: {  	[spmem:s1] =	stream.indirect.scatter.add.f32 [tilespmem:s22], [sflag:$0x1], $0x80, s29, s21, $0xb8;
	[tilespmem:$0x1B000] =	vst v63  }
0x126: {  	s29 =	sadd.s32 $0x200, s30  }
0x127: {  	[spmem:s1] =	stream.indirect.scatter.add.f32 [tilespmem:s22], [sflag:$0x1], $0x80, s29, s21, $0xb8;
	[tilespmem:$0x1B000] =	vst v63  }
0x128: {  	s29 =	sadd.s32 $0x280, s30  }
0x129: {  	[spmem:s1] =	stream.indirect.scatter.add.f32 [tilespmem:s22], [sflag:$0x1], $0x80, s29, s21, $0xb8;
	[tilespmem:$0x1B000] =	vst v63  }
0x12a: {  	s29 =	sadd.s32 $0x300, s30  }
0x12b: {  	[spmem:s1] =	stream.indirect.scatter.add.f32 [tilespmem:s22], [sflag:$0x1], $0x80, s29, s21, $0xb8;
	[tilespmem:$0x1B000] =	vst v63  }
0x12c: {  	s29 =	sadd.s32 $0x380, s30  }
0x12d: {  	[spmem:s1] =	stream.indirect.scatter.add.f32 [tilespmem:s22], [sflag:$0x1], $0x80, s29, s21, $0xb8;
	[tilespmem:$0x1B000] =	vst v63  }
0x12e: {  	_ =	swait.ge [sflag:s23], $0x2800  }
0x12f: {  	[sflag:s23] =	ssyncset.done $0x0  }
0x130: {  	[sflag:s23] =	ssyncadd.s32 $0xFFFFD800  }
0x131: {  	_ =	swait.ge [sflag:s23], $0x2800  }
0x132: {  	[sflag:s23] =	ssyncset.done $0x0  }
0x133: {  	[sflag:s23] =	ssyncadd.s32 $0xFFFFD800  }
0x134: {  	_ =	swait.ge [sflag:s23], $0x2800  }
0x135: {  	[sflag:s23] =	ssyncset.done $0x0  }
0x136: {  	[sflag:s23] =	ssyncadd.s32 $0xFFFFD800  }
0x137: {  	_ =	swait.ge [sflag:s23], $0x2800  }
0x138: {  	[sflag:s23] =	ssyncset.done $0x0  }
0x139: {  	[sflag:s23] =	ssyncadd.s32 $0xFFFFD800  }
0x13a: {  	_ =	swait.ge [sflag:s23], $0x2800  }
0x13b: {  	[sflag:s23] =	ssyncset.done $0x0  }
0x13c: {  	[sflag:s23] =	ssyncadd.s32 $0xFFFFD800  }
0x13d: {  	_ =	swait.ge [sflag:s23], $0x2800  }
0x13e: {  	[sflag:s23] =	ssyncset.done $0x0  }
0x13f: {  	[sflag:s23] =	ssyncadd.s32 $0xFFFFD800  }
.Ltmp3:
0x140: {  	_ =	swait.ge [sflag:s23], $0x2800;
	(pc) =	sbr.rel @p0 .LBB2_8-.Ltmp3, $4  }
0x141: {  	[sflag:s23] =	ssyncset.done $0x0  }
0x142: {  	[sflag:s23] =	ssyncadd.s32 $0xFFFFD800  }
0x143: {  	_ =	swait.ge [sflag:s23], $0x2800  }
0x144: {  	s29 =	smov.u32 s28;
	[sflag:s23] =	ssyncset.done $0x0  }
0x145: {  	s26 =	sshra.s32 s26, $0x2;
	[sflag:s23] =	ssyncadd.s32 $0xFFFFD800  }
0x146: {  	[spmem:s1] =	stream.indirect.scatter.add.f32 [tilespmem:s22], [sflag:$0x1], $0x80, s26, s21, $0xb8;
	[tilespmem:$0x1B000] =	vst v63  }
0x147: {  	s28 =	sadd.s32 $0x80, s26  }
0x148: {  	[spmem:s1] =	stream.indirect.scatter.add.f32 [tilespmem:s22], [sflag:$0x1], $0x80, s28, s21, $0xb8;
	[tilespmem:$0x1B000] =	vst v63  }
0x149: {  	s31 =	sadd.s32 $0x100, s26  }
0x14a: {  	[spmem:s1] =	stream.indirect.scatter.add.f32 [tilespmem:s22], [sflag:$0x1], $0x80, s31, s21, $0xb8;
	[tilespmem:$0x1B000] =	vst v63  }
0x14b: {  	s30 =	sadd.s32 $0x180, s26  }
0x14c: {  	[spmem:s1] =	stream.indirect.scatter.add.f32 [tilespmem:s22], [sflag:$0x1], $0x80, s30, s21, $0xb8;
	[tilespmem:$0x1B000] =	vst v63  }
0x14d: {  	s31 =	sadd.s32 $0x200, s26  }
0x14e: {  	[spmem:s1] =	stream.indirect.scatter.add.f32 [tilespmem:s22], [sflag:$0x1], $0x80, s31, s21, $0xb8;
	[tilespmem:$0x1B000] =	vst v63  }
0x14f: {  	s30 =	sadd.s32 $0x280, s26  }
0x150: {  	[spmem:s1] =	stream.indirect.scatter.add.f32 [tilespmem:s22], [sflag:$0x1], $0x80, s30, s21, $0xb8;
	[tilespmem:$0x1B000] =	vst v63  }
0x151: {  	s31 =	sadd.s32 $0x300, s26  }
0x152: {  	[spmem:s1] =	stream.indirect.scatter.add.f32 [tilespmem:s22], [sflag:$0x1], $0x80, s31, s21, $0xb8;
	[tilespmem:$0x1B000] =	vst v63  }
0x153: {  	s26 =	sadd.s32 $0x380, s26  }
0x154: {  	[spmem:s1] =	stream.indirect.scatter.add.f32 [tilespmem:s22], [sflag:$0x1], $0x80, s26, s21, $0xb8;
	[tilespmem:$0x1B000] =	vst v63  }
0x155: {  	_ =	swait.ge [sflag:s23], $0x2800  }
0x156: {  	[sflag:s23] =	ssyncset.done $0x0  }
0x157: {  	[sflag:s23] =	ssyncadd.s32 $0xFFFFD800  }
0x158: {  	_ =	swait.ge [sflag:s23], $0x2800  }
0x159: {  	[sflag:s23] =	ssyncset.done $0x0  }
0x15a: {  	[sflag:s23] =	ssyncadd.s32 $0xFFFFD800  }
0x15b: {  	_ =	swait.ge [sflag:s23], $0x2800  }
0x15c: {  	[sflag:s23] =	ssyncset.done $0x0  }
0x15d: {  	[sflag:s23] =	ssyncadd.s32 $0xFFFFD800  }
0x15e: {  	_ =	swait.ge [sflag:s23], $0x2800  }
0x15f: {  	[sflag:s23] =	ssyncset.done $0x0  }
0x160: {  	[sflag:s23] =	ssyncadd.s32 $0xFFFFD800  }
0x161: {  	_ =	swait.ge [sflag:s23], $0x2800  }
0x162: {  	[sflag:s23] =	ssyncset.done $0x0  }
0x163: {  	[sflag:s23] =	ssyncadd.s32 $0xFFFFD800  }
0x164: {  	_ =	swait.ge [sflag:s23], $0x2800  }
0x165: {  	[sflag:s23] =	ssyncset.done $0x0  }
0x166: {  	[sflag:s23] =	ssyncadd.s32 $0xFFFFD800  }
0x167: {  	_ =	swait.ge [sflag:s23], $0x2800  }
0x168: {  	[sflag:s23] =	ssyncset.done $0x0  }
0x169: {  	[sflag:s23] =	ssyncadd.s32 $0xFFFFD800  }
0x16a: {  	_ =	swait.ge [sflag:s23], $0x2800  }
0x16b: {  	[sflag:s23] =	ssyncset.done $0x0  }
0x16c: {  	[sflag:s23] =	ssyncadd.s32 $0xFFFFD800  }
0x16d: {  	[bflag:$0x0] =	sbarrier.arrive $0xFFFF  }
0x16e: {  	[hbm:s8], [sflag:s24] =	dma.local [spmem:s25], $0x2800  }
0x16f: {  	_ =	swait.ge [sflag:s20], $0x2800  }
0x170: {  	[sflag:s20] =	ssyncset.done $0x0  }
0x171: {  	[sflag:s20] =	ssyncadd.s32 $0xFFFFD800  }
0x172: {  	[spmem:s6] =	stream.linear.scatter [tilespmem:s19], [sflag:$0x2], $0x2800, $0x38;
	[tilespmem:$0x1B000] =	vst v63  }
0x173: {  	_ =	swait.ge [sflag:s20], $0x2800  }
0x174: {  	[sflag:s20] =	ssyncset.done $0x0  }
0x175: {  	[sflag:s20] =	ssyncadd.s32 $0xFFFFD800  }
0x176: {  	[spmem:s12] =	stream.linear.scatter [tilespmem:s19], [sflag:$0x2], $0x2800, $0x38;
	[tilespmem:$0x1B000] =	vst v63  }
0x177: {  	_ =	swait.ge [sflag:s20], $0x2800  }
0x178: {  	[sflag:s20] =	ssyncset.done $0x0  }
0x179: {  	[sflag:s20] =	ssyncadd.s32 $0xFFFFD800  }
0x17a: {  	[spmem:s13] =	stream.linear.scatter [tilespmem:s19], [sflag:$0x2], $0x2800, $0x38;
	[tilespmem:$0x1B000] =	vst v63  }
0x17b: {  	_ =	swait.ge [sflag:s20], $0x2800  }
0x17c: {  	[sflag:s20] =	ssyncset.done $0x0  }
0x17d: {  	[sflag:s20] =	ssyncadd.s32 $0xFFFFD800  }
0x17e: {  	[spmem:s14] =	stream.linear.scatter [tilespmem:s19], [sflag:$0x2], $0x2800, $0x38;
	[tilespmem:$0x1B000] =	vst v63  }
0x17f: {  	_ =	swait.ge [sflag:s20], $0x2800  }
0x180: {  	[sflag:s20] =	ssyncset.done $0x0  }
0x181: {  	[sflag:s20] =	ssyncadd.s32 $0xFFFFD800  }
0x182: {  	[spmem:s15] =	stream.linear.scatter [tilespmem:s19], [sflag:$0x2], $0x2800, $0x38;
	[tilespmem:$0x1B000] =	vst v63  }
0x183: {  	_ =	swait.ge [sflag:s20], $0x2800  }
0x184: {  	[sflag:s20] =	ssyncset.done $0x0  }
0x185: {  	[sflag:s20] =	ssyncadd.s32 $0xFFFFD800  }
0x186: {  	[spmem:s16] =	stream.linear.scatter [tilespmem:s19], [sflag:$0x2], $0x2800, $0x38;
	[tilespmem:$0x1B000] =	vst v63  }
0x187: {  	_ =	swait.ge [sflag:s20], $0x2800  }
0x188: {  	[sflag:s20] =	ssyncset.done $0x0  }
0x189: {  	[sflag:s20] =	ssyncadd.s32 $0xFFFFD800  }
0x18a: {  	[spmem:s17] =	stream.linear.scatter [tilespmem:s19], [sflag:$0x2], $0x2800, $0x38;
	[tilespmem:$0x1B000] =	vst v63  }
0x18b: {  	_ =	swait.ge [sflag:s20], $0x2800  }
0x18c: {  	[sflag:s20] =	ssyncset.done $0x0  }
0x18d: {  	[sflag:s20] =	ssyncadd.s32 $0xFFFFD800  }
0x18e: {  	[spmem:s18] =	stream.linear.scatter [tilespmem:s19], [sflag:$0x2], $0x2800, $0x38;
	[tilespmem:$0x1B000] =	vst v63  }
0x18f: {  	_ =	swait.ge [sflag:s20], $0x2800  }
0x190: {  	[sflag:s20] =	ssyncset.done $0x0  }
0x191: {  	s28 =	simm.s32 $0x0;
	[sflag:s20] =	ssyncadd.s32 $0xFFFFD800  }
0x192: {  	[tilespmem:s28], [sflag:$0x2] =	stream.linear.gather [hbm4b:s9+s28], $0x2000, $0x38;
	[tilespmem:$0x1B000] =	vst v63  }
0x193: {  	_ =	swait.ge [sflag:s20], $0x2000  }
0x194: {  	[sflag:s20] =	ssyncset.done $0x0  }
0x195: {  	[sflag:s20] =	ssyncadd.s32 $0xFFFFE000  }
0x196: {  	s30 =	simm.s32 $0x0;
	[bflag:$0x0] =	sbarrier.arrive $0xFFFF  }
0x197: {  	[spmem:s1] =	stream.indirect.scatter.add.f32 [tilespmem:s22], [sflag:$0x1], $0x80, s30, s21, $0xb8;
	[tilespmem:$0x1B000] =	vst v63  }
0x198: {  	s31 =	simm.s32 $0x80  }
0x199: {  	[spmem:s1] =	stream.indirect.scatter.add.f32 [tilespmem:s22], [sflag:$0x1], $0x80, s31, s21, $0xb8;
	[tilespmem:$0x1B000] =	vst v63  }
0x19a: {  	s28 =	simm.s32 $0x100  }
0x19b: {  	[spmem:s1] =	stream.indirect.scatter.add.f32 [tilespmem:s22], [sflag:$0x1], $0x80, s28, s21, $0xb8;
	[tilespmem:$0x1B000] =	vst v63  }
0x19c: {  	s30 =	simm.s32 $0x180  }
0x19d: {  	[spmem:s1] =	stream.indirect.scatter.add.f32 [tilespmem:s22], [sflag:$0x1], $0x80, s30, s21, $0xb8;
	[tilespmem:$0x1B000] =	vst v63  }
0x19e: {  	s31 =	simm.s32 $0x200  }
0x19f: {  	[spmem:s1] =	stream.indirect.scatter.add.f32 [tilespmem:s22], [sflag:$0x1], $0x80, s31, s21, $0xb8;
	[tilespmem:$0x1B000] =	vst v63  }
0x1a0: {  	s28 =	simm.s32 $0x280  }
0x1a1: {  	[spmem:s1] =	stream.indirect.scatter.add.f32 [tilespmem:s22], [sflag:$0x1], $0x80, s28, s21, $0xb8;
	[tilespmem:$0x1B000] =	vst v63  }
0x1a2: {  	s30 =	simm.s32 $0x300  }
0x1a3: {  	[spmem:s1] =	stream.indirect.scatter.add.f32 [tilespmem:s22], [sflag:$0x1], $0x80, s30, s21, $0xb8;
	[tilespmem:$0x1B000] =	vst v63  }
0x1a4: {  	s31 =	simm.s32 $0x380  }
0x1a5: {  	[spmem:s1] =	stream.indirect.scatter.add.f32 [tilespmem:s22], [sflag:$0x1], $0x80, s31, s21, $0xb8;
	[tilespmem:$0x1B000] =	vst v63  }
0x1a6: {  	_ =	swait.ge [sflag:s23], $0x2800  }
0x1a7: {  	[sflag:s23] =	ssyncset.done $0x0  }
0x1a8: {  	[sflag:s23] =	ssyncadd.s32 $0xFFFFD800  }
0x1a9: {  	_ =	swait.ge [sflag:s23], $0x2800  }
0x1aa: {  	[sflag:s23] =	ssyncset.done $0x0  }
0x1ab: {  	[sflag:s23] =	ssyncadd.s32 $0xFFFFD800  }
0x1ac: {  	_ =	swait.ge [sflag:s23], $0x2800  }
0x1ad: {  	[sflag:s23] =	ssyncset.done $0x0  }
0x1ae: {  	[sflag:s23] =	ssyncadd.s32 $0xFFFFD800  }
0x1af: {  	_ =	swait.ge [sflag:s23], $0x2800  }
0x1b0: {  	[sflag:s23] =	ssyncset.done $0x0  }
0x1b1: {  	[sflag:s23] =	ssyncadd.s32 $0xFFFFD800  }
0x1b2: {  	_ =	swait.ge [sflag:s23], $0x2800  }
0x1b3: {  	[sflag:s23] =	ssyncset.done $0x0  }
0x1b4: {  	[sflag:s23] =	ssyncadd.s32 $0xFFFFD800  }
0x1b5: {  	_ =	swait.ge [sflag:s23], $0x2800  }
0x1b6: {  	[sflag:s23] =	ssyncset.done $0x0  }
0x1b7: {  	[sflag:s23] =	ssyncadd.s32 $0xFFFFD800  }
0x1b8: {  	_ =	swait.ge [sflag:s23], $0x2800  }
0x1b9: {  	[sflag:s23] =	ssyncset.done $0x0  }
0x1ba: {  	[sflag:s23] =	ssyncadd.s32 $0xFFFFD800  }
0x1bb: {  	_ =	swait.ge [sflag:s23], $0x2800  }
0x1bc: {  	s29 =	simm.s32 $0x2000;
	s26 =	simm.s32 $0x1000;
	[sflag:s23] =	ssyncset.done $0x0  }
.LBB2_10:
0x1bd: {  	s30 =	sshra.s32 s26, $0x2  }
0x1be: {  	[sflag:s23] =	ssyncadd.s32 $0xFFFFD800;
	s26 =	smov.u32 s29;
	s28 =	sadd.s32 $0x1000, s29  }
0x1bf: {  	[spmem:s1] =	stream.indirect.scatter.add.f32 [tilespmem:s22], [sflag:$0x1], $0x80, s30, s21, $0xb8;
	[tilespmem:$0x1B000] =	vst v63  }
0x1c0: {  	p0 =	sne.s32 s29, $0x7000;
	s29 =	sadd.s32 $0x80, s30  }
0x1c1: {  	[spmem:s1] =	stream.indirect.scatter.add.f32 [tilespmem:s22], [sflag:$0x1], $0x80, s29, s21, $0xb8;
	[tilespmem:$0x1B000] =	vst v63  }
0x1c2: {  	s29 =	sadd.s32 $0x100, s30  }
0x1c3: {  	[spmem:s1] =	stream.indirect.scatter.add.f32 [tilespmem:s22], [sflag:$0x1], $0x80, s29, s21, $0xb8;
	[tilespmem:$0x1B000] =	vst v63  }
0x1c4: {  	s29 =	sadd.s32 $0x180, s30  }
0x1c5: {  	[spmem:s1] =	stream.indirect.scatter.add.f32 [tilespmem:s22], [sflag:$0x1], $0x80, s29, s21, $0xb8;
	[tilespmem:$0x1B000] =	vst v63  }
0x1c6: {  	s29 =	sadd.s32 $0x200, s30  }
0x1c7: {  	[spmem:s1] =	stream.indirect.scatter.add.f32 [tilespmem:s22], [sflag:$0x1], $0x80, s29, s21, $0xb8;
	[tilespmem:$0x1B000] =	vst v63  }
0x1c8: {  	s29 =	sadd.s32 $0x280, s30  }
0x1c9: {  	[spmem:s1] =	stream.indirect.scatter.add.f32 [tilespmem:s22], [sflag:$0x1], $0x80, s29, s21, $0xb8;
	[tilespmem:$0x1B000] =	vst v63  }
0x1ca: {  	s29 =	sadd.s32 $0x300, s30  }
0x1cb: {  	[spmem:s1] =	stream.indirect.scatter.add.f32 [tilespmem:s22], [sflag:$0x1], $0x80, s29, s21, $0xb8;
	[tilespmem:$0x1B000] =	vst v63  }
0x1cc: {  	s29 =	sadd.s32 $0x380, s30  }
0x1cd: {  	[spmem:s1] =	stream.indirect.scatter.add.f32 [tilespmem:s22], [sflag:$0x1], $0x80, s29, s21, $0xb8;
	[tilespmem:$0x1B000] =	vst v63  }
0x1ce: {  	_ =	swait.ge [sflag:s23], $0x2800  }
0x1cf: {  	[sflag:s23] =	ssyncset.done $0x0  }
0x1d0: {  	[sflag:s23] =	ssyncadd.s32 $0xFFFFD800  }
0x1d1: {  	_ =	swait.ge [sflag:s23], $0x2800  }
0x1d2: {  	[sflag:s23] =	ssyncset.done $0x0  }
0x1d3: {  	[sflag:s23] =	ssyncadd.s32 $0xFFFFD800  }
0x1d4: {  	_ =	swait.ge [sflag:s23], $0x2800  }
0x1d5: {  	[sflag:s23] =	ssyncset.done $0x0  }
0x1d6: {  	[sflag:s23] =	ssyncadd.s32 $0xFFFFD800  }
0x1d7: {  	_ =	swait.ge [sflag:s23], $0x2800  }
0x1d8: {  	[sflag:s23] =	ssyncset.done $0x0  }
0x1d9: {  	[sflag:s23] =	ssyncadd.s32 $0xFFFFD800  }
0x1da: {  	_ =	swait.ge [sflag:s23], $0x2800  }
0x1db: {  	[sflag:s23] =	ssyncset.done $0x0  }
0x1dc: {  	[sflag:s23] =	ssyncadd.s32 $0xFFFFD800  }
0x1dd: {  	_ =	swait.ge [sflag:s23], $0x2800  }
0x1de: {  	[sflag:s23] =	ssyncset.done $0x0  }
0x1df: {  	[sflag:s23] =	ssyncadd.s32 $0xFFFFD800  }
.Ltmp4:
0x1e0: {  	_ =	swait.ge [sflag:s23], $0x2800;
	(pc) =	sbr.rel @p0 .LBB2_10-.Ltmp4, $4  }
0x1e1: {  	[sflag:s23] =	ssyncset.done $0x0  }
0x1e2: {  	[sflag:s23] =	ssyncadd.s32 $0xFFFFD800  }
0x1e3: {  	_ =	swait.ge [sflag:s23], $0x2800  }
0x1e4: {  	s29 =	smov.u32 s28;
	[sflag:s23] =	ssyncset.done $0x0  }
0x1e5: {  	s26 =	sshra.s32 s26, $0x2;
	[sflag:s23] =	ssyncadd.s32 $0xFFFFD800  }
0x1e6: {  	[spmem:s1] =	stream.indirect.scatter.add.f32 [tilespmem:s22], [sflag:$0x1], $0x80, s26, s21, $0xb8;
	[tilespmem:$0x1B000] =	vst v63  }
0x1e7: {  	s28 =	sadd.s32 $0x80, s26  }
0x1e8: {  	[spmem:s1] =	stream.indirect.scatter.add.f32 [tilespmem:s22], [sflag:$0x1], $0x80, s28, s21, $0xb8;
	[tilespmem:$0x1B000] =	vst v63  }
0x1e9: {  	s30 =	sadd.s32 $0x100, s26  }
0x1ea: {  	[spmem:s1] =	stream.indirect.scatter.add.f32 [tilespmem:s22], [sflag:$0x1], $0x80, s30, s21, $0xb8;
	[tilespmem:$0x1B000] =	vst v63  }
0x1eb: {  	s31 =	sadd.s32 $0x180, s26  }
0x1ec: {  	[spmem:s1] =	stream.indirect.scatter.add.f32 [tilespmem:s22], [sflag:$0x1], $0x80, s31, s21, $0xb8;
	[tilespmem:$0x1B000] =	vst v63  }
0x1ed: {  	s29 =	sadd.s32 $0x200, s26  }
0x1ee: {  	[spmem:s1] =	stream.indirect.scatter.add.f32 [tilespmem:s22], [sflag:$0x1], $0x80, s29, s21, $0xb8;
	[tilespmem:$0x1B000] =	vst v63  }
0x1ef: {  	s30 =	sadd.s32 $0x280, s26  }
0x1f0: {  	[spmem:s1] =	stream.indirect.scatter.add.f32 [tilespmem:s22], [sflag:$0x1], $0x80, s30, s21, $0xb8;
	[tilespmem:$0x1B000] =	vst v63  }
0x1f1: {  	s31 =	sadd.s32 $0x300, s26  }
0x1f2: {  	[spmem:s1] =	stream.indirect.scatter.add.f32 [tilespmem:s22], [sflag:$0x1], $0x80, s31, s21, $0xb8;
	[tilespmem:$0x1B000] =	vst v63  }
0x1f3: {  	s26 =	sadd.s32 $0x380, s26  }
0x1f4: {  	[spmem:s1] =	stream.indirect.scatter.add.f32 [tilespmem:s22], [sflag:$0x1], $0x80, s26, s21, $0xb8;
	[tilespmem:$0x1B000] =	vst v63  }
0x1f5: {  	_ =	swait.ge [sflag:s23], $0x2800  }
0x1f6: {  	[sflag:s23] =	ssyncset.done $0x0  }
0x1f7: {  	[sflag:s23] =	ssyncadd.s32 $0xFFFFD800  }
0x1f8: {  	_ =	swait.ge [sflag:s23], $0x2800  }
0x1f9: {  	[sflag:s23] =	ssyncset.done $0x0  }
0x1fa: {  	[sflag:s23] =	ssyncadd.s32 $0xFFFFD800  }
0x1fb: {  	_ =	swait.ge [sflag:s23], $0x2800  }
0x1fc: {  	[sflag:s23] =	ssyncset.done $0x0  }
0x1fd: {  	[sflag:s23] =	ssyncadd.s32 $0xFFFFD800  }
0x1fe: {  	_ =	swait.ge [sflag:s23], $0x2800  }
0x1ff: {  	[sflag:s23] =	ssyncset.done $0x0  }
0x200: {  	[sflag:s23] =	ssyncadd.s32 $0xFFFFD800  }
0x201: {  	_ =	swait.ge [sflag:s23], $0x2800  }
0x202: {  	[sflag:s23] =	ssyncset.done $0x0  }
0x203: {  	[sflag:s23] =	ssyncadd.s32 $0xFFFFD800  }
0x204: {  	_ =	swait.ge [sflag:s23], $0x2800  }
0x205: {  	[sflag:s23] =	ssyncset.done $0x0  }
0x206: {  	[sflag:s23] =	ssyncadd.s32 $0xFFFFD800  }
0x207: {  	_ =	swait.ge [sflag:s23], $0x2800  }
0x208: {  	[sflag:s23] =	ssyncset.done $0x0  }
0x209: {  	[sflag:s23] =	ssyncadd.s32 $0xFFFFD800  }
0x20a: {  	_ =	swait.ge [sflag:s23], $0x2800  }
0x20b: {  	s3 =	sadd.s32 $0x1, s3;
	[sflag:s23] =	ssyncset.done $0x0  }
0x20c: {  	p0 =	sne.s32 s3, s11;
	[sflag:s23] =	ssyncadd.s32 $0xFFFFD800  }
.Ltmp5:
0x20d: {  	[bflag:$0x0] =	sbarrier.arrive $0xFFFF;
	(pc) =	sbr.rel @p0 .LBB2_1-.Ltmp5, $4  }
0x20e: {  	[hbm:s10], [sflag:s24] =	dma.local [spmem:s25], $0x2800  }
0x20f: {  	_ =	swait.ge [sflag:s20], $0x2800  }
0x210: {  	[sflag:s20] =	ssyncset.done $0x0  }
0x211: {  	[sflag:s20] =	ssyncadd.s32 $0xFFFFD800  }
0x212: {  	_ =	sfence.sel $0x180000  }
0x213: {  	[bflag:$0x0] =	sbarrier.arrive $0xFFFF  }
0x214: {  	p0 =	sne.s32 s2, $0x0;
	_ =	strace $0x9000004A  }
0x215: {  	s0 =	sadd.s32 @!p0 $0x100000, s0;
	[bflag:$0x2] =	sbarrier.arrive $0xFFFF  }
0x216: {  	[sflag:s0] =	ssyncadd.tile.s32 @!p0 $0x1;
	_ =	shalt  }
.Lfunc_end2:
_tile_overlayer_lowered:
.L_overlay_start_2:
0x217: {  	(tag) =	ssettag $0x2  }
0x218: {  	s0 =	rddreg [dreg:$0x0];
	s2 =	stileid.u32  }
0x219: {  	s1 =	rddreg [dreg:$0x1];
	p0 =	sne.s32 s2, $0x0  }
0x21a: {  	s3 =	rddreg [dreg:$0x2];
	[bflag:$0x3] =	sbarrier.arrive $0xFFFF;
	s2 =	simm.s32 @!p0 $0x1C02  }
0x21b: {  	[timem:s3], [sflag:s2] =	dma.local @!p0 [hbm:s0], s1  }
0x21c: {  	s0 =	simm.s32 @!p0 $0x2  }
0x21d: {  	_ =	swait.ge @!p0 [sflag:s0], s1  }
0x21e: {  	s1 =	ssub.s32 @!p0 $0x0, s1;
	[sflag:s0] =	ssyncset.done @!p0 $0x0  }
0x21f: {  	[sflag:s0] =	ssyncadd.s32 @!p0 s1  }
0x220: {  	[bflag:$0x3] =	sbarrier.arrive $0xFFFF  }
0x221: {  	_ =	shalt  }

// kernel: kernel.20.cloned.1.call-start
scs
__scs_entry_jumppad:
0x0: {  	(pc) =	sbr.rel $0x88, $3  }
0x1: {  	(tag) =	ssettag $0x0;
	lr =	simm.s32 $0x1  }
0x2: {  	[smem:$0x3F06] =	sst lr;
	_ =	strace $0xD0000000  }
0x3: {  	_ = 	snop  }
0x4: {  	_ = 	snop  }
0x5: {  	_ = 	snop  }
0x6: {  	_ = 	snop  }
0x7: {  	_ = 	snop  }
__scs_overlays_trampoline_lowered:
0x8: {  	[smem:$0x3F15] =	sst s0  }
0x9: {  	[smem:$0x3F16] =	sst s1  }
0xa: {  	[smem:$0x3F17] =	sst s2  }
0xb: {  	[smem:$0x3F18] =	sst s3  }
0xc: {  	[smem:$0x3F19] =	sst s4  }
0xd: {  	[smem:$0x3F1A] =	sst s5  }
0xe: {  	[smem:$0x3F1B] =	sst s6  }
0xf: {  	[smem:$0x3F1C] =	sst s7  }
0x10: {  	[smem:$0x3F1D] =	sst s8  }
0x11: {  	[smem:$0x3F1E] =	sst s9;
	s0 =	simm.s32 @!p0 $0x0  }
0x12: {  	s1 =	sld [smem:$0x3F04];
	s0 =	simm.s32 @p0 $0x1  }
0x13: {  	[smem:$0x3F1F] =	sst s0;
	s0 =	simm.s32 @!p1 $0x0  }
0x14: {  	s2 =	sld [smem:$0x3F03];
	s0 =	simm.s32 @p1 $0x1  }
0x15: {  	[smem:$0x3F20] =	sst s0;
	s0 =	simm.s32 @!p2 $0x0  }
0x16: {  	s3 =	sld [smem:$0x3FDB];
	s0 =	simm.s32 @p2 $0x1  }
0x17: {  	s4 =	simm.s32 $0x1BF5;
	[smem:$0x3F22] =	sst s0  }
0x18: {  	s0 =	sld [smem:$0x3F05];
	_ =	swait.ge [sflag:s4], $0x0  }
0x19: {  	s7 =	sld [smem:$0x3F06]  }
0x1a: {  	s8 =	sadd.s32 $0xFFFFE003, lr  }
0x1b: {  	s9 =	sadd.s32 $0xFFFFFEF7, lr;
	s5 =	simm.s32 $0xFFFFFFFF;
	p2 =	slt.u32 s8, $0xFFFFF086  }
0x1c: {  	p1 =	slt.u32 s9, $0xF7A;
	s5 =	simm.s32 @!p2 $0x0  }
0x1d: {  	s5 =	simm.s32 @p1 $0x1;
	p0 =	seq.s32 s7, s2  }
0x1e: {  	s7 =	smul.u32 @!p0 $0xF7A, s2;
	p2 =	seq.s32 @!p0 s5, $0x0  }
0x1f: {  	s9 =	smul.u32 $0xF7A, s1;
	s8 =	simm.s32 @!p0 $0x1BF5;
	p2 =	por !p2, p0  }
0x20: {  	[sflag:s8] =	ssyncset.s32 @!p0 $0xFFFFF086;
	s6 =	sadd.s32 @!p0 s3, s7;
	s7 =	simm.s32 @!p0 $0x108  }
0x21: {  	s3 =	sadd.s32 s3, s9;
	s6 =	sadd.s32 @!p0 $0x88, s6;
	s7 =	simm.s32 @p2 $0x1082  }
0x22: {  	[simem:s7], [sflag:s8] =	dma.local @!p0 [hbm:s6], $0xF7A  }
0x23: {  	s9 =	sor.u32 $0xD0000000, s2;
	s6 =	simm.s32 $0x108;
	_ =	swait.ge @!p0 [sflag:s8], $0x0  }
0x24: {  	s3 =	sadd.s32 $0x88, s3;
	s6 =	simm.s32 @!p1 $0x1082;
	[sflag:s4] =	ssyncset.s32 $0xFFFFF086  }
0x25: {  	[simem:s6], [sflag:s4] =	dma.local [hbm:s3], $0xF7A  }
0x26: {  	[smem:$0x3F06] =	sst s1;
	(tag) =	ssettag s2;
	_ =	strace s9  }
0x27: {  	s1 =	sld [smem:$0x3F16]  }
0x28: {  	s2 =	sld [smem:$0x3F17]  }
0x29: {  	s4 =	sld [smem:$0x3F19]  }
0x2a: {  	p0 =	seq.s32 s5, $0x0;
	s5 =	sld [smem:$0x3F1A]  }
0x2b: {  	s6 =	sld [smem:$0x3F1B]  }
0x2c: {  	s7 =	sld [smem:$0x3F1C]  }
0x2d: {  	s3 =	simm.s32 $0x108;
	s8 =	sld [smem:$0x3F1D]  }
0x2e: {  	s3 =	simm.s32 @!p0 $0x1082;
	s9 =	sld [smem:$0x3F1E]  }
0x2f: {  	lr =	sadd.s32 s0, s3;
	s0 =	sld [smem:$0x3F15]  }
0x30: {  	s3 =	sld [smem:$0x3F18]  }
0x31: {  	[smem:$0x3F21] =	sst s10  }
0x32: {  	s10 =	sld [smem:$0x3F1F];
	_ =	sdelay $0x3  }
0x33: {  	p0 =	seq.s32 s10, $0x1;
	s10 =	sld [smem:$0x3F21];
	_ =	sdelay $0x3  }
0x34: {  	[smem:$0x3F21] =	sst s10  }
0x35: {  	s10 =	sld [smem:$0x3F20];
	_ =	sdelay $0x3  }
0x36: {  	p1 =	seq.s32 s10, $0x1;
	s10 =	sld [smem:$0x3F21];
	_ =	sdelay $0x3  }
0x37: {  	[smem:$0x3F21] =	sst s10  }
0x38: {  	s10 =	sld [smem:$0x3F22]  }
0x39: {  	_ = 	snop;
	(pc) =	sbr.ind lr, $3  }
0x3a: {  	_ = 	snop  }
0x3b: {  	_ = 	snop  }
0x3c: {  	p2 =	seq.s32 s10, $0x1;
	s10 =	sld [smem:$0x3F21]  }
0x3d: {  	_ =	shalt  }
0x3e: {  	_ =	shalt  }
0x3f: {  	_ =	shalt  }
0x40: {  	_ =	shalt  }
0x41: {  	_ =	shalt  }
0x42: {  	_ =	shalt  }
0x43: {  	_ =	shalt  }
0x44: {  	_ =	shalt  }
0x45: {  	_ =	shalt  }
0x46: {  	_ =	shalt  }
0x47: {  	_ =	shalt  }
0x48: {  	_ =	shalt  }
0x49: {  	_ =	shalt  }
0x4a: {  	_ =	shalt  }
0x4b: {  	_ =	shalt  }
0x4c: {  	_ =	shalt  }
0x4d: {  	_ =	shalt  }
0x4e: {  	_ =	shalt  }
0x4f: {  	_ =	shalt  }
0x50: {  	_ =	shalt  }
0x51: {  	_ =	shalt  }
0x52: {  	_ =	shalt  }
0x53: {  	_ =	shalt  }
0x54: {  	_ =	shalt  }
0x55: {  	_ =	shalt  }
0x56: {  	_ =	shalt  }
0x57: {  	_ =	shalt  }
0x58: {  	_ =	shalt  }
0x59: {  	_ =	shalt  }
0x5a: {  	_ =	shalt  }
0x5b: {  	_ =	shalt  }
0x5c: {  	_ =	shalt  }
0x5d: {  	_ =	shalt  }
0x5e: {  	_ =	shalt  }
0x5f: {  	_ =	shalt  }
0x60: {  	_ =	shalt  }
0x61: {  	_ =	shalt  }
0x62: {  	_ =	shalt  }
0x63: {  	_ =	shalt  }
0x64: {  	_ =	shalt  }
0x65: {  	_ =	shalt  }
0x66: {  	_ =	shalt  }
0x67: {  	_ =	shalt  }
0x68: {  	_ =	shalt  }
0x69: {  	_ =	shalt  }
0x6a: {  	_ =	shalt  }
0x6b: {  	_ =	shalt  }
0x6c: {  	_ =	shalt  }
0x6d: {  	_ =	shalt  }
0x6e: {  	_ =	shalt  }
0x6f: {  	_ =	shalt  }
0x70: {  	_ =	shalt  }
0x71: {  	_ =	shalt  }
0x72: {  	_ =	shalt  }
0x73: {  	_ =	shalt  }
0x74: {  	_ =	shalt  }
0x75: {  	_ =	shalt  }
0x76: {  	_ =	shalt  }
0x77: {  	_ =	shalt  }
0x78: {  	_ =	shalt  }
0x79: {  	_ =	shalt  }
0x7a: {  	_ =	shalt  }
0x7b: {  	_ =	shalt  }
0x7c: {  	_ =	shalt  }
0x7d: {  	_ =	shalt  }
0x7e: {  	_ =	shalt  }
0x7f: {  	_ =	shalt  }
0x80: {  	_ =	shalt  }
0x81: {  	_ =	shalt  }
0x82: {  	_ =	shalt  }
0x83: {  	_ =	shalt  }
0x84: {  	_ =	shalt  }
0x85: {  	_ =	shalt  }
0x86: {  	_ =	shalt  }
0x87: {  	_ =	shalt  }
.Lfunc_end0:
.L_simem_size_0:
called_computation.1_lowered:
.L_overlay_start_0:
0x88: {  	s2 =	sld [smem:$0x3FD9]  }
0x89: {  	s3 =	sld [smem:$0x3FFE];
	_ =	sdelay $0x1  }
0x8a: {  	s1 =	srdreg.scid  }
0x8b: {  	s0 =	sand.u32 $0x1, s1  }
0x8c: {  	s17 =	sshll.u32 s0, $0xA;
	s2 =	sadd.s32 s3, s2  }
0x8d: {  	s2 =	sadd.s32 s2, s17  }
0x8e: {  	[smem:$0x3F2D] =	sst s2  }
0x8f: {  	_ = 	snop  }
0x90: {  	(tm) =	ssettm $0x1  }
0x91: {  	s18 =	sld [smem:$0x3FFB];
	_ =	sdelay $0x3  }
0x92: {  	_ =	strace s18  }
0x93: {  	s2 =	sld [smem:$0x3FFC];
	_ =	sdelay $0x3  }
0x94: {  	_ =	strace s2  }
0x95: {  	s2 =	sld [smem:$0x3FFD];
	_ =	sdelay $0x3  }
0x96: {  	_ =	strace s2  }
0x97: {  	_ =	strace $0x8FFFFFFF  }
0x98: {  	s19 =	sld [smem:$0x3FDB];
	_ =	sdelay $0x1  }
0x99: {  	s20 =	simm.s32 $_scs_section_size  }
0x9a: {  	s4 =	simm.s32 $_size__tile_overlayer_lowered;
	s5 =	simm.s32 $_tile_overlayer_lowered  }
0x9b: {  	s6 =	simm.s32 $0x1BFF;
	s21 =	sshll.u32 s5, $0x1;
	s3 =	sadd.s32 s20, s19  }
0x9c: {  	s22 =	simm.s32 $0x0;
	s4 =	sshll.u32 s4, $0x1;
	s5 =	sadd.s32 s21, s3  }
0x9d: {  	[timem:s22], [sflag:s6] =	dma.local [hbm:s5], s4  }
0x9e: {  	_ =	swait.ge [sflag:s6], s4  }
0x9f: {  	s4 =	ssub.s32 $0x0, s4;
	[sflag:s6] =	ssyncset.done $0x0  }
0xa0: {  	[sflag:s6] =	ssyncadd.s32 s4;
	_ =	sdelay $0x1  }
0xa1: {  	s23 =	simm.s32 $0x1B8B  }
0xa2: {  	_ =	swait.ge [sflag:s23], $0x1  }
0xa3: {  	[sflag:s23] =	ssyncset.done $0x0  }
0xa4: {  	[sflag:s23] =	ssyncadd.s32 $0xFFFFFFFF  }
0xa5: {  	s4 =	sld [smem:$0x0]  }
0xa6: {  	s5 =	sand.u32 $0xFFFFFFFE, s1  }
0xa7: {  	p0 =	sne.s32 s1, s5  }
0xa8: {  	s5 =	sshll.u32 @p0 s5, $0xE  }
0xa9: {  	s5 =	sadd.s32 @p0 $0x11B8D, s5;
	s6 =	sshll.u32 @p0 s4, $0x11  }
0xaa: {  	s5 =	sor.u32 @p0 s6, s5  }
0xab: {  	[sflag:s5] =	ssyncadd.remote.s32 @p0 $0x1;
	_ =	sdelay $0x1  }
0xac: {  	s5 =	simm.s32 @p0 $0x1B8D  }
0xad: {  	_ =	swait.eq @p0 [sflag:s5], $0x1  }
0xae: {  	[sflag:s5] =	ssyncadd.s32 @p0 $0xFFFFFFFF  }
0xaf: {  	s6 =	sshll.u32 @!p0 s1, $0xE  }
0xb0: {  	s6 =	sor.u32 @!p0 $0x4000, s6;
	s5 =	simm.s32 @!p0 $0x1B8D  }
0xb1: {  	s4 =	sshll.u32 @!p0 s4, $0x11;
	s6 =	sadd.s32 @!p0 $0x11B8D, s6;
	_ =	swait.eq @!p0 [sflag:s5], $0x1  }
0xb2: {  	s4 =	sor.u32 @!p0 s4, s6;
	[sflag:s5] =	ssyncadd.s32 @!p0 $0xFFFFFFFF  }
0xb3: {  	s25 =	simm.s32 $0x1B8E;
	s24 =	sld [smem:$0x3FFE];
	[sflag:s4] =	ssyncadd.remote.s32 @!p0 $0x1  }
0xb4: {  	s26 =	simm.s32 $execute0_lowered;
	[smem:$0x3FD2] =	sst s25  }
0xb5: {  	s5 =	sshll.u32 s26, $0x1;
	_ =	strace $0x8000004F;
	[dreg:$0x1] =	wrdreg $0xFFFFFFFF  }
0xb6: {  	s28 =	simm.s32 $_size_execute0_lowered;
	s3 =	sadd.s32 s3, s5;
	[dreg:$0x0] =	wrdreg $0x0  }
0xb7: {  	s5 =	sshll.u32 s28, $0x1;
	[dreg:$0x2] =	wrdreg s3  }
0xb8: {  	[dreg:$0x3] =	wrdreg s5  }
0xb9: {  	[dreg:$0x4] =	wrdreg $0xC0  }
0xba: {  	_ =	task [dreg:s22], $0x5FFFF  }
0xbb: {  	[dreg:$0x1] =	wrdreg $0xFFFFFFFF  }
0xbc: {  	[dreg:$0x0] =	wrdreg $0x60  }
0xbd: {  	[dreg:$0x2] =	wrdreg s24  }
0xbe: {  	[dreg:$0x3] =	wrdreg $0x90000  }
0xbf: {  	[dreg:$0x4] =	wrdreg $0xA  }
0xc0: {  	_ =	task.clear_ibuf [dreg:s22], $0x5FFFF;
	_ =	strace $0x9000004F  }
0xc1: {  	s29 =	simm.s32 $0xA;
	_ =	strace $0x80000051  }
0xc2: {  	_ =	swait.ge [sflag:s29], $0x1  }
0xc3: {  	[sflag:s29] =	ssyncadd.s32 $0xFFFFFFFF  }
0xc4: {  	_ =	strace $0x90000051  }
0xc5: {  	_ =	sfence  }
0xc6: {  	s30 =	sld [smem:$0x0];
	_ =	sdelay $0x2  }
0xc7: {  	s31 =	sshll.u32 s1, $0xD;
	s1 =	sshrl.u32 s1, $0x2  }
0xc8: {  	s4 =	sand.u32 $0x4000, s31;
	s1 =	sadd.s32 s1, s30  }
0xc9: {  	s0 =	sor.u32 s4, s0;
	s1 =	sshll.u32 s1, $0x11  }
0xca: {  	s0 =	sor.u32 s1, s0  }
0xcb: {  	s0 =	sadd.s32 $0x8F2B, s0  }
0xcc: {  	[sflag:s0] =	ssyncadd.remote.s32 $0x1  }
0xcd: {  	_ =	sfence.sel $0xFFFF  }
0xce: {  	[dreg:$0x0] =	wrdreg $0xFFFFFFFF;
	(pc) =	sbr.abs _section_cstart, $3  }
0xcf: {  	[dreg:$0x1] =	wrdreg $0xFFFFFFFF  }
0xd0: {  	_ =	task.clear_ibuf [dreg:s22], $0x2FFFF;
	_ =	strace $0x9FFFFFFF  }
0xd1: {  	(tm) =	ssettm $0x7FFFFFFF  }
tec
execute0_lowered:
.L_overlay_start_1:
0x0: {  	(tag) =	ssettag $0x1  }
0x1: {  	s5 =	rddreg [dreg:$0x0]  }
0x2: {  	s1 =	rddreg [dreg:$0x1];
	s2 =	srdreg.scid  }
0x3: {  	s3 =	simm.s32 $0x0;
	s17 =	simm.s32 $0x4000;
	s18 =	simm.s32 $0x3  }
0x4: {  	s19 =	simm.s32 $0x2000;
	s20 =	simm.s32 $0x50;
	s21 =	simm.s32 $0x6800  }
0x5: {  	s22 =	simm.s32 $0x1;
	s23 =	simm.s32 $0x2;
	s24 =	simm.s32 $0x1F80  }
0x6: {  	s25 =	simm.s32 $0x3F00;
	s6 =	sand.u32 $0x1, s2;
	s2 =	stileid.u32  }
0x7: {  	[smem:$0x7FF] =	sst s3;
	s4 =	sadd.s32 $0x269400, s5;
	s7 =	smul.u32 $0x140000, s6  }
0x8: {  	s26 =	simm.s32 $0x3F80;
	s8 =	smul.u32 $0x14000, s2;
	_ =	strace $0x80000050  }
0x9: {  	s9 =	sshll.u32 s2, $0xB;
	s10 =	sshll.u32 s6, $0xA;
	s6 =	ssub.s32 $0x2, s6  }
0xa: {  	s29 =	smul.u32 $0x50000, s2;
	s9 =	sor.u32 s10, s9;
	s30 =	sshrl.u32 s6, $0x1  }
0xb: {  	s7 =	sadd.s32 s8, s7;
	s9 =	sadd.s32 s9, s5;
	s31 =	ssub.s32 s6, s30  }
0xc: {  	s8 =	sshrl.u32 s29, $0x2;
	s7 =	sshrl.u32 s7, $0x3;
	s6 =	sadd.s32 $0x111400, s9  }
0xd: {  	s8 =	sadd.s32 s8, s1;
	s7 =	sadd.s32 s7, s5;
	s5 =	sadd.s32 $0x261400, s9  }
0xe: {  	s9 =	smax.u32 s31, $0x1;
	s10 =	sadd.s32 $0x2800, s8;
	s11 =	sadd.s32 $0x5000, s8  }
0xf: {  	s12 =	sadd.s32 $0x7800, s8;
	s13 =	sadd.s32 $0xA000, s8;
	s14 =	sadd.s32 $0xC800, s8  }
0x10: {  	v0 =	vimm.f32 $0.0e+00;
	s15 =	sadd.s32 $0xF000, s8;
	s16 =	sadd.s32 $0x11800, s8;
	s7 =	sadd.s32 $0x305C00, s7  }
.LBB2_1:
0x11: {  	s28 =	simm.s32 $0x70;
	s29 =	simm.s32 $0x3C0  }
.LBB2_2:
0x12: {  	p0 =	sne.s32 s29, $0x9FC0;
	[tilespmem:s28+$0x4000] =	vst v0  }
0x13: {  	[tilespmem:s28+$0x3F90] =	vst v0  }
0x14: {  	[tilespmem:s28+$0x3FA0] =	vst v0  }
.Ltmp0:
0x15: {  	[tilespmem:s28+$0x3FB0] =	vst v0;
	(pc) =	sbr.rel @p0 .LBB2_2-.Ltmp0, $4  }
0x16: {  	[tilespmem:s28+$0x3FC0] =	vst v0  }
0x17: {  	[tilespmem:s28+$0x3FD0] =	vst v0  }
0x18: {  	[tilespmem:s28+$0x3FE0] =	vst v0  }
0x19: {  	[tilespmem:s28+$0x3FF0] =	vst v0;
	s28 =	sshra.s32 s29, $0x2;
	s29 =	sadd.s32 $0x200, s29  }
0x1a: {  	[tilespmem:s28+$0x4000] =	vst v0  }
0x1b: {  	[tilespmem:s28+$0x3F90] =	vst v0  }
0x1c: {  	[tilespmem:s28+$0x3FA0] =	vst v0  }
0x1d: {  	[tilespmem:s28+$0x3FB0] =	vst v0  }
0x1e: {  	[tilespmem:s28+$0x3FC0] =	vst v0  }
0x1f: {  	[tilespmem:s28+$0x3FD0] =	vst v0  }
0x20: {  	[tilespmem:s28+$0x3FE0] =	vst v0  }
0x21: {  	[tilespmem:s28+$0x3FF0] =	vst v0  }
0x22: {  	[spmem:s8] =	stream.linear.scatter [tilespmem:s17], [sflag:$0x3], $0x2800, $0x38;
	[tilespmem:$0x1D000] =	vst v63  }
0x23: {  	_ =	swait.ge [sflag:s18], $0x2800  }
0x24: {  	[sflag:s18] =	ssyncset.done $0x0  }
0x25: {  	[sflag:s18] =	ssyncadd.s32 $0xFFFFD800  }
0x26: {  	[spmem:s10] =	stream.linear.scatter [tilespmem:s17], [sflag:$0x3], $0x2800, $0x38;
	[tilespmem:$0x1D000] =	vst v63  }
0x27: {  	_ =	swait.ge [sflag:s18], $0x2800  }
0x28: {  	[sflag:s18] =	ssyncset.done $0x0  }
0x29: {  	[sflag:s18] =	ssyncadd.s32 $0xFFFFD800  }
0x2a: {  	[spmem:s11] =	stream.linear.scatter [tilespmem:s17], [sflag:$0x3], $0x2800, $0x38;
	[tilespmem:$0x1D000] =	vst v63  }
0x2b: {  	_ =	swait.ge [sflag:s18], $0x2800  }
0x2c: {  	[sflag:s18] =	ssyncset.done $0x0  }
0x2d: {  	[sflag:s18] =	ssyncadd.s32 $0xFFFFD800  }
0x2e: {  	[spmem:s12] =	stream.linear.scatter [tilespmem:s17], [sflag:$0x3], $0x2800, $0x38;
	[tilespmem:$0x1D000] =	vst v63  }
0x2f: {  	_ =	swait.ge [sflag:s18], $0x2800  }
0x30: {  	[sflag:s18] =	ssyncset.done $0x0  }
0x31: {  	[sflag:s18] =	ssyncadd.s32 $0xFFFFD800  }
0x32: {  	[spmem:s13] =	stream.linear.scatter [tilespmem:s17], [sflag:$0x3], $0x2800, $0x38;
	[tilespmem:$0x1D000] =	vst v63  }
0x33: {  	_ =	swait.ge [sflag:s18], $0x2800  }
0x34: {  	[sflag:s18] =	ssyncset.done $0x0  }
0x35: {  	[sflag:s18] =	ssyncadd.s32 $0xFFFFD800  }
0x36: {  	[spmem:s14] =	stream.linear.scatter [tilespmem:s17], [sflag:$0x3], $0x2800, $0x38;
	[tilespmem:$0x1D000] =	vst v63  }
0x37: {  	_ =	swait.ge [sflag:s18], $0x2800  }
0x38: {  	[sflag:s18] =	ssyncset.done $0x0  }
0x39: {  	[sflag:s18] =	ssyncadd.s32 $0xFFFFD800  }
0x3a: {  	[spmem:s15] =	stream.linear.scatter [tilespmem:s17], [sflag:$0x3], $0x2800, $0x38;
	[tilespmem:$0x1D000] =	vst v63  }
0x3b: {  	_ =	swait.ge [sflag:s18], $0x2800  }
0x3c: {  	[sflag:s18] =	ssyncset.done $0x0  }
0x3d: {  	[sflag:s18] =	ssyncadd.s32 $0xFFFFD800  }
0x3e: {  	[spmem:s16] =	stream.linear.scatter [tilespmem:s17], [sflag:$0x3], $0x2800, $0x38;
	[tilespmem:$0x1D000] =	vst v63  }
0x3f: {  	_ =	swait.ge [sflag:s18], $0x2800  }
0x40: {  	[sflag:s18] =	ssyncset.done $0x0  }
0x41: {  	s28 =	simm.s32 $0x0;
	[sflag:s18] =	ssyncadd.s32 $0xFFFFD800  }
0x42: {  	[tilespmem:s28], [sflag:$0x3] =	stream.linear.gather [hbm4b:s5+s28], $0x2000, $0x38;
	[tilespmem:$0x1D000] =	vst v63  }
0x43: {  	_ =	swait.ge [sflag:s18], $0x2000  }
0x44: {  	[sflag:s18] =	ssyncset.done $0x0  }
0x45: {  	[sflag:s18] =	ssyncadd.s32 $0xFFFFE000  }
0x46: {  	[tilespmem:s19], [sflag:$0x3] =	stream.linear.gather [hbm4b:s6+s28], $0x2000, $0x38;
	[tilespmem:$0x1D000] =	vst v63  }
0x47: {  	_ =	swait.ge [sflag:s18], $0x2000  }
0x48: {  	[sflag:s18] =	ssyncset.done $0x0  }
0x49: {  	[sflag:s18] =	ssyncadd.s32 $0xFFFFE000  }
0x4a: {  	[bflag:$0x0] =	sbarrier.arrive $0xFFFF  }
0x4b: {  	[tilespmem:s17], [sflag:$0x1] =	stream.indirect.gather [hbm4b:s4+s20], $0x80, s28, s20, $0xb8;
	[tilespmem:$0x1D000] =	vst v63  }
0x4c: {  	s28 =	simm.s32 $0x80  }
0x4d: {  	[tilespmem:s21], [sflag:$0x2] =	stream.indirect.gather [hbm4b:s4+s20], $0x80, s28, s20, $0xb8;
	[tilespmem:$0x1D000] =	vst v63  }
0x4e: {  	_ =	swait.ge [sflag:s22], $0x2800  }
0x4f: {  	[sflag:s22] =	ssyncset.done $0x0  }
0x50: {  	s28 =	simm.s32 $0x2000;
	[sflag:s22] =	ssyncadd.s32 $0xFFFFD800  }
0x51: {  	[spmem:s1] =	stream.indirect.scatter.add.f32 [tilespmem:s17], [sflag:$0x3], $0x80, s28, s20, $0xb8;
	[tilespmem:$0x1D000] =	vst v63  }
0x52: {  	_ =	swait.ge [sflag:s18], $0x2800  }
0x53: {  	[sflag:s18] =	ssyncset.done $0x0  }
0x54: {  	s28 =	simm.s32 $0x100;
	[sflag:s18] =	ssyncadd.s32 $0xFFFFD800  }
0x55: {  	[tilespmem:s17], [sflag:$0x1] =	stream.indirect.gather [hbm4b:s4+s20], $0x80, s28, s20, $0xb8;
	[tilespmem:$0x1D000] =	vst v63  }
0x56: {  	_ =	swait.ge [sflag:s23], $0x2800  }
0x57: {  	[sflag:s23] =	ssyncset.done $0x0  }
0x58: {  	s28 =	simm.s32 $0x2080;
	[sflag:s23] =	ssyncadd.s32 $0xFFFFD800  }
0x59: {  	[spmem:s1] =	stream.indirect.scatter.add.f32 [tilespmem:s21], [sflag:$0x3], $0x80, s28, s20, $0xb8;
	[tilespmem:$0x1D000] =	vst v63  }
0x5a: {  	_ =	swait.ge [sflag:s18], $0x2800  }
0x5b: {  	s29 =	simm.s32 $0x800;
	s28 =	simm.s32 $0x100;
	[sflag:s18] =	ssyncset.done $0x0  }
.LBB2_4:
0x5c: {  	s30 =	sadd.s32 $0x80, s28  }
0x5d: {  	[sflag:s18] =	ssyncadd.s32 $0xFFFFD800;
	s31 =	smov.u32 s29;
	s0 =	sadd.s32 $0x400, s29  }
0x5e: {  	[tilespmem:s21], [sflag:$0x2] =	stream.indirect.gather [hbm4b:s4+s20], $0x80, s30, s20, $0xb8;
	[tilespmem:$0x1D000] =	vst v63  }
0x5f: {  	p0 =	sne.s32 s29, $0x7800;
	_ =	swait.ge [sflag:s22], $0x2800  }
0x60: {  	[sflag:s22] =	ssyncset.done $0x0  }
0x61: {  	s29 =	sadd.s32 $0x2000, s28;
	[sflag:s22] =	ssyncadd.s32 $0xFFFFD800  }
0x62: {  	[spmem:s1] =	stream.indirect.scatter.add.f32 [tilespmem:s17], [sflag:$0x3], $0x80, s29, s20, $0xb8;
	[tilespmem:$0x1D000] =	vst v63  }
0x63: {  	_ =	swait.ge [sflag:s18], $0x2800  }
0x64: {  	[sflag:s18] =	ssyncset.done $0x0  }
0x65: {  	s29 =	sadd.s32 $0x100, s28;
	[sflag:s18] =	ssyncadd.s32 $0xFFFFD800  }
0x66: {  	[tilespmem:s17], [sflag:$0x1] =	stream.indirect.gather [hbm4b:s4+s20], $0x80, s29, s20, $0xb8;
	[tilespmem:$0x1D000] =	vst v63  }
0x67: {  	_ =	swait.ge [sflag:s23], $0x2800  }
.Ltmp1:
0x68: {  	[sflag:s23] =	ssyncset.done $0x0;
	(pc) =	sbr.rel @p0 .LBB2_4-.Ltmp1, $4  }
0x69: {  	s28 =	sadd.s32 $0x2080, s28;
	[sflag:s23] =	ssyncadd.s32 $0xFFFFD800  }
0x6a: {  	[spmem:s1] =	stream.indirect.scatter.add.f32 [tilespmem:s21], [sflag:$0x3], $0x80, s28, s20, $0xb8;
	[tilespmem:$0x1D000] =	vst v63  }
0x6b: {  	_ =	swait.ge [sflag:s18], $0x2800  }
0x6c: {  	s29 =	smov.u32 s0;
	s28 =	sshra.s32 s31, $0x2;
	[sflag:s18] =	ssyncset.done $0x0  }
0x6d: {  	s0 =	sadd.s32 $0x80, s28;
	[sflag:s18] =	ssyncadd.s32 $0xFFFFD800  }
0x6e: {  	[tilespmem:s21], [sflag:$0x2] =	stream.indirect.gather [hbm4b:s4+s20], $0x80, s0, s20, $0xb8;
	[tilespmem:$0x1D000] =	vst v63  }
0x6f: {  	_ =	swait.ge [sflag:s22], $0x2800  }
0x70: {  	[sflag:s22] =	ssyncset.done $0x0  }
0x71: {  	s30 =	sadd.s32 $0x2000, s28;
	[sflag:s22] =	ssyncadd.s32 $0xFFFFD800  }
0x72: {  	[spmem:s1] =	stream.indirect.scatter.add.f32 [tilespmem:s17], [sflag:$0x3], $0x80, s30, s20, $0xb8;
	[tilespmem:$0x1D000] =	vst v63  }
0x73: {  	_ =	swait.ge [sflag:s18], $0x2800  }
0x74: {  	[sflag:s18] =	ssyncset.done $0x0  }
0x75: {  	s31 =	sadd.s32 $0x100, s28;
	[sflag:s18] =	ssyncadd.s32 $0xFFFFD800  }
0x76: {  	[tilespmem:s17], [sflag:$0x1] =	stream.indirect.gather [hbm4b:s4+s20], $0x80, s31, s20, $0xb8;
	[tilespmem:$0x1D000] =	vst v63  }
0x77: {  	_ =	swait.ge [sflag:s23], $0x2800  }
0x78: {  	[sflag:s23] =	ssyncset.done $0x0  }
0x79: {  	s29 =	sadd.s32 $0x2080, s28;
	[sflag:s23] =	ssyncadd.s32 $0xFFFFD800  }
0x7a: {  	[spmem:s1] =	stream.indirect.scatter.add.f32 [tilespmem:s21], [sflag:$0x3], $0x80, s29, s20, $0xb8;
	[tilespmem:$0x1D000] =	vst v63  }
0x7b: {  	_ =	swait.ge [sflag:s18], $0x2800  }
0x7c: {  	[sflag:s18] =	ssyncset.done $0x0  }
0x7d: {  	[sflag:s18] =	ssyncadd.s32 $0xFFFFD800  }
0x7e: {  	[tilespmem:s21], [sflag:$0x2] =	stream.indirect.gather [hbm4b:s4+s20], $0x80, s24, s20, $0xb8;
	[tilespmem:$0x1D000] =	vst v63  }
0x7f: {  	_ =	swait.ge [sflag:s22], $0x2800  }
0x80: {  	[sflag:s22] =	ssyncset.done $0x0  }
0x81: {  	[sflag:s22] =	ssyncadd.s32 $0xFFFFD800  }
0x82: {  	[spmem:s1] =	stream.indirect.scatter.add.f32 [tilespmem:s17], [sflag:$0x3], $0x80, s25, s20, $0xb8;
	[tilespmem:$0x1D000] =	vst v63  }
0x83: {  	_ =	swait.ge [sflag:s18], $0x2800  }
0x84: {  	[sflag:s18] =	ssyncset.done $0x0  }
0x85: {  	[sflag:s18] =	ssyncadd.s32 $0xFFFFD800  }
0x86: {  	_ =	swait.ge [sflag:s23], $0x2800  }
0x87: {  	[sflag:s23] =	ssyncset.done $0x0  }
0x88: {  	[sflag:s23] =	ssyncadd.s32 $0xFFFFD800  }
0x89: {  	[spmem:s1] =	stream.indirect.scatter.add.f32 [tilespmem:s21], [sflag:$0x3], $0x80, s26, s20, $0xb8;
	[tilespmem:$0x1D000] =	vst v63  }
0x8a: {  	_ =	swait.ge [sflag:s18], $0x2800  }
0x8b: {  	s3 =	sadd.s32 $0x1, s3;
	s30 =	sshll.u32 s2, $0x6;
	[sflag:s18] =	ssyncset.done $0x0  }
0x8c: {  	p0 =	sne.s32 s3, s9;
	s0 =	sor.u32 $0x1C03, s30;
	[sflag:s18] =	ssyncadd.s32 $0xFFFFD800  }
.Ltmp2:
0x8d: {  	s31 =	sshrl.u32 s8, $0x3;
	[bflag:$0x0] =	sbarrier.arrive $0xFFFF;
	(pc) =	sbr.rel @p0 .LBB2_1-.Ltmp2, $4  }
0x8e: {  	[hbm:s7], [sflag:s0] =	dma.local [spmem:s31], $0x2800  }
0x8f: {  	_ =	swait.ge [sflag:s18], $0x2800  }
0x90: {  	[sflag:s18] =	ssyncset.done $0x0  }
0x91: {  	[sflag:s18] =	ssyncadd.s32 $0xFFFFD800  }
0x92: {  	_ =	sfence.sel $0x180000  }
0x93: {  	[bflag:$0x0] =	sbarrier.arrive $0xFFFF  }
0x94: {  	_ =	strace $0x90000050  }
0x95: {  	[bflag:$0x2] =	sbarrier.arrive $0xFFFF  }
0x96: {  	p0 =	sne.s32 s2, $0x0;
	s0 =	rddreg [dreg:$0x2]  }
0x97: {  	s0 =	sadd.s32 @!p0 $0x100000, s0  }
0x98: {  	[sflag:s0] =	ssyncadd.tile.s32 @!p0 $0x1;
	_ =	shalt  }
.Lfunc_end2:
_tile_overlayer_lowered:
.L_overlay_start_2:
0x99: {  	(tag) =	ssettag $0x2  }
0x9a: {  	s0 =	rddreg [dreg:$0x0];
	s2 =	stileid.u32  }
0x9b: {  	s1 =	rddreg [dreg:$0x1];
	p0 =	sne.s32 s2, $0x0  }
0x9c: {  	s3 =	rddreg [dreg:$0x2];
	[bflag:$0x3] =	sbarrier.arrive $0xFFFF;
	s2 =	simm.s32 @!p0 $0x1C03  }
0x9d: {  	[timem:s3], [sflag:s2] =	dma.local @!p0 [hbm:s0], s1  }
0x9e: {  	s0 =	simm.s32 @!p0 $0x3  }
0x9f: {  	_ =	swait.ge @!p0 [sflag:s0], s1  }
0xa0: {  	s1 =	ssub.s32 @!p0 $0x0, s1;
	[sflag:s0] =	ssyncset.done @!p0 $0x0  }
0xa1: {  	[sflag:s0] =	ssyncadd.s32 @!p0 s1  }
0xa2: {  	[bflag:$0x3] =	sbarrier.arrive $0xFFFF  }
0xa3: {  	_ =	shalt  }

// kernel: kernel.23.cloned.1.call-start
scs
__scs_entry_jumppad:
0x0: {  	(pc) =	sbr.rel $0x88, $3  }
0x1: {  	(tag) =	ssettag $0x0;
	lr =	simm.s32 $0x1  }
0x2: {  	[smem:$0x3F06] =	sst lr;
	_ =	strace $0xD0000000  }
0x3: {  	_ = 	snop  }
0x4: {  	_ = 	snop  }
0x5: {  	_ = 	snop  }
0x6: {  	_ = 	snop  }
0x7: {  	_ = 	snop  }
__scs_overlays_trampoline_lowered:
0x8: {  	[smem:$0x3F15] =	sst s0  }
0x9: {  	[smem:$0x3F16] =	sst s1  }
0xa: {  	[smem:$0x3F17] =	sst s2  }
0xb: {  	[smem:$0x3F18] =	sst s3  }
0xc: {  	[smem:$0x3F19] =	sst s4  }
0xd: {  	[smem:$0x3F1A] =	sst s5  }
0xe: {  	[smem:$0x3F1B] =	sst s6  }
0xf: {  	[smem:$0x3F1C] =	sst s7  }
0x10: {  	[smem:$0x3F1D] =	sst s8  }
0x11: {  	[smem:$0x3F1E] =	sst s9;
	s0 =	simm.s32 @!p0 $0x0  }
0x12: {  	s1 =	sld [smem:$0x3F04];
	s0 =	simm.s32 @p0 $0x1  }
0x13: {  	[smem:$0x3F1F] =	sst s0;
	s0 =	simm.s32 @!p1 $0x0  }
0x14: {  	s2 =	sld [smem:$0x3F03];
	s0 =	simm.s32 @p1 $0x1  }
0x15: {  	[smem:$0x3F20] =	sst s0;
	s0 =	simm.s32 @!p2 $0x0  }
0x16: {  	s3 =	sld [smem:$0x3FDB];
	s0 =	simm.s32 @p2 $0x1  }
0x17: {  	s4 =	simm.s32 $0x1BF5;
	[smem:$0x3F22] =	sst s0  }
0x18: {  	s0 =	sld [smem:$0x3F05];
	_ =	swait.ge [sflag:s4], $0x0  }
0x19: {  	s7 =	sld [smem:$0x3F06]  }
0x1a: {  	s8 =	sadd.s32 $0xFFFFE003, lr  }
0x1b: {  	s9 =	sadd.s32 $0xFFFFFEF7, lr;
	s5 =	simm.s32 $0xFFFFFFFF;
	p2 =	slt.u32 s8, $0xFFFFF086  }
0x1c: {  	p1 =	slt.u32 s9, $0xF7A;
	s5 =	simm.s32 @!p2 $0x0  }
0x1d: {  	s5 =	simm.s32 @p1 $0x1;
	p0 =	seq.s32 s7, s2  }
0x1e: {  	s7 =	smul.u32 @!p0 $0xF7A, s2;
	p2 =	seq.s32 @!p0 s5, $0x0  }
0x1f: {  	s9 =	smul.u32 $0xF7A, s1;
	s8 =	simm.s32 @!p0 $0x1BF5;
	p2 =	por !p2, p0  }
0x20: {  	[sflag:s8] =	ssyncset.s32 @!p0 $0xFFFFF086;
	s6 =	sadd.s32 @!p0 s3, s7;
	s7 =	simm.s32 @!p0 $0x108  }
0x21: {  	s3 =	sadd.s32 s3, s9;
	s6 =	sadd.s32 @!p0 $0x88, s6;
	s7 =	simm.s32 @p2 $0x1082  }
0x22: {  	[simem:s7], [sflag:s8] =	dma.local @!p0 [hbm:s6], $0xF7A  }
0x23: {  	s9 =	sor.u32 $0xD0000000, s2;
	s6 =	simm.s32 $0x108;
	_ =	swait.ge @!p0 [sflag:s8], $0x0  }
0x24: {  	s3 =	sadd.s32 $0x88, s3;
	s6 =	simm.s32 @!p1 $0x1082;
	[sflag:s4] =	ssyncset.s32 $0xFFFFF086  }
0x25: {  	[simem:s6], [sflag:s4] =	dma.local [hbm:s3], $0xF7A  }
0x26: {  	[smem:$0x3F06] =	sst s1;
	(tag) =	ssettag s2;
	_ =	strace s9  }
0x27: {  	s1 =	sld [smem:$0x3F16]  }
0x28: {  	s2 =	sld [smem:$0x3F17]  }
0x29: {  	s4 =	sld [smem:$0x3F19]  }
0x2a: {  	p0 =	seq.s32 s5, $0x0;
	s5 =	sld [smem:$0x3F1A]  }
0x2b: {  	s6 =	sld [smem:$0x3F1B]  }
0x2c: {  	s7 =	sld [smem:$0x3F1C]  }
0x2d: {  	s3 =	simm.s32 $0x108;
	s8 =	sld [smem:$0x3F1D]  }
0x2e: {  	s3 =	simm.s32 @!p0 $0x1082;
	s9 =	sld [smem:$0x3F1E]  }
0x2f: {  	lr =	sadd.s32 s0, s3;
	s0 =	sld [smem:$0x3F15]  }
0x30: {  	s3 =	sld [smem:$0x3F18]  }
0x31: {  	[smem:$0x3F21] =	sst s10  }
0x32: {  	s10 =	sld [smem:$0x3F1F];
	_ =	sdelay $0x3  }
0x33: {  	p0 =	seq.s32 s10, $0x1;
	s10 =	sld [smem:$0x3F21];
	_ =	sdelay $0x3  }
0x34: {  	[smem:$0x3F21] =	sst s10  }
0x35: {  	s10 =	sld [smem:$0x3F20];
	_ =	sdelay $0x3  }
0x36: {  	p1 =	seq.s32 s10, $0x1;
	s10 =	sld [smem:$0x3F21];
	_ =	sdelay $0x3  }
0x37: {  	[smem:$0x3F21] =	sst s10  }
0x38: {  	s10 =	sld [smem:$0x3F22]  }
0x39: {  	_ = 	snop;
	(pc) =	sbr.ind lr, $3  }
0x3a: {  	_ = 	snop  }
0x3b: {  	_ = 	snop  }
0x3c: {  	p2 =	seq.s32 s10, $0x1;
	s10 =	sld [smem:$0x3F21]  }
0x3d: {  	_ =	shalt  }
0x3e: {  	_ =	shalt  }
0x3f: {  	_ =	shalt  }
0x40: {  	_ =	shalt  }
0x41: {  	_ =	shalt  }
0x42: {  	_ =	shalt  }
0x43: {  	_ =	shalt  }
0x44: {  	_ =	shalt  }
0x45: {  	_ =	shalt  }
0x46: {  	_ =	shalt  }
0x47: {  	_ =	shalt  }
0x48: {  	_ =	shalt  }
0x49: {  	_ =	shalt  }
0x4a: {  	_ =	shalt  }
0x4b: {  	_ =	shalt  }
0x4c: {  	_ =	shalt  }
0x4d: {  	_ =	shalt  }
0x4e: {  	_ =	shalt  }
0x4f: {  	_ =	shalt  }
0x50: {  	_ =	shalt  }
0x51: {  	_ =	shalt  }
0x52: {  	_ =	shalt  }
0x53: {  	_ =	shalt  }
0x54: {  	_ =	shalt  }
0x55: {  	_ =	shalt  }
0x56: {  	_ =	shalt  }
0x57: {  	_ =	shalt  }
0x58: {  	_ =	shalt  }
0x59: {  	_ =	shalt  }
0x5a: {  	_ =	shalt  }
0x5b: {  	_ =	shalt  }
0x5c: {  	_ =	shalt  }
0x5d: {  	_ =	shalt  }
0x5e: {  	_ =	shalt  }
0x5f: {  	_ =	shalt  }
0x60: {  	_ =	shalt  }
0x61: {  	_ =	shalt  }
0x62: {  	_ =	shalt  }
0x63: {  	_ =	shalt  }
0x64: {  	_ =	shalt  }
0x65: {  	_ =	shalt  }
0x66: {  	_ =	shalt  }
0x67: {  	_ =	shalt  }
0x68: {  	_ =	shalt  }
0x69: {  	_ =	shalt  }
0x6a: {  	_ =	shalt  }
0x6b: {  	_ =	shalt  }
0x6c: {  	_ =	shalt  }
0x6d: {  	_ =	shalt  }
0x6e: {  	_ =	shalt  }
0x6f: {  	_ =	shalt  }
0x70: {  	_ =	shalt  }
0x71: {  	_ =	shalt  }
0x72: {  	_ =	shalt  }
0x73: {  	_ =	shalt  }
0x74: {  	_ =	shalt  }
0x75: {  	_ =	shalt  }
0x76: {  	_ =	shalt  }
0x77: {  	_ =	shalt  }
0x78: {  	_ =	shalt  }
0x79: {  	_ =	shalt  }
0x7a: {  	_ =	shalt  }
0x7b: {  	_ =	shalt  }
0x7c: {  	_ =	shalt  }
0x7d: {  	_ =	shalt  }
0x7e: {  	_ =	shalt  }
0x7f: {  	_ =	shalt  }
0x80: {  	_ =	shalt  }
0x81: {  	_ =	shalt  }
0x82: {  	_ =	shalt  }
0x83: {  	_ =	shalt  }
0x84: {  	_ =	shalt  }
0x85: {  	_ =	shalt  }
0x86: {  	_ =	shalt  }
0x87: {  	_ =	shalt  }
.Lfunc_end0:
.L_simem_size_0:
called_computation.2_lowered:
.L_overlay_start_0:
0x88: {  	s2 =	sld [smem:$0x3FD9]  }
0x89: {  	s3 =	sld [smem:$0x3FFE];
	_ =	sdelay $0x1  }
0x8a: {  	s1 =	srdreg.scid  }
0x8b: {  	s0 =	sand.u32 $0x1, s1  }
0x8c: {  	s16 =	sshll.u32 s0, $0xA;
	s2 =	sadd.s32 s3, s2  }
0x8d: {  	s2 =	sadd.s32 s2, s16  }
0x8e: {  	[smem:$0x3F2D] =	sst s2  }
0x8f: {  	_ = 	snop  }
0x90: {  	(tm) =	ssettm $0x1  }
0x91: {  	s17 =	sld [smem:$0x3FFB];
	_ =	sdelay $0x3  }
0x92: {  	_ =	strace s17  }
0x93: {  	s2 =	sld [smem:$0x3FFC];
	_ =	sdelay $0x3  }
0x94: {  	_ =	strace s2  }
0x95: {  	s2 =	sld [smem:$0x3FFD];
	_ =	sdelay $0x3  }
0x96: {  	_ =	strace s2  }
0x97: {  	_ =	strace $0x8FFFFFFF  }
0x98: {  	s18 =	sld [smem:$0x3FDB];
	_ =	sdelay $0x1  }
0x99: {  	s19 =	simm.s32 $_scs_section_size  }
0x9a: {  	s4 =	simm.s32 $_size__tile_overlayer_lowered;
	s5 =	simm.s32 $_tile_overlayer_lowered  }
0x9b: {  	s22 =	simm.s32 $0x1BFF;
	s21 =	sshll.u32 s5, $0x1;
	s2 =	sadd.s32 s19, s18  }
0x9c: {  	s6 =	simm.s32 $0x0;
	s20 =	sshll.u32 s4, $0x1;
	s4 =	sadd.s32 s21, s2  }
0x9d: {  	[timem:s6], [sflag:s22] =	dma.local [hbm:s4], s20  }
0x9e: {  	_ =	swait.ge [sflag:s22], s20  }
0x9f: {  	s3 =	ssub.s32 $0x0, s20;
	[sflag:s22] =	ssyncset.done $0x0  }
0xa0: {  	[sflag:s22] =	ssyncadd.s32 s3;
	_ =	sdelay $0x1  }
0xa1: {  	s23 =	simm.s32 $0x1B8B  }
0xa2: {  	_ =	swait.ge [sflag:s23], $0x1  }
0xa3: {  	[sflag:s23] =	ssyncset.done $0x0  }
0xa4: {  	s25 =	simm.s32 $0x1B8E;
	s24 =	sld [smem:$0x3FFE];
	[sflag:s23] =	ssyncadd.s32 $0xFFFFFFFF  }
0xa5: {  	s26 =	simm.s32 $execute0_lowered;
	[smem:$0x3FD2] =	sst s25  }
0xa6: {  	s4 =	sshll.u32 s26, $0x1;
	_ =	strace $0x80000046;
	[dreg:$0x1] =	wrdreg $0xFFFFFFFF  }
0xa7: {  	s28 =	simm.s32 $_size_execute0_lowered;
	s2 =	sadd.s32 s2, s4;
	[dreg:$0x0] =	wrdreg $0x0  }
0xa8: {  	s4 =	sshll.u32 s28, $0x1;
	[dreg:$0x2] =	wrdreg s2  }
0xa9: {  	[dreg:$0x3] =	wrdreg s4  }
0xaa: {  	[dreg:$0x4] =	wrdreg $0xC0  }
0xab: {  	_ =	task [dreg:s6], $0x5FFFF  }
0xac: {  	[dreg:$0x1] =	wrdreg $0xFFFFFFFF  }
0xad: {  	[dreg:$0x0] =	wrdreg $0x60  }
0xae: {  	[dreg:$0x2] =	wrdreg s24  }
0xaf: {  	[dreg:$0x3] =	wrdreg $0x90000  }
0xb0: {  	[dreg:$0x4] =	wrdreg $0xB  }
0xb1: {  	_ =	task.clear_ibuf [dreg:s6], $0x5FFFF;
	_ =	strace $0x90000046  }
0xb2: {  	s29 =	simm.s32 $0xB;
	_ =	strace $0x80000048  }
0xb3: {  	_ =	swait.ge [sflag:s29], $0x1  }
0xb4: {  	[sflag:s29] =	ssyncadd.s32 $0xFFFFFFFF  }
0xb5: {  	_ =	strace $0x90000048  }
0xb6: {  	_ =	sfence  }
0xb7: {  	s30 =	sld [smem:$0x0];
	_ =	sdelay $0x2  }
0xb8: {  	s31 =	sshll.u32 s1, $0xD;
	s1 =	sshrl.u32 s1, $0x2  }
0xb9: {  	s3 =	sand.u32 $0x4000, s31;
	s1 =	sadd.s32 s1, s30  }
0xba: {  	s0 =	sor.u32 s3, s0;
	s1 =	sshll.u32 s1, $0x11  }
0xbb: {  	s0 =	sor.u32 s1, s0  }
0xbc: {  	s0 =	sadd.s32 $0x8F2B, s0  }
0xbd: {  	[sflag:s0] =	ssyncadd.remote.s32 $0x1  }
0xbe: {  	_ =	sfence.sel $0xFFFF  }
0xbf: {  	[dreg:$0x0] =	wrdreg $0xFFFFFFFF;
	(pc) =	sbr.abs _section_cstart, $3  }
0xc0: {  	[dreg:$0x1] =	wrdreg $0xFFFFFFFF  }
0xc1: {  	_ =	task.clear_ibuf [dreg:s6], $0x2FFFF;
	_ =	strace $0x9FFFFFFF  }
0xc2: {  	(tm) =	ssettm $0x7FFFFFFF  }
0xc3: {  	_ =	shalt  }
tec
execute0_lowered:
.L_overlay_start_1:
0x0: {  	(tag) =	ssettag $0x1  }
0x1: {  	s5 =	rddreg [dreg:$0x0]  }
0x2: {  	s1 =	rddreg [dreg:$0x1];
	s2 =	srdreg.scid  }
0x3: {  	s3 =	simm.s32 $0x0;
	s17 =	simm.s32 $0x4000;
	s18 =	simm.s32 $0x3  }
0x4: {  	s19 =	simm.s32 $0x2000;
	s20 =	simm.s32 $0x50;
	s21 =	simm.s32 $0x6800  }
0x5: {  	s22 =	simm.s32 $0x1;
	s23 =	simm.s32 $0x2;
	s24 =	simm.s32 $0x1F80  }
0x6: {  	s25 =	simm.s32 $0x3F00;
	s6 =	sand.u32 $0x1, s2;
	s2 =	stileid.u32  }
0x7: {  	s26 =	simm.s32 $0x3F80;
	[smem:$0x7FF] =	sst s3;
	s7 =	smul.u32 $0x140000, s6  }
0x8: {  	s4 =	sadd.s32 $0x24C00, s5;
	s8 =	smul.u32 $0x14000, s2;
	_ =	strace $0x80000047  }
0x9: {  	s9 =	sshll.u32 s2, $0xB;
	s10 =	sshll.u32 s6, $0xA;
	s6 =	ssub.s32 $0x2, s6  }
0xa: {  	s29 =	smul.u32 $0x50000, s2;
	s9 =	sor.u32 s10, s9;
	s30 =	sshrl.u32 s6, $0x1  }
0xb: {  	s7 =	sadd.s32 s8, s7;
	s9 =	sadd.s32 s9, s5;
	s31 =	ssub.s32 s6, s30  }
0xc: {  	s8 =	sshrl.u32 s29, $0x2;
	s7 =	sshrl.u32 s7, $0x3;
	s6 =	sadd.s32 $0x1CC00, s9  }
0xd: {  	s8 =	sadd.s32 s8, s1;
	s7 =	sadd.s32 s7, s5;
	s5 =	sadd.s32 $0x14C00, s9  }
0xe: {  	s9 =	smax.u32 s31, $0x1;
	s10 =	sadd.s32 $0x2800, s8;
	s11 =	sadd.s32 $0x5000, s8  }
0xf: {  	s12 =	sadd.s32 $0x7800, s8;
	s13 =	sadd.s32 $0xA000, s8;
	s14 =	sadd.s32 $0xC800, s8  }
0x10: {  	v0 =	vimm.f32 $0.0e+00;
	s15 =	sadd.s32 $0xF000, s8;
	s16 =	sadd.s32 $0x11800, s8;
	s7 =	sadd.s32 $0xC1400, s7  }
.LBB2_1:
0x11: {  	s28 =	simm.s32 $0x70;
	s29 =	simm.s32 $0x3C0  }
.LBB2_2:
0x12: {  	p0 =	sne.s32 s29, $0x9FC0;
	[tilespmem:s28+$0x4000] =	vst v0  }
0x13: {  	[tilespmem:s28+$0x3F90] =	vst v0  }
0x14: {  	[tilespmem:s28+$0x3FA0] =	vst v0  }
.Ltmp0:
0x15: {  	[tilespmem:s28+$0x3FB0] =	vst v0;
	(pc) =	sbr.rel @p0 .LBB2_2-.Ltmp0, $4  }
0x16: {  	[tilespmem:s28+$0x3FC0] =	vst v0  }
0x17: {  	[tilespmem:s28+$0x3FD0] =	vst v0  }
0x18: {  	[tilespmem:s28+$0x3FE0] =	vst v0  }
0x19: {  	[tilespmem:s28+$0x3FF0] =	vst v0;
	s28 =	sshra.s32 s29, $0x2;
	s29 =	sadd.s32 $0x200, s29  }
0x1a: {  	[tilespmem:s28+$0x4000] =	vst v0  }
0x1b: {  	[tilespmem:s28+$0x3F90] =	vst v0  }
0x1c: {  	[tilespmem:s28+$0x3FA0] =	vst v0  }
0x1d: {  	[tilespmem:s28+$0x3FB0] =	vst v0  }
0x1e: {  	[tilespmem:s28+$0x3FC0] =	vst v0  }
0x1f: {  	[tilespmem:s28+$0x3FD0] =	vst v0  }
0x20: {  	[tilespmem:s28+$0x3FE0] =	vst v0  }
0x21: {  	[tilespmem:s28+$0x3FF0] =	vst v0  }
0x22: {  	[spmem:s8] =	stream.linear.scatter [tilespmem:s17], [sflag:$0x3], $0x2800, $0x38;
	[tilespmem:$0x1D000] =	vst v63  }
0x23: {  	_ =	swait.ge [sflag:s18], $0x2800  }
0x24: {  	[sflag:s18] =	ssyncset.done $0x0  }
0x25: {  	[sflag:s18] =	ssyncadd.s32 $0xFFFFD800  }
0x26: {  	[spmem:s10] =	stream.linear.scatter [tilespmem:s17], [sflag:$0x3], $0x2800, $0x38;
	[tilespmem:$0x1D000] =	vst v63  }
0x27: {  	_ =	swait.ge [sflag:s18], $0x2800  }
0x28: {  	[sflag:s18] =	ssyncset.done $0x0  }
0x29: {  	[sflag:s18] =	ssyncadd.s32 $0xFFFFD800  }
0x2a: {  	[spmem:s11] =	stream.linear.scatter [tilespmem:s17], [sflag:$0x3], $0x2800, $0x38;
	[tilespmem:$0x1D000] =	vst v63  }
0x2b: {  	_ =	swait.ge [sflag:s18], $0x2800  }
0x2c: {  	[sflag:s18] =	ssyncset.done $0x0  }
0x2d: {  	[sflag:s18] =	ssyncadd.s32 $0xFFFFD800  }
0x2e: {  	[spmem:s12] =	stream.linear.scatter [tilespmem:s17], [sflag:$0x3], $0x2800, $0x38;
	[tilespmem:$0x1D000] =	vst v63  }
0x2f: {  	_ =	swait.ge [sflag:s18], $0x2800  }
0x30: {  	[sflag:s18] =	ssyncset.done $0x0  }
0x31: {  	[sflag:s18] =	ssyncadd.s32 $0xFFFFD800  }
0x32: {  	[spmem:s13] =	stream.linear.scatter [tilespmem:s17], [sflag:$0x3], $0x2800, $0x38;
	[tilespmem:$0x1D000] =	vst v63  }
0x33: {  	_ =	swait.ge [sflag:s18], $0x2800  }
0x34: {  	[sflag:s18] =	ssyncset.done $0x0  }
0x35: {  	[sflag:s18] =	ssyncadd.s32 $0xFFFFD800  }
0x36: {  	[spmem:s14] =	stream.linear.scatter [tilespmem:s17], [sflag:$0x3], $0x2800, $0x38;
	[tilespmem:$0x1D000] =	vst v63  }
0x37: {  	_ =	swait.ge [sflag:s18], $0x2800  }
0x38: {  	[sflag:s18] =	ssyncset.done $0x0  }
0x39: {  	[sflag:s18] =	ssyncadd.s32 $0xFFFFD800  }
0x3a: {  	[spmem:s15] =	stream.linear.scatter [tilespmem:s17], [sflag:$0x3], $0x2800, $0x38;
	[tilespmem:$0x1D000] =	vst v63  }
0x3b: {  	_ =	swait.ge [sflag:s18], $0x2800  }
0x3c: {  	[sflag:s18] =	ssyncset.done $0x0  }
0x3d: {  	[sflag:s18] =	ssyncadd.s32 $0xFFFFD800  }
0x3e: {  	[spmem:s16] =	stream.linear.scatter [tilespmem:s17], [sflag:$0x3], $0x2800, $0x38;
	[tilespmem:$0x1D000] =	vst v63  }
0x3f: {  	_ =	swait.ge [sflag:s18], $0x2800  }
0x40: {  	[sflag:s18] =	ssyncset.done $0x0  }
0x41: {  	s28 =	simm.s32 $0x0;
	[sflag:s18] =	ssyncadd.s32 $0xFFFFD800  }
0x42: {  	[tilespmem:s28], [sflag:$0x3] =	stream.linear.gather [hbm4b:s5+s28], $0x2000, $0x38;
	[tilespmem:$0x1D000] =	vst v63  }
0x43: {  	_ =	swait.ge [sflag:s18], $0x2000  }
0x44: {  	[sflag:s18] =	ssyncset.done $0x0  }
0x45: {  	[sflag:s18] =	ssyncadd.s32 $0xFFFFE000  }
0x46: {  	[tilespmem:s19], [sflag:$0x3] =	stream.linear.gather [hbm4b:s6+s28], $0x2000, $0x38;
	[tilespmem:$0x1D000] =	vst v63  }
0x47: {  	_ =	swait.ge [sflag:s18], $0x2000  }
0x48: {  	[sflag:s18] =	ssyncset.done $0x0  }
0x49: {  	[sflag:s18] =	ssyncadd.s32 $0xFFFFE000  }
0x4a: {  	[bflag:$0x0] =	sbarrier.arrive $0xFFFF  }
0x4b: {  	[tilespmem:s17], [sflag:$0x1] =	stream.indirect.gather [hbm4b:s4+s20], $0x80, s28, s20, $0xb8;
	[tilespmem:$0x1D000] =	vst v63  }
0x4c: {  	s28 =	simm.s32 $0x80  }
0x4d: {  	[tilespmem:s21], [sflag:$0x2] =	stream.indirect.gather [hbm4b:s4+s20], $0x80, s28, s20, $0xb8;
	[tilespmem:$0x1D000] =	vst v63  }
0x4e: {  	_ =	swait.ge [sflag:s22], $0x2800  }
0x4f: {  	[sflag:s22] =	ssyncset.done $0x0  }
0x50: {  	s28 =	simm.s32 $0x2000;
	[sflag:s22] =	ssyncadd.s32 $0xFFFFD800  }
0x51: {  	[spmem:s1] =	stream.indirect.scatter.add.f32 [tilespmem:s17], [sflag:$0x3], $0x80, s28, s20, $0xb8;
	[tilespmem:$0x1D000] =	vst v63  }
0x52: {  	_ =	swait.ge [sflag:s18], $0x2800  }
0x53: {  	[sflag:s18] =	ssyncset.done $0x0  }
0x54: {  	s28 =	simm.s32 $0x100;
	[sflag:s18] =	ssyncadd.s32 $0xFFFFD800  }
0x55: {  	[tilespmem:s17], [sflag:$0x1] =	stream.indirect.gather [hbm4b:s4+s20], $0x80, s28, s20, $0xb8;
	[tilespmem:$0x1D000] =	vst v63  }
0x56: {  	_ =	swait.ge [sflag:s23], $0x2800  }
0x57: {  	[sflag:s23] =	ssyncset.done $0x0  }
0x58: {  	s28 =	simm.s32 $0x2080;
	[sflag:s23] =	ssyncadd.s32 $0xFFFFD800  }
0x59: {  	[spmem:s1] =	stream.indirect.scatter.add.f32 [tilespmem:s21], [sflag:$0x3], $0x80, s28, s20, $0xb8;
	[tilespmem:$0x1D000] =	vst v63  }
0x5a: {  	_ =	swait.ge [sflag:s18], $0x2800  }
0x5b: {  	s29 =	simm.s32 $0x800;
	s28 =	simm.s32 $0x100;
	[sflag:s18] =	ssyncset.done $0x0  }
.LBB2_4:
0x5c: {  	s30 =	sadd.s32 $0x80, s28  }
0x5d: {  	[sflag:s18] =	ssyncadd.s32 $0xFFFFD800;
	s31 =	smov.u32 s29;
	s0 =	sadd.s32 $0x400, s29  }
0x5e: {  	[tilespmem:s21], [sflag:$0x2] =	stream.indirect.gather [hbm4b:s4+s20], $0x80, s30, s20, $0xb8;
	[tilespmem:$0x1D000] =	vst v63  }
0x5f: {  	p0 =	sne.s32 s29, $0x7800;
	_ =	swait.ge [sflag:s22], $0x2800  }
0x60: {  	[sflag:s22] =	ssyncset.done $0x0  }
0x61: {  	s29 =	sadd.s32 $0x2000, s28;
	[sflag:s22] =	ssyncadd.s32 $0xFFFFD800  }
0x62: {  	[spmem:s1] =	stream.indirect.scatter.add.f32 [tilespmem:s17], [sflag:$0x3], $0x80, s29, s20, $0xb8;
	[tilespmem:$0x1D000] =	vst v63  }
0x63: {  	_ =	swait.ge [sflag:s18], $0x2800  }
0x64: {  	[sflag:s18] =	ssyncset.done $0x0  }
0x65: {  	s29 =	sadd.s32 $0x100, s28;
	[sflag:s18] =	ssyncadd.s32 $0xFFFFD800  }
0x66: {  	[tilespmem:s17], [sflag:$0x1] =	stream.indirect.gather [hbm4b:s4+s20], $0x80, s29, s20, $0xb8;
	[tilespmem:$0x1D000] =	vst v63  }
0x67: {  	_ =	swait.ge [sflag:s23], $0x2800  }
.Ltmp1:
0x68: {  	[sflag:s23] =	ssyncset.done $0x0;
	(pc) =	sbr.rel @p0 .LBB2_4-.Ltmp1, $4  }
0x69: {  	s28 =	sadd.s32 $0x2080, s28;
	[sflag:s23] =	ssyncadd.s32 $0xFFFFD800  }
0x6a: {  	[spmem:s1] =	stream.indirect.scatter.add.f32 [tilespmem:s21], [sflag:$0x3], $0x80, s28, s20, $0xb8;
	[tilespmem:$0x1D000] =	vst v63  }
0x6b: {  	_ =	swait.ge [sflag:s18], $0x2800  }
0x6c: {  	s29 =	smov.u32 s0;
	s28 =	sshra.s32 s31, $0x2;
	[sflag:s18] =	ssyncset.done $0x0  }
0x6d: {  	s0 =	sadd.s32 $0x80, s28;
	[sflag:s18] =	ssyncadd.s32 $0xFFFFD800  }
0x6e: {  	[tilespmem:s21], [sflag:$0x2] =	stream.indirect.gather [hbm4b:s4+s20], $0x80, s0, s20, $0xb8;
	[tilespmem:$0x1D000] =	vst v63  }
0x6f: {  	_ =	swait.ge [sflag:s22], $0x2800  }
0x70: {  	[sflag:s22] =	ssyncset.done $0x0  }
0x71: {  	s30 =	sadd.s32 $0x2000, s28;
	[sflag:s22] =	ssyncadd.s32 $0xFFFFD800  }
0x72: {  	[spmem:s1] =	stream.indirect.scatter.add.f32 [tilespmem:s17], [sflag:$0x3], $0x80, s30, s20, $0xb8;
	[tilespmem:$0x1D000] =	vst v63  }
0x73: {  	_ =	swait.ge [sflag:s18], $0x2800  }
0x74: {  	[sflag:s18] =	ssyncset.done $0x0  }
0x75: {  	s31 =	sadd.s32 $0x100, s28;
	[sflag:s18] =	ssyncadd.s32 $0xFFFFD800  }
0x76: {  	[tilespmem:s17], [sflag:$0x1] =	stream.indirect.gather [hbm4b:s4+s20], $0x80, s31, s20, $0xb8;
	[tilespmem:$0x1D000] =	vst v63  }
0x77: {  	_ =	swait.ge [sflag:s23], $0x2800  }
0x78: {  	[sflag:s23] =	ssyncset.done $0x0  }
0x79: {  	s29 =	sadd.s32 $0x2080, s28;
	[sflag:s23] =	ssyncadd.s32 $0xFFFFD800  }
0x7a: {  	[spmem:s1] =	stream.indirect.scatter.add.f32 [tilespmem:s21], [sflag:$0x3], $0x80, s29, s20, $0xb8;
	[tilespmem:$0x1D000] =	vst v63  }
0x7b: {  	_ =	swait.ge [sflag:s18], $0x2800  }
0x7c: {  	[sflag:s18] =	ssyncset.done $0x0  }
0x7d: {  	[sflag:s18] =	ssyncadd.s32 $0xFFFFD800  }
0x7e: {  	[tilespmem:s21], [sflag:$0x2] =	stream.indirect.gather [hbm4b:s4+s20], $0x80, s24, s20, $0xb8;
	[tilespmem:$0x1D000] =	vst v63  }
0x7f: {  	_ =	swait.ge [sflag:s22], $0x2800  }
0x80: {  	[sflag:s22] =	ssyncset.done $0x0  }
0x81: {  	[sflag:s22] =	ssyncadd.s32 $0xFFFFD800  }
0x82: {  	[spmem:s1] =	stream.indirect.scatter.add.f32 [tilespmem:s17], [sflag:$0x3], $0x80, s25, s20, $0xb8;
	[tilespmem:$0x1D000] =	vst v63  }
0x83: {  	_ =	swait.ge [sflag:s18], $0x2800  }
0x84: {  	[sflag:s18] =	ssyncset.done $0x0  }
0x85: {  	[sflag:s18] =	ssyncadd.s32 $0xFFFFD800  }
0x86: {  	_ =	swait.ge [sflag:s23], $0x2800  }
0x87: {  	[sflag:s23] =	ssyncset.done $0x0  }
0x88: {  	[sflag:s23] =	ssyncadd.s32 $0xFFFFD800  }
0x89: {  	[spmem:s1] =	stream.indirect.scatter.add.f32 [tilespmem:s21], [sflag:$0x3], $0x80, s26, s20, $0xb8;
	[tilespmem:$0x1D000] =	vst v63  }
0x8a: {  	_ =	swait.ge [sflag:s18], $0x2800  }
0x8b: {  	s3 =	sadd.s32 $0x1, s3;
	s30 =	sshll.u32 s2, $0x6;
	[sflag:s18] =	ssyncset.done $0x0  }
0x8c: {  	p0 =	sne.s32 s3, s9;
	s0 =	sor.u32 $0x1C03, s30;
	[sflag:s18] =	ssyncadd.s32 $0xFFFFD800  }
.Ltmp2:
0x8d: {  	s31 =	sshrl.u32 s8, $0x3;
	[bflag:$0x0] =	sbarrier.arrive $0xFFFF;
	(pc) =	sbr.rel @p0 .LBB2_1-.Ltmp2, $4  }
0x8e: {  	[hbm:s7], [sflag:s0] =	dma.local [spmem:s31], $0x2800  }
0x8f: {  	_ =	swait.ge [sflag:s18], $0x2800  }
0x90: {  	[sflag:s18] =	ssyncset.done $0x0  }
0x91: {  	[sflag:s18] =	ssyncadd.s32 $0xFFFFD800  }
0x92: {  	_ =	sfence.sel $0x180000  }
0x93: {  	[bflag:$0x0] =	sbarrier.arrive $0xFFFF  }
0x94: {  	_ =	strace $0x90000047  }
0x95: {  	[bflag:$0x2] =	sbarrier.arrive $0xFFFF  }
0x96: {  	p0 =	sne.s32 s2, $0x0;
	s0 =	rddreg [dreg:$0x2]  }
0x97: {  	s0 =	sadd.s32 @!p0 $0x100000, s0  }
0x98: {  	[sflag:s0] =	ssyncadd.tile.s32 @!p0 $0x1;
	_ =	shalt  }
.Lfunc_end2:
_tile_overlayer_lowered:
.L_overlay_start_2:
0x99: {  	(tag) =	ssettag $0x2  }
0x9a: {  	s0 =	rddreg [dreg:$0x0];
	s2 =	stileid.u32  }
0x9b: {  	s1 =	rddreg [dreg:$0x1];
	p0 =	sne.s32 s2, $0x0  }
0x9c: {  	s3 =	rddreg [dreg:$0x2];
	[bflag:$0x3] =	sbarrier.arrive $0xFFFF;
	s2 =	simm.s32 @!p0 $0x1C03  }
0x9d: {  	[timem:s3], [sflag:s2] =	dma.local @!p0 [hbm:s0], s1  }
0x9e: {  	s0 =	simm.s32 @!p0 $0x3  }
0x9f: {  	_ =	swait.ge @!p0 [sflag:s0], s1  }
0xa0: {  	s1 =	ssub.s32 @!p0 $0x0, s1;
	[sflag:s0] =	ssyncset.done @!p0 $0x0  }
0xa1: {  	[sflag:s0] =	ssyncadd.s32 @!p0 s1  }
0xa2: {  	[bflag:$0x3] =	sbarrier.arrive $0xFFFF  }
0xa3: {  	_ =	shalt  }

// kernel: kernel.26.cloned.1.call-start
scs
__scs_entry_jumppad:
0x0: {  	(pc) =	sbr.rel $0x88, $3  }
0x1: {  	(tag) =	ssettag $0x0;
	lr =	simm.s32 $0x1  }
0x2: {  	[smem:$0x3F06] =	sst lr;
	_ =	strace $0xD0000000  }
0x3: {  	_ = 	snop  }
0x4: {  	_ = 	snop  }
0x5: {  	_ = 	snop  }
0x6: {  	_ = 	snop  }
0x7: {  	_ = 	snop  }
__scs_overlays_trampoline_lowered:
0x8: {  	[smem:$0x3F15] =	sst s0  }
0x9: {  	[smem:$0x3F16] =	sst s1  }
0xa: {  	[smem:$0x3F17] =	sst s2  }
0xb: {  	[smem:$0x3F18] =	sst s3  }
0xc: {  	[smem:$0x3F19] =	sst s4  }
0xd: {  	[smem:$0x3F1A] =	sst s5  }
0xe: {  	[smem:$0x3F1B] =	sst s6  }
0xf: {  	[smem:$0x3F1C] =	sst s7  }
0x10: {  	[smem:$0x3F1D] =	sst s8  }
0x11: {  	[smem:$0x3F1E] =	sst s9;
	s0 =	simm.s32 @!p0 $0x0  }
0x12: {  	s1 =	sld [smem:$0x3F04];
	s0 =	simm.s32 @p0 $0x1  }
0x13: {  	[smem:$0x3F1F] =	sst s0;
	s0 =	simm.s32 @!p1 $0x0  }
0x14: {  	s2 =	sld [smem:$0x3F03];
	s0 =	simm.s32 @p1 $0x1  }
0x15: {  	[smem:$0x3F20] =	sst s0;
	s0 =	simm.s32 @!p2 $0x0  }
0x16: {  	s3 =	sld [smem:$0x3FDB];
	s0 =	simm.s32 @p2 $0x1  }
0x17: {  	s4 =	simm.s32 $0x1BF5;
	[smem:$0x3F22] =	sst s0  }
0x18: {  	s0 =	sld [smem:$0x3F05];
	_ =	swait.ge [sflag:s4], $0x0  }
0x19: {  	s7 =	sld [smem:$0x3F06]  }
0x1a: {  	s8 =	sadd.s32 $0xFFFFE003, lr  }
0x1b: {  	s9 =	sadd.s32 $0xFFFFFEF7, lr;
	s5 =	simm.s32 $0xFFFFFFFF;
	p2 =	slt.u32 s8, $0xFFFFF086  }
0x1c: {  	p1 =	slt.u32 s9, $0xF7A;
	s5 =	simm.s32 @!p2 $0x0  }
0x1d: {  	s5 =	simm.s32 @p1 $0x1;
	p0 =	seq.s32 s7, s2  }
0x1e: {  	s7 =	smul.u32 @!p0 $0xF7A, s2;
	p2 =	seq.s32 @!p0 s5, $0x0  }
0x1f: {  	s9 =	smul.u32 $0xF7A, s1;
	s8 =	simm.s32 @!p0 $0x1BF5;
	p2 =	por !p2, p0  }
0x20: {  	[sflag:s8] =	ssyncset.s32 @!p0 $0xFFFFF086;
	s6 =	sadd.s32 @!p0 s3, s7;
	s7 =	simm.s32 @!p0 $0x108  }
0x21: {  	s3 =	sadd.s32 s3, s9;
	s6 =	sadd.s32 @!p0 $0x88, s6;
	s7 =	simm.s32 @p2 $0x1082  }
0x22: {  	[simem:s7], [sflag:s8] =	dma.local @!p0 [hbm:s6], $0xF7A  }
0x23: {  	s9 =	sor.u32 $0xD0000000, s2;
	s6 =	simm.s32 $0x108;
	_ =	swait.ge @!p0 [sflag:s8], $0x0  }
0x24: {  	s3 =	sadd.s32 $0x88, s3;
	s6 =	simm.s32 @!p1 $0x1082;
	[sflag:s4] =	ssyncset.s32 $0xFFFFF086  }
0x25: {  	[simem:s6], [sflag:s4] =	dma.local [hbm:s3], $0xF7A  }
0x26: {  	[smem:$0x3F06] =	sst s1;
	(tag) =	ssettag s2;
	_ =	strace s9  }
0x27: {  	s1 =	sld [smem:$0x3F16]  }
0x28: {  	s2 =	sld [smem:$0x3F17]  }
0x29: {  	s4 =	sld [smem:$0x3F19]  }
0x2a: {  	p0 =	seq.s32 s5, $0x0;
	s5 =	sld [smem:$0x3F1A]  }
0x2b: {  	s6 =	sld [smem:$0x3F1B]  }
0x2c: {  	s7 =	sld [smem:$0x3F1C]  }
0x2d: {  	s3 =	simm.s32 $0x108;
	s8 =	sld [smem:$0x3F1D]  }
0x2e: {  	s3 =	simm.s32 @!p0 $0x1082;
	s9 =	sld [smem:$0x3F1E]  }
0x2f: {  	lr =	sadd.s32 s0, s3;
	s0 =	sld [smem:$0x3F15]  }
0x30: {  	s3 =	sld [smem:$0x3F18]  }
0x31: {  	[smem:$0x3F21] =	sst s10  }
0x32: {  	s10 =	sld [smem:$0x3F1F];
	_ =	sdelay $0x3  }
0x33: {  	p0 =	seq.s32 s10, $0x1;
	s10 =	sld [smem:$0x3F21];
	_ =	sdelay $0x3  }
0x34: {  	[smem:$0x3F21] =	sst s10  }
0x35: {  	s10 =	sld [smem:$0x3F20];
	_ =	sdelay $0x3  }
0x36: {  	p1 =	seq.s32 s10, $0x1;
	s10 =	sld [smem:$0x3F21];
	_ =	sdelay $0x3  }
0x37: {  	[smem:$0x3F21] =	sst s10  }
0x38: {  	s10 =	sld [smem:$0x3F22]  }
0x39: {  	_ = 	snop;
	(pc) =	sbr.ind lr, $3  }
0x3a: {  	_ = 	snop  }
0x3b: {  	_ = 	snop  }
0x3c: {  	p2 =	seq.s32 s10, $0x1;
	s10 =	sld [smem:$0x3F21]  }
0x3d: {  	_ =	shalt  }
0x3e: {  	_ =	shalt  }
0x3f: {  	_ =	shalt  }
0x40: {  	_ =	shalt  }
0x41: {  	_ =	shalt  }
0x42: {  	_ =	shalt  }
0x43: {  	_ =	shalt  }
0x44: {  	_ =	shalt  }
0x45: {  	_ =	shalt  }
0x46: {  	_ =	shalt  }
0x47: {  	_ =	shalt  }
0x48: {  	_ =	shalt  }
0x49: {  	_ =	shalt  }
0x4a: {  	_ =	shalt  }
0x4b: {  	_ =	shalt  }
0x4c: {  	_ =	shalt  }
0x4d: {  	_ =	shalt  }
0x4e: {  	_ =	shalt  }
0x4f: {  	_ =	shalt  }
0x50: {  	_ =	shalt  }
0x51: {  	_ =	shalt  }
0x52: {  	_ =	shalt  }
0x53: {  	_ =	shalt  }
0x54: {  	_ =	shalt  }
0x55: {  	_ =	shalt  }
0x56: {  	_ =	shalt  }
0x57: {  	_ =	shalt  }
0x58: {  	_ =	shalt  }
0x59: {  	_ =	shalt  }
0x5a: {  	_ =	shalt  }
0x5b: {  	_ =	shalt  }
0x5c: {  	_ =	shalt  }
0x5d: {  	_ =	shalt  }
0x5e: {  	_ =	shalt  }
0x5f: {  	_ =	shalt  }
0x60: {  	_ =	shalt  }
0x61: {  	_ =	shalt  }
0x62: {  	_ =	shalt  }
0x63: {  	_ =	shalt  }
0x64: {  	_ =	shalt  }
0x65: {  	_ =	shalt  }
0x66: {  	_ =	shalt  }
0x67: {  	_ =	shalt  }
0x68: {  	_ =	shalt  }
0x69: {  	_ =	shalt  }
0x6a: {  	_ =	shalt  }
0x6b: {  	_ =	shalt  }
0x6c: {  	_ =	shalt  }
0x6d: {  	_ =	shalt  }
0x6e: {  	_ =	shalt  }
0x6f: {  	_ =	shalt  }
0x70: {  	_ =	shalt  }
0x71: {  	_ =	shalt  }
0x72: {  	_ =	shalt  }
0x73: {  	_ =	shalt  }
0x74: {  	_ =	shalt  }
0x75: {  	_ =	shalt  }
0x76: {  	_ =	shalt  }
0x77: {  	_ =	shalt  }
0x78: {  	_ =	shalt  }
0x79: {  	_ =	shalt  }
0x7a: {  	_ =	shalt  }
0x7b: {  	_ =	shalt  }
0x7c: {  	_ =	shalt  }
0x7d: {  	_ =	shalt  }
0x7e: {  	_ =	shalt  }
0x7f: {  	_ =	shalt  }
0x80: {  	_ =	shalt  }
0x81: {  	_ =	shalt  }
0x82: {  	_ =	shalt  }
0x83: {  	_ =	shalt  }
0x84: {  	_ =	shalt  }
0x85: {  	_ =	shalt  }
0x86: {  	_ =	shalt  }
0x87: {  	_ =	shalt  }
.Lfunc_end0:
.L_simem_size_0:
called_computation.3_lowered:
.L_overlay_start_0:
0x88: {  	s2 =	sld [smem:$0x3FD9]  }
0x89: {  	s3 =	sld [smem:$0x3FFE];
	_ =	sdelay $0x1  }
0x8a: {  	s1 =	srdreg.scid  }
0x8b: {  	s0 =	sand.u32 $0x1, s1  }
0x8c: {  	s17 =	sshll.u32 s0, $0xA;
	s2 =	sadd.s32 s3, s2  }
0x8d: {  	s2 =	sadd.s32 s2, s17  }
0x8e: {  	[smem:$0x3F2D] =	sst s2  }
0x8f: {  	_ = 	snop  }
0x90: {  	(tm) =	ssettm $0x1  }
0x91: {  	s18 =	sld [smem:$0x3FFB];
	_ =	sdelay $0x3  }
0x92: {  	_ =	strace s18  }
0x93: {  	s2 =	sld [smem:$0x3FFC];
	_ =	sdelay $0x3  }
0x94: {  	_ =	strace s2  }
0x95: {  	s2 =	sld [smem:$0x3FFD];
	_ =	sdelay $0x3  }
0x96: {  	_ =	strace s2  }
0x97: {  	_ =	strace $0x8FFFFFFF  }
0x98: {  	s19 =	sld [smem:$0x3FDB];
	_ =	sdelay $0x1  }
0x99: {  	s20 =	simm.s32 $_scs_section_size  }
0x9a: {  	s4 =	simm.s32 $_size__tile_overlayer_lowered;
	s5 =	simm.s32 $_tile_overlayer_lowered  }
0x9b: {  	s6 =	simm.s32 $0x1BFF;
	s21 =	sshll.u32 s5, $0x1;
	s3 =	sadd.s32 s20, s19  }
0x9c: {  	s22 =	simm.s32 $0x0;
	s4 =	sshll.u32 s4, $0x1;
	s5 =	sadd.s32 s21, s3  }
0x9d: {  	[timem:s22], [sflag:s6] =	dma.local [hbm:s5], s4  }
0x9e: {  	_ =	swait.ge [sflag:s6], s4  }
0x9f: {  	s4 =	ssub.s32 $0x0, s4;
	[sflag:s6] =	ssyncset.done $0x0  }
0xa0: {  	[sflag:s6] =	ssyncadd.s32 s4;
	_ =	sdelay $0x1  }
0xa1: {  	s23 =	simm.s32 $0x1B8B  }
0xa2: {  	_ =	swait.ge [sflag:s23], $0x1  }
0xa3: {  	[sflag:s23] =	ssyncset.done $0x0  }
0xa4: {  	[sflag:s23] =	ssyncadd.s32 $0xFFFFFFFF  }
0xa5: {  	s4 =	sld [smem:$0x0]  }
0xa6: {  	s5 =	sand.u32 $0xFFFFFFFE, s1  }
0xa7: {  	p0 =	sne.s32 s1, s5  }
0xa8: {  	s5 =	sshll.u32 @p0 s5, $0xE  }
0xa9: {  	s5 =	sadd.s32 @p0 $0x11B8D, s5;
	s6 =	sshll.u32 @p0 s4, $0x11  }
0xaa: {  	s5 =	sor.u32 @p0 s6, s5  }
0xab: {  	[sflag:s5] =	ssyncadd.remote.s32 @p0 $0x1;
	_ =	sdelay $0x1  }
0xac: {  	s5 =	simm.s32 @p0 $0x1B8D  }
0xad: {  	_ =	swait.eq @p0 [sflag:s5], $0x1  }
0xae: {  	[sflag:s5] =	ssyncadd.s32 @p0 $0xFFFFFFFF  }
0xaf: {  	s6 =	sshll.u32 @!p0 s1, $0xE  }
0xb0: {  	s6 =	sor.u32 @!p0 $0x4000, s6;
	s5 =	simm.s32 @!p0 $0x1B8D  }
0xb1: {  	s4 =	sshll.u32 @!p0 s4, $0x11;
	s6 =	sadd.s32 @!p0 $0x11B8D, s6;
	_ =	swait.eq @!p0 [sflag:s5], $0x1  }
0xb2: {  	s4 =	sor.u32 @!p0 s4, s6;
	[sflag:s5] =	ssyncadd.s32 @!p0 $0xFFFFFFFF  }
0xb3: {  	s25 =	simm.s32 $0x1B8E;
	s24 =	sld [smem:$0x3FFE];
	[sflag:s4] =	ssyncadd.remote.s32 @!p0 $0x1  }
0xb4: {  	s26 =	simm.s32 $execute0_lowered;
	[smem:$0x3FD2] =	sst s25  }
0xb5: {  	s5 =	sshll.u32 s26, $0x1;
	_ =	strace $0x80000052;
	[dreg:$0x1] =	wrdreg $0xFFFFFFFF  }
0xb6: {  	s28 =	simm.s32 $_size_execute0_lowered;
	s3 =	sadd.s32 s3, s5;
	[dreg:$0x0] =	wrdreg $0x0  }
0xb7: {  	s5 =	sshll.u32 s28, $0x1;
	[dreg:$0x2] =	wrdreg s3  }
0xb8: {  	[dreg:$0x3] =	wrdreg s5  }
0xb9: {  	[dreg:$0x4] =	wrdreg $0xC0  }
0xba: {  	_ =	task [dreg:s22], $0x5FFFF  }
0xbb: {  	[dreg:$0x1] =	wrdreg $0xFFFFFFFF  }
0xbc: {  	[dreg:$0x0] =	wrdreg $0x60  }
0xbd: {  	[dreg:$0x2] =	wrdreg s24  }
0xbe: {  	[dreg:$0x3] =	wrdreg $0x90000  }
0xbf: {  	[dreg:$0x4] =	wrdreg $0xC  }
0xc0: {  	_ =	task.clear_ibuf [dreg:s22], $0x5FFFF;
	_ =	strace $0x90000052  }
0xc1: {  	s29 =	simm.s32 $0xC;
	_ =	strace $0x80000054  }
0xc2: {  	_ =	swait.ge [sflag:s29], $0x1  }
0xc3: {  	[sflag:s29] =	ssyncadd.s32 $0xFFFFFFFF  }
0xc4: {  	_ =	strace $0x90000054  }
0xc5: {  	_ =	sfence  }
0xc6: {  	s30 =	sld [smem:$0x0];
	_ =	sdelay $0x2  }
0xc7: {  	s31 =	sshll.u32 s1, $0xD;
	s1 =	sshrl.u32 s1, $0x2  }
0xc8: {  	s4 =	sand.u32 $0x4000, s31;
	s1 =	sadd.s32 s1, s30  }
0xc9: {  	s0 =	sor.u32 s4, s0;
	s1 =	sshll.u32 s1, $0x11  }
0xca: {  	s0 =	sor.u32 s1, s0  }
0xcb: {  	s0 =	sadd.s32 $0x8F2B, s0  }
0xcc: {  	[sflag:s0] =	ssyncadd.remote.s32 $0x1  }
0xcd: {  	_ =	sfence.sel $0xFFFF  }
0xce: {  	[dreg:$0x0] =	wrdreg $0xFFFFFFFF;
	(pc) =	sbr.abs _section_cstart, $3  }
0xcf: {  	[dreg:$0x1] =	wrdreg $0xFFFFFFFF  }
0xd0: {  	_ =	task.clear_ibuf [dreg:s22], $0x2FFFF;
	_ =	strace $0x9FFFFFFF  }
0xd1: {  	(tm) =	ssettm $0x7FFFFFFF  }
tec
execute0_lowered:
.L_overlay_start_1:
0x0: {  	(tag) =	ssettag $0x1  }
0x1: {  	s5 =	rddreg [dreg:$0x0]  }
0x2: {  	s1 =	rddreg [dreg:$0x1];
	s2 =	srdreg.scid  }
0x3: {  	s3 =	simm.s32 $0x0;
	s17 =	simm.s32 $0x4000;
	s18 =	simm.s32 $0x3  }
0x4: {  	s19 =	simm.s32 $0x2000;
	s20 =	simm.s32 $0x50;
	s21 =	simm.s32 $0x6800  }
0x5: {  	s22 =	simm.s32 $0x1;
	s23 =	simm.s32 $0x2;
	s24 =	simm.s32 $0x1F80  }
0x6: {  	s25 =	simm.s32 $0x3F00;
	s6 =	sand.u32 $0x1, s2;
	s2 =	stileid.u32  }
0x7: {  	s26 =	simm.s32 $0x3F80;
	[smem:$0x7FF] =	sst s3;
	s7 =	smul.u32 $0x140000, s6  }
0x8: {  	s4 =	sadd.s32 $0x24C00, s5;
	s8 =	smul.u32 $0x14000, s2;
	_ =	strace $0x80000053  }
0x9: {  	s9 =	sshll.u32 s2, $0xB;
	s10 =	sshll.u32 s6, $0xA;
	s6 =	ssub.s32 $0x2, s6  }
0xa: {  	s29 =	smul.u32 $0x50000, s2;
	s9 =	sor.u32 s10, s9;
	s30 =	sshrl.u32 s6, $0x1  }
0xb: {  	s7 =	sadd.s32 s8, s7;
	s9 =	sadd.s32 s9, s5;
	s31 =	ssub.s32 s6, s30  }
0xc: {  	s8 =	sshrl.u32 s29, $0x2;
	s7 =	sshrl.u32 s7, $0x3;
	s6 =	sadd.s32 $0x119400, s9  }
0xd: {  	s8 =	sadd.s32 s8, s1;
	s7 =	sadd.s32 s7, s5;
	s5 =	sadd.s32 $0x355C00, s9  }
0xe: {  	s9 =	smax.u32 s31, $0x1;
	s10 =	sadd.s32 $0x2800, s8;
	s11 =	sadd.s32 $0x5000, s8  }
0xf: {  	s12 =	sadd.s32 $0x7800, s8;
	s13 =	sadd.s32 $0xA000, s8;
	s14 =	sadd.s32 $0xC800, s8  }
0x10: {  	v0 =	vimm.f32 $0.0e+00;
	s15 =	sadd.s32 $0xF000, s8;
	s16 =	sadd.s32 $0x11800, s8;
	s7 =	sadd.s32 $0x35DC00, s7  }
.LBB2_1:
0x11: {  	s28 =	simm.s32 $0x70;
	s29 =	simm.s32 $0x3C0  }
.LBB2_2:
0x12: {  	p0 =	sne.s32 s29, $0x9FC0;
	[tilespmem:s28+$0x4000] =	vst v0  }
0x13: {  	[tilespmem:s28+$0x3F90] =	vst v0  }
0x14: {  	[tilespmem:s28+$0x3FA0] =	vst v0  }
.Ltmp0:
0x15: {  	[tilespmem:s28+$0x3FB0] =	vst v0;
	(pc) =	sbr.rel @p0 .LBB2_2-.Ltmp0, $4  }
0x16: {  	[tilespmem:s28+$0x3FC0] =	vst v0  }
0x17: {  	[tilespmem:s28+$0x3FD0] =	vst v0  }
0x18: {  	[tilespmem:s28+$0x3FE0] =	vst v0  }
0x19: {  	[tilespmem:s28+$0x3FF0] =	vst v0;
	s28 =	sshra.s32 s29, $0x2;
	s29 =	sadd.s32 $0x200, s29  }
0x1a: {  	[tilespmem:s28+$0x4000] =	vst v0  }
0x1b: {  	[tilespmem:s28+$0x3F90] =	vst v0  }
0x1c: {  	[tilespmem:s28+$0x3FA0] =	vst v0  }
0x1d: {  	[tilespmem:s28+$0x3FB0] =	vst v0  }
0x1e: {  	[tilespmem:s28+$0x3FC0] =	vst v0  }
0x1f: {  	[tilespmem:s28+$0x3FD0] =	vst v0  }
0x20: {  	[tilespmem:s28+$0x3FE0] =	vst v0  }
0x21: {  	[tilespmem:s28+$0x3FF0] =	vst v0  }
0x22: {  	[spmem:s8] =	stream.linear.scatter [tilespmem:s17], [sflag:$0x3], $0x2800, $0x38;
	[tilespmem:$0x1D000] =	vst v63  }
0x23: {  	_ =	swait.ge [sflag:s18], $0x2800  }
0x24: {  	[sflag:s18] =	ssyncset.done $0x0  }
0x25: {  	[sflag:s18] =	ssyncadd.s32 $0xFFFFD800  }
0x26: {  	[spmem:s10] =	stream.linear.scatter [tilespmem:s17], [sflag:$0x3], $0x2800, $0x38;
	[tilespmem:$0x1D000] =	vst v63  }
0x27: {  	_ =	swait.ge [sflag:s18], $0x2800  }
0x28: {  	[sflag:s18] =	ssyncset.done $0x0  }
0x29: {  	[sflag:s18] =	ssyncadd.s32 $0xFFFFD800  }
0x2a: {  	[spmem:s11] =	stream.linear.scatter [tilespmem:s17], [sflag:$0x3], $0x2800, $0x38;
	[tilespmem:$0x1D000] =	vst v63  }
0x2b: {  	_ =	swait.ge [sflag:s18], $0x2800  }
0x2c: {  	[sflag:s18] =	ssyncset.done $0x0  }
0x2d: {  	[sflag:s18] =	ssyncadd.s32 $0xFFFFD800  }
0x2e: {  	[spmem:s12] =	stream.linear.scatter [tilespmem:s17], [sflag:$0x3], $0x2800, $0x38;
	[tilespmem:$0x1D000] =	vst v63  }
0x2f: {  	_ =	swait.ge [sflag:s18], $0x2800  }
0x30: {  	[sflag:s18] =	ssyncset.done $0x0  }
0x31: {  	[sflag:s18] =	ssyncadd.s32 $0xFFFFD800  }
0x32: {  	[spmem:s13] =	stream.linear.scatter [tilespmem:s17], [sflag:$0x3], $0x2800, $0x38;
	[tilespmem:$0x1D000] =	vst v63  }
0x33: {  	_ =	swait.ge [sflag:s18], $0x2800  }
0x34: {  	[sflag:s18] =	ssyncset.done $0x0  }
0x35: {  	[sflag:s18] =	ssyncadd.s32 $0xFFFFD800  }
0x36: {  	[spmem:s14] =	stream.linear.scatter [tilespmem:s17], [sflag:$0x3], $0x2800, $0x38;
	[tilespmem:$0x1D000] =	vst v63  }
0x37: {  	_ =	swait.ge [sflag:s18], $0x2800  }
0x38: {  	[sflag:s18] =	ssyncset.done $0x0  }
0x39: {  	[sflag:s18] =	ssyncadd.s32 $0xFFFFD800  }
0x3a: {  	[spmem:s15] =	stream.linear.scatter [tilespmem:s17], [sflag:$0x3], $0x2800, $0x38;
	[tilespmem:$0x1D000] =	vst v63  }
0x3b: {  	_ =	swait.ge [sflag:s18], $0x2800  }
0x3c: {  	[sflag:s18] =	ssyncset.done $0x0  }
0x3d: {  	[sflag:s18] =	ssyncadd.s32 $0xFFFFD800  }
0x3e: {  	[spmem:s16] =	stream.linear.scatter [tilespmem:s17], [sflag:$0x3], $0x2800, $0x38;
	[tilespmem:$0x1D000] =	vst v63  }
0x3f: {  	_ =	swait.ge [sflag:s18], $0x2800  }
0x40: {  	[sflag:s18] =	ssyncset.done $0x0  }
0x41: {  	s28 =	simm.s32 $0x0;
	[sflag:s18] =	ssyncadd.s32 $0xFFFFD800  }
0x42: {  	[tilespmem:s28], [sflag:$0x3] =	stream.linear.gather [hbm4b:s5+s28], $0x2000, $0x38;
	[tilespmem:$0x1D000] =	vst v63  }
0x43: {  	_ =	swait.ge [sflag:s18], $0x2000  }
0x44: {  	[sflag:s18] =	ssyncset.done $0x0  }
0x45: {  	[sflag:s18] =	ssyncadd.s32 $0xFFFFE000  }
0x46: {  	[tilespmem:s19], [sflag:$0x3] =	stream.linear.gather [hbm4b:s6+s28], $0x2000, $0x38;
	[tilespmem:$0x1D000] =	vst v63  }
0x47: {  	_ =	swait.ge [sflag:s18], $0x2000  }
0x48: {  	[sflag:s18] =	ssyncset.done $0x0  }
0x49: {  	[sflag:s18] =	ssyncadd.s32 $0xFFFFE000  }
0x4a: {  	[bflag:$0x0] =	sbarrier.arrive $0xFFFF  }
0x4b: {  	[tilespmem:s17], [sflag:$0x1] =	stream.indirect.gather [hbm4b:s4+s20], $0x80, s28, s20, $0xb8;
	[tilespmem:$0x1D000] =	vst v63  }
0x4c: {  	s28 =	simm.s32 $0x80  }
0x4d: {  	[tilespmem:s21], [sflag:$0x2] =	stream.indirect.gather [hbm4b:s4+s20], $0x80, s28, s20, $0xb8;
	[tilespmem:$0x1D000] =	vst v63  }
0x4e: {  	_ =	swait.ge [sflag:s22], $0x2800  }
0x4f: {  	[sflag:s22] =	ssyncset.done $0x0  }
0x50: {  	s28 =	simm.s32 $0x2000;
	[sflag:s22] =	ssyncadd.s32 $0xFFFFD800  }
0x51: {  	[spmem:s1] =	stream.indirect.scatter.add.f32 [tilespmem:s17], [sflag:$0x3], $0x80, s28, s20, $0xb8;
	[tilespmem:$0x1D000] =	vst v63  }
0x52: {  	_ =	swait.ge [sflag:s18], $0x2800  }
0x53: {  	[sflag:s18] =	ssyncset.done $0x0  }
0x54: {  	s28 =	simm.s32 $0x100;
	[sflag:s18] =	ssyncadd.s32 $0xFFFFD800  }
0x55: {  	[tilespmem:s17], [sflag:$0x1] =	stream.indirect.gather [hbm4b:s4+s20], $0x80, s28, s20, $0xb8;
	[tilespmem:$0x1D000] =	vst v63  }
0x56: {  	_ =	swait.ge [sflag:s23], $0x2800  }
0x57: {  	[sflag:s23] =	ssyncset.done $0x0  }
0x58: {  	s28 =	simm.s32 $0x2080;
	[sflag:s23] =	ssyncadd.s32 $0xFFFFD800  }
0x59: {  	[spmem:s1] =	stream.indirect.scatter.add.f32 [tilespmem:s21], [sflag:$0x3], $0x80, s28, s20, $0xb8;
	[tilespmem:$0x1D000] =	vst v63  }
0x5a: {  	_ =	swait.ge [sflag:s18], $0x2800  }
0x5b: {  	s29 =	simm.s32 $0x800;
	s28 =	simm.s32 $0x100;
	[sflag:s18] =	ssyncset.done $0x0  }
.LBB2_4:
0x5c: {  	s30 =	sadd.s32 $0x80, s28  }
0x5d: {  	[sflag:s18] =	ssyncadd.s32 $0xFFFFD800;
	s31 =	smov.u32 s29;
	s0 =	sadd.s32 $0x400, s29  }
0x5e: {  	[tilespmem:s21], [sflag:$0x2] =	stream.indirect.gather [hbm4b:s4+s20], $0x80, s30, s20, $0xb8;
	[tilespmem:$0x1D000] =	vst v63  }
0x5f: {  	p0 =	sne.s32 s29, $0x7800;
	_ =	swait.ge [sflag:s22], $0x2800  }
0x60: {  	[sflag:s22] =	ssyncset.done $0x0  }
0x61: {  	s29 =	sadd.s32 $0x2000, s28;
	[sflag:s22] =	ssyncadd.s32 $0xFFFFD800  }
0x62: {  	[spmem:s1] =	stream.indirect.scatter.add.f32 [tilespmem:s17], [sflag:$0x3], $0x80, s29, s20, $0xb8;
	[tilespmem:$0x1D000] =	vst v63  }
0x63: {  	_ =	swait.ge [sflag:s18], $0x2800  }
0x64: {  	[sflag:s18] =	ssyncset.done $0x0  }
0x65: {  	s29 =	sadd.s32 $0x100, s28;
	[sflag:s18] =	ssyncadd.s32 $0xFFFFD800  }
0x66: {  	[tilespmem:s17], [sflag:$0x1] =	stream.indirect.gather [hbm4b:s4+s20], $0x80, s29, s20, $0xb8;
	[tilespmem:$0x1D000] =	vst v63  }
0x67: {  	_ =	swait.ge [sflag:s23], $0x2800  }
.Ltmp1:
0x68: {  	[sflag:s23] =	ssyncset.done $0x0;
	(pc) =	sbr.rel @p0 .LBB2_4-.Ltmp1, $4  }
0x69: {  	s28 =	sadd.s32 $0x2080, s28;
	[sflag:s23] =	ssyncadd.s32 $0xFFFFD800  }
0x6a: {  	[spmem:s1] =	stream.indirect.scatter.add.f32 [tilespmem:s21], [sflag:$0x3], $0x80, s28, s20, $0xb8;
	[tilespmem:$0x1D000] =	vst v63  }
0x6b: {  	_ =	swait.ge [sflag:s18], $0x2800  }
0x6c: {  	s29 =	smov.u32 s0;
	s28 =	sshra.s32 s31, $0x2;
	[sflag:s18] =	ssyncset.done $0x0  }
0x6d: {  	s0 =	sadd.s32 $0x80, s28;
	[sflag:s18] =	ssyncadd.s32 $0xFFFFD800  }
0x6e: {  	[tilespmem:s21], [sflag:$0x2] =	stream.indirect.gather [hbm4b:s4+s20], $0x80, s0, s20, $0xb8;
	[tilespmem:$0x1D000] =	vst v63  }
0x6f: {  	_ =	swait.ge [sflag:s22], $0x2800  }
0x70: {  	[sflag:s22] =	ssyncset.done $0x0  }
0x71: {  	s30 =	sadd.s32 $0x2000, s28;
	[sflag:s22] =	ssyncadd.s32 $0xFFFFD800  }
0x72: {  	[spmem:s1] =	stream.indirect.scatter.add.f32 [tilespmem:s17], [sflag:$0x3], $0x80, s30, s20, $0xb8;
	[tilespmem:$0x1D000] =	vst v63  }
0x73: {  	_ =	swait.ge [sflag:s18], $0x2800  }
0x74: {  	[sflag:s18] =	ssyncset.done $0x0  }
0x75: {  	s31 =	sadd.s32 $0x100, s28;
	[sflag:s18] =	ssyncadd.s32 $0xFFFFD800  }
0x76: {  	[tilespmem:s17], [sflag:$0x1] =	stream.indirect.gather [hbm4b:s4+s20], $0x80, s31, s20, $0xb8;
	[tilespmem:$0x1D000] =	vst v63  }
0x77: {  	_ =	swait.ge [sflag:s23], $0x2800  }
0x78: {  	[sflag:s23] =	ssyncset.done $0x0  }
0x79: {  	s29 =	sadd.s32 $0x2080, s28;
	[sflag:s23] =	ssyncadd.s32 $0xFFFFD800  }
0x7a: {  	[spmem:s1] =	stream.indirect.scatter.add.f32 [tilespmem:s21], [sflag:$0x3], $0x80, s29, s20, $0xb8;
	[tilespmem:$0x1D000] =	vst v63  }
0x7b: {  	_ =	swait.ge [sflag:s18], $0x2800  }
0x7c: {  	[sflag:s18] =	ssyncset.done $0x0  }
0x7d: {  	[sflag:s18] =	ssyncadd.s32 $0xFFFFD800  }
0x7e: {  	[tilespmem:s21], [sflag:$0x2] =	stream.indirect.gather [hbm4b:s4+s20], $0x80, s24, s20, $0xb8;
	[tilespmem:$0x1D000] =	vst v63  }
0x7f: {  	_ =	swait.ge [sflag:s22], $0x2800  }
0x80: {  	[sflag:s22] =	ssyncset.done $0x0  }
0x81: {  	[sflag:s22] =	ssyncadd.s32 $0xFFFFD800  }
0x82: {  	[spmem:s1] =	stream.indirect.scatter.add.f32 [tilespmem:s17], [sflag:$0x3], $0x80, s25, s20, $0xb8;
	[tilespmem:$0x1D000] =	vst v63  }
0x83: {  	_ =	swait.ge [sflag:s18], $0x2800  }
0x84: {  	[sflag:s18] =	ssyncset.done $0x0  }
0x85: {  	[sflag:s18] =	ssyncadd.s32 $0xFFFFD800  }
0x86: {  	_ =	swait.ge [sflag:s23], $0x2800  }
0x87: {  	[sflag:s23] =	ssyncset.done $0x0  }
0x88: {  	[sflag:s23] =	ssyncadd.s32 $0xFFFFD800  }
0x89: {  	[spmem:s1] =	stream.indirect.scatter.add.f32 [tilespmem:s21], [sflag:$0x3], $0x80, s26, s20, $0xb8;
	[tilespmem:$0x1D000] =	vst v63  }
0x8a: {  	_ =	swait.ge [sflag:s18], $0x2800  }
0x8b: {  	s3 =	sadd.s32 $0x1, s3;
	s30 =	sshll.u32 s2, $0x6;
	[sflag:s18] =	ssyncset.done $0x0  }
0x8c: {  	p0 =	sne.s32 s3, s9;
	s0 =	sor.u32 $0x1C03, s30;
	[sflag:s18] =	ssyncadd.s32 $0xFFFFD800  }
.Ltmp2:
0x8d: {  	s31 =	sshrl.u32 s8, $0x3;
	[bflag:$0x0] =	sbarrier.arrive $0xFFFF;
	(pc) =	sbr.rel @p0 .LBB2_1-.Ltmp2, $4  }
0x8e: {  	[hbm:s7], [sflag:s0] =	dma.local [spmem:s31], $0x2800  }
0x8f: {  	_ =	swait.ge [sflag:s18], $0x2800  }
0x90: {  	[sflag:s18] =	ssyncset.done $0x0  }
0x91: {  	[sflag:s18] =	ssyncadd.s32 $0xFFFFD800  }
0x92: {  	_ =	sfence.sel $0x180000  }
0x93: {  	[bflag:$0x0] =	sbarrier.arrive $0xFFFF  }
0x94: {  	_ =	strace $0x90000053  }
0x95: {  	[bflag:$0x2] =	sbarrier.arrive $0xFFFF  }
0x96: {  	p0 =	sne.s32 s2, $0x0;
	s0 =	rddreg [dreg:$0x2]  }
0x97: {  	s0 =	sadd.s32 @!p0 $0x100000, s0  }
0x98: {  	[sflag:s0] =	ssyncadd.tile.s32 @!p0 $0x1;
	_ =	shalt  }
.Lfunc_end2:
_tile_overlayer_lowered:
.L_overlay_start_2:
0x99: {  	(tag) =	ssettag $0x2  }
0x9a: {  	s0 =	rddreg [dreg:$0x0];
	s2 =	stileid.u32  }
0x9b: {  	s1 =	rddreg [dreg:$0x1];
	p0 =	sne.s32 s2, $0x0  }
0x9c: {  	s3 =	rddreg [dreg:$0x2];
	[bflag:$0x3] =	sbarrier.arrive $0xFFFF;
	s2 =	simm.s32 @!p0 $0x1C03  }
0x9d: {  	[timem:s3], [sflag:s2] =	dma.local @!p0 [hbm:s0], s1  }
0x9e: {  	s0 =	simm.s32 @!p0 $0x3  }
0x9f: {  	_ =	swait.ge @!p0 [sflag:s0], s1  }
0xa0: {  	s1 =	ssub.s32 @!p0 $0x0, s1;
	[sflag:s0] =	ssyncset.done @!p0 $0x0  }
0xa1: {  	[sflag:s0] =	ssyncadd.s32 @!p0 s1  }
0xa2: {  	[bflag:$0x3] =	sbarrier.arrive $0xFFFF  }
0xa3: {  	_ =	shalt  }

// kernel: kernel.29.cloned.1.call-start
scs
__scs_entry_jumppad:
0x0: {  	(pc) =	sbr.rel $0x88, $3  }
0x1: {  	(tag) =	ssettag $0x0;
	lr =	simm.s32 $0x1  }
0x2: {  	[smem:$0x3F06] =	sst lr;
	_ =	strace $0xD0000000  }
0x3: {  	_ = 	snop  }
0x4: {  	_ = 	snop  }
0x5: {  	_ = 	snop  }
0x6: {  	_ = 	snop  }
0x7: {  	_ = 	snop  }
__scs_overlays_trampoline_lowered:
0x8: {  	[smem:$0x3F15] =	sst s0  }
0x9: {  	[smem:$0x3F16] =	sst s1  }
0xa: {  	[smem:$0x3F17] =	sst s2  }
0xb: {  	[smem:$0x3F18] =	sst s3  }
0xc: {  	[smem:$0x3F19] =	sst s4  }
0xd: {  	[smem:$0x3F1A] =	sst s5  }
0xe: {  	[smem:$0x3F1B] =	sst s6  }
0xf: {  	[smem:$0x3F1C] =	sst s7  }
0x10: {  	[smem:$0x3F1D] =	sst s8  }
0x11: {  	[smem:$0x3F1E] =	sst s9;
	s0 =	simm.s32 @!p0 $0x0  }
0x12: {  	s1 =	sld [smem:$0x3F04];
	s0 =	simm.s32 @p0 $0x1  }
0x13: {  	[smem:$0x3F1F] =	sst s0;
	s0 =	simm.s32 @!p1 $0x0  }
0x14: {  	s2 =	sld [smem:$0x3F03];
	s0 =	simm.s32 @p1 $0x1  }
0x15: {  	[smem:$0x3F20] =	sst s0;
	s0 =	simm.s32 @!p2 $0x0  }
0x16: {  	s3 =	sld [smem:$0x3FDB];
	s0 =	simm.s32 @p2 $0x1  }
0x17: {  	s4 =	simm.s32 $0x1BF5;
	[smem:$0x3F22] =	sst s0  }
0x18: {  	s0 =	sld [smem:$0x3F05];
	_ =	swait.ge [sflag:s4], $0x0  }
0x19: {  	s7 =	sld [smem:$0x3F06]  }
0x1a: {  	s8 =	sadd.s32 $0xFFFFE003, lr  }
0x1b: {  	s9 =	sadd.s32 $0xFFFFFEF7, lr;
	s5 =	simm.s32 $0xFFFFFFFF;
	p2 =	slt.u32 s8, $0xFFFFF086  }
0x1c: {  	p1 =	slt.u32 s9, $0xF7A;
	s5 =	simm.s32 @!p2 $0x0  }
0x1d: {  	s5 =	simm.s32 @p1 $0x1;
	p0 =	seq.s32 s7, s2  }
0x1e: {  	s7 =	smul.u32 @!p0 $0xF7A, s2;
	p2 =	seq.s32 @!p0 s5, $0x0  }
0x1f: {  	s9 =	smul.u32 $0xF7A, s1;
	s8 =	simm.s32 @!p0 $0x1BF5;
	p2 =	por !p2, p0  }
0x20: {  	[sflag:s8] =	ssyncset.s32 @!p0 $0xFFFFF086;
	s6 =	sadd.s32 @!p0 s3, s7;
	s7 =	simm.s32 @!p0 $0x108  }
0x21: {  	s3 =	sadd.s32 s3, s9;
	s6 =	sadd.s32 @!p0 $0x88, s6;
	s7 =	simm.s32 @p2 $0x1082  }
0x22: {  	[simem:s7], [sflag:s8] =	dma.local @!p0 [hbm:s6], $0xF7A  }
0x23: {  	s9 =	sor.u32 $0xD0000000, s2;
	s6 =	simm.s32 $0x108;
	_ =	swait.ge @!p0 [sflag:s8], $0x0  }
0x24: {  	s3 =	sadd.s32 $0x88, s3;
	s6 =	simm.s32 @!p1 $0x1082;
	[sflag:s4] =	ssyncset.s32 $0xFFFFF086  }
0x25: {  	[simem:s6], [sflag:s4] =	dma.local [hbm:s3], $0xF7A  }
0x26: {  	[smem:$0x3F06] =	sst s1;
	(tag) =	ssettag s2;
	_ =	strace s9  }
0x27: {  	s1 =	sld [smem:$0x3F16]  }
0x28: {  	s2 =	sld [smem:$0x3F17]  }
0x29: {  	s4 =	sld [smem:$0x3F19]  }
0x2a: {  	p0 =	seq.s32 s5, $0x0;
	s5 =	sld [smem:$0x3F1A]  }
0x2b: {  	s6 =	sld [smem:$0x3F1B]  }
0x2c: {  	s7 =	sld [smem:$0x3F1C]  }
0x2d: {  	s3 =	simm.s32 $0x108;
	s8 =	sld [smem:$0x3F1D]  }
0x2e: {  	s3 =	simm.s32 @!p0 $0x1082;
	s9 =	sld [smem:$0x3F1E]  }
0x2f: {  	lr =	sadd.s32 s0, s3;
	s0 =	sld [smem:$0x3F15]  }
0x30: {  	s3 =	sld [smem:$0x3F18]  }
0x31: {  	[smem:$0x3F21] =	sst s10  }
0x32: {  	s10 =	sld [smem:$0x3F1F];
	_ =	sdelay $0x3  }
0x33: {  	p0 =	seq.s32 s10, $0x1;
	s10 =	sld [smem:$0x3F21];
	_ =	sdelay $0x3  }
0x34: {  	[smem:$0x3F21] =	sst s10  }
0x35: {  	s10 =	sld [smem:$0x3F20];
	_ =	sdelay $0x3  }
0x36: {  	p1 =	seq.s32 s10, $0x1;
	s10 =	sld [smem:$0x3F21];
	_ =	sdelay $0x3  }
0x37: {  	[smem:$0x3F21] =	sst s10  }
0x38: {  	s10 =	sld [smem:$0x3F22]  }
0x39: {  	_ = 	snop;
	(pc) =	sbr.ind lr, $3  }
0x3a: {  	_ = 	snop  }
0x3b: {  	_ = 	snop  }
0x3c: {  	p2 =	seq.s32 s10, $0x1;
	s10 =	sld [smem:$0x3F21]  }
0x3d: {  	_ =	shalt  }
0x3e: {  	_ =	shalt  }
0x3f: {  	_ =	shalt  }
0x40: {  	_ =	shalt  }
0x41: {  	_ =	shalt  }
0x42: {  	_ =	shalt  }
0x43: {  	_ =	shalt  }
0x44: {  	_ =	shalt  }
0x45: {  	_ =	shalt  }
0x46: {  	_ =	shalt  }
0x47: {  	_ =	shalt  }
0x48: {  	_ =	shalt  }
0x49: {  	_ =	shalt  }
0x4a: {  	_ =	shalt  }
0x4b: {  	_ =	shalt  }
0x4c: {  	_ =	shalt  }
0x4d: {  	_ =	shalt  }
0x4e: {  	_ =	shalt  }
0x4f: {  	_ =	shalt  }
0x50: {  	_ =	shalt  }
0x51: {  	_ =	shalt  }
0x52: {  	_ =	shalt  }
0x53: {  	_ =	shalt  }
0x54: {  	_ =	shalt  }
0x55: {  	_ =	shalt  }
0x56: {  	_ =	shalt  }
0x57: {  	_ =	shalt  }
0x58: {  	_ =	shalt  }
0x59: {  	_ =	shalt  }
0x5a: {  	_ =	shalt  }
0x5b: {  	_ =	shalt  }
0x5c: {  	_ =	shalt  }
0x5d: {  	_ =	shalt  }
0x5e: {  	_ =	shalt  }
0x5f: {  	_ =	shalt  }
0x60: {  	_ =	shalt  }
0x61: {  	_ =	shalt  }
0x62: {  	_ =	shalt  }
0x63: {  	_ =	shalt  }
0x64: {  	_ =	shalt  }
0x65: {  	_ =	shalt  }
0x66: {  	_ =	shalt  }
0x67: {  	_ =	shalt  }
0x68: {  	_ =	shalt  }
0x69: {  	_ =	shalt  }
0x6a: {  	_ =	shalt  }
0x6b: {  	_ =	shalt  }
0x6c: {  	_ =	shalt  }
0x6d: {  	_ =	shalt  }
0x6e: {  	_ =	shalt  }
0x6f: {  	_ =	shalt  }
0x70: {  	_ =	shalt  }
0x71: {  	_ =	shalt  }
0x72: {  	_ =	shalt  }
0x73: {  	_ =	shalt  }
0x74: {  	_ =	shalt  }
0x75: {  	_ =	shalt  }
0x76: {  	_ =	shalt  }
0x77: {  	_ =	shalt  }
0x78: {  	_ =	shalt  }
0x79: {  	_ =	shalt  }
0x7a: {  	_ =	shalt  }
0x7b: {  	_ =	shalt  }
0x7c: {  	_ =	shalt  }
0x7d: {  	_ =	shalt  }
0x7e: {  	_ =	shalt  }
0x7f: {  	_ =	shalt  }
0x80: {  	_ =	shalt  }
0x81: {  	_ =	shalt  }
0x82: {  	_ =	shalt  }
0x83: {  	_ =	shalt  }
0x84: {  	_ =	shalt  }
0x85: {  	_ =	shalt  }
0x86: {  	_ =	shalt  }
0x87: {  	_ =	shalt  }
.Lfunc_end0:
.L_simem_size_0:
called_computation.4_lowered:
.L_overlay_start_0:
0x88: {  	s2 =	sld [smem:$0x3FD9]  }
0x89: {  	s3 =	sld [smem:$0x3FFE];
	_ =	sdelay $0x1  }
0x8a: {  	s1 =	srdreg.scid  }
0x8b: {  	s0 =	sand.u32 $0x1, s1  }
0x8c: {  	s17 =	sshll.u32 s0, $0xA;
	s2 =	sadd.s32 s3, s2  }
0x8d: {  	s2 =	sadd.s32 s2, s17  }
0x8e: {  	[smem:$0x3F2D] =	sst s2  }
0x8f: {  	_ = 	snop  }
0x90: {  	(tm) =	ssettm $0x1  }
0x91: {  	s18 =	sld [smem:$0x3FFB];
	_ =	sdelay $0x3  }
0x92: {  	_ =	strace s18  }
0x93: {  	s2 =	sld [smem:$0x3FFC];
	_ =	sdelay $0x3  }
0x94: {  	_ =	strace s2  }
0x95: {  	s2 =	sld [smem:$0x3FFD];
	_ =	sdelay $0x3  }
0x96: {  	_ =	strace s2  }
0x97: {  	_ =	strace $0x8FFFFFFF  }
0x98: {  	s19 =	sld [smem:$0x3FDB];
	_ =	sdelay $0x1  }
0x99: {  	s20 =	simm.s32 $_scs_section_size  }
0x9a: {  	s4 =	simm.s32 $_size__tile_overlayer_lowered;
	s5 =	simm.s32 $_tile_overlayer_lowered  }
0x9b: {  	s6 =	simm.s32 $0x1BFF;
	s21 =	sshll.u32 s5, $0x1;
	s3 =	sadd.s32 s20, s19  }
0x9c: {  	s22 =	simm.s32 $0x0;
	s4 =	sshll.u32 s4, $0x1;
	s5 =	sadd.s32 s21, s3  }
0x9d: {  	[timem:s22], [sflag:s6] =	dma.local [hbm:s5], s4  }
0x9e: {  	_ =	swait.ge [sflag:s6], s4  }
0x9f: {  	s4 =	ssub.s32 $0x0, s4;
	[sflag:s6] =	ssyncset.done $0x0  }
0xa0: {  	[sflag:s6] =	ssyncadd.s32 s4;
	_ =	sdelay $0x1  }
0xa1: {  	s23 =	simm.s32 $0x1B8B  }
0xa2: {  	_ =	swait.ge [sflag:s23], $0x1  }
0xa3: {  	[sflag:s23] =	ssyncset.done $0x0  }
0xa4: {  	[sflag:s23] =	ssyncadd.s32 $0xFFFFFFFF  }
0xa5: {  	s4 =	sld [smem:$0x0]  }
0xa6: {  	s5 =	sand.u32 $0xFFFFFFFE, s1  }
0xa7: {  	p0 =	sne.s32 s1, s5  }
0xa8: {  	s5 =	sshll.u32 @p0 s5, $0xE  }
0xa9: {  	s5 =	sadd.s32 @p0 $0x11B8D, s5;
	s6 =	sshll.u32 @p0 s4, $0x11  }
0xaa: {  	s5 =	sor.u32 @p0 s6, s5  }
0xab: {  	[sflag:s5] =	ssyncadd.remote.s32 @p0 $0x1;
	_ =	sdelay $0x1  }
0xac: {  	s5 =	simm.s32 @p0 $0x1B8D  }
0xad: {  	_ =	swait.eq @p0 [sflag:s5], $0x1  }
0xae: {  	[sflag:s5] =	ssyncadd.s32 @p0 $0xFFFFFFFF  }
0xaf: {  	s6 =	sshll.u32 @!p0 s1, $0xE  }
0xb0: {  	s6 =	sor.u32 @!p0 $0x4000, s6;
	s5 =	simm.s32 @!p0 $0x1B8D  }
0xb1: {  	s4 =	sshll.u32 @!p0 s4, $0x11;
	s6 =	sadd.s32 @!p0 $0x11B8D, s6;
	_ =	swait.eq @!p0 [sflag:s5], $0x1  }
0xb2: {  	s4 =	sor.u32 @!p0 s4, s6;
	[sflag:s5] =	ssyncadd.s32 @!p0 $0xFFFFFFFF  }
0xb3: {  	s25 =	simm.s32 $0x1B8E;
	s24 =	sld [smem:$0x3FFE];
	[sflag:s4] =	ssyncadd.remote.s32 @!p0 $0x1  }
0xb4: {  	s26 =	simm.s32 $execute0_lowered;
	[smem:$0x3FD2] =	sst s25  }
0xb5: {  	s5 =	sshll.u32 s26, $0x1;
	_ =	strace $0x80000055;
	[dreg:$0x1] =	wrdreg $0xFFFFFFFF  }
0xb6: {  	s28 =	simm.s32 $_size_execute0_lowered;
	s3 =	sadd.s32 s3, s5;
	[dreg:$0x0] =	wrdreg $0x0  }
0xb7: {  	s5 =	sshll.u32 s28, $0x1;
	[dreg:$0x2] =	wrdreg s3  }
0xb8: {  	[dreg:$0x3] =	wrdreg s5  }
0xb9: {  	[dreg:$0x4] =	wrdreg $0xC0  }
0xba: {  	_ =	task [dreg:s22], $0x5FFFF  }
0xbb: {  	[dreg:$0x1] =	wrdreg $0xFFFFFFFF  }
0xbc: {  	[dreg:$0x0] =	wrdreg $0x60  }
0xbd: {  	[dreg:$0x2] =	wrdreg s24  }
0xbe: {  	[dreg:$0x3] =	wrdreg $0x90000  }
0xbf: {  	[dreg:$0x4] =	wrdreg $0xD  }
0xc0: {  	_ =	task.clear_ibuf [dreg:s22], $0x5FFFF;
	_ =	strace $0x90000055  }
0xc1: {  	s29 =	simm.s32 $0xD;
	_ =	strace $0x80000057  }
0xc2: {  	_ =	swait.ge [sflag:s29], $0x1  }
0xc3: {  	[sflag:s29] =	ssyncadd.s32 $0xFFFFFFFF  }
0xc4: {  	_ =	strace $0x90000057  }
0xc5: {  	_ =	sfence  }
0xc6: {  	s30 =	sld [smem:$0x0];
	_ =	sdelay $0x2  }
0xc7: {  	s31 =	sshll.u32 s1, $0xD;
	s1 =	sshrl.u32 s1, $0x2  }
0xc8: {  	s4 =	sand.u32 $0x4000, s31;
	s1 =	sadd.s32 s1, s30  }
0xc9: {  	s0 =	sor.u32 s4, s0;
	s1 =	sshll.u32 s1, $0x11  }
0xca: {  	s0 =	sor.u32 s1, s0  }
0xcb: {  	s0 =	sadd.s32 $0x8F2B, s0  }
0xcc: {  	[sflag:s0] =	ssyncadd.remote.s32 $0x1  }
0xcd: {  	_ =	sfence.sel $0xFFFF  }
0xce: {  	[dreg:$0x0] =	wrdreg $0xFFFFFFFF;
	(pc) =	sbr.abs _section_cstart, $3  }
0xcf: {  	[dreg:$0x1] =	wrdreg $0xFFFFFFFF  }
0xd0: {  	_ =	task.clear_ibuf [dreg:s22], $0x2FFFF;
	_ =	strace $0x9FFFFFFF  }
0xd1: {  	(tm) =	ssettm $0x7FFFFFFF  }
tec
execute0_lowered:
.L_overlay_start_1:
0x0: {  	(tag) =	ssettag $0x1  }
0x1: {  	s5 =	rddreg [dreg:$0x0]  }
0x2: {  	s1 =	rddreg [dreg:$0x1];
	s2 =	srdreg.scid  }
0x3: {  	s3 =	simm.s32 $0x0;
	s17 =	simm.s32 $0x4000;
	s18 =	simm.s32 $0x3  }
0x4: {  	s19 =	simm.s32 $0x2000;
	s20 =	simm.s32 $0x50;
	s21 =	simm.s32 $0x6800  }
0x5: {  	s22 =	simm.s32 $0x1;
	s23 =	simm.s32 $0x2;
	s24 =	simm.s32 $0x1F80  }
0x6: {  	s25 =	simm.s32 $0x3F00;
	s6 =	sand.u32 $0x1, s2;
	s2 =	stileid.u32  }
0x7: {  	[smem:$0x7FF] =	sst s3;
	s4 =	sadd.s32 $0x290600, s5;
	s7 =	smul.u32 $0x140000, s6  }
0x8: {  	s26 =	simm.s32 $0x3F80;
	s8 =	smul.u32 $0x14000, s2;
	_ =	strace $0x80000056  }
0x9: {  	s9 =	sshll.u32 s2, $0xB;
	s10 =	sshll.u32 s6, $0xA;
	s6 =	ssub.s32 $0x2, s6  }
0xa: {  	s29 =	smul.u32 $0x50000, s2;
	s9 =	sor.u32 s10, s9;
	s30 =	sshrl.u32 s6, $0x1  }
0xb: {  	s7 =	sadd.s32 s8, s7;
	s9 =	sadd.s32 s9, s5;
	s31 =	ssub.s32 s6, s30  }
0xc: {  	s8 =	sshrl.u32 s29, $0x2;
	s7 =	sshrl.u32 s7, $0x3;
	s6 =	sadd.s32 $0x111400, s9  }
0xd: {  	s8 =	sadd.s32 s8, s1;
	s7 =	sadd.s32 s7, s5;
	s5 =	sadd.s32 $0x261400, s9  }
0xe: {  	s9 =	smax.u32 s31, $0x1;
	s10 =	sadd.s32 $0x2800, s8;
	s11 =	sadd.s32 $0x5000, s8  }
0xf: {  	s12 =	sadd.s32 $0x7800, s8;
	s13 =	sadd.s32 $0xA000, s8;
	s14 =	sadd.s32 $0xC800, s8  }
0x10: {  	v0 =	vimm.f32 $0.0e+00;
	s15 =	sadd.s32 $0xF000, s8;
	s16 =	sadd.s32 $0x11800, s8;
	s7 =	sadd.s32 $0x3ADC00, s7  }
.LBB2_1:
0x11: {  	s28 =	simm.s32 $0x70;
	s29 =	simm.s32 $0x3C0  }
.LBB2_2:
0x12: {  	p0 =	sne.s32 s29, $0x9FC0;
	[tilespmem:s28+$0x4000] =	vst v0  }
0x13: {  	[tilespmem:s28+$0x3F90] =	vst v0  }
0x14: {  	[tilespmem:s28+$0x3FA0] =	vst v0  }
.Ltmp0:
0x15: {  	[tilespmem:s28+$0x3FB0] =	vst v0;
	(pc) =	sbr.rel @p0 .LBB2_2-.Ltmp0, $4  }
0x16: {  	[tilespmem:s28+$0x3FC0] =	vst v0  }
0x17: {  	[tilespmem:s28+$0x3FD0] =	vst v0  }
0x18: {  	[tilespmem:s28+$0x3FE0] =	vst v0  }
0x19: {  	[tilespmem:s28+$0x3FF0] =	vst v0;
	s28 =	sshra.s32 s29, $0x2;
	s29 =	sadd.s32 $0x200, s29  }
0x1a: {  	[tilespmem:s28+$0x4000] =	vst v0  }
0x1b: {  	[tilespmem:s28+$0x3F90] =	vst v0  }
0x1c: {  	[tilespmem:s28+$0x3FA0] =	vst v0  }
0x1d: {  	[tilespmem:s28+$0x3FB0] =	vst v0  }
0x1e: {  	[tilespmem:s28+$0x3FC0] =	vst v0  }
0x1f: {  	[tilespmem:s28+$0x3FD0] =	vst v0  }
0x20: {  	[tilespmem:s28+$0x3FE0] =	vst v0  }
0x21: {  	[tilespmem:s28+$0x3FF0] =	vst v0  }
0x22: {  	[spmem:s8] =	stream.linear.scatter [tilespmem:s17], [sflag:$0x3], $0x2800, $0x38;
	[tilespmem:$0x1D000] =	vst v63  }
0x23: {  	_ =	swait.ge [sflag:s18], $0x2800  }
0x24: {  	[sflag:s18] =	ssyncset.done $0x0  }
0x25: {  	[sflag:s18] =	ssyncadd.s32 $0xFFFFD800  }
0x26: {  	[spmem:s10] =	stream.linear.scatter [tilespmem:s17], [sflag:$0x3], $0x2800, $0x38;
	[tilespmem:$0x1D000] =	vst v63  }
0x27: {  	_ =	swait.ge [sflag:s18], $0x2800  }
0x28: {  	[sflag:s18] =	ssyncset.done $0x0  }
0x29: {  	[sflag:s18] =	ssyncadd.s32 $0xFFFFD800  }
0x2a: {  	[spmem:s11] =	stream.linear.scatter [tilespmem:s17], [sflag:$0x3], $0x2800, $0x38;
	[tilespmem:$0x1D000] =	vst v63  }
0x2b: {  	_ =	swait.ge [sflag:s18], $0x2800  }
0x2c: {  	[sflag:s18] =	ssyncset.done $0x0  }
0x2d: {  	[sflag:s18] =	ssyncadd.s32 $0xFFFFD800  }
0x2e: {  	[spmem:s12] =	stream.linear.scatter [tilespmem:s17], [sflag:$0x3], $0x2800, $0x38;
	[tilespmem:$0x1D000] =	vst v63  }
0x2f: {  	_ =	swait.ge [sflag:s18], $0x2800  }
0x30: {  	[sflag:s18] =	ssyncset.done $0x0  }
0x31: {  	[sflag:s18] =	ssyncadd.s32 $0xFFFFD800  }
0x32: {  	[spmem:s13] =	stream.linear.scatter [tilespmem:s17], [sflag:$0x3], $0x2800, $0x38;
	[tilespmem:$0x1D000] =	vst v63  }
0x33: {  	_ =	swait.ge [sflag:s18], $0x2800  }
0x34: {  	[sflag:s18] =	ssyncset.done $0x0  }
0x35: {  	[sflag:s18] =	ssyncadd.s32 $0xFFFFD800  }
0x36: {  	[spmem:s14] =	stream.linear.scatter [tilespmem:s17], [sflag:$0x3], $0x2800, $0x38;
	[tilespmem:$0x1D000] =	vst v63  }
0x37: {  	_ =	swait.ge [sflag:s18], $0x2800  }
0x38: {  	[sflag:s18] =	ssyncset.done $0x0  }
0x39: {  	[sflag:s18] =	ssyncadd.s32 $0xFFFFD800  }
0x3a: {  	[spmem:s15] =	stream.linear.scatter [tilespmem:s17], [sflag:$0x3], $0x2800, $0x38;
	[tilespmem:$0x1D000] =	vst v63  }
0x3b: {  	_ =	swait.ge [sflag:s18], $0x2800  }
0x3c: {  	[sflag:s18] =	ssyncset.done $0x0  }
0x3d: {  	[sflag:s18] =	ssyncadd.s32 $0xFFFFD800  }
0x3e: {  	[spmem:s16] =	stream.linear.scatter [tilespmem:s17], [sflag:$0x3], $0x2800, $0x38;
	[tilespmem:$0x1D000] =	vst v63  }
0x3f: {  	_ =	swait.ge [sflag:s18], $0x2800  }
0x40: {  	[sflag:s18] =	ssyncset.done $0x0  }
0x41: {  	s28 =	simm.s32 $0x0;
	[sflag:s18] =	ssyncadd.s32 $0xFFFFD800  }
0x42: {  	[tilespmem:s28], [sflag:$0x3] =	stream.linear.gather [hbm4b:s5+s28], $0x2000, $0x38;
	[tilespmem:$0x1D000] =	vst v63  }
0x43: {  	_ =	swait.ge [sflag:s18], $0x2000  }
0x44: {  	[sflag:s18] =	ssyncset.done $0x0  }
0x45: {  	[sflag:s18] =	ssyncadd.s32 $0xFFFFE000  }
0x46: {  	[tilespmem:s19], [sflag:$0x3] =	stream.linear.gather [hbm4b:s6+s28], $0x2000, $0x38;
	[tilespmem:$0x1D000] =	vst v63  }
0x47: {  	_ =	swait.ge [sflag:s18], $0x2000  }
0x48: {  	[sflag:s18] =	ssyncset.done $0x0  }
0x49: {  	[sflag:s18] =	ssyncadd.s32 $0xFFFFE000  }
0x4a: {  	[bflag:$0x0] =	sbarrier.arrive $0xFFFF  }
0x4b: {  	[tilespmem:s17], [sflag:$0x1] =	stream.indirect.gather [hbm4b:s4+s20], $0x80, s28, s20, $0xb8;
	[tilespmem:$0x1D000] =	vst v63  }
0x4c: {  	s28 =	simm.s32 $0x80  }
0x4d: {  	[tilespmem:s21], [sflag:$0x2] =	stream.indirect.gather [hbm4b:s4+s20], $0x80, s28, s20, $0xb8;
	[tilespmem:$0x1D000] =	vst v63  }
0x4e: {  	_ =	swait.ge [sflag:s22], $0x2800  }
0x4f: {  	[sflag:s22] =	ssyncset.done $0x0  }
0x50: {  	s28 =	simm.s32 $0x2000;
	[sflag:s22] =	ssyncadd.s32 $0xFFFFD800  }
0x51: {  	[spmem:s1] =	stream.indirect.scatter.add.f32 [tilespmem:s17], [sflag:$0x3], $0x80, s28, s20, $0xb8;
	[tilespmem:$0x1D000] =	vst v63  }
0x52: {  	_ =	swait.ge [sflag:s18], $0x2800  }
0x53: {  	[sflag:s18] =	ssyncset.done $0x0  }
0x54: {  	s28 =	simm.s32 $0x100;
	[sflag:s18] =	ssyncadd.s32 $0xFFFFD800  }
0x55: {  	[tilespmem:s17], [sflag:$0x1] =	stream.indirect.gather [hbm4b:s4+s20], $0x80, s28, s20, $0xb8;
	[tilespmem:$0x1D000] =	vst v63  }
0x56: {  	_ =	swait.ge [sflag:s23], $0x2800  }
0x57: {  	[sflag:s23] =	ssyncset.done $0x0  }
0x58: {  	s28 =	simm.s32 $0x2080;
	[sflag:s23] =	ssyncadd.s32 $0xFFFFD800  }
0x59: {  	[spmem:s1] =	stream.indirect.scatter.add.f32 [tilespmem:s21], [sflag:$0x3], $0x80, s28, s20, $0xb8;
	[tilespmem:$0x1D000] =	vst v63  }
0x5a: {  	_ =	swait.ge [sflag:s18], $0x2800  }
0x5b: {  	s29 =	simm.s32 $0x800;
	s28 =	simm.s32 $0x100;
	[sflag:s18] =	ssyncset.done $0x0  }
.LBB2_4:
0x5c: {  	s30 =	sadd.s32 $0x80, s28  }
0x5d: {  	[sflag:s18] =	ssyncadd.s32 $0xFFFFD800;
	s31 =	smov.u32 s29;
	s0 =	sadd.s32 $0x400, s29  }
0x5e: {  	[tilespmem:s21], [sflag:$0x2] =	stream.indirect.gather [hbm4b:s4+s20], $0x80, s30, s20, $0xb8;
	[tilespmem:$0x1D000] =	vst v63  }
0x5f: {  	p0 =	sne.s32 s29, $0x7800;
	_ =	swait.ge [sflag:s22], $0x2800  }
0x60: {  	[sflag:s22] =	ssyncset.done $0x0  }
0x61: {  	s29 =	sadd.s32 $0x2000, s28;
	[sflag:s22] =	ssyncadd.s32 $0xFFFFD800  }
0x62: {  	[spmem:s1] =	stream.indirect.scatter.add.f32 [tilespmem:s17], [sflag:$0x3], $0x80, s29, s20, $0xb8;
	[tilespmem:$0x1D000] =	vst v63  }
0x63: {  	_ =	swait.ge [sflag:s18], $0x2800  }
0x64: {  	[sflag:s18] =	ssyncset.done $0x0  }
0x65: {  	s29 =	sadd.s32 $0x100, s28;
	[sflag:s18] =	ssyncadd.s32 $0xFFFFD800  }
0x66: {  	[tilespmem:s17], [sflag:$0x1] =	stream.indirect.gather [hbm4b:s4+s20], $0x80, s29, s20, $0xb8;
	[tilespmem:$0x1D000] =	vst v63  }
0x67: {  	_ =	swait.ge [sflag:s23], $0x2800  }
.Ltmp1:
0x68: {  	[sflag:s23] =	ssyncset.done $0x0;
	(pc) =	sbr.rel @p0 .LBB2_4-.Ltmp1, $4  }
0x69: {  	s28 =	sadd.s32 $0x2080, s28;
	[sflag:s23] =	ssyncadd.s32 $0xFFFFD800  }
0x6a: {  	[spmem:s1] =	stream.indirect.scatter.add.f32 [tilespmem:s21], [sflag:$0x3], $0x80, s28, s20, $0xb8;
	[tilespmem:$0x1D000] =	vst v63  }
0x6b: {  	_ =	swait.ge [sflag:s18], $0x2800  }
0x6c: {  	s29 =	smov.u32 s0;
	s28 =	sshra.s32 s31, $0x2;
	[sflag:s18] =	ssyncset.done $0x0  }
0x6d: {  	s0 =	sadd.s32 $0x80, s28;
	[sflag:s18] =	ssyncadd.s32 $0xFFFFD800  }
0x6e: {  	[tilespmem:s21], [sflag:$0x2] =	stream.indirect.gather [hbm4b:s4+s20], $0x80, s0, s20, $0xb8;
	[tilespmem:$0x1D000] =	vst v63  }
0x6f: {  	_ =	swait.ge [sflag:s22], $0x2800  }
0x70: {  	[sflag:s22] =	ssyncset.done $0x0  }
0x71: {  	s30 =	sadd.s32 $0x2000, s28;
	[sflag:s22] =	ssyncadd.s32 $0xFFFFD800  }
0x72: {  	[spmem:s1] =	stream.indirect.scatter.add.f32 [tilespmem:s17], [sflag:$0x3], $0x80, s30, s20, $0xb8;
	[tilespmem:$0x1D000] =	vst v63  }
0x73: {  	_ =	swait.ge [sflag:s18], $0x2800  }
0x74: {  	[sflag:s18] =	ssyncset.done $0x0  }
0x75: {  	s31 =	sadd.s32 $0x100, s28;
	[sflag:s18] =	ssyncadd.s32 $0xFFFFD800  }
0x76: {  	[tilespmem:s17], [sflag:$0x1] =	stream.indirect.gather [hbm4b:s4+s20], $0x80, s31, s20, $0xb8;
	[tilespmem:$0x1D000] =	vst v63  }
0x77: {  	_ =	swait.ge [sflag:s23], $0x2800  }
0x78: {  	[sflag:s23] =	ssyncset.done $0x0  }
0x79: {  	s29 =	sadd.s32 $0x2080, s28;
	[sflag:s23] =	ssyncadd.s32 $0xFFFFD800  }
0x7a: {  	[spmem:s1] =	stream.indirect.scatter.add.f32 [tilespmem:s21], [sflag:$0x3], $0x80, s29, s20, $0xb8;
	[tilespmem:$0x1D000] =	vst v63  }
0x7b: {  	_ =	swait.ge [sflag:s18], $0x2800  }
0x7c: {  	[sflag:s18] =	ssyncset.done $0x0  }
0x7d: {  	[sflag:s18] =	ssyncadd.s32 $0xFFFFD800  }
0x7e: {  	[tilespmem:s21], [sflag:$0x2] =	stream.indirect.gather [hbm4b:s4+s20], $0x80, s24, s20, $0xb8;
	[tilespmem:$0x1D000] =	vst v63  }
0x7f: {  	_ =	swait.ge [sflag:s22], $0x2800  }
0x80: {  	[sflag:s22] =	ssyncset.done $0x0  }
0x81: {  	[sflag:s22] =	ssyncadd.s32 $0xFFFFD800  }
0x82: {  	[spmem:s1] =	stream.indirect.scatter.add.f32 [tilespmem:s17], [sflag:$0x3], $0x80, s25, s20, $0xb8;
	[tilespmem:$0x1D000] =	vst v63  }
0x83: {  	_ =	swait.ge [sflag:s18], $0x2800  }
0x84: {  	[sflag:s18] =	ssyncset.done $0x0  }
0x85: {  	[sflag:s18] =	ssyncadd.s32 $0xFFFFD800  }
0x86: {  	_ =	swait.ge [sflag:s23], $0x2800  }
0x87: {  	[sflag:s23] =	ssyncset.done $0x0  }
0x88: {  	[sflag:s23] =	ssyncadd.s32 $0xFFFFD800  }
0x89: {  	[spmem:s1] =	stream.indirect.scatter.add.f32 [tilespmem:s21], [sflag:$0x3], $0x80, s26, s20, $0xb8;
	[tilespmem:$0x1D000] =	vst v63  }
0x8a: {  	_ =	swait.ge [sflag:s18], $0x2800  }
0x8b: {  	s3 =	sadd.s32 $0x1, s3;
	s30 =	sshll.u32 s2, $0x6;
	[sflag:s18] =	ssyncset.done $0x0  }
0x8c: {  	p0 =	sne.s32 s3, s9;
	s0 =	sor.u32 $0x1C03, s30;
	[sflag:s18] =	ssyncadd.s32 $0xFFFFD800  }
.Ltmp2:
0x8d: {  	s31 =	sshrl.u32 s8, $0x3;
	[bflag:$0x0] =	sbarrier.arrive $0xFFFF;
	(pc) =	sbr.rel @p0 .LBB2_1-.Ltmp2, $4  }
0x8e: {  	[hbm:s7], [sflag:s0] =	dma.local [spmem:s31], $0x2800  }
0x8f: {  	_ =	swait.ge [sflag:s18], $0x2800  }
0x90: {  	[sflag:s18] =	ssyncset.done $0x0  }
0x91: {  	[sflag:s18] =	ssyncadd.s32 $0xFFFFD800  }
0x92: {  	_ =	sfence.sel $0x180000  }
0x93: {  	[bflag:$0x0] =	sbarrier.arrive $0xFFFF  }
0x94: {  	_ =	strace $0x90000056  }
0x95: {  	[bflag:$0x2] =	sbarrier.arrive $0xFFFF  }
0x96: {  	p0 =	sne.s32 s2, $0x0;
	s0 =	rddreg [dreg:$0x2]  }
0x97: {  	s0 =	sadd.s32 @!p0 $0x100000, s0  }
0x98: {  	[sflag:s0] =	ssyncadd.tile.s32 @!p0 $0x1;
	_ =	shalt  }
.Lfunc_end2:
_tile_overlayer_lowered:
.L_overlay_start_2:
0x99: {  	(tag) =	ssettag $0x2  }
0x9a: {  	s0 =	rddreg [dreg:$0x0];
	s2 =	stileid.u32  }
0x9b: {  	s1 =	rddreg [dreg:$0x1];
	p0 =	sne.s32 s2, $0x0  }
0x9c: {  	s3 =	rddreg [dreg:$0x2];
	[bflag:$0x3] =	sbarrier.arrive $0xFFFF;
	s2 =	simm.s32 @!p0 $0x1C03  }
0x9d: {  	[timem:s3], [sflag:s2] =	dma.local @!p0 [hbm:s0], s1  }
0x9e: {  	s0 =	simm.s32 @!p0 $0x3  }
0x9f: {  	_ =	swait.ge @!p0 [sflag:s0], s1  }
0xa0: {  	s1 =	ssub.s32 @!p0 $0x0, s1;
	[sflag:s0] =	ssyncset.done @!p0 $0x0  }
0xa1: {  	[sflag:s0] =	ssyncadd.s32 @!p0 s1  }
0xa2: {  	[bflag:$0x3] =	sbarrier.arrive $0xFFFF  }
0xa3: {  	_ =	shalt  }

// kernel: kernel.32.cloned.1.call-start
scs
__scs_entry_jumppad:
0x0: {  	(pc) =	sbr.rel $0x88, $3  }
0x1: {  	(tag) =	ssettag $0x0;
	lr =	simm.s32 $0x1  }
0x2: {  	[smem:$0x3F06] =	sst lr;
	_ =	strace $0xD0000000  }
0x3: {  	_ = 	snop  }
0x4: {  	_ = 	snop  }
0x5: {  	_ = 	snop  }
0x6: {  	_ = 	snop  }
0x7: {  	_ = 	snop  }
__scs_overlays_trampoline_lowered:
0x8: {  	[smem:$0x3F15] =	sst s0  }
0x9: {  	[smem:$0x3F16] =	sst s1  }
0xa: {  	[smem:$0x3F17] =	sst s2  }
0xb: {  	[smem:$0x3F18] =	sst s3  }
0xc: {  	[smem:$0x3F19] =	sst s4  }
0xd: {  	[smem:$0x3F1A] =	sst s5  }
0xe: {  	[smem:$0x3F1B] =	sst s6  }
0xf: {  	[smem:$0x3F1C] =	sst s7  }
0x10: {  	[smem:$0x3F1D] =	sst s8  }
0x11: {  	[smem:$0x3F1E] =	sst s9;
	s0 =	simm.s32 @!p0 $0x0  }
0x12: {  	s1 =	sld [smem:$0x3F04];
	s0 =	simm.s32 @p0 $0x1  }
0x13: {  	[smem:$0x3F1F] =	sst s0;
	s0 =	simm.s32 @!p1 $0x0  }
0x14: {  	s2 =	sld [smem:$0x3F03];
	s0 =	simm.s32 @p1 $0x1  }
0x15: {  	[smem:$0x3F20] =	sst s0;
	s0 =	simm.s32 @!p2 $0x0  }
0x16: {  	s3 =	sld [smem:$0x3FDB];
	s0 =	simm.s32 @p2 $0x1  }
0x17: {  	s4 =	simm.s32 $0x1BF5;
	[smem:$0x3F22] =	sst s0  }
0x18: {  	s0 =	sld [smem:$0x3F05];
	_ =	swait.ge [sflag:s4], $0x0  }
0x19: {  	s7 =	sld [smem:$0x3F06]  }
0x1a: {  	s8 =	sadd.s32 $0xFFFFE003, lr  }
0x1b: {  	s9 =	sadd.s32 $0xFFFFFEF7, lr;
	s5 =	simm.s32 $0xFFFFFFFF;
	p2 =	slt.u32 s8, $0xFFFFF086  }
0x1c: {  	p1 =	slt.u32 s9, $0xF7A;
	s5 =	simm.s32 @!p2 $0x0  }
0x1d: {  	s5 =	simm.s32 @p1 $0x1;
	p0 =	seq.s32 s7, s2  }
0x1e: {  	s7 =	smul.u32 @!p0 $0xF7A, s2;
	p2 =	seq.s32 @!p0 s5, $0x0  }
0x1f: {  	s9 =	smul.u32 $0xF7A, s1;
	s8 =	simm.s32 @!p0 $0x1BF5;
	p2 =	por !p2, p0  }
0x20: {  	[sflag:s8] =	ssyncset.s32 @!p0 $0xFFFFF086;
	s6 =	sadd.s32 @!p0 s3, s7;
	s7 =	simm.s32 @!p0 $0x108  }
0x21: {  	s3 =	sadd.s32 s3, s9;
	s6 =	sadd.s32 @!p0 $0x88, s6;
	s7 =	simm.s32 @p2 $0x1082  }
0x22: {  	[simem:s7], [sflag:s8] =	dma.local @!p0 [hbm:s6], $0xF7A  }
0x23: {  	s9 =	sor.u32 $0xD0000000, s2;
	s6 =	simm.s32 $0x108;
	_ =	swait.ge @!p0 [sflag:s8], $0x0  }
0x24: {  	s3 =	sadd.s32 $0x88, s3;
	s6 =	simm.s32 @!p1 $0x1082;
	[sflag:s4] =	ssyncset.s32 $0xFFFFF086  }
0x25: {  	[simem:s6], [sflag:s4] =	dma.local [hbm:s3], $0xF7A  }
0x26: {  	[smem:$0x3F06] =	sst s1;
	(tag) =	ssettag s2;
	_ =	strace s9  }
0x27: {  	s1 =	sld [smem:$0x3F16]  }
0x28: {  	s2 =	sld [smem:$0x3F17]  }
0x29: {  	s4 =	sld [smem:$0x3F19]  }
0x2a: {  	p0 =	seq.s32 s5, $0x0;
	s5 =	sld [smem:$0x3F1A]  }
0x2b: {  	s6 =	sld [smem:$0x3F1B]  }
0x2c: {  	s7 =	sld [smem:$0x3F1C]  }
0x2d: {  	s3 =	simm.s32 $0x108;
	s8 =	sld [smem:$0x3F1D]  }
0x2e: {  	s3 =	simm.s32 @!p0 $0x1082;
	s9 =	sld [smem:$0x3F1E]  }
0x2f: {  	lr =	sadd.s32 s0, s3;
	s0 =	sld [smem:$0x3F15]  }
0x30: {  	s3 =	sld [smem:$0x3F18]  }
0x31: {  	[smem:$0x3F21] =	sst s10  }
0x32: {  	s10 =	sld [smem:$0x3F1F];
	_ =	sdelay $0x3  }
0x33: {  	p0 =	seq.s32 s10, $0x1;
	s10 =	sld [smem:$0x3F21];
	_ =	sdelay $0x3  }
0x34: {  	[smem:$0x3F21] =	sst s10  }
0x35: {  	s10 =	sld [smem:$0x3F20];
	_ =	sdelay $0x3  }
0x36: {  	p1 =	seq.s32 s10, $0x1;
	s10 =	sld [smem:$0x3F21];
	_ =	sdelay $0x3  }
0x37: {  	[smem:$0x3F21] =	sst s10  }
0x38: {  	s10 =	sld [smem:$0x3F22]  }
0x39: {  	_ = 	snop;
	(pc) =	sbr.ind lr, $3  }
0x3a: {  	_ = 	snop  }
0x3b: {  	_ = 	snop  }
0x3c: {  	p2 =	seq.s32 s10, $0x1;
	s10 =	sld [smem:$0x3F21]  }
0x3d: {  	_ =	shalt  }
0x3e: {  	_ =	shalt  }
0x3f: {  	_ =	shalt  }
0x40: {  	_ =	shalt  }
0x41: {  	_ =	shalt  }
0x42: {  	_ =	shalt  }
0x43: {  	_ =	shalt  }
0x44: {  	_ =	shalt  }
0x45: {  	_ =	shalt  }
0x46: {  	_ =	shalt  }
0x47: {  	_ =	shalt  }
0x48: {  	_ =	shalt  }
0x49: {  	_ =	shalt  }
0x4a: {  	_ =	shalt  }
0x4b: {  	_ =	shalt  }
0x4c: {  	_ =	shalt  }
0x4d: {  	_ =	shalt  }
0x4e: {  	_ =	shalt  }
0x4f: {  	_ =	shalt  }
0x50: {  	_ =	shalt  }
0x51: {  	_ =	shalt  }
0x52: {  	_ =	shalt  }
0x53: {  	_ =	shalt  }
0x54: {  	_ =	shalt  }
0x55: {  	_ =	shalt  }
0x56: {  	_ =	shalt  }
0x57: {  	_ =	shalt  }
0x58: {  	_ =	shalt  }
0x59: {  	_ =	shalt  }
0x5a: {  	_ =	shalt  }
0x5b: {  	_ =	shalt  }
0x5c: {  	_ =	shalt  }
0x5d: {  	_ =	shalt  }
0x5e: {  	_ =	shalt  }
0x5f: {  	_ =	shalt  }
0x60: {  	_ =	shalt  }
0x61: {  	_ =	shalt  }
0x62: {  	_ =	shalt  }
0x63: {  	_ =	shalt  }
0x64: {  	_ =	shalt  }
0x65: {  	_ =	shalt  }
0x66: {  	_ =	shalt  }
0x67: {  	_ =	shalt  }
0x68: {  	_ =	shalt  }
0x69: {  	_ =	shalt  }
0x6a: {  	_ =	shalt  }
0x6b: {  	_ =	shalt  }
0x6c: {  	_ =	shalt  }
0x6d: {  	_ =	shalt  }
0x6e: {  	_ =	shalt  }
0x6f: {  	_ =	shalt  }
0x70: {  	_ =	shalt  }
0x71: {  	_ =	shalt  }
0x72: {  	_ =	shalt  }
0x73: {  	_ =	shalt  }
0x74: {  	_ =	shalt  }
0x75: {  	_ =	shalt  }
0x76: {  	_ =	shalt  }
0x77: {  	_ =	shalt  }
0x78: {  	_ =	shalt  }
0x79: {  	_ =	shalt  }
0x7a: {  	_ =	shalt  }
0x7b: {  	_ =	shalt  }
0x7c: {  	_ =	shalt  }
0x7d: {  	_ =	shalt  }
0x7e: {  	_ =	shalt  }
0x7f: {  	_ =	shalt  }
0x80: {  	_ =	shalt  }
0x81: {  	_ =	shalt  }
0x82: {  	_ =	shalt  }
0x83: {  	_ =	shalt  }
0x84: {  	_ =	shalt  }
0x85: {  	_ =	shalt  }
0x86: {  	_ =	shalt  }
0x87: {  	_ =	shalt  }
.Lfunc_end0:
.L_simem_size_0:
called_computation.5_lowered:
.L_overlay_start_0:
0x88: {  	s2 =	sld [smem:$0x3FD9]  }
0x89: {  	s3 =	sld [smem:$0x3FFE];
	_ =	sdelay $0x1  }
0x8a: {  	s1 =	srdreg.scid  }
0x8b: {  	s0 =	sand.u32 $0x1, s1  }
0x8c: {  	s17 =	sshll.u32 s0, $0xA;
	s2 =	sadd.s32 s3, s2  }
0x8d: {  	s2 =	sadd.s32 s2, s17  }
0x8e: {  	[smem:$0x3F2D] =	sst s2  }
0x8f: {  	_ = 	snop  }
0x90: {  	(tm) =	ssettm $0x1  }
0x91: {  	s18 =	sld [smem:$0x3FFB];
	_ =	sdelay $0x3  }
0x92: {  	_ =	strace s18  }
0x93: {  	s2 =	sld [smem:$0x3FFC];
	_ =	sdelay $0x3  }
0x94: {  	_ =	strace s2  }
0x95: {  	s2 =	sld [smem:$0x3FFD];
	_ =	sdelay $0x3  }
0x96: {  	_ =	strace s2  }
0x97: {  	_ =	strace $0x8FFFFFFF  }
0x98: {  	s19 =	sld [smem:$0x3FDB];
	_ =	sdelay $0x1  }
0x99: {  	s20 =	simm.s32 $_scs_section_size  }
0x9a: {  	s4 =	simm.s32 $_size__tile_overlayer_lowered;
	s5 =	simm.s32 $_tile_overlayer_lowered  }
0x9b: {  	s6 =	simm.s32 $0x1BFF;
	s21 =	sshll.u32 s5, $0x1;
	s3 =	sadd.s32 s20, s19  }
0x9c: {  	s22 =	simm.s32 $0x0;
	s4 =	sshll.u32 s4, $0x1;
	s5 =	sadd.s32 s21, s3  }
0x9d: {  	[timem:s22], [sflag:s6] =	dma.local [hbm:s5], s4  }
0x9e: {  	_ =	swait.ge [sflag:s6], s4  }
0x9f: {  	s4 =	ssub.s32 $0x0, s4;
	[sflag:s6] =	ssyncset.done $0x0  }
0xa0: {  	[sflag:s6] =	ssyncadd.s32 s4;
	_ =	sdelay $0x1  }
0xa1: {  	s23 =	simm.s32 $0x1B8B  }
0xa2: {  	_ =	swait.ge [sflag:s23], $0x1  }
0xa3: {  	[sflag:s23] =	ssyncset.done $0x0  }
0xa4: {  	[sflag:s23] =	ssyncadd.s32 $0xFFFFFFFF  }
0xa5: {  	s4 =	sld [smem:$0x0]  }
0xa6: {  	s5 =	sand.u32 $0xFFFFFFFE, s1  }
0xa7: {  	p0 =	sne.s32 s1, s5  }
0xa8: {  	s5 =	sshll.u32 @p0 s5, $0xE  }
0xa9: {  	s5 =	sadd.s32 @p0 $0x11B8D, s5;
	s6 =	sshll.u32 @p0 s4, $0x11  }
0xaa: {  	s5 =	sor.u32 @p0 s6, s5  }
0xab: {  	[sflag:s5] =	ssyncadd.remote.s32 @p0 $0x1;
	_ =	sdelay $0x1  }
0xac: {  	s5 =	simm.s32 @p0 $0x1B8D  }
0xad: {  	_ =	swait.eq @p0 [sflag:s5], $0x1  }
0xae: {  	[sflag:s5] =	ssyncadd.s32 @p0 $0xFFFFFFFF  }
0xaf: {  	s6 =	sshll.u32 @!p0 s1, $0xE  }
0xb0: {  	s6 =	sor.u32 @!p0 $0x4000, s6;
	s5 =	simm.s32 @!p0 $0x1B8D  }
0xb1: {  	s4 =	sshll.u32 @!p0 s4, $0x11;
	s6 =	sadd.s32 @!p0 $0x11B8D, s6;
	_ =	swait.eq @!p0 [sflag:s5], $0x1  }
0xb2: {  	s4 =	sor.u32 @!p0 s4, s6;
	[sflag:s5] =	ssyncadd.s32 @!p0 $0xFFFFFFFF  }
0xb3: {  	s25 =	simm.s32 $0x1B8E;
	s24 =	sld [smem:$0x3FFE];
	[sflag:s4] =	ssyncadd.remote.s32 @!p0 $0x1  }
0xb4: {  	s26 =	simm.s32 $execute0_lowered;
	[smem:$0x3FD2] =	sst s25  }
0xb5: {  	s5 =	sshll.u32 s26, $0x1;
	_ =	strace $0x8000004C;
	[dreg:$0x1] =	wrdreg $0xFFFFFFFF  }
0xb6: {  	s28 =	simm.s32 $_size_execute0_lowered;
	s3 =	sadd.s32 s3, s5;
	[dreg:$0x0] =	wrdreg $0x0  }
0xb7: {  	s5 =	sshll.u32 s28, $0x1;
	[dreg:$0x2] =	wrdreg s3  }
0xb8: {  	[dreg:$0x3] =	wrdreg s5  }
0xb9: {  	[dreg:$0x4] =	wrdreg $0xC0  }
0xba: {  	_ =	task [dreg:s22], $0x5FFFF  }
0xbb: {  	[dreg:$0x1] =	wrdreg $0xFFFFFFFF  }
0xbc: {  	[dreg:$0x0] =	wrdreg $0x60  }
0xbd: {  	[dreg:$0x2] =	wrdreg s24  }
0xbe: {  	[dreg:$0x3] =	wrdreg $0x90000  }
0xbf: {  	[dreg:$0x4] =	wrdreg $0xE  }
0xc0: {  	_ =	task.clear_ibuf [dreg:s22], $0x5FFFF;
	_ =	strace $0x9000004C  }
0xc1: {  	s29 =	simm.s32 $0xE;
	_ =	strace $0x8000004E  }
0xc2: {  	_ =	swait.ge [sflag:s29], $0x1  }
0xc3: {  	[sflag:s29] =	ssyncadd.s32 $0xFFFFFFFF  }
0xc4: {  	_ =	strace $0x9000004E  }
0xc5: {  	_ =	sfence  }
0xc6: {  	s30 =	sld [smem:$0x0];
	_ =	sdelay $0x2  }
0xc7: {  	s31 =	sshll.u32 s1, $0xD;
	s1 =	sshrl.u32 s1, $0x2  }
0xc8: {  	s4 =	sand.u32 $0x4000, s31;
	s1 =	sadd.s32 s1, s30  }
0xc9: {  	s0 =	sor.u32 s4, s0;
	s1 =	sshll.u32 s1, $0x11  }
0xca: {  	s0 =	sor.u32 s1, s0  }
0xcb: {  	s0 =	sadd.s32 $0x8F2B, s0  }
0xcc: {  	[sflag:s0] =	ssyncadd.remote.s32 $0x1  }
0xcd: {  	_ =	sfence.sel $0xFFFF  }
0xce: {  	[dreg:$0x0] =	wrdreg $0xFFFFFFFF;
	(pc) =	sbr.abs _section_cstart, $3  }
0xcf: {  	[dreg:$0x1] =	wrdreg $0xFFFFFFFF  }
0xd0: {  	_ =	task.clear_ibuf [dreg:s22], $0x2FFFF;
	_ =	strace $0x9FFFFFFF  }
0xd1: {  	(tm) =	ssettm $0x7FFFFFFF  }
tec
execute0_lowered:
.L_overlay_start_1:
0x0: {  	(tag) =	ssettag $0x1  }
0x1: {  	s5 =	rddreg [dreg:$0x0]  }
0x2: {  	s1 =	rddreg [dreg:$0x1];
	s2 =	srdreg.scid  }
0x3: {  	s3 =	simm.s32 $0x0;
	s17 =	simm.s32 $0x4000;
	s18 =	simm.s32 $0x3  }
0x4: {  	s19 =	simm.s32 $0x2000;
	s20 =	simm.s32 $0x50;
	s21 =	simm.s32 $0x6800  }
0x5: {  	s22 =	simm.s32 $0x1;
	s23 =	simm.s32 $0x2;
	s24 =	simm.s32 $0x1F80  }
0x6: {  	s25 =	simm.s32 $0x3F00;
	s6 =	sand.u32 $0x1, s2;
	s2 =	stileid.u32  }
0x7: {  	s26 =	simm.s32 $0x3F80;
	[smem:$0x7FF] =	sst s3;
	s7 =	smul.u32 $0x140000, s6  }
0x8: {  	s4 =	sadd.s32 $0x4BE00, s5;
	s8 =	smul.u32 $0x14000, s2;
	_ =	strace $0x8000004D  }
0x9: {  	s9 =	sshll.u32 s2, $0xB;
	s10 =	sshll.u32 s6, $0xA;
	s6 =	ssub.s32 $0x2, s6  }
0xa: {  	s29 =	smul.u32 $0x50000, s2;
	s9 =	sor.u32 s10, s9;
	s30 =	sshrl.u32 s6, $0x1  }
0xb: {  	s7 =	sadd.s32 s8, s7;
	s9 =	sadd.s32 s9, s5;
	s31 =	ssub.s32 s6, s30  }
0xc: {  	s8 =	sshrl.u32 s29, $0x2;
	s7 =	sshrl.u32 s7, $0x3;
	s6 =	sadd.s32 $0x1CC00, s9  }
0xd: {  	s8 =	sadd.s32 s8, s1;
	s7 =	sadd.s32 s7, s5;
	s5 =	sadd.s32 $0x14C00, s9  }
0xe: {  	s9 =	smax.u32 s31, $0x1;
	s10 =	sadd.s32 $0x2800, s8;
	s11 =	sadd.s32 $0x5000, s8  }
0xf: {  	s12 =	sadd.s32 $0x7800, s8;
	s13 =	sadd.s32 $0xA000, s8;
	s14 =	sadd.s32 $0xC800, s8  }
0x10: {  	v0 =	vimm.f32 $0.0e+00;
	s15 =	sadd.s32 $0xF000, s8;
	s16 =	sadd.s32 $0x11800, s8;
	s7 =	sadd.s32 $0x211400, s7  }
.LBB2_1:
0x11: {  	s28 =	simm.s32 $0x70;
	s29 =	simm.s32 $0x3C0  }
.LBB2_2:
0x12: {  	p0 =	sne.s32 s29, $0x9FC0;
	[tilespmem:s28+$0x4000] =	vst v0  }
0x13: {  	[tilespmem:s28+$0x3F90] =	vst v0  }
0x14: {  	[tilespmem:s28+$0x3FA0] =	vst v0  }
.Ltmp0:
0x15: {  	[tilespmem:s28+$0x3FB0] =	vst v0;
	(pc) =	sbr.rel @p0 .LBB2_2-.Ltmp0, $4  }
0x16: {  	[tilespmem:s28+$0x3FC0] =	vst v0  }
0x17: {  	[tilespmem:s28+$0x3FD0] =	vst v0  }
0x18: {  	[tilespmem:s28+$0x3FE0] =	vst v0  }
0x19: {  	[tilespmem:s28+$0x3FF0] =	vst v0;
	s28 =	sshra.s32 s29, $0x2;
	s29 =	sadd.s32 $0x200, s29  }
0x1a: {  	[tilespmem:s28+$0x4000] =	vst v0  }
0x1b: {  	[tilespmem:s28+$0x3F90] =	vst v0  }
0x1c: {  	[tilespmem:s28+$0x3FA0] =	vst v0  }
0x1d: {  	[tilespmem:s28+$0x3FB0] =	vst v0  }
0x1e: {  	[tilespmem:s28+$0x3FC0] =	vst v0  }
0x1f: {  	[tilespmem:s28+$0x3FD0] =	vst v0  }
0x20: {  	[tilespmem:s28+$0x3FE0] =	vst v0  }
0x21: {  	[tilespmem:s28+$0x3FF0] =	vst v0  }
0x22: {  	[spmem:s8] =	stream.linear.scatter [tilespmem:s17], [sflag:$0x3], $0x2800, $0x38;
	[tilespmem:$0x1D000] =	vst v63  }
0x23: {  	_ =	swait.ge [sflag:s18], $0x2800  }
0x24: {  	[sflag:s18] =	ssyncset.done $0x0  }
0x25: {  	[sflag:s18] =	ssyncadd.s32 $0xFFFFD800  }
0x26: {  	[spmem:s10] =	stream.linear.scatter [tilespmem:s17], [sflag:$0x3], $0x2800, $0x38;
	[tilespmem:$0x1D000] =	vst v63  }
0x27: {  	_ =	swait.ge [sflag:s18], $0x2800  }
0x28: {  	[sflag:s18] =	ssyncset.done $0x0  }
0x29: {  	[sflag:s18] =	ssyncadd.s32 $0xFFFFD800  }
0x2a: {  	[spmem:s11] =	stream.linear.scatter [tilespmem:s17], [sflag:$0x3], $0x2800, $0x38;
	[tilespmem:$0x1D000] =	vst v63  }
0x2b: {  	_ =	swait.ge [sflag:s18], $0x2800  }
0x2c: {  	[sflag:s18] =	ssyncset.done $0x0  }
0x2d: {  	[sflag:s18] =	ssyncadd.s32 $0xFFFFD800  }
0x2e: {  	[spmem:s12] =	stream.linear.scatter [tilespmem:s17], [sflag:$0x3], $0x2800, $0x38;
	[tilespmem:$0x1D000] =	vst v63  }
0x2f: {  	_ =	swait.ge [sflag:s18], $0x2800  }
0x30: {  	[sflag:s18] =	ssyncset.done $0x0  }
0x31: {  	[sflag:s18] =	ssyncadd.s32 $0xFFFFD800  }
0x32: {  	[spmem:s13] =	stream.linear.scatter [tilespmem:s17], [sflag:$0x3], $0x2800, $0x38;
	[tilespmem:$0x1D000] =	vst v63  }
0x33: {  	_ =	swait.ge [sflag:s18], $0x2800  }
0x34: {  	[sflag:s18] =	ssyncset.done $0x0  }
0x35: {  	[sflag:s18] =	ssyncadd.s32 $0xFFFFD800  }
0x36: {  	[spmem:s14] =	stream.linear.scatter [tilespmem:s17], [sflag:$0x3], $0x2800, $0x38;
	[tilespmem:$0x1D000] =	vst v63  }
0x37: {  	_ =	swait.ge [sflag:s18], $0x2800  }
0x38: {  	[sflag:s18] =	ssyncset.done $0x0  }
0x39: {  	[sflag:s18] =	ssyncadd.s32 $0xFFFFD800  }
0x3a: {  	[spmem:s15] =	stream.linear.scatter [tilespmem:s17], [sflag:$0x3], $0x2800, $0x38;
	[tilespmem:$0x1D000] =	vst v63  }
0x3b: {  	_ =	swait.ge [sflag:s18], $0x2800  }
0x3c: {  	[sflag:s18] =	ssyncset.done $0x0  }
0x3d: {  	[sflag:s18] =	ssyncadd.s32 $0xFFFFD800  }
0x3e: {  	[spmem:s16] =	stream.linear.scatter [tilespmem:s17], [sflag:$0x3], $0x2800, $0x38;
	[tilespmem:$0x1D000] =	vst v63  }
0x3f: {  	_ =	swait.ge [sflag:s18], $0x2800  }
0x40: {  	[sflag:s18] =	ssyncset.done $0x0  }
0x41: {  	s28 =	simm.s32 $0x0;
	[sflag:s18] =	ssyncadd.s32 $0xFFFFD800  }
0x42: {  	[tilespmem:s28], [sflag:$0x3] =	stream.linear.gather [hbm4b:s5+s28], $0x2000, $0x38;
	[tilespmem:$0x1D000] =	vst v63  }
0x43: {  	_ =	swait.ge [sflag:s18], $0x2000  }
0x44: {  	[sflag:s18] =	ssyncset.done $0x0  }
0x45: {  	[sflag:s18] =	ssyncadd.s32 $0xFFFFE000  }
0x46: {  	[tilespmem:s19], [sflag:$0x3] =	stream.linear.gather [hbm4b:s6+s28], $0x2000, $0x38;
	[tilespmem:$0x1D000] =	vst v63  }
0x47: {  	_ =	swait.ge [sflag:s18], $0x2000  }
0x48: {  	[sflag:s18] =	ssyncset.done $0x0  }
0x49: {  	[sflag:s18] =	ssyncadd.s32 $0xFFFFE000  }
0x4a: {  	[bflag:$0x0] =	sbarrier.arrive $0xFFFF  }
0x4b: {  	[tilespmem:s17], [sflag:$0x1] =	stream.indirect.gather [hbm4b:s4+s20], $0x80, s28, s20, $0xb8;
	[tilespmem:$0x1D000] =	vst v63  }
0x4c: {  	s28 =	simm.s32 $0x80  }
0x4d: {  	[tilespmem:s21], [sflag:$0x2] =	stream.indirect.gather [hbm4b:s4+s20], $0x80, s28, s20, $0xb8;
	[tilespmem:$0x1D000] =	vst v63  }
0x4e: {  	_ =	swait.ge [sflag:s22], $0x2800  }
0x4f: {  	[sflag:s22] =	ssyncset.done $0x0  }
0x50: {  	s28 =	simm.s32 $0x2000;
	[sflag:s22] =	ssyncadd.s32 $0xFFFFD800  }
0x51: {  	[spmem:s1] =	stream.indirect.scatter.add.f32 [tilespmem:s17], [sflag:$0x3], $0x80, s28, s20, $0xb8;
	[tilespmem:$0x1D000] =	vst v63  }
0x52: {  	_ =	swait.ge [sflag:s18], $0x2800  }
0x53: {  	[sflag:s18] =	ssyncset.done $0x0  }
0x54: {  	s28 =	simm.s32 $0x100;
	[sflag:s18] =	ssyncadd.s32 $0xFFFFD800  }
0x55: {  	[tilespmem:s17], [sflag:$0x1] =	stream.indirect.gather [hbm4b:s4+s20], $0x80, s28, s20, $0xb8;
	[tilespmem:$0x1D000] =	vst v63  }
0x56: {  	_ =	swait.ge [sflag:s23], $0x2800  }
0x57: {  	[sflag:s23] =	ssyncset.done $0x0  }
0x58: {  	s28 =	simm.s32 $0x2080;
	[sflag:s23] =	ssyncadd.s32 $0xFFFFD800  }
0x59: {  	[spmem:s1] =	stream.indirect.scatter.add.f32 [tilespmem:s21], [sflag:$0x3], $0x80, s28, s20, $0xb8;
	[tilespmem:$0x1D000] =	vst v63  }
0x5a: {  	_ =	swait.ge [sflag:s18], $0x2800  }
0x5b: {  	s29 =	simm.s32 $0x800;
	s28 =	simm.s32 $0x100;
	[sflag:s18] =	ssyncset.done $0x0  }
.LBB2_4:
0x5c: {  	s30 =	sadd.s32 $0x80, s28  }
0x5d: {  	[sflag:s18] =	ssyncadd.s32 $0xFFFFD800;
	s31 =	smov.u32 s29;
	s0 =	sadd.s32 $0x400, s29  }
0x5e: {  	[tilespmem:s21], [sflag:$0x2] =	stream.indirect.gather [hbm4b:s4+s20], $0x80, s30, s20, $0xb8;
	[tilespmem:$0x1D000] =	vst v63  }
0x5f: {  	p0 =	sne.s32 s29, $0x7800;
	_ =	swait.ge [sflag:s22], $0x2800  }
0x60: {  	[sflag:s22] =	ssyncset.done $0x0  }
0x61: {  	s29 =	sadd.s32 $0x2000, s28;
	[sflag:s22] =	ssyncadd.s32 $0xFFFFD800  }
0x62: {  	[spmem:s1] =	stream.indirect.scatter.add.f32 [tilespmem:s17], [sflag:$0x3], $0x80, s29, s20, $0xb8;
	[tilespmem:$0x1D000] =	vst v63  }
0x63: {  	_ =	swait.ge [sflag:s18], $0x2800  }
0x64: {  	[sflag:s18] =	ssyncset.done $0x0  }
0x65: {  	s29 =	sadd.s32 $0x100, s28;
	[sflag:s18] =	ssyncadd.s32 $0xFFFFD800  }
0x66: {  	[tilespmem:s17], [sflag:$0x1] =	stream.indirect.gather [hbm4b:s4+s20], $0x80, s29, s20, $0xb8;
	[tilespmem:$0x1D000] =	vst v63  }
0x67: {  	_ =	swait.ge [sflag:s23], $0x2800  }
.Ltmp1:
0x68: {  	[sflag:s23] =	ssyncset.done $0x0;
	(pc) =	sbr.rel @p0 .LBB2_4-.Ltmp1, $4  }
0x69: {  	s28 =	sadd.s32 $0x2080, s28;
	[sflag:s23] =	ssyncadd.s32 $0xFFFFD800  }
0x6a: {  	[spmem:s1] =	stream.indirect.scatter.add.f32 [tilespmem:s21], [sflag:$0x3], $0x80, s28, s20, $0xb8;
	[tilespmem:$0x1D000] =	vst v63  }
0x6b: {  	_ =	swait.ge [sflag:s18], $0x2800  }
0x6c: {  	s29 =	smov.u32 s0;
	s28 =	sshra.s32 s31, $0x2;
	[sflag:s18] =	ssyncset.done $0x0  }
0x6d: {  	s0 =	sadd.s32 $0x80, s28;
	[sflag:s18] =	ssyncadd.s32 $0xFFFFD800  }
0x6e: {  	[tilespmem:s21], [sflag:$0x2] =	stream.indirect.gather [hbm4b:s4+s20], $0x80, s0, s20, $0xb8;
	[tilespmem:$0x1D000] =	vst v63  }
0x6f: {  	_ =	swait.ge [sflag:s22], $0x2800  }
0x70: {  	[sflag:s22] =	ssyncset.done $0x0  }
0x71: {  	s30 =	sadd.s32 $0x2000, s28;
	[sflag:s22] =	ssyncadd.s32 $0xFFFFD800  }
0x72: {  	[spmem:s1] =	stream.indirect.scatter.add.f32 [tilespmem:s17], [sflag:$0x3], $0x80, s30, s20, $0xb8;
	[tilespmem:$0x1D000] =	vst v63  }
0x73: {  	_ =	swait.ge [sflag:s18], $0x2800  }
0x74: {  	[sflag:s18] =	ssyncset.done $0x0  }
0x75: {  	s31 =	sadd.s32 $0x100, s28;
	[sflag:s18] =	ssyncadd.s32 $0xFFFFD800  }
0x76: {  	[tilespmem:s17], [sflag:$0x1] =	stream.indirect.gather [hbm4b:s4+s20], $0x80, s31, s20, $0xb8;
	[tilespmem:$0x1D000] =	vst v63  }
0x77: {  	_ =	swait.ge [sflag:s23], $0x2800  }
0x78: {  	[sflag:s23] =	ssyncset.done $0x0  }
0x79: {  	s29 =	sadd.s32 $0x2080, s28;
	[sflag:s23] =	ssyncadd.s32 $0xFFFFD800  }
0x7a: {  	[spmem:s1] =	stream.indirect.scatter.add.f32 [tilespmem:s21], [sflag:$0x3], $0x80, s29, s20, $0xb8;
	[tilespmem:$0x1D000] =	vst v63  }
0x7b: {  	_ =	swait.ge [sflag:s18], $0x2800  }
0x7c: {  	[sflag:s18] =	ssyncset.done $0x0  }
0x7d: {  	[sflag:s18] =	ssyncadd.s32 $0xFFFFD800  }
0x7e: {  	[tilespmem:s21], [sflag:$0x2] =	stream.indirect.gather [hbm4b:s4+s20], $0x80, s24, s20, $0xb8;
	[tilespmem:$0x1D000] =	vst v63  }
0x7f: {  	_ =	swait.ge [sflag:s22], $0x2800  }
0x80: {  	[sflag:s22] =	ssyncset.done $0x0  }
0x81: {  	[sflag:s22] =	ssyncadd.s32 $0xFFFFD800  }
0x82: {  	[spmem:s1] =	stream.indirect.scatter.add.f32 [tilespmem:s17], [sflag:$0x3], $0x80, s25, s20, $0xb8;
	[tilespmem:$0x1D000] =	vst v63  }
0x83: {  	_ =	swait.ge [sflag:s18], $0x2800  }
0x84: {  	[sflag:s18] =	ssyncset.done $0x0  }
0x85: {  	[sflag:s18] =	ssyncadd.s32 $0xFFFFD800  }
0x86: {  	_ =	swait.ge [sflag:s23], $0x2800  }
0x87: {  	[sflag:s23] =	ssyncset.done $0x0  }
0x88: {  	[sflag:s23] =	ssyncadd.s32 $0xFFFFD800  }
0x89: {  	[spmem:s1] =	stream.indirect.scatter.add.f32 [tilespmem:s21], [sflag:$0x3], $0x80, s26, s20, $0xb8;
	[tilespmem:$0x1D000] =	vst v63  }
0x8a: {  	_ =	swait.ge [sflag:s18], $0x2800  }
0x8b: {  	s3 =	sadd.s32 $0x1, s3;
	s30 =	sshll.u32 s2, $0x6;
	[sflag:s18] =	ssyncset.done $0x0  }
0x8c: {  	p0 =	sne.s32 s3, s9;
	s0 =	sor.u32 $0x1C03, s30;
	[sflag:s18] =	ssyncadd.s32 $0xFFFFD800  }
.Ltmp2:
0x8d: {  	s31 =	sshrl.u32 s8, $0x3;
	[bflag:$0x0] =	sbarrier.arrive $0xFFFF;
	(pc) =	sbr.rel @p0 .LBB2_1-.Ltmp2, $4  }
0x8e: {  	[hbm:s7], [sflag:s0] =	dma.local [spmem:s31], $0x2800  }
0x8f: {  	_ =	swait.ge [sflag:s18], $0x2800  }
0x90: {  	[sflag:s18] =	ssyncset.done $0x0  }
0x91: {  	[sflag:s18] =	ssyncadd.s32 $0xFFFFD800  }
0x92: {  	_ =	sfence.sel $0x180000  }
0x93: {  	[bflag:$0x0] =	sbarrier.arrive $0xFFFF  }
0x94: {  	_ =	strace $0x9000004D  }
0x95: {  	[bflag:$0x2] =	sbarrier.arrive $0xFFFF  }
0x96: {  	p0 =	sne.s32 s2, $0x0;
	s0 =	rddreg [dreg:$0x2]  }
0x97: {  	s0 =	sadd.s32 @!p0 $0x100000, s0  }
0x98: {  	[sflag:s0] =	ssyncadd.tile.s32 @!p0 $0x1;
	_ =	shalt  }
.Lfunc_end2:
_tile_overlayer_lowered:
.L_overlay_start_2:
0x99: {  	(tag) =	ssettag $0x2  }
0x9a: {  	s0 =	rddreg [dreg:$0x0];
	s2 =	stileid.u32  }
0x9b: {  	s1 =	rddreg [dreg:$0x1];
	p0 =	sne.s32 s2, $0x0  }
0x9c: {  	s3 =	rddreg [dreg:$0x2];
	[bflag:$0x3] =	sbarrier.arrive $0xFFFF;
	s2 =	simm.s32 @!p0 $0x1C03  }
0x9d: {  	[timem:s3], [sflag:s2] =	dma.local @!p0 [hbm:s0], s1  }
0x9e: {  	s0 =	simm.s32 @!p0 $0x3  }
0x9f: {  	_ =	swait.ge @!p0 [sflag:s0], s1  }
0xa0: {  	s1 =	ssub.s32 @!p0 $0x0, s1;
	[sflag:s0] =	ssyncset.done @!p0 $0x0  }
0xa1: {  	[sflag:s0] =	ssyncadd.s32 @!p0 s1  }
0xa2: {  	[bflag:$0x3] =	sbarrier.arrive $0xFFFF  }
0xa3: {  	_ =	shalt  }

// kernel: kernel.35.cloned.1.call-start
scs
__scs_entry_jumppad:
0x0: {  	(pc) =	sbr.rel $0x88, $3  }
0x1: {  	(tag) =	ssettag $0x0;
	lr =	simm.s32 $0x1  }
0x2: {  	[smem:$0x3F06] =	sst lr;
	_ =	strace $0xD0000000  }
0x3: {  	_ = 	snop  }
0x4: {  	_ = 	snop  }
0x5: {  	_ = 	snop  }
0x6: {  	_ = 	snop  }
0x7: {  	_ = 	snop  }
__scs_overlays_trampoline_lowered:
0x8: {  	[smem:$0x3F15] =	sst s0  }
0x9: {  	[smem:$0x3F16] =	sst s1  }
0xa: {  	[smem:$0x3F17] =	sst s2  }
0xb: {  	[smem:$0x3F18] =	sst s3  }
0xc: {  	[smem:$0x3F19] =	sst s4  }
0xd: {  	[smem:$0x3F1A] =	sst s5  }
0xe: {  	[smem:$0x3F1B] =	sst s6  }
0xf: {  	[smem:$0x3F1C] =	sst s7  }
0x10: {  	[smem:$0x3F1D] =	sst s8  }
0x11: {  	[smem:$0x3F1E] =	sst s9;
	s0 =	simm.s32 @!p0 $0x0  }
0x12: {  	s1 =	sld [smem:$0x3F04];
	s0 =	simm.s32 @p0 $0x1  }
0x13: {  	[smem:$0x3F1F] =	sst s0;
	s0 =	simm.s32 @!p1 $0x0  }
0x14: {  	s2 =	sld [smem:$0x3F03];
	s0 =	simm.s32 @p1 $0x1  }
0x15: {  	[smem:$0x3F20] =	sst s0;
	s0 =	simm.s32 @!p2 $0x0  }
0x16: {  	s3 =	sld [smem:$0x3FDB];
	s0 =	simm.s32 @p2 $0x1  }
0x17: {  	s4 =	simm.s32 $0x1BF5;
	[smem:$0x3F22] =	sst s0  }
0x18: {  	s0 =	sld [smem:$0x3F05];
	_ =	swait.ge [sflag:s4], $0x0  }
0x19: {  	s7 =	sld [smem:$0x3F06]  }
0x1a: {  	s8 =	sadd.s32 $0xFFFFE003, lr  }
0x1b: {  	s9 =	sadd.s32 $0xFFFFFEF7, lr;
	s5 =	simm.s32 $0xFFFFFFFF;
	p2 =	slt.u32 s8, $0xFFFFF086  }
0x1c: {  	p1 =	slt.u32 s9, $0xF7A;
	s5 =	simm.s32 @!p2 $0x0  }
0x1d: {  	s5 =	simm.s32 @p1 $0x1;
	p0 =	seq.s32 s7, s2  }
0x1e: {  	s7 =	smul.u32 @!p0 $0xF7A, s2;
	p2 =	seq.s32 @!p0 s5, $0x0  }
0x1f: {  	s9 =	smul.u32 $0xF7A, s1;
	s8 =	simm.s32 @!p0 $0x1BF5;
	p2 =	por !p2, p0  }
0x20: {  	[sflag:s8] =	ssyncset.s32 @!p0 $0xFFFFF086;
	s6 =	sadd.s32 @!p0 s3, s7;
	s7 =	simm.s32 @!p0 $0x108  }
0x21: {  	s3 =	sadd.s32 s3, s9;
	s6 =	sadd.s32 @!p0 $0x88, s6;
	s7 =	simm.s32 @p2 $0x1082  }
0x22: {  	[simem:s7], [sflag:s8] =	dma.local @!p0 [hbm:s6], $0xF7A  }
0x23: {  	s9 =	sor.u32 $0xD0000000, s2;
	s6 =	simm.s32 $0x108;
	_ =	swait.ge @!p0 [sflag:s8], $0x0  }
0x24: {  	s3 =	sadd.s32 $0x88, s3;
	s6 =	simm.s32 @!p1 $0x1082;
	[sflag:s4] =	ssyncset.s32 $0xFFFFF086  }
0x25: {  	[simem:s6], [sflag:s4] =	dma.local [hbm:s3], $0xF7A  }
0x26: {  	[smem:$0x3F06] =	sst s1;
	(tag) =	ssettag s2;
	_ =	strace s9  }
0x27: {  	s1 =	sld [smem:$0x3F16]  }
0x28: {  	s2 =	sld [smem:$0x3F17]  }
0x29: {  	s4 =	sld [smem:$0x3F19]  }
0x2a: {  	p0 =	seq.s32 s5, $0x0;
	s5 =	sld [smem:$0x3F1A]  }
0x2b: {  	s6 =	sld [smem:$0x3F1B]  }
0x2c: {  	s7 =	sld [smem:$0x3F1C]  }
0x2d: {  	s3 =	simm.s32 $0x108;
	s8 =	sld [smem:$0x3F1D]  }
0x2e: {  	s3 =	simm.s32 @!p0 $0x1082;
	s9 =	sld [smem:$0x3F1E]  }
0x2f: {  	lr =	sadd.s32 s0, s3;
	s0 =	sld [smem:$0x3F15]  }
0x30: {  	s3 =	sld [smem:$0x3F18]  }
0x31: {  	[smem:$0x3F21] =	sst s10  }
0x32: {  	s10 =	sld [smem:$0x3F1F];
	_ =	sdelay $0x3  }
0x33: {  	p0 =	seq.s32 s10, $0x1;
	s10 =	sld [smem:$0x3F21];
	_ =	sdelay $0x3  }
0x34: {  	[smem:$0x3F21] =	sst s10  }
0x35: {  	s10 =	sld [smem:$0x3F20];
	_ =	sdelay $0x3  }
0x36: {  	p1 =	seq.s32 s10, $0x1;
	s10 =	sld [smem:$0x3F21];
	_ =	sdelay $0x3  }
0x37: {  	[smem:$0x3F21] =	sst s10  }
0x38: {  	s10 =	sld [smem:$0x3F22]  }
0x39: {  	_ = 	snop;
	(pc) =	sbr.ind lr, $3  }
0x3a: {  	_ = 	snop  }
0x3b: {  	_ = 	snop  }
0x3c: {  	p2 =	seq.s32 s10, $0x1;
	s10 =	sld [smem:$0x3F21]  }
0x3d: {  	_ =	shalt  }
0x3e: {  	_ =	shalt  }
0x3f: {  	_ =	shalt  }
0x40: {  	_ =	shalt  }
0x41: {  	_ =	shalt  }
0x42: {  	_ =	shalt  }
0x43: {  	_ =	shalt  }
0x44: {  	_ =	shalt  }
0x45: {  	_ =	shalt  }
0x46: {  	_ =	shalt  }
0x47: {  	_ =	shalt  }
0x48: {  	_ =	shalt  }
0x49: {  	_ =	shalt  }
0x4a: {  	_ =	shalt  }
0x4b: {  	_ =	shalt  }
0x4c: {  	_ =	shalt  }
0x4d: {  	_ =	shalt  }
0x4e: {  	_ =	shalt  }
0x4f: {  	_ =	shalt  }
0x50: {  	_ =	shalt  }
0x51: {  	_ =	shalt  }
0x52: {  	_ =	shalt  }
0x53: {  	_ =	shalt  }
0x54: {  	_ =	shalt  }
0x55: {  	_ =	shalt  }
0x56: {  	_ =	shalt  }
0x57: {  	_ =	shalt  }
0x58: {  	_ =	shalt  }
0x59: {  	_ =	shalt  }
0x5a: {  	_ =	shalt  }
0x5b: {  	_ =	shalt  }
0x5c: {  	_ =	shalt  }
0x5d: {  	_ =	shalt  }
0x5e: {  	_ =	shalt  }
0x5f: {  	_ =	shalt  }
0x60: {  	_ =	shalt  }
0x61: {  	_ =	shalt  }
0x62: {  	_ =	shalt  }
0x63: {  	_ =	shalt  }
0x64: {  	_ =	shalt  }
0x65: {  	_ =	shalt  }
0x66: {  	_ =	shalt  }
0x67: {  	_ =	shalt  }
0x68: {  	_ =	shalt  }
0x69: {  	_ =	shalt  }
0x6a: {  	_ =	shalt  }
0x6b: {  	_ =	shalt  }
0x6c: {  	_ =	shalt  }
0x6d: {  	_ =	shalt  }
0x6e: {  	_ =	shalt  }
0x6f: {  	_ =	shalt  }
0x70: {  	_ =	shalt  }
0x71: {  	_ =	shalt  }
0x72: {  	_ =	shalt  }
0x73: {  	_ =	shalt  }
0x74: {  	_ =	shalt  }
0x75: {  	_ =	shalt  }
0x76: {  	_ =	shalt  }
0x77: {  	_ =	shalt  }
0x78: {  	_ =	shalt  }
0x79: {  	_ =	shalt  }
0x7a: {  	_ =	shalt  }
0x7b: {  	_ =	shalt  }
0x7c: {  	_ =	shalt  }
0x7d: {  	_ =	shalt  }
0x7e: {  	_ =	shalt  }
0x7f: {  	_ =	shalt  }
0x80: {  	_ =	shalt  }
0x81: {  	_ =	shalt  }
0x82: {  	_ =	shalt  }
0x83: {  	_ =	shalt  }
0x84: {  	_ =	shalt  }
0x85: {  	_ =	shalt  }
0x86: {  	_ =	shalt  }
0x87: {  	_ =	shalt  }
.Lfunc_end0:
.L_simem_size_0:
called_computation.6_lowered:
.L_overlay_start_0:
0x88: {  	s2 =	sld [smem:$0x3FD9]  }
0x89: {  	s3 =	sld [smem:$0x3FFE];
	_ =	sdelay $0x1  }
0x8a: {  	s1 =	srdreg.scid  }
0x8b: {  	s0 =	sand.u32 $0x1, s1  }
0x8c: {  	s17 =	sshll.u32 s0, $0xA;
	s2 =	sadd.s32 s3, s2  }
0x8d: {  	s2 =	sadd.s32 s2, s17  }
0x8e: {  	[smem:$0x3F2D] =	sst s2  }
0x8f: {  	_ = 	snop  }
0x90: {  	(tm) =	ssettm $0x1  }
0x91: {  	s18 =	sld [smem:$0x3FFB];
	_ =	sdelay $0x3  }
0x92: {  	_ =	strace s18  }
0x93: {  	s2 =	sld [smem:$0x3FFC];
	_ =	sdelay $0x3  }
0x94: {  	_ =	strace s2  }
0x95: {  	s2 =	sld [smem:$0x3FFD];
	_ =	sdelay $0x3  }
0x96: {  	_ =	strace s2  }
0x97: {  	_ =	strace $0x8FFFFFFF  }
0x98: {  	s19 =	sld [smem:$0x3FDB];
	_ =	sdelay $0x1  }
0x99: {  	s20 =	simm.s32 $_scs_section_size  }
0x9a: {  	s4 =	simm.s32 $_size__tile_overlayer_lowered;
	s5 =	simm.s32 $_tile_overlayer_lowered  }
0x9b: {  	s6 =	simm.s32 $0x1BFF;
	s21 =	sshll.u32 s5, $0x1;
	s3 =	sadd.s32 s20, s19  }
0x9c: {  	s22 =	simm.s32 $0x0;
	s4 =	sshll.u32 s4, $0x1;
	s5 =	sadd.s32 s21, s3  }
0x9d: {  	[timem:s22], [sflag:s6] =	dma.local [hbm:s5], s4  }
0x9e: {  	_ =	swait.ge [sflag:s6], s4  }
0x9f: {  	s4 =	ssub.s32 $0x0, s4;
	[sflag:s6] =	ssyncset.done $0x0  }
0xa0: {  	[sflag:s6] =	ssyncadd.s32 s4;
	_ =	sdelay $0x1  }
0xa1: {  	s23 =	simm.s32 $0x1B8B  }
0xa2: {  	_ =	swait.ge [sflag:s23], $0x1  }
0xa3: {  	[sflag:s23] =	ssyncset.done $0x0  }
0xa4: {  	[sflag:s23] =	ssyncadd.s32 $0xFFFFFFFF  }
0xa5: {  	s4 =	sld [smem:$0x0]  }
0xa6: {  	s5 =	sand.u32 $0xFFFFFFFE, s1  }
0xa7: {  	p0 =	sne.s32 s1, s5  }
0xa8: {  	s5 =	sshll.u32 @p0 s5, $0xE  }
0xa9: {  	s5 =	sadd.s32 @p0 $0x11B8D, s5;
	s6 =	sshll.u32 @p0 s4, $0x11  }
0xaa: {  	s5 =	sor.u32 @p0 s6, s5  }
0xab: {  	[sflag:s5] =	ssyncadd.remote.s32 @p0 $0x1;
	_ =	sdelay $0x1  }
0xac: {  	s5 =	simm.s32 @p0 $0x1B8D  }
0xad: {  	_ =	swait.eq @p0 [sflag:s5], $0x1  }
0xae: {  	[sflag:s5] =	ssyncadd.s32 @p0 $0xFFFFFFFF  }
0xaf: {  	s6 =	sshll.u32 @!p0 s1, $0xE  }
0xb0: {  	s6 =	sor.u32 @!p0 $0x4000, s6;
	s5 =	simm.s32 @!p0 $0x1B8D  }
0xb1: {  	s4 =	sshll.u32 @!p0 s4, $0x11;
	s6 =	sadd.s32 @!p0 $0x11B8D, s6;
	_ =	swait.eq @!p0 [sflag:s5], $0x1  }
0xb2: {  	s4 =	sor.u32 @!p0 s4, s6;
	[sflag:s5] =	ssyncadd.s32 @!p0 $0xFFFFFFFF  }
0xb3: {  	s25 =	simm.s32 $0x1B8E;
	s24 =	sld [smem:$0x3FFE];
	[sflag:s4] =	ssyncadd.remote.s32 @!p0 $0x1  }
0xb4: {  	s26 =	simm.s32 $execute0_lowered;
	[smem:$0x3FD2] =	sst s25  }
0xb5: {  	s5 =	sshll.u32 s26, $0x1;
	_ =	strace $0x80000058;
	[dreg:$0x1] =	wrdreg $0xFFFFFFFF  }
0xb6: {  	s28 =	simm.s32 $_size_execute0_lowered;
	s3 =	sadd.s32 s3, s5;
	[dreg:$0x0] =	wrdreg $0x0  }
0xb7: {  	s5 =	sshll.u32 s28, $0x1;
	[dreg:$0x2] =	wrdreg s3  }
0xb8: {  	[dreg:$0x3] =	wrdreg s5  }
0xb9: {  	[dreg:$0x4] =	wrdreg $0xC0  }
0xba: {  	_ =	task [dreg:s22], $0x5FFFF  }
0xbb: {  	[dreg:$0x1] =	wrdreg $0xFFFFFFFF  }
0xbc: {  	[dreg:$0x0] =	wrdreg $0x60  }
0xbd: {  	[dreg:$0x2] =	wrdreg s24  }
0xbe: {  	[dreg:$0x3] =	wrdreg $0x90000  }
0xbf: {  	[dreg:$0x4] =	wrdreg $0xF  }
0xc0: {  	_ =	task.clear_ibuf [dreg:s22], $0x5FFFF;
	_ =	strace $0x90000058  }
0xc1: {  	s29 =	simm.s32 $0xF;
	_ =	strace $0x8000005A  }
0xc2: {  	_ =	swait.ge [sflag:s29], $0x1  }
0xc3: {  	[sflag:s29] =	ssyncadd.s32 $0xFFFFFFFF  }
0xc4: {  	_ =	strace $0x9000005A  }
0xc5: {  	_ =	sfence  }
0xc6: {  	s30 =	sld [smem:$0x0];
	_ =	sdelay $0x2  }
0xc7: {  	s31 =	sshll.u32 s1, $0xD;
	s1 =	sshrl.u32 s1, $0x2  }
0xc8: {  	s4 =	sand.u32 $0x4000, s31;
	s1 =	sadd.s32 s1, s30  }
0xc9: {  	s0 =	sor.u32 s4, s0;
	s1 =	sshll.u32 s1, $0x11  }
0xca: {  	s0 =	sor.u32 s1, s0  }
0xcb: {  	s0 =	sadd.s32 $0x8F2B, s0  }
0xcc: {  	[sflag:s0] =	ssyncadd.remote.s32 $0x1  }
0xcd: {  	_ =	sfence.sel $0xFFFF  }
0xce: {  	[dreg:$0x0] =	wrdreg $0xFFFFFFFF;
	(pc) =	sbr.abs _section_cstart, $3  }
0xcf: {  	[dreg:$0x1] =	wrdreg $0xFFFFFFFF  }
0xd0: {  	_ =	task.clear_ibuf [dreg:s22], $0x2FFFF;
	_ =	strace $0x9FFFFFFF  }
0xd1: {  	(tm) =	ssettm $0x7FFFFFFF  }
tec
execute0_lowered:
.L_overlay_start_1:
0x0: {  	(tag) =	ssettag $0x1  }
0x1: {  	s5 =	rddreg [dreg:$0x0]  }
0x2: {  	s1 =	rddreg [dreg:$0x1];
	s2 =	srdreg.scid  }
0x3: {  	s3 =	simm.s32 $0x0;
	s17 =	simm.s32 $0x4000;
	s18 =	simm.s32 $0x3  }
0x4: {  	s19 =	simm.s32 $0x2000;
	s20 =	simm.s32 $0x50;
	s21 =	simm.s32 $0x6800  }
0x5: {  	s22 =	simm.s32 $0x1;
	s23 =	simm.s32 $0x2;
	s24 =	simm.s32 $0x1F80  }
0x6: {  	s25 =	simm.s32 $0x3F00;
	s6 =	sand.u32 $0x1, s2;
	s2 =	stileid.u32  }
0x7: {  	s26 =	simm.s32 $0x3F80;
	[smem:$0x7FF] =	sst s3;
	s7 =	smul.u32 $0x140000, s6  }
0x8: {  	s4 =	sadd.s32 $0x4BE00, s5;
	s8 =	smul.u32 $0x14000, s2;
	_ =	strace $0x80000059  }
0x9: {  	s9 =	sshll.u32 s2, $0xB;
	s10 =	sshll.u32 s6, $0xA;
	s6 =	ssub.s32 $0x2, s6  }
0xa: {  	s29 =	smul.u32 $0x50000, s2;
	s9 =	sor.u32 s10, s9;
	s30 =	sshrl.u32 s6, $0x1  }
0xb: {  	s7 =	sadd.s32 s8, s7;
	s9 =	sadd.s32 s9, s5;
	s31 =	ssub.s32 s6, s30  }
0xc: {  	s8 =	sshrl.u32 s29, $0x2;
	s7 =	sshrl.u32 s7, $0x3;
	s6 =	sadd.s32 $0x119400, s9  }
0xd: {  	s8 =	sadd.s32 s8, s1;
	s7 =	sadd.s32 s7, s5;
	s5 =	sadd.s32 $0x355C00, s9  }
0xe: {  	s9 =	smax.u32 s31, $0x1;
	s10 =	sadd.s32 $0x2800, s8;
	s11 =	sadd.s32 $0x5000, s8  }
0xf: {  	s12 =	sadd.s32 $0x7800, s8;
	s13 =	sadd.s32 $0xA000, s8;
	s14 =	sadd.s32 $0xC800, s8  }
0x10: {  	v0 =	vimm.f32 $0.0e+00;
	s15 =	sadd.s32 $0xF000, s8;
	s16 =	sadd.s32 $0x11800, s8;
	s7 =	sadd.s32 $0x3FDC00, s7  }
.LBB2_1:
0x11: {  	s28 =	simm.s32 $0x70;
	s29 =	simm.s32 $0x3C0  }
.LBB2_2:
0x12: {  	p0 =	sne.s32 s29, $0x9FC0;
	[tilespmem:s28+$0x4000] =	vst v0  }
0x13: {  	[tilespmem:s28+$0x3F90] =	vst v0  }
0x14: {  	[tilespmem:s28+$0x3FA0] =	vst v0  }
.Ltmp0:
0x15: {  	[tilespmem:s28+$0x3FB0] =	vst v0;
	(pc) =	sbr.rel @p0 .LBB2_2-.Ltmp0, $4  }
0x16: {  	[tilespmem:s28+$0x3FC0] =	vst v0  }
0x17: {  	[tilespmem:s28+$0x3FD0] =	vst v0  }
0x18: {  	[tilespmem:s28+$0x3FE0] =	vst v0  }
0x19: {  	[tilespmem:s28+$0x3FF0] =	vst v0;
	s28 =	sshra.s32 s29, $0x2;
	s29 =	sadd.s32 $0x200, s29  }
0x1a: {  	[tilespmem:s28+$0x4000] =	vst v0  }
0x1b: {  	[tilespmem:s28+$0x3F90] =	vst v0  }
0x1c: {  	[tilespmem:s28+$0x3FA0] =	vst v0  }
0x1d: {  	[tilespmem:s28+$0x3FB0] =	vst v0  }
0x1e: {  	[tilespmem:s28+$0x3FC0] =	vst v0  }
0x1f: {  	[tilespmem:s28+$0x3FD0] =	vst v0  }
0x20: {  	[tilespmem:s28+$0x3FE0] =	vst v0  }
0x21: {  	[tilespmem:s28+$0x3FF0] =	vst v0  }
0x22: {  	[spmem:s8] =	stream.linear.scatter [tilespmem:s17], [sflag:$0x3], $0x2800, $0x38;
	[tilespmem:$0x1D000] =	vst v63  }
0x23: {  	_ =	swait.ge [sflag:s18], $0x2800  }
0x24: {  	[sflag:s18] =	ssyncset.done $0x0  }
0x25: {  	[sflag:s18] =	ssyncadd.s32 $0xFFFFD800  }
0x26: {  	[spmem:s10] =	stream.linear.scatter [tilespmem:s17], [sflag:$0x3], $0x2800, $0x38;
	[tilespmem:$0x1D000] =	vst v63  }
0x27: {  	_ =	swait.ge [sflag:s18], $0x2800  }
0x28: {  	[sflag:s18] =	ssyncset.done $0x0  }
0x29: {  	[sflag:s18] =	ssyncadd.s32 $0xFFFFD800  }
0x2a: {  	[spmem:s11] =	stream.linear.scatter [tilespmem:s17], [sflag:$0x3], $0x2800, $0x38;
	[tilespmem:$0x1D000] =	vst v63  }
0x2b: {  	_ =	swait.ge [sflag:s18], $0x2800  }
0x2c: {  	[sflag:s18] =	ssyncset.done $0x0  }
0x2d: {  	[sflag:s18] =	ssyncadd.s32 $0xFFFFD800  }
0x2e: {  	[spmem:s12] =	stream.linear.scatter [tilespmem:s17], [sflag:$0x3], $0x2800, $0x38;
	[tilespmem:$0x1D000] =	vst v63  }
0x2f: {  	_ =	swait.ge [sflag:s18], $0x2800  }
0x30: {  	[sflag:s18] =	ssyncset.done $0x0  }
0x31: {  	[sflag:s18] =	ssyncadd.s32 $0xFFFFD800  }
0x32: {  	[spmem:s13] =	stream.linear.scatter [tilespmem:s17], [sflag:$0x3], $0x2800, $0x38;
	[tilespmem:$0x1D000] =	vst v63  }
0x33: {  	_ =	swait.ge [sflag:s18], $0x2800  }
0x34: {  	[sflag:s18] =	ssyncset.done $0x0  }
0x35: {  	[sflag:s18] =	ssyncadd.s32 $0xFFFFD800  }
0x36: {  	[spmem:s14] =	stream.linear.scatter [tilespmem:s17], [sflag:$0x3], $0x2800, $0x38;
	[tilespmem:$0x1D000] =	vst v63  }
0x37: {  	_ =	swait.ge [sflag:s18], $0x2800  }
0x38: {  	[sflag:s18] =	ssyncset.done $0x0  }
0x39: {  	[sflag:s18] =	ssyncadd.s32 $0xFFFFD800  }
0x3a: {  	[spmem:s15] =	stream.linear.scatter [tilespmem:s17], [sflag:$0x3], $0x2800, $0x38;
	[tilespmem:$0x1D000] =	vst v63  }
0x3b: {  	_ =	swait.ge [sflag:s18], $0x2800  }
0x3c: {  	[sflag:s18] =	ssyncset.done $0x0  }
0x3d: {  	[sflag:s18] =	ssyncadd.s32 $0xFFFFD800  }
0x3e: {  	[spmem:s16] =	stream.linear.scatter [tilespmem:s17], [sflag:$0x3], $0x2800, $0x38;
	[tilespmem:$0x1D000] =	vst v63  }
0x3f: {  	_ =	swait.ge [sflag:s18], $0x2800  }
0x40: {  	[sflag:s18] =	ssyncset.done $0x0  }
0x41: {  	s28 =	simm.s32 $0x0;
	[sflag:s18] =	ssyncadd.s32 $0xFFFFD800  }
0x42: {  	[tilespmem:s28], [sflag:$0x3] =	stream.linear.gather [hbm4b:s5+s28], $0x2000, $0x38;
	[tilespmem:$0x1D000] =	vst v63  }
0x43: {  	_ =	swait.ge [sflag:s18], $0x2000  }
0x44: {  	[sflag:s18] =	ssyncset.done $0x0  }
0x45: {  	[sflag:s18] =	ssyncadd.s32 $0xFFFFE000  }
0x46: {  	[tilespmem:s19], [sflag:$0x3] =	stream.linear.gather [hbm4b:s6+s28], $0x2000, $0x38;
	[tilespmem:$0x1D000] =	vst v63  }
0x47: {  	_ =	swait.ge [sflag:s18], $0x2000  }
0x48: {  	[sflag:s18] =	ssyncset.done $0x0  }
0x49: {  	[sflag:s18] =	ssyncadd.s32 $0xFFFFE000  }
0x4a: {  	[bflag:$0x0] =	sbarrier.arrive $0xFFFF  }
0x4b: {  	[tilespmem:s17], [sflag:$0x1] =	stream.indirect.gather [hbm4b:s4+s20], $0x80, s28, s20, $0xb8;
	[tilespmem:$0x1D000] =	vst v63  }
0x4c: {  	s28 =	simm.s32 $0x80  }
0x4d: {  	[tilespmem:s21], [sflag:$0x2] =	stream.indirect.gather [hbm4b:s4+s20], $0x80, s28, s20, $0xb8;
	[tilespmem:$0x1D000] =	vst v63  }
0x4e: {  	_ =	swait.ge [sflag:s22], $0x2800  }
0x4f: {  	[sflag:s22] =	ssyncset.done $0x0  }
0x50: {  	s28 =	simm.s32 $0x2000;
	[sflag:s22] =	ssyncadd.s32 $0xFFFFD800  }
0x51: {  	[spmem:s1] =	stream.indirect.scatter.add.f32 [tilespmem:s17], [sflag:$0x3], $0x80, s28, s20, $0xb8;
	[tilespmem:$0x1D000] =	vst v63  }
0x52: {  	_ =	swait.ge [sflag:s18], $0x2800  }
0x53: {  	[sflag:s18] =	ssyncset.done $0x0  }
0x54: {  	s28 =	simm.s32 $0x100;
	[sflag:s18] =	ssyncadd.s32 $0xFFFFD800  }
0x55: {  	[tilespmem:s17], [sflag:$0x1] =	stream.indirect.gather [hbm4b:s4+s20], $0x80, s28, s20, $0xb8;
	[tilespmem:$0x1D000] =	vst v63  }
0x56: {  	_ =	swait.ge [sflag:s23], $0x2800  }
0x57: {  	[sflag:s23] =	ssyncset.done $0x0  }
0x58: {  	s28 =	simm.s32 $0x2080;
	[sflag:s23] =	ssyncadd.s32 $0xFFFFD800  }
0x59: {  	[spmem:s1] =	stream.indirect.scatter.add.f32 [tilespmem:s21], [sflag:$0x3], $0x80, s28, s20, $0xb8;
	[tilespmem:$0x1D000] =	vst v63  }
0x5a: {  	_ =	swait.ge [sflag:s18], $0x2800  }
0x5b: {  	s29 =	simm.s32 $0x800;
	s28 =	simm.s32 $0x100;
	[sflag:s18] =	ssyncset.done $0x0  }
.LBB2_4:
0x5c: {  	s30 =	sadd.s32 $0x80, s28  }
0x5d: {  	[sflag:s18] =	ssyncadd.s32 $0xFFFFD800;
	s31 =	smov.u32 s29;
	s0 =	sadd.s32 $0x400, s29  }
0x5e: {  	[tilespmem:s21], [sflag:$0x2] =	stream.indirect.gather [hbm4b:s4+s20], $0x80, s30, s20, $0xb8;
	[tilespmem:$0x1D000] =	vst v63  }
0x5f: {  	p0 =	sne.s32 s29, $0x7800;
	_ =	swait.ge [sflag:s22], $0x2800  }
0x60: {  	[sflag:s22] =	ssyncset.done $0x0  }
0x61: {  	s29 =	sadd.s32 $0x2000, s28;
	[sflag:s22] =	ssyncadd.s32 $0xFFFFD800  }
0x62: {  	[spmem:s1] =	stream.indirect.scatter.add.f32 [tilespmem:s17], [sflag:$0x3], $0x80, s29, s20, $0xb8;
	[tilespmem:$0x1D000] =	vst v63  }
0x63: {  	_ =	swait.ge [sflag:s18], $0x2800  }
0x64: {  	[sflag:s18] =	ssyncset.done $0x0  }
0x65: {  	s29 =	sadd.s32 $0x100, s28;
	[sflag:s18] =	ssyncadd.s32 $0xFFFFD800  }
0x66: {  	[tilespmem:s17], [sflag:$0x1] =	stream.indirect.gather [hbm4b:s4+s20], $0x80, s29, s20, $0xb8;
	[tilespmem:$0x1D000] =	vst v63  }
0x67: {  	_ =	swait.ge [sflag:s23], $0x2800  }
.Ltmp1:
0x68: {  	[sflag:s23] =	ssyncset.done $0x0;
	(pc) =	sbr.rel @p0 .LBB2_4-.Ltmp1, $4  }
0x69: {  	s28 =	sadd.s32 $0x2080, s28;
	[sflag:s23] =	ssyncadd.s32 $0xFFFFD800  }
0x6a: {  	[spmem:s1] =	stream.indirect.scatter.add.f32 [tilespmem:s21], [sflag:$0x3], $0x80, s28, s20, $0xb8;
	[tilespmem:$0x1D000] =	vst v63  }
0x6b: {  	_ =	swait.ge [sflag:s18], $0x2800  }
0x6c: {  	s29 =	smov.u32 s0;
	s28 =	sshra.s32 s31, $0x2;
	[sflag:s18] =	ssyncset.done $0x0  }
0x6d: {  	s0 =	sadd.s32 $0x80, s28;
	[sflag:s18] =	ssyncadd.s32 $0xFFFFD800  }
0x6e: {  	[tilespmem:s21], [sflag:$0x2] =	stream.indirect.gather [hbm4b:s4+s20], $0x80, s0, s20, $0xb8;
	[tilespmem:$0x1D000] =	vst v63  }
0x6f: {  	_ =	swait.ge [sflag:s22], $0x2800  }
0x70: {  	[sflag:s22] =	ssyncset.done $0x0  }
0x71: {  	s30 =	sadd.s32 $0x2000, s28;
	[sflag:s22] =	ssyncadd.s32 $0xFFFFD800  }
0x72: {  	[spmem:s1] =	stream.indirect.scatter.add.f32 [tilespmem:s17], [sflag:$0x3], $0x80, s30, s20, $0xb8;
	[tilespmem:$0x1D000] =	vst v63  }
0x73: {  	_ =	swait.ge [sflag:s18], $0x2800  }
0x74: {  	[sflag:s18] =	ssyncset.done $0x0  }
0x75: {  	s31 =	sadd.s32 $0x100, s28;
	[sflag:s18] =	ssyncadd.s32 $0xFFFFD800  }
0x76: {  	[tilespmem:s17], [sflag:$0x1] =	stream.indirect.gather [hbm4b:s4+s20], $0x80, s31, s20, $0xb8;
	[tilespmem:$0x1D000] =	vst v63  }
0x77: {  	_ =	swait.ge [sflag:s23], $0x2800  }
0x78: {  	[sflag:s23] =	ssyncset.done $0x0  }
0x79: {  	s29 =	sadd.s32 $0x2080, s28;
	[sflag:s23] =	ssyncadd.s32 $0xFFFFD800  }
0x7a: {  	[spmem:s1] =	stream.indirect.scatter.add.f32 [tilespmem:s21], [sflag:$0x3], $0x80, s29, s20, $0xb8;
	[tilespmem:$0x1D000] =	vst v63  }
0x7b: {  	_ =	swait.ge [sflag:s18], $0x2800  }
0x7c: {  	[sflag:s18] =	ssyncset.done $0x0  }
0x7d: {  	[sflag:s18] =	ssyncadd.s32 $0xFFFFD800  }
0x7e: {  	[tilespmem:s21], [sflag:$0x2] =	stream.indirect.gather [hbm4b:s4+s20], $0x80, s24, s20, $0xb8;
	[tilespmem:$0x1D000] =	vst v63  }
0x7f: {  	_ =	swait.ge [sflag:s22], $0x2800  }
0x80: {  	[sflag:s22] =	ssyncset.done $0x0  }
0x81: {  	[sflag:s22] =	ssyncadd.s32 $0xFFFFD800  }
0x82: {  	[spmem:s1] =	stream.indirect.scatter.add.f32 [tilespmem:s17], [sflag:$0x3], $0x80, s25, s20, $0xb8;
	[tilespmem:$0x1D000] =	vst v63  }
0x83: {  	_ =	swait.ge [sflag:s18], $0x2800  }
0x84: {  	[sflag:s18] =	ssyncset.done $0x0  }
0x85: {  	[sflag:s18] =	ssyncadd.s32 $0xFFFFD800  }
0x86: {  	_ =	swait.ge [sflag:s23], $0x2800  }
0x87: {  	[sflag:s23] =	ssyncset.done $0x0  }
0x88: {  	[sflag:s23] =	ssyncadd.s32 $0xFFFFD800  }
0x89: {  	[spmem:s1] =	stream.indirect.scatter.add.f32 [tilespmem:s21], [sflag:$0x3], $0x80, s26, s20, $0xb8;
	[tilespmem:$0x1D000] =	vst v63  }
0x8a: {  	_ =	swait.ge [sflag:s18], $0x2800  }
0x8b: {  	s3 =	sadd.s32 $0x1, s3;
	s30 =	sshll.u32 s2, $0x6;
	[sflag:s18] =	ssyncset.done $0x0  }
0x8c: {  	p0 =	sne.s32 s3, s9;
	s0 =	sor.u32 $0x1C03, s30;
	[sflag:s18] =	ssyncadd.s32 $0xFFFFD800  }
.Ltmp2:
0x8d: {  	s31 =	sshrl.u32 s8, $0x3;
	[bflag:$0x0] =	sbarrier.arrive $0xFFFF;
	(pc) =	sbr.rel @p0 .LBB2_1-.Ltmp2, $4  }
0x8e: {  	[hbm:s7], [sflag:s0] =	dma.local [spmem:s31], $0x2800  }
0x8f: {  	_ =	swait.ge [sflag:s18], $0x2800  }
0x90: {  	[sflag:s18] =	ssyncset.done $0x0  }
0x91: {  	[sflag:s18] =	ssyncadd.s32 $0xFFFFD800  }
0x92: {  	_ =	sfence.sel $0x180000  }
0x93: {  	[bflag:$0x0] =	sbarrier.arrive $0xFFFF  }
0x94: {  	_ =	strace $0x90000059  }
0x95: {  	[bflag:$0x2] =	sbarrier.arrive $0xFFFF  }
0x96: {  	p0 =	sne.s32 s2, $0x0;
	s0 =	rddreg [dreg:$0x2]  }
0x97: {  	s0 =	sadd.s32 @!p0 $0x100000, s0  }
0x98: {  	[sflag:s0] =	ssyncadd.tile.s32 @!p0 $0x1;
	_ =	shalt  }
.Lfunc_end2:
_tile_overlayer_lowered:
.L_overlay_start_2:
0x99: {  	(tag) =	ssettag $0x2  }
0x9a: {  	s0 =	rddreg [dreg:$0x0];
	s2 =	stileid.u32  }
0x9b: {  	s1 =	rddreg [dreg:$0x1];
	p0 =	sne.s32 s2, $0x0  }
0x9c: {  	s3 =	rddreg [dreg:$0x2];
	[bflag:$0x3] =	sbarrier.arrive $0xFFFF;
	s2 =	simm.s32 @!p0 $0x1C03  }
0x9d: {  	[timem:s3], [sflag:s2] =	dma.local @!p0 [hbm:s0], s1  }
0x9e: {  	s0 =	simm.s32 @!p0 $0x3  }
0x9f: {  	_ =	swait.ge @!p0 [sflag:s0], s1  }
0xa0: {  	s1 =	ssub.s32 @!p0 $0x0, s1;
	[sflag:s0] =	ssyncset.done @!p0 $0x0  }
0xa1: {  	[sflag:s0] =	ssyncadd.s32 @!p0 s1  }
0xa2: {  	[bflag:$0x3] =	sbarrier.arrive $0xFFFF  }
0xa3: {  	_ =	shalt  }

</sc_bundles>
